<compile_context>
chip_gen: v7x
topology: tpu7x:2x2x1
jax: 0.10.2.dev20260603
libtpu: 0.0.44.dev20260713+nightly
codegen_flags: <defaults>
</compile_context>

<pallas_src>
import jax
import jax.numpy as jnp
from jax.experimental import pallas as pl
from jax.experimental.pallas import tpu as pltpu
from jax.experimental.pallas import tpu_sc as plsc

_B = 16384
_D = 16
_R = 5
_SLICE = _B // 32


def _sc_body(zut_hbm, zit_hbm, pbt_hbm, prm_hbm, puit_hbm, xui_hbm,
             zu_v, zi_v, pbt_v, prm_v, po_v, xo_v, sem):
    c = jax.lax.axis_index("c")
    s = jax.lax.axis_index("s")
    b0 = (c * 16 + s) * _SLICE
    pltpu.async_copy(zut_hbm.at[:, pl.ds(b0, _SLICE)], zu_v, sem).wait()
    pltpu.async_copy(zit_hbm.at[:, pl.ds(b0, _SLICE)], zi_v, sem).wait()
    pltpu.async_copy(pbt_hbm, pbt_v, sem).wait()
    pltpu.async_copy(prm_hbm, prm_v, sem).wait()

    pv = prm_v[...]

    @pl.loop(0, _SLICE // 16)
    def _chunk(ci):
        base = ci * 16
        zs = [zu_v[j, pl.ds(base, 16)] for j in range(_D)]
        t0a = jnp.zeros((16,), jnp.float32)
        t0b = jnp.zeros((16,), jnp.float32)
        t1a = jnp.zeros((16,), jnp.float32)
        t1b = jnp.zeros((16,), jnp.float32)
        for k in range(_D):
            zik = zi_v[k, pl.ds(base, 16)]

            def _u(sb):
                off = (sb * 256 + k * 16) * 16
                ua = zs[0] * pbt_v[pl.ds(off, 16)]
                ub = zs[1] * pbt_v[pl.ds(off + 16, 16)]
                for j in range(2, _D, 2):
                    ua = ua + zs[j] * pbt_v[pl.ds(off + j * 16, 16)]
                    ub = ub + zs[j + 1] * pbt_v[pl.ds(off + (j + 1) * 16, 16)]
                return ua + ub

            if k % 2 == 0:
                t0a = t0a + _u(0) * zik
                t1a = t1a + _u(1) * zik
            else:
                t0b = t0b + _u(0) * zik
                t1b = t1b + _u(1) * zik
        t0 = t0a + t0b
        t1 = t1a + t1b
        ps = [pv[r] * t0 + pv[_R + r] * t1 for r in range(_R)]
        m = ps[0]
        for r in range(1, _R):
            m = jnp.maximum(m, ps[r])
        es = [jnp.exp(p - m) for p in ps]
        den = es[0]
        num = es[0] * pv[2 * _R]
        for r in range(1, _R):
            den = den + es[r]
            num = num + es[r] * pv[2 * _R + r]
        x = num / den
        for r in range(_R):
            po_v[r, pl.ds(base, 16)] = ps[r]
        xo_v[pl.ds(base, 16)] = x

    pltpu.async_copy(po_v, puit_hbm.at[:, pl.ds(b0, _SLICE)], sem).wait()
    pltpu.async_copy(xo_v, xui_hbm.at[pl.ds(b0, _SLICE)], sem).wait()


def kernel(zu, zi, P, A, relations):
    b, d = zu.shape
    r = relations.shape[0]
    zut = zu.T
    zit = zi.T
    pbt = jnp.broadcast_to(
        jnp.transpose(P, (0, 2, 1)).reshape(2 * d * d)[:, None],
        (2 * d * d, 16)).reshape(2 * d * d * 16)
    at = jnp.transpose(A, (1, 2, 0)).reshape(2 * r)
    prm = jnp.concatenate(
        [at, relations, jnp.zeros((1,), jnp.float32)])
    mesh = plsc.VectorSubcoreMesh(core_axis_name="c", subcore_axis_name="s")
    sck = pl.kernel(
        _sc_body,
        out_type=[
            jax.ShapeDtypeStruct((r, b), jnp.float32),
            jax.ShapeDtypeStruct((b,), jnp.float32),
        ],
        mesh=mesh,
        scratch_types=[
            pltpu.VMEM((d, _SLICE), jnp.float32),
            pltpu.VMEM((d, _SLICE), jnp.float32),
            pltpu.VMEM((2 * d * d * 16,), jnp.float32),
            pltpu.VMEM((d,), jnp.float32),
            pltpu.VMEM((r, _SLICE), jnp.float32),
            pltpu.VMEM((_SLICE,), jnp.float32),
            pltpu.SemaphoreType.DMA,
        ],
    )
    puit, xui = sck(zut, zit, pbt, prm)
    return (xui, puit.T)

# --- scband reference (transcript-rebuilt; emitter-appended) ---
"""Pipeline reference for scband-gcmcmodel-78700980732450 (READ-ONLY COPY).

The authoritative reference and input builder live on the scoring server;
editing this copy changes nothing except your own understanding.
"""

import jax, jax.numpy as jnp
import numpy as np

NUM_RELATIONS = 5
NUM_BASIS = 2
D = 16
B = 16384


def setup_inputs(seed: int = 0) -> dict:
    key = jax.random.key(seed)
    k1, k2, k3, k4 = jax.random.split(key, 4)
    zu = jax.random.normal(k1, (B, D), dtype=jnp.float32)
    zi = jax.random.normal(k2, (B, D), dtype=jnp.float32)
    # Learned parameters per init_kwargs: P is a list of num_basis (D,D) orthogonal-init
    # matrices (stacked), A is a list of num_relations (num_basis,1) uniform-init vectors.
    P = jax.random.normal(k3, (NUM_BASIS, D, D), dtype=jnp.float32)
    A = jax.random.uniform(k4, (NUM_RELATIONS, NUM_BASIS, 1), dtype=jnp.float32)
    relations = jnp.arange(1, NUM_RELATIONS + 1, dtype=jnp.float32)
    return {"zu": zu, "zi": zi, "P": P, "A": A, "relations": relations}


def reference(zu, zi, P, A, relations):
    zeta_u = jnp.squeeze(zu)
    zeta_i = jnp.squeeze(zi)
    xui_r = []
    for r in range(NUM_RELATIONS):
        # q_r = sum_s A[r][s] * P[s]
        q_parts = []
        for s in range(NUM_BASIS):
            q_parts.append(jnp.expand_dims(A[r][s] * P[s], 0))
        q_r = jnp.sum(jnp.concatenate(q_parts, axis=0), axis=0)
        x = jnp.sum(jnp.matmul(zeta_u, q_r) * zeta_i, axis=1)
        xui_r.append(jnp.expand_dims(x, 1))
    pui = jnp.concatenate(xui_r, axis=1)
    xui = jnp.sum(relations * jax.nn.softmax(pui, axis=1), axis=1)
    return (xui, pui)

if __name__ == "__main__":
    import jax
    _d = setup_inputs()
    print(jax.jit(kernel)(*tuple(_d.values())))

</pallas_src>

<mosaic_0001>
#map = affine_map<(d0, d1) -> (0, 0)>
#map1 = affine_map<(d0, d1) -> (0)>
module attributes {stable_mosaic.version = 14 : i64} {
  func.func @_sc_body(%arg0: i32, %arg1: i32, %arg2: memref<16x16384xf32, #tpu.memory_space<hbm>>, %arg3: memref<16x16384xf32, #tpu.memory_space<hbm>>, %arg4: memref<8192xf32, #tpu.memory_space<hbm>>, %arg5: memref<16xf32, #tpu.memory_space<hbm>>, %arg6: memref<5x16384xf32, #tpu.memory_space<hbm>>, %arg7: memref<16384xf32, #tpu.memory_space<hbm>>, %arg8: memref<16x512xf32, #tpu.memory_space<vmem>>, %arg9: memref<16x512xf32, #tpu.memory_space<vmem>>, %arg10: memref<8192xf32, #tpu.memory_space<vmem>>, %arg11: memref<16xf32, #tpu.memory_space<vmem>>, %arg12: memref<5x512xf32, #tpu.memory_space<vmem>>, %arg13: memref<512xf32, #tpu.memory_space<vmem>>, %arg14: memref<!tpu.dma_semaphore, #tpu.memory_space<semaphore_mem>>) attributes {dimension_semantics = [#tpu.dimension_semantics<core_parallel>, #tpu.dimension_semantics<subcore_parallel>], iteration_bounds = array<i64: 2, 16>, scalar_prefetch = 0 : i64, scratch_operands = 7 : i64, tpu.core_type = #tpu.core_type<sc_vector_subcore>, window_params = [{transform_indices = #map}, {transform_indices = #map}, {transform_indices = #map1}, {transform_indices = #map1}, {transform_indices = #map}, {transform_indices = #map1}]} {
    %mul3A = arith.constant 16 : i32
    %mul3A_0 = arith.muli %arg0, %mul3A : i32
    %add3A = arith.addi %mul3A_0, %arg1 : i32
    %mul3A_1 = arith.constant 512 : i32
    %mul3A_2 = arith.muli %add3A, %mul3A_1 : i32
    %dma_start3A = arith.constant 0 : i32
    %dma_start3A_3 = tpu.memref_slice %arg2[%dma_start3A, %mul3A_2] : memref<16x16384xf32, #tpu.memory_space<hbm>> -> memref<16x512xf32, #tpu.memory_space<hbm>>
    %dma_start3A_4 = arith.constant 0 : i32
    %dma_start3A_5 = tpu.memref_slice %arg2[%dma_start3A_4, %mul3A_2] : memref<16x16384xf32, #tpu.memory_space<hbm>> -> memref<16x512xf32, #tpu.memory_space<hbm>>
    tpu.enqueue_dma source(%dma_start3A_5 : memref<16x512xf32, #tpu.memory_space<hbm>>) target(%arg8 : memref<16x512xf32, #tpu.memory_space<vmem>>) target_semaphore(%arg14 : memref<!tpu.dma_semaphore, #tpu.memory_space<semaphore_mem>>)
    %dma_wait3A = arith.constant 0 : i32
    %dma_wait3A_6 = tpu.memref_slice %arg2[%dma_wait3A, %mul3A_2] : memref<16x16384xf32, #tpu.memory_space<hbm>> -> memref<16x512xf32, #tpu.memory_space<hbm>>
    %dma_wait3A_7 = arith.constant 0 : i32
    %dma_wait3A_8 = tpu.memref_slice %arg2[%dma_wait3A_7, %mul3A_2] : memref<16x16384xf32, #tpu.memory_space<hbm>> -> memref<16x512xf32, #tpu.memory_space<hbm>>
    tpu.wait_dma2 semaphore(%arg14 : memref<!tpu.dma_semaphore, #tpu.memory_space<semaphore_mem>>) src(%dma_wait3A_8 : memref<16x512xf32, #tpu.memory_space<hbm>>) dst(%arg8 : memref<16x512xf32, #tpu.memory_space<vmem>>)
    %dma_start3A_9 = arith.constant 0 : i32
    %dma_start3A_10 = tpu.memref_slice %arg3[%dma_start3A_9, %mul3A_2] : memref<16x16384xf32, #tpu.memory_space<hbm>> -> memref<16x512xf32, #tpu.memory_space<hbm>>
    %dma_start3A_11 = arith.constant 0 : i32
    %dma_start3A_12 = tpu.memref_slice %arg3[%dma_start3A_11, %mul3A_2] : memref<16x16384xf32, #tpu.memory_space<hbm>> -> memref<16x512xf32, #tpu.memory_space<hbm>>
    tpu.enqueue_dma source(%dma_start3A_12 : memref<16x512xf32, #tpu.memory_space<hbm>>) target(%arg9 : memref<16x512xf32, #tpu.memory_space<vmem>>) target_semaphore(%arg14 : memref<!tpu.dma_semaphore, #tpu.memory_space<semaphore_mem>>)
    %dma_wait3A_13 = arith.constant 0 : i32
    %dma_wait3A_14 = tpu.memref_slice %arg3[%dma_wait3A_13, %mul3A_2] : memref<16x16384xf32, #tpu.memory_space<hbm>> -> memref<16x512xf32, #tpu.memory_space<hbm>>
    %dma_wait3A_15 = arith.constant 0 : i32
    %dma_wait3A_16 = tpu.memref_slice %arg3[%dma_wait3A_15, %mul3A_2] : memref<16x16384xf32, #tpu.memory_space<hbm>> -> memref<16x512xf32, #tpu.memory_space<hbm>>
    tpu.wait_dma2 semaphore(%arg14 : memref<!tpu.dma_semaphore, #tpu.memory_space<semaphore_mem>>) src(%dma_wait3A_16 : memref<16x512xf32, #tpu.memory_space<hbm>>) dst(%arg9 : memref<16x512xf32, #tpu.memory_space<vmem>>)
    tpu.enqueue_dma source(%arg4 : memref<8192xf32, #tpu.memory_space<hbm>>) target(%arg10 : memref<8192xf32, #tpu.memory_space<vmem>>) target_semaphore(%arg14 : memref<!tpu.dma_semaphore, #tpu.memory_space<semaphore_mem>>)
    tpu.wait_dma2 semaphore(%arg14 : memref<!tpu.dma_semaphore, #tpu.memory_space<semaphore_mem>>) src(%arg4 : memref<8192xf32, #tpu.memory_space<hbm>>) dst(%arg10 : memref<8192xf32, #tpu.memory_space<vmem>>)
    tpu.enqueue_dma source(%arg5 : memref<16xf32, #tpu.memory_space<hbm>>) target(%arg11 : memref<16xf32, #tpu.memory_space<vmem>>) target_semaphore(%arg14 : memref<!tpu.dma_semaphore, #tpu.memory_space<semaphore_mem>>)
    tpu.wait_dma2 semaphore(%arg14 : memref<!tpu.dma_semaphore, #tpu.memory_space<semaphore_mem>>) src(%arg5 : memref<16xf32, #tpu.memory_space<hbm>>) dst(%arg11 : memref<16xf32, #tpu.memory_space<vmem>>)
    %get3A = arith.constant 0 : index
    %get3A_17 = tpu.vector_load %arg11[%get3A] {strides = array<i32>} : memref<16xf32, #tpu.memory_space<vmem>>, vector<16xf32>,
    %get3A_18 = vector.shape_cast %get3A_17 : vector<16xf32> to vector<16xf32>
    %scan3A = arith.constant 0 : i32
    %scan3A_19 = arith.constant 32 : i32
    %scan3A_20 = arith.addi %scan3A, %scan3A_19 : i32
    %scan3A_21 = arith.constant 1 : i32
    scf.for %scan3A_35 = %scan3A to %scan3A_20 step %scan3A_21  : i32 {
      %mul3A_36 = arith.constant 1 : i32
      %mul3A_37 = arith.muli %scan3A_35, %mul3A_36 : i32
      %add3A_38 = arith.constant 0 : i32
      %add3A_39 = arith.addi %add3A_38, %mul3A_37 : i32
      %mul3A_40 = arith.constant 16 : i32
      %mul3A_41 = arith.muli %add3A_39, %mul3A_40 : i32
      %get3A_42 = arith.constant 0 : i32
      %get3A_43 = arith.index_cast %get3A_42 : i32 to index
      %get3A_44 = arith.index_cast %mul3A_41 : i32 to index
      %get3A_45 = tpu.vector_load %arg8[%get3A_43, %get3A_44] {strides = array<i32>} : memref<16x512xf32, #tpu.memory_space<vmem>>, vector<1x16xf32>,
      %get3A_46 = vector.shape_cast %get3A_45 : vector<1x16xf32> to vector<16xf32>
      %get3A_47 = arith.constant 1 : i32
      %get3A_48 = arith.index_cast %get3A_47 : i32 to index
      %get3A_49 = arith.index_cast %mul3A_41 : i32 to index
      %get3A_50 = tpu.vector_load %arg8[%get3A_48, %get3A_49] {strides = array<i32>} : memref<16x512xf32, #tpu.memory_space<vmem>>, vector<1x16xf32>,
      %get3A_51 = vector.shape_cast %get3A_50 : vector<1x16xf32> to vector<16xf32>
      %get3A_52 = arith.constant 2 : i32
      %get3A_53 = arith.index_cast %get3A_52 : i32 to index
      %get3A_54 = arith.index_cast %mul3A_41 : i32 to index
      %get3A_55 = tpu.vector_load %arg8[%get3A_53, %get3A_54] {strides = array<i32>} : memref<16x512xf32, #tpu.memory_space<vmem>>, vector<1x16xf32>,
      %get3A_56 = vector.shape_cast %get3A_55 : vector<1x16xf32> to vector<16xf32>
      %get3A_57 = arith.constant 3 : i32
      %get3A_58 = arith.index_cast %get3A_57 : i32 to index
      %get3A_59 = arith.index_cast %mul3A_41 : i32 to index
      %get3A_60 = tpu.vector_load %arg8[%get3A_58, %get3A_59] {strides = array<i32>} : memref<16x512xf32, #tpu.memory_space<vmem>>, vector<1x16xf32>,
      %get3A_61 = vector.shape_cast %get3A_60 : vector<1x16xf32> to vector<16xf32>
      %get3A_62 = arith.constant 4 : i32
      %get3A_63 = arith.index_cast %get3A_62 : i32 to index
      %get3A_64 = arith.index_cast %mul3A_41 : i32 to index
      %get3A_65 = tpu.vector_load %arg8[%get3A_63, %get3A_64] {strides = array<i32>} : memref<16x512xf32, #tpu.memory_space<vmem>>, vector<1x16xf32>,
      %get3A_66 = vector.shape_cast %get3A_65 : vector<1x16xf32> to vector<16xf32>
      %get3A_67 = arith.constant 5 : i32
      %get3A_68 = arith.index_cast %get3A_67 : i32 to index
      %get3A_69 = arith.index_cast %mul3A_41 : i32 to index
      %get3A_70 = tpu.vector_load %arg8[%get3A_68, %get3A_69] {strides = array<i32>} : memref<16x512xf32, #tpu.memory_space<vmem>>, vector<1x16xf32>,
      %get3A_71 = vector.shape_cast %get3A_70 : vector<1x16xf32> to vector<16xf32>
      %get3A_72 = arith.constant 6 : i32
      %get3A_73 = arith.index_cast %get3A_72 : i32 to index
      %get3A_74 = arith.index_cast %mul3A_41 : i32 to index
      %get3A_75 = tpu.vector_load %arg8[%get3A_73, %get3A_74] {strides = array<i32>} : memref<16x512xf32, #tpu.memory_space<vmem>>, vector<1x16xf32>,
      %get3A_76 = vector.shape_cast %get3A_75 : vector<1x16xf32> to vector<16xf32>
      %get3A_77 = arith.constant 7 : i32
      %get3A_78 = arith.index_cast %get3A_77 : i32 to index
      %get3A_79 = arith.index_cast %mul3A_41 : i32 to index
      %get3A_80 = tpu.vector_load %arg8[%get3A_78, %get3A_79] {strides = array<i32>} : memref<16x512xf32, #tpu.memory_space<vmem>>, vector<1x16xf32>,
      %get3A_81 = vector.shape_cast %get3A_80 : vector<1x16xf32> to vector<16xf32>
      %get3A_82 = arith.constant 8 : i32
      %get3A_83 = arith.index_cast %get3A_82 : i32 to index
      %get3A_84 = arith.index_cast %mul3A_41 : i32 to index
      %get3A_85 = tpu.vector_load %arg8[%get3A_83, %get3A_84] {strides = array<i32>} : memref<16x512xf32, #tpu.memory_space<vmem>>, vector<1x16xf32>,
      %get3A_86 = vector.shape_cast %get3A_85 : vector<1x16xf32> to vector<16xf32>
      %get3A_87 = arith.constant 9 : i32
      %get3A_88 = arith.index_cast %get3A_87 : i32 to index
      %get3A_89 = arith.index_cast %mul3A_41 : i32 to index
      %get3A_90 = tpu.vector_load %arg8[%get3A_88, %get3A_89] {strides = array<i32>} : memref<16x512xf32, #tpu.memory_space<vmem>>, vector<1x16xf32>,
      %get3A_91 = vector.shape_cast %get3A_90 : vector<1x16xf32> to vector<16xf32>
      %get3A_92 = arith.constant 10 : i32
      %get3A_93 = arith.index_cast %get3A_92 : i32 to index
      %get3A_94 = arith.index_cast %mul3A_41 : i32 to index
      %get3A_95 = tpu.vector_load %arg8[%get3A_93, %get3A_94] {strides = array<i32>} : memref<16x512xf32, #tpu.memory_space<vmem>>, vector<1x16xf32>,
      %get3A_96 = vector.shape_cast %get3A_95 : vector<1x16xf32> to vector<16xf32>
      %get3A_97 = arith.constant 11 : i32
      %get3A_98 = arith.index_cast %get3A_97 : i32 to index
      %get3A_99 = arith.index_cast %mul3A_41 : i32 to index
      %get3A_100 = tpu.vector_load %arg8[%get3A_98, %get3A_99] {strides = array<i32>} : memref<16x512xf32, #tpu.memory_space<vmem>>, vector<1x16xf32>,
      %get3A_101 = vector.shape_cast %get3A_100 : vector<1x16xf32> to vector<16xf32>
      %get3A_102 = arith.constant 12 : i32
      %get3A_103 = arith.index_cast %get3A_102 : i32 to index
      %get3A_104 = arith.index_cast %mul3A_41 : i32 to index
      %get3A_105 = tpu.vector_load %arg8[%get3A_103, %get3A_104] {strides = array<i32>} : memref<16x512xf32, #tpu.memory_space<vmem>>, vector<1x16xf32>,
      %get3A_106 = vector.shape_cast %get3A_105 : vector<1x16xf32> to vector<16xf32>
      %get3A_107 = arith.constant 13 : i32
      %get3A_108 = arith.index_cast %get3A_107 : i32 to index
      %get3A_109 = arith.index_cast %mul3A_41 : i32 to index
      %get3A_110 = tpu.vector_load %arg8[%get3A_108, %get3A_109] {strides = array<i32>} : memref<16x512xf32, #tpu.memory_space<vmem>>, vector<1x16xf32>,
      %get3A_111 = vector.shape_cast %get3A_110 : vector<1x16xf32> to vector<16xf32>
      %get3A_112 = arith.constant 14 : i32
      %get3A_113 = arith.index_cast %get3A_112 : i32 to index
      %get3A_114 = arith.index_cast %mul3A_41 : i32 to index
      %get3A_115 = tpu.vector_load %arg8[%get3A_113, %get3A_114] {strides = array<i32>} : memref<16x512xf32, #tpu.memory_space<vmem>>, vector<1x16xf32>,
      %get3A_116 = vector.shape_cast %get3A_115 : vector<1x16xf32> to vector<16xf32>
      %get3A_117 = arith.constant 15 : i32
      %get3A_118 = arith.index_cast %get3A_117 : i32 to index
      %get3A_119 = arith.index_cast %mul3A_41 : i32 to index
      %get3A_120 = tpu.vector_load %arg8[%get3A_118, %get3A_119] {strides = array<i32>} : memref<16x512xf32, #tpu.memory_space<vmem>>, vector<1x16xf32>,
      %get3A_121 = vector.shape_cast %get3A_120 : vector<1x16xf32> to vector<16xf32>
      %broadcast_in_dim3A = arith.constant 0.000000e+00 : f32
      %broadcast_in_dim3A_122 = vector.broadcast %broadcast_in_dim3A : f32 to vector<16xf32>
      %broadcast_in_dim3A_123 = arith.constant 0.000000e+00 : f32
      %broadcast_in_dim3A_124 = vector.broadcast %broadcast_in_dim3A_123 : f32 to vector<16xf32>
      %broadcast_in_dim3A_125 = arith.constant 0.000000e+00 : f32
      %broadcast_in_dim3A_126 = vector.broadcast %broadcast_in_dim3A_125 : f32 to vector<16xf32>
      %broadcast_in_dim3A_127 = arith.constant 0.000000e+00 : f32
      %broadcast_in_dim3A_128 = vector.broadcast %broadcast_in_dim3A_127 : f32 to vector<16xf32>
      %get3A_129 = arith.constant 0 : i32
      %get3A_130 = arith.index_cast %get3A_129 : i32 to index
      %get3A_131 = arith.index_cast %mul3A_41 : i32 to index
      %get3A_132 = tpu.vector_load %arg9[%get3A_130, %get3A_131] {strides = array<i32>} : memref<16x512xf32, #tpu.memory_space<vmem>>, vector<1x16xf32>,
      %get3A_133 = vector.shape_cast %get3A_132 : vector<1x16xf32> to vector<16xf32>
      %get3A_134 = arith.constant 0 : index
      %get3A_135 = tpu.vector_load %arg10[%get3A_134] {strides = array<i32>} : memref<8192xf32, #tpu.memory_space<vmem>>, vector<16xf32>,
      %get3A_136 = vector.shape_cast %get3A_135 : vector<16xf32> to vector<16xf32>
      %mul3A_137 = arith.mulf %get3A_46, %get3A_136 : vector<16xf32>
      %get3A_138 = arith.constant 16 : index
      %get3A_139 = tpu.vector_load %arg10[%get3A_138] {strides = array<i32>} : memref<8192xf32, #tpu.memory_space<vmem>>, vector<16xf32>,
      %get3A_140 = vector.shape_cast %get3A_139 : vector<16xf32> to vector<16xf32>
      %mul3A_141 = arith.mulf %get3A_51, %get3A_140 : vector<16xf32>
      %get3A_142 = arith.constant 32 : index
      %get3A_143 = tpu.vector_load %arg10[%get3A_142] {strides = array<i32>} : memref<8192xf32, #tpu.memory_space<vmem>>, vector<16xf32>,
      %get3A_144 = vector.shape_cast %get3A_143 : vector<16xf32> to vector<16xf32>
      %mul3A_145 = arith.mulf %get3A_56, %get3A_144 : vector<16xf32>
      %add3A_146 = arith.addf %mul3A_137, %mul3A_145 : vector<16xf32>
      %get3A_147 = arith.constant 48 : index
      %get3A_148 = tpu.vector_load %arg10[%get3A_147] {strides = array<i32>} : memref<8192xf32, #tpu.memory_space<vmem>>, vector<16xf32>,
      %get3A_149 = vector.shape_cast %get3A_148 : vector<16xf32> to vector<16xf32>
      %mul3A_150 = arith.mulf %get3A_61, %get3A_149 : vector<16xf32>
      %add3A_151 = arith.addf %mul3A_141, %mul3A_150 : vector<16xf32>
      %get3A_152 = arith.constant 64 : index
      %get3A_153 = tpu.vector_load %arg10[%get3A_152] {strides = array<i32>} : memref<8192xf32, #tpu.memory_space<vmem>>, vector<16xf32>,
      %get3A_154 = vector.shape_cast %get3A_153 : vector<16xf32> to vector<16xf32>
      %mul3A_155 = arith.mulf %get3A_66, %get3A_154 : vector<16xf32>
      %add3A_156 = arith.addf %add3A_146, %mul3A_155 : vector<16xf32>
      %get3A_157 = arith.constant 80 : index
      %get3A_158 = tpu.vector_load %arg10[%get3A_157] {strides = array<i32>} : memref<8192xf32, #tpu.memory_space<vmem>>, vector<16xf32>,
      %get3A_159 = vector.shape_cast %get3A_158 : vector<16xf32> to vector<16xf32>
      %mul3A_160 = arith.mulf %get3A_71, %get3A_159 : vector<16xf32>
      %add3A_161 = arith.addf %add3A_151, %mul3A_160 : vector<16xf32>
      %get3A_162 = arith.constant 96 : index
      %get3A_163 = tpu.vector_load %arg10[%get3A_162] {strides = array<i32>} : memref<8192xf32, #tpu.memory_space<vmem>>, vector<16xf32>,
      %get3A_164 = vector.shape_cast %get3A_163 : vector<16xf32> to vector<16xf32>
      %mul3A_165 = arith.mulf %get3A_76, %get3A_164 : vector<16xf32>
      %add3A_166 = arith.addf %add3A_156, %mul3A_165 : vector<16xf32>
      %get3A_167 = arith.constant 112 : index
      %get3A_168 = tpu.vector_load %arg10[%get3A_167] {strides = array<i32>} : memref<8192xf32, #tpu.memory_space<vmem>>, vector<16xf32>,
      %get3A_169 = vector.shape_cast %get3A_168 : vector<16xf32> to vector<16xf32>
      %mul3A_170 = arith.mulf %get3A_81, %get3A_169 : vector<16xf32>
      %add3A_171 = arith.addf %add3A_161, %mul3A_170 : vector<16xf32>
      %get3A_172 = arith.constant 128 : index
      %get3A_173 = tpu.vector_load %arg10[%get3A_172] {strides = array<i32>} : memref<8192xf32, #tpu.memory_space<vmem>>, vector<16xf32>,
      %get3A_174 = vector.shape_cast %get3A_173 : vector<16xf32> to vector<16xf32>
      %mul3A_175 = arith.mulf %get3A_86, %get3A_174 : vector<16xf32>
      %add3A_176 = arith.addf %add3A_166, %mul3A_175 : vector<16xf32>
      %get3A_177 = arith.constant 144 : index
      %get3A_178 = tpu.vector_load %arg10[%get3A_177] {strides = array<i32>} : memref<8192xf32, #tpu.memory_space<vmem>>, vector<16xf32>,
      %get3A_179 = vector.shape_cast %get3A_178 : vector<16xf32> to vector<16xf32>
      %mul3A_180 = arith.mulf %get3A_91, %get3A_179 : vector<16xf32>
      %add3A_181 = arith.addf %add3A_171, %mul3A_180 : vector<16xf32>
      %get3A_182 = arith.constant 160 : index
      %get3A_183 = tpu.vector_load %arg10[%get3A_182] {strides = array<i32>} : memref<8192xf32, #tpu.memory_space<vmem>>, vector<16xf32>,
      %get3A_184 = vector.shape_cast %get3A_183 : vector<16xf32> to vector<16xf32>
      %mul3A_185 = arith.mulf %get3A_96, %get3A_184 : vector<16xf32>
      %add3A_186 = arith.addf %add3A_176, %mul3A_185 : vector<16xf32>
      %get3A_187 = arith.constant 176 : index
      %get3A_188 = tpu.vector_load %arg10[%get3A_187] {strides = array<i32>} : memref<8192xf32, #tpu.memory_space<vmem>>, vector<16xf32>,
      %get3A_189 = vector.shape_cast %get3A_188 : vector<16xf32> to vector<16xf32>
      %mul3A_190 = arith.mulf %get3A_101, %get3A_189 : vector<16xf32>
      %add3A_191 = arith.addf %add3A_181, %mul3A_190 : vector<16xf32>
      %get3A_192 = arith.constant 192 : index
      %get3A_193 = tpu.vector_load %arg10[%get3A_192] {strides = array<i32>} : memref<8192xf32, #tpu.memory_space<vmem>>, vector<16xf32>,
      %get3A_194 = vector.shape_cast %get3A_193 : vector<16xf32> to vector<16xf32>
      %mul3A_195 = arith.mulf %get3A_106, %get3A_194 : vector<16xf32>
      %add3A_196 = arith.addf %add3A_186, %mul3A_195 : vector<16xf32>
      %get3A_197 = arith.constant 208 : index
      %get3A_198 = tpu.vector_load %arg10[%get3A_197] {strides = array<i32>} : memref<8192xf32, #tpu.memory_space<vmem>>, vector<16xf32>,
      %get3A_199 = vector.shape_cast %get3A_198 : vector<16xf32> to vector<16xf32>
      %mul3A_200 = arith.mulf %get3A_111, %get3A_199 : vector<16xf32>
      %add3A_201 = arith.addf %add3A_191, %mul3A_200 : vector<16xf32>
      %get3A_202 = arith.constant 224 : index
      %get3A_203 = tpu.vector_load %arg10[%get3A_202] {strides = array<i32>} : memref<8192xf32, #tpu.memory_space<vmem>>, vector<16xf32>,
      %get3A_204 = vector.shape_cast %get3A_203 : vector<16xf32> to vector<16xf32>
      %mul3A_205 = arith.mulf %get3A_116, %get3A_204 : vector<16xf32>
      %add3A_206 = arith.addf %add3A_196, %mul3A_205 : vector<16xf32>
      %get3A_207 = arith.constant 240 : index
      %get3A_208 = tpu.vector_load %arg10[%get3A_207] {strides = array<i32>} : memref<8192xf32, #tpu.memory_space<vmem>>, vector<16xf32>,
      %get3A_209 = vector.shape_cast %get3A_208 : vector<16xf32> to vector<16xf32>
      %mul3A_210 = arith.mulf %get3A_121, %get3A_209 : vector<16xf32>
      %add3A_211 = arith.addf %add3A_201, %mul3A_210 : vector<16xf32>
      %add3A_212 = arith.addf %add3A_206, %add3A_211 : vector<16xf32>
      %mul3A_213 = arith.mulf %add3A_212, %get3A_133 : vector<16xf32>
      %add3A_214 = arith.addf %broadcast_in_dim3A_122, %mul3A_213 : vector<16xf32>
      %get3A_215 = arith.constant 4096 : index
      %get3A_216 = tpu.vector_load %arg10[%get3A_215] {strides = array<i32>} : memref<8192xf32, #tpu.memory_space<vmem>>, vector<16xf32>,
      %get3A_217 = vector.shape_cast %get3A_216 : vector<16xf32> to vector<16xf32>
      %mul3A_218 = arith.mulf %get3A_46, %get3A_217 : vector<16xf32>
      %get3A_219 = arith.constant 4112 : index
      %get3A_220 = tpu.vector_load %arg10[%get3A_219] {strides = array<i32>} : memref<8192xf32, #tpu.memory_space<vmem>>, vector<16xf32>,
      %get3A_221 = vector.shape_cast %get3A_220 : vector<16xf32> to vector<16xf32>
      %mul3A_222 = arith.mulf %get3A_51, %get3A_221 : vector<16xf32>
      %get3A_223 = arith.constant 4128 : index
      %get3A_224 = tpu.vector_load %arg10[%get3A_223] {strides = array<i32>} : memref<8192xf32, #tpu.memory_space<vmem>>, vector<16xf32>,
      %get3A_225 = vector.shape_cast %get3A_224 : vector<16xf32> to vector<16xf32>
      %mul3A_226 = arith.mulf %get3A_56, %get3A_225 : vector<16xf32>
      %add3A_227 = arith.addf %mul3A_218, %mul3A_226 : vector<16xf32>
      %get3A_228 = arith.constant 4144 : index
      %get3A_229 = tpu.vector_load %arg10[%get3A_228] {strides = array<i32>} : memref<8192xf32, #tpu.memory_space<vmem>>, vector<16xf32>,
      %get3A_230 = vector.shape_cast %get3A_229 : vector<16xf32> to vector<16xf32>
      %mul3A_231 = arith.mulf %get3A_61, %get3A_230 : vector<16xf32>
      %add3A_232 = arith.addf %mul3A_222, %mul3A_231 : vector<16xf32>
      %get3A_233 = arith.constant 4160 : index
      %get3A_234 = tpu.vector_load %arg10[%get3A_233] {strides = array<i32>} : memref<8192xf32, #tpu.memory_space<vmem>>, vector<16xf32>,
      %get3A_235 = vector.shape_cast %get3A_234 : vector<16xf32> to vector<16xf32>
      %mul3A_236 = arith.mulf %get3A_66, %get3A_235 : vector<16xf32>
      %add3A_237 = arith.addf %add3A_227, %mul3A_236 : vector<16xf32>
      %get3A_238 = arith.constant 4176 : index
      %get3A_239 = tpu.vector_load %arg10[%get3A_238] {strides = array<i32>} : memref<8192xf32, #tpu.memory_space<vmem>>, vector<16xf32>,
      %get3A_240 = vector.shape_cast %get3A_239 : vector<16xf32> to vector<16xf32>
      %mul3A_241 = arith.mulf %get3A_71, %get3A_240 : vector<16xf32>
      %add3A_242 = arith.addf %add3A_232, %mul3A_241 : vector<16xf32>
      %get3A_243 = arith.constant 4192 : index
      %get3A_244 = tpu.vector_load %arg10[%get3A_243] {strides = array<i32>} : memref<8192xf32, #tpu.memory_space<vmem>>, vector<16xf32>,
      %get3A_245 = vector.shape_cast %get3A_244 : vector<16xf32> to vector<16xf32>
      %mul3A_246 = arith.mulf %get3A_76, %get3A_245 : vector<16xf32>
      %add3A_247 = arith.addf %add3A_237, %mul3A_246 : vector<16xf32>
      %get3A_248 = arith.constant 4208 : index
      %get3A_249 = tpu.vector_load %arg10[%get3A_248] {strides = array<i32>} : memref<8192xf32, #tpu.memory_space<vmem>>, vector<16xf32>,
      %get3A_250 = vector.shape_cast %get3A_249 : vector<16xf32> to vector<16xf32>
      %mul3A_251 = arith.mulf %get3A_81, %get3A_250 : vector<16xf32>
      %add3A_252 = arith.addf %add3A_242, %mul3A_251 : vector<16xf32>
      %get3A_253 = arith.constant 4224 : index
      %get3A_254 = tpu.vector_load %arg10[%get3A_253] {strides = array<i32>} : memref<8192xf32, #tpu.memory_space<vmem>>, vector<16xf32>,
      %get3A_255 = vector.shape_cast %get3A_254 : vector<16xf32> to vector<16xf32>
      %mul3A_256 = arith.mulf %get3A_86, %get3A_255 : vector<16xf32>
      %add3A_257 = arith.addf %add3A_247, %mul3A_256 : vector<16xf32>
      %get3A_258 = arith.constant 4240 : index
      %get3A_259 = tpu.vector_load %arg10[%get3A_258] {strides = array<i32>} : memref<8192xf32, #tpu.memory_space<vmem>>, vector<16xf32>,
      %get3A_260 = vector.shape_cast %get3A_259 : vector<16xf32> to vector<16xf32>
      %mul3A_261 = arith.mulf %get3A_91, %get3A_260 : vector<16xf32>
      %add3A_262 = arith.addf %add3A_252, %mul3A_261 : vector<16xf32>
      %get3A_263 = arith.constant 4256 : index
      %get3A_264 = tpu.vector_load %arg10[%get3A_263] {strides = array<i32>} : memref<8192xf32, #tpu.memory_space<vmem>>, vector<16xf32>,
      %get3A_265 = vector.shape_cast %get3A_264 : vector<16xf32> to vector<16xf32>
      %mul3A_266 = arith.mulf %get3A_96, %get3A_265 : vector<16xf32>
      %add3A_267 = arith.addf %add3A_257, %mul3A_266 : vector<16xf32>
      %get3A_268 = arith.constant 4272 : index
      %get3A_269 = tpu.vector_load %arg10[%get3A_268] {strides = array<i32>} : memref<8192xf32, #tpu.memory_space<vmem>>, vector<16xf32>,
      %get3A_270 = vector.shape_cast %get3A_269 : vector<16xf32> to vector<16xf32>
      %mul3A_271 = arith.mulf %get3A_101, %get3A_270 : vector<16xf32>
      %add3A_272 = arith.addf %add3A_262, %mul3A_271 : vector<16xf32>
      %get3A_273 = arith.constant 4288 : index
      %get3A_274 = tpu.vector_load %arg10[%get3A_273] {strides = array<i32>} : memref<8192xf32, #tpu.memory_space<vmem>>, vector<16xf32>,
      %get3A_275 = vector.shape_cast %get3A_274 : vector<16xf32> to vector<16xf32>
      %mul3A_276 = arith.mulf %get3A_106, %get3A_275 : vector<16xf32>
      %add3A_277 = arith.addf %add3A_267, %mul3A_276 : vector<16xf32>
      %get3A_278 = arith.constant 4304 : index
      %get3A_279 = tpu.vector_load %arg10[%get3A_278] {strides = array<i32>} : memref<8192xf32, #tpu.memory_space<vmem>>, vector<16xf32>,
      %get3A_280 = vector.shape_cast %get3A_279 : vector<16xf32> to vector<16xf32>
      %mul3A_281 = arith.mulf %get3A_111, %get3A_280 : vector<16xf32>
      %add3A_282 = arith.addf %add3A_272, %mul3A_281 : vector<16xf32>
      %get3A_283 = arith.constant 4320 : index
      %get3A_284 = tpu.vector_load %arg10[%get3A_283] {strides = array<i32>} : memref<8192xf32, #tpu.memory_space<vmem>>, vector<16xf32>,
      %get3A_285 = vector.shape_cast %get3A_284 : vector<16xf32> to vector<16xf32>
      %mul3A_286 = arith.mulf %get3A_116, %get3A_285 : vector<16xf32>
      %add3A_287 = arith.addf %add3A_277, %mul3A_286 : vector<16xf32>
      %get3A_288 = arith.constant 4336 : index
      %get3A_289 = tpu.vector_load %arg10[%get3A_288] {strides = array<i32>} : memref<8192xf32, #tpu.memory_space<vmem>>, vector<16xf32>,
      %get3A_290 = vector.shape_cast %get3A_289 : vector<16xf32> to vector<16xf32>
      %mul3A_291 = arith.mulf %get3A_121, %get3A_290 : vector<16xf32>
      %add3A_292 = arith.addf %add3A_282, %mul3A_291 : vector<16xf32>
      %add3A_293 = arith.addf %add3A_287, %add3A_292 : vector<16xf32>
      %mul3A_294 = arith.mulf %add3A_293, %get3A_133 : vector<16xf32>
      %add3A_295 = arith.addf %broadcast_in_dim3A_126, %mul3A_294 : vector<16xf32>
      %get3A_296 = arith.constant 1 : i32
      %get3A_297 = arith.index_cast %get3A_296 : i32 to index
      %get3A_298 = arith.index_cast %mul3A_41 : i32 to index
      %get3A_299 = tpu.vector_load %arg9[%get3A_297, %get3A_298] {strides = array<i32>} : memref<16x512xf32, #tpu.memory_space<vmem>>, vector<1x16xf32>,
      %get3A_300 = vector.shape_cast %get3A_299 : vector<1x16xf32> to vector<16xf32>
      %get3A_301 = arith.constant 256 : index
      %get3A_302 = tpu.vector_load %arg10[%get3A_301] {strides = array<i32>} : memref<8192xf32, #tpu.memory_space<vmem>>, vector<16xf32>,
      %get3A_303 = vector.shape_cast %get3A_302 : vector<16xf32> to vector<16xf32>
      %mul3A_304 = arith.mulf %get3A_46, %get3A_303 : vector<16xf32>
      %get3A_305 = arith.constant 272 : index
      %get3A_306 = tpu.vector_load %arg10[%get3A_305] {strides = array<i32>} : memref<8192xf32, #tpu.memory_space<vmem>>, vector<16xf32>,
      %get3A_307 = vector.shape_cast %get3A_306 : vector<16xf32> to vector<16xf32>
      %mul3A_308 = arith.mulf %get3A_51, %get3A_307 : vector<16xf32>
      %get3A_309 = arith.constant 288 : index
      %get3A_310 = tpu.vector_load %arg10[%get3A_309] {strides = array<i32>} : memref<8192xf32, #tpu.memory_space<vmem>>, vector<16xf32>,
      %get3A_311 = vector.shape_cast %get3A_310 : vector<16xf32> to vector<16xf32>
      %mul3A_312 = arith.mulf %get3A_56, %get3A_311 : vector<16xf32>
      %add3A_313 = arith.addf %mul3A_304, %mul3A_312 : vector<16xf32>
      %get3A_314 = arith.constant 304 : index
      %get3A_315 = tpu.vector_load %arg10[%get3A_314] {strides = array<i32>} : memref<8192xf32, #tpu.memory_space<vmem>>, vector<16xf32>,
      %get3A_316 = vector.shape_cast %get3A_315 : vector<16xf32> to vector<16xf32>
      %mul3A_317 = arith.mulf %get3A_61, %get3A_316 : vector<16xf32>
      %add3A_318 = arith.addf %mul3A_308, %mul3A_317 : vector<16xf32>
      %get3A_319 = arith.constant 320 : index
      %get3A_320 = tpu.vector_load %arg10[%get3A_319] {strides = array<i32>} : memref<8192xf32, #tpu.memory_space<vmem>>, vector<16xf32>,
      %get3A_321 = vector.shape_cast %get3A_320 : vector<16xf32> to vector<16xf32>
      %mul3A_322 = arith.mulf %get3A_66, %get3A_321 : vector<16xf32>
      %add3A_323 = arith.addf %add3A_313, %mul3A_322 : vector<16xf32>
      %get3A_324 = arith.constant 336 : index
      %get3A_325 = tpu.vector_load %arg10[%get3A_324] {strides = array<i32>} : memref<8192xf32, #tpu.memory_space<vmem>>, vector<16xf32>,
      %get3A_326 = vector.shape_cast %get3A_325 : vector<16xf32> to vector<16xf32>
      %mul3A_327 = arith.mulf %get3A_71, %get3A_326 : vector<16xf32>
      %add3A_328 = arith.addf %add3A_318, %mul3A_327 : vector<16xf32>
      %get3A_329 = arith.constant 352 : index
      %get3A_330 = tpu.vector_load %arg10[%get3A_329] {strides = array<i32>} : memref<8192xf32, #tpu.memory_space<vmem>>, vector<16xf32>,
      %get3A_331 = vector.shape_cast %get3A_330 : vector<16xf32> to vector<16xf32>
      %mul3A_332 = arith.mulf %get3A_76, %get3A_331 : vector<16xf32>
      %add3A_333 = arith.addf %add3A_323, %mul3A_332 : vector<16xf32>
      %get3A_334 = arith.constant 368 : index
      %get3A_335 = tpu.vector_load %arg10[%get3A_334] {strides = array<i32>} : memref<8192xf32, #tpu.memory_space<vmem>>, vector<16xf32>,
      %get3A_336 = vector.shape_cast %get3A_335 : vector<16xf32> to vector<16xf32>
      %mul3A_337 = arith.mulf %get3A_81, %get3A_336 : vector<16xf32>
      %add3A_338 = arith.addf %add3A_328, %mul3A_337 : vector<16xf32>
      %get3A_339 = arith.constant 384 : index
      %get3A_340 = tpu.vector_load %arg10[%get3A_339] {strides = array<i32>} : memref<8192xf32, #tpu.memory_space<vmem>>, vector<16xf32>,
      %get3A_341 = vector.shape_cast %get3A_340 : vector<16xf32> to vector<16xf32>
      %mul3A_342 = arith.mulf %get3A_86, %get3A_341 : vector<16xf32>
      %add3A_343 = arith.addf %add3A_333, %mul3A_342 : vector<16xf32>
      %get3A_344 = arith.constant 400 : index
      %get3A_345 = tpu.vector_load %arg10[%get3A_344] {strides = array<i32>} : memref<8192xf32, #tpu.memory_space<vmem>>, vector<16xf32>,
      %get3A_346 = vector.shape_cast %get3A_345 : vector<16xf32> to vector<16xf32>
      %mul3A_347 = arith.mulf %get3A_91, %get3A_346 : vector<16xf32>
      %add3A_348 = arith.addf %add3A_338, %mul3A_347 : vector<16xf32>
      %get3A_349 = arith.constant 416 : index
      %get3A_350 = tpu.vector_load %arg10[%get3A_349] {strides = array<i32>} : memref<8192xf32, #tpu.memory_space<vmem>>, vector<16xf32>,
      %get3A_351 = vector.shape_cast %get3A_350 : vector<16xf32> to vector<16xf32>
      %mul3A_352 = arith.mulf %get3A_96, %get3A_351 : vector<16xf32>
      %add3A_353 = arith.addf %add3A_343, %mul3A_352 : vector<16xf32>
      %get3A_354 = arith.constant 432 : index
      %get3A_355 = tpu.vector_load %arg10[%get3A_354] {strides = array<i32>} : memref<8192xf32, #tpu.memory_space<vmem>>, vector<16xf32>,
      %get3A_356 = vector.shape_cast %get3A_355 : vector<16xf32> to vector<16xf32>
      %mul3A_357 = arith.mulf %get3A_101, %get3A_356 : vector<16xf32>
      %add3A_358 = arith.addf %add3A_348, %mul3A_357 : vector<16xf32>
      %get3A_359 = arith.constant 448 : index
      %get3A_360 = tpu.vector_load %arg10[%get3A_359] {strides = array<i32>} : memref<8192xf32, #tpu.memory_space<vmem>>, vector<16xf32>,
      %get3A_361 = vector.shape_cast %get3A_360 : vector<16xf32> to vector<16xf32>
      %mul3A_362 = arith.mulf %get3A_106, %get3A_361 : vector<16xf32>
      %add3A_363 = arith.addf %add3A_353, %mul3A_362 : vector<16xf32>
      %get3A_364 = arith.constant 464 : index
      %get3A_365 = tpu.vector_load %arg10[%get3A_364] {strides = array<i32>} : memref<8192xf32, #tpu.memory_space<vmem>>, vector<16xf32>,
      %get3A_366 = vector.shape_cast %get3A_365 : vector<16xf32> to vector<16xf32>
      %mul3A_367 = arith.mulf %get3A_111, %get3A_366 : vector<16xf32>
      %add3A_368 = arith.addf %add3A_358, %mul3A_367 : vector<16xf32>
      %get3A_369 = arith.constant 480 : index
      %get3A_370 = tpu.vector_load %arg10[%get3A_369] {strides = array<i32>} : memref<8192xf32, #tpu.memory_space<vmem>>, vector<16xf32>,
      %get3A_371 = vector.shape_cast %get3A_370 : vector<16xf32> to vector<16xf32>
      %mul3A_372 = arith.mulf %get3A_116, %get3A_371 : vector<16xf32>
      %add3A_373 = arith.addf %add3A_363, %mul3A_372 : vector<16xf32>
      %get3A_374 = arith.constant 496 : index
      %get3A_375 = tpu.vector_load %arg10[%get3A_374] {strides = array<i32>} : memref<8192xf32, #tpu.memory_space<vmem>>, vector<16xf32>,
      %get3A_376 = vector.shape_cast %get3A_375 : vector<16xf32> to vector<16xf32>
      %mul3A_377 = arith.mulf %get3A_121, %get3A_376 : vector<16xf32>
      %add3A_378 = arith.addf %add3A_368, %mul3A_377 : vector<16xf32>
      %add3A_379 = arith.addf %add3A_373, %add3A_378 : vector<16xf32>
      %mul3A_380 = arith.mulf %add3A_379, %get3A_300 : vector<16xf32>
      %add3A_381 = arith.addf %broadcast_in_dim3A_124, %mul3A_380 : vector<16xf32>
      %get3A_382 = arith.constant 4352 : index
      %get3A_383 = tpu.vector_load %arg10[%get3A_382] {strides = array<i32>} : memref<8192xf32, #tpu.memory_space<vmem>>, vector<16xf32>,
      %get3A_384 = vector.shape_cast %get3A_383 : vector<16xf32> to vector<16xf32>
      %mul3A_385 = arith.mulf %get3A_46, %get3A_384 : vector<16xf32>
      %get3A_386 = arith.constant 4368 : index
      %get3A_387 = tpu.vector_load %arg10[%get3A_386] {strides = array<i32>} : memref<8192xf32, #tpu.memory_space<vmem>>, vector<16xf32>,
      %get3A_388 = vector.shape_cast %get3A_387 : vector<16xf32> to vector<16xf32>
      %mul3A_389 = arith.mulf %get3A_51, %get3A_388 : vector<16xf32>
      %get3A_390 = arith.constant 4384 : index
      %get3A_391 = tpu.vector_load %arg10[%get3A_390] {strides = array<i32>} : memref<8192xf32, #tpu.memory_space<vmem>>, vector<16xf32>,
      %get3A_392 = vector.shape_cast %get3A_391 : vector<16xf32> to vector<16xf32>
      %mul3A_393 = arith.mulf %get3A_56, %get3A_392 : vector<16xf32>
      %add3A_394 = arith.addf %mul3A_385, %mul3A_393 : vector<16xf32>
      %get3A_395 = arith.constant 4400 : index
      %get3A_396 = tpu.vector_load %arg10[%get3A_395] {strides = array<i32>} : memref<8192xf32, #tpu.memory_space<vmem>>, vector<16xf32>,
      %get3A_397 = vector.shape_cast %get3A_396 : vector<16xf32> to vector<16xf32>
      %mul3A_398 = arith.mulf %get3A_61, %get3A_397 : vector<16xf32>
      %add3A_399 = arith.addf %mul3A_389, %mul3A_398 : vector<16xf32>
      %get3A_400 = arith.constant 4416 : index
      %get3A_401 = tpu.vector_load %arg10[%get3A_400] {strides = array<i32>} : memref<8192xf32, #tpu.memory_space<vmem>>, vector<16xf32>,
      %get3A_402 = vector.shape_cast %get3A_401 : vector<16xf32> to vector<16xf32>
      %mul3A_403 = arith.mulf %get3A_66, %get3A_402 : vector<16xf32>
      %add3A_404 = arith.addf %add3A_394, %mul3A_403 : vector<16xf32>
      %get3A_405 = arith.constant 4432 : index
      %get3A_406 = tpu.vector_load %arg10[%get3A_405] {strides = array<i32>} : memref<8192xf32, #tpu.memory_space<vmem>>, vector<16xf32>,
      %get3A_407 = vector.shape_cast %get3A_406 : vector<16xf32> to vector<16xf32>
      %mul3A_408 = arith.mulf %get3A_71, %get3A_407 : vector<16xf32>
      %add3A_409 = arith.addf %add3A_399, %mul3A_408 : vector<16xf32>
      %get3A_410 = arith.constant 4448 : index
      %get3A_411 = tpu.vector_load %arg10[%get3A_410] {strides = array<i32>} : memref<8192xf32, #tpu.memory_space<vmem>>, vector<16xf32>,
      %get3A_412 = vector.shape_cast %get3A_411 : vector<16xf32> to vector<16xf32>
      %mul3A_413 = arith.mulf %get3A_76, %get3A_412 : vector<16xf32>
      %add3A_414 = arith.addf %add3A_404, %mul3A_413 : vector<16xf32>
      %get3A_415 = arith.constant 4464 : index
      %get3A_416 = tpu.vector_load %arg10[%get3A_415] {strides = array<i32>} : memref<8192xf32, #tpu.memory_space<vmem>>, vector<16xf32>,
      %get3A_417 = vector.shape_cast %get3A_416 : vector<16xf32> to vector<16xf32>
      %mul3A_418 = arith.mulf %get3A_81, %get3A_417 : vector<16xf32>
      %add3A_419 = arith.addf %add3A_409, %mul3A_418 : vector<16xf32>
      %get3A_420 = arith.constant 4480 : index
      %get3A_421 = tpu.vector_load %arg10[%get3A_420] {strides = array<i32>} : memref<8192xf32, #tpu.memory_space<vmem>>, vector<16xf32>,
      %get3A_422 = vector.shape_cast %get3A_421 : vector<16xf32> to vector<16xf32>
      %mul3A_423 = arith.mulf %get3A_86, %get3A_422 : vector<16xf32>
      %add3A_424 = arith.addf %add3A_414, %mul3A_423 : vector<16xf32>
      %get3A_425 = arith.constant 4496 : index
      %get3A_426 = tpu.vector_load %arg10[%get3A_425] {strides = array<i32>} : memref<8192xf32, #tpu.memory_space<vmem>>, vector<16xf32>,
      %get3A_427 = vector.shape_cast %get3A_426 : vector<16xf32> to vector<16xf32>
      %mul3A_428 = arith.mulf %get3A_91, %get3A_427 : vector<16xf32>
      %add3A_429 = arith.addf %add3A_419, %mul3A_428 : vector<16xf32>
      %get3A_430 = arith.constant 4512 : index
      %get3A_431 = tpu.vector_load %arg10[%get3A_430] {strides = array<i32>} : memref<8192xf32, #tpu.memory_space<vmem>>, vector<16xf32>,
      %get3A_432 = vector.shape_cast %get3A_431 : vector<16xf32> to vector<16xf32>
      %mul3A_433 = arith.mulf %get3A_96, %get3A_432 : vector<16xf32>
      %add3A_434 = arith.addf %add3A_424, %mul3A_433 : vector<16xf32>
      %get3A_435 = arith.constant 4528 : index
      %get3A_436 = tpu.vector_load %arg10[%get3A_435] {strides = array<i32>} : memref<8192xf32, #tpu.memory_space<vmem>>, vector<16xf32>,
      %get3A_437 = vector.shape_cast %get3A_436 : vector<16xf32> to vector<16xf32>
      %mul3A_438 = arith.mulf %get3A_101, %get3A_437 : vector<16xf32>
      %add3A_439 = arith.addf %add3A_429, %mul3A_438 : vector<16xf32>
      %get3A_440 = arith.constant 4544 : index
      %get3A_441 = tpu.vector_load %arg10[%get3A_440] {strides = array<i32>} : memref<8192xf32, #tpu.memory_space<vmem>>, vector<16xf32>,
      %get3A_442 = vector.shape_cast %get3A_441 : vector<16xf32> to vector<16xf32>
      %mul3A_443 = arith.mulf %get3A_106, %get3A_442 : vector<16xf32>
      %add3A_444 = arith.addf %add3A_434, %mul3A_443 : vector<16xf32>
      %get3A_445 = arith.constant 4560 : index
      %get3A_446 = tpu.vector_load %arg10[%get3A_445] {strides = array<i32>} : memref<8192xf32, #tpu.memory_space<vmem>>, vector<16xf32>,
      %get3A_447 = vector.shape_cast %get3A_446 : vector<16xf32> to vector<16xf32>
      %mul3A_448 = arith.mulf %get3A_111, %get3A_447 : vector<16xf32>
      %add3A_449 = arith.addf %add3A_439, %mul3A_448 : vector<16xf32>
      %get3A_450 = arith.constant 4576 : index
      %get3A_451 = tpu.vector_load %arg10[%get3A_450] {strides = array<i32>} : memref<8192xf32, #tpu.memory_space<vmem>>, vector<16xf32>,
      %get3A_452 = vector.shape_cast %get3A_451 : vector<16xf32> to vector<16xf32>
      %mul3A_453 = arith.mulf %get3A_116, %get3A_452 : vector<16xf32>
      %add3A_454 = arith.addf %add3A_444, %mul3A_453 : vector<16xf32>
      %get3A_455 = arith.constant 4592 : index
      %get3A_456 = tpu.vector_load %arg10[%get3A_455] {strides = array<i32>} : memref<8192xf32, #tpu.memory_space<vmem>>, vector<16xf32>,
      %get3A_457 = vector.shape_cast %get3A_456 : vector<16xf32> to vector<16xf32>
      %mul3A_458 = arith.mulf %get3A_121, %get3A_457 : vector<16xf32>
      %add3A_459 = arith.addf %add3A_449, %mul3A_458 : vector<16xf32>
      %add3A_460 = arith.addf %add3A_454, %add3A_459 : vector<16xf32>
      %mul3A_461 = arith.mulf %add3A_460, %get3A_300 : vector<16xf32>
      %add3A_462 = arith.addf %broadcast_in_dim3A_128, %mul3A_461 : vector<16xf32>
      %get3A_463 = arith.constant 2 : i32
      %get3A_464 = arith.index_cast %get3A_463 : i32 to index
      %get3A_465 = arith.index_cast %mul3A_41 : i32 to index
      %get3A_466 = tpu.vector_load %arg9[%get3A_464, %get3A_465] {strides = array<i32>} : memref<16x512xf32, #tpu.memory_space<vmem>>, vector<1x16xf32>,
      %get3A_467 = vector.shape_cast %get3A_466 : vector<1x16xf32> to vector<16xf32>
      %get3A_468 = arith.constant 512 : index
      %get3A_469 = tpu.vector_load %arg10[%get3A_468] {strides = array<i32>} : memref<8192xf32, #tpu.memory_space<vmem>>, vector<16xf32>,
      %get3A_470 = vector.shape_cast %get3A_469 : vector<16xf32> to vector<16xf32>
      %mul3A_471 = arith.mulf %get3A_46, %get3A_470 : vector<16xf32>
      %get3A_472 = arith.constant 528 : index
      %get3A_473 = tpu.vector_load %arg10[%get3A_472] {strides = array<i32>} : memref<8192xf32, #tpu.memory_space<vmem>>, vector<16xf32>,
      %get3A_474 = vector.shape_cast %get3A_473 : vector<16xf32> to vector<16xf32>
      %mul3A_475 = arith.mulf %get3A_51, %get3A_474 : vector<16xf32>
      %get3A_476 = arith.constant 544 : index
      %get3A_477 = tpu.vector_load %arg10[%get3A_476] {strides = array<i32>} : memref<8192xf32, #tpu.memory_space<vmem>>, vector<16xf32>,
      %get3A_478 = vector.shape_cast %get3A_477 : vector<16xf32> to vector<16xf32>
      %mul3A_479 = arith.mulf %get3A_56, %get3A_478 : vector<16xf32>
      %add3A_480 = arith.addf %mul3A_471, %mul3A_479 : vector<16xf32>
      %get3A_481 = arith.constant 560 : index
      %get3A_482 = tpu.vector_load %arg10[%get3A_481] {strides = array<i32>} : memref<8192xf32, #tpu.memory_space<vmem>>, vector<16xf32>,
      %get3A_483 = vector.shape_cast %get3A_482 : vector<16xf32> to vector<16xf32>
      %mul3A_484 = arith.mulf %get3A_61, %get3A_483 : vector<16xf32>
      %add3A_485 = arith.addf %mul3A_475, %mul3A_484 : vector<16xf32>
      %get3A_486 = arith.constant 576 : index
      %get3A_487 = tpu.vector_load %arg10[%get3A_486] {strides = array<i32>} : memref<8192xf32, #tpu.memory_space<vmem>>, vector<16xf32>,
      %get3A_488 = vector.shape_cast %get3A_487 : vector<16xf32> to vector<16xf32>
      %mul3A_489 = arith.mulf %get3A_66, %get3A_488 : vector<16xf32>
      %add3A_490 = arith.addf %add3A_480, %mul3A_489 : vector<16xf32>
      %get3A_491 = arith.constant 592 : index
      %get3A_492 = tpu.vector_load %arg10[%get3A_491] {strides = array<i32>} : memref<8192xf32, #tpu.memory_space<vmem>>, vector<16xf32>,
      %get3A_493 = vector.shape_cast %get3A_492 : vector<16xf32> to vector<16xf32>
      %mul3A_494 = arith.mulf %get3A_71, %get3A_493 : vector<16xf32>
      %add3A_495 = arith.addf %add3A_485, %mul3A_494 : vector<16xf32>
      %get3A_496 = arith.constant 608 : index
      %get3A_497 = tpu.vector_load %arg10[%get3A_496] {strides = array<i32>} : memref<8192xf32, #tpu.memory_space<vmem>>, vector<16xf32>,
      %get3A_498 = vector.shape_cast %get3A_497 : vector<16xf32> to vector<16xf32>
      %mul3A_499 = arith.mulf %get3A_76, %get3A_498 : vector<16xf32>
      %add3A_500 = arith.addf %add3A_490, %mul3A_499 : vector<16xf32>
      %get3A_501 = arith.constant 624 : index
      %get3A_502 = tpu.vector_load %arg10[%get3A_501] {strides = array<i32>} : memref<8192xf32, #tpu.memory_space<vmem>>, vector<16xf32>,
      %get3A_503 = vector.shape_cast %get3A_502 : vector<16xf32> to vector<16xf32>
      %mul3A_504 = arith.mulf %get3A_81, %get3A_503 : vector<16xf32>
      %add3A_505 = arith.addf %add3A_495, %mul3A_504 : vector<16xf32>
      %get3A_506 = arith.constant 640 : index
      %get3A_507 = tpu.vector_load %arg10[%get3A_506] {strides = array<i32>} : memref<8192xf32, #tpu.memory_space<vmem>>, vector<16xf32>,
      %get3A_508 = vector.shape_cast %get3A_507 : vector<16xf32> to vector<16xf32>
      %mul3A_509 = arith.mulf %get3A_86, %get3A_508 : vector<16xf32>
      %add3A_510 = arith.addf %add3A_500, %mul3A_509 : vector<16xf32>
      %get3A_511 = arith.constant 656 : index
      %get3A_512 = tpu.vector_load %arg10[%get3A_511] {strides = array<i32>} : memref<8192xf32, #tpu.memory_space<vmem>>, vector<16xf32>,
      %get3A_513 = vector.shape_cast %get3A_512 : vector<16xf32> to vector<16xf32>
      %mul3A_514 = arith.mulf %get3A_91, %get3A_513 : vector<16xf32>
      %add3A_515 = arith.addf %add3A_505, %mul3A_514 : vector<16xf32>
      %get3A_516 = arith.constant 672 : index
      %get3A_517 = tpu.vector_load %arg10[%get3A_516] {strides = array<i32>} : memref<8192xf32, #tpu.memory_space<vmem>>, vector<16xf32>,
      %get3A_518 = vector.shape_cast %get3A_517 : vector<16xf32> to vector<16xf32>
      %mul3A_519 = arith.mulf %get3A_96, %get3A_518 : vector<16xf32>
      %add3A_520 = arith.addf %add3A_510, %mul3A_519 : vector<16xf32>
      %get3A_521 = arith.constant 688 : index
      %get3A_522 = tpu.vector_load %arg10[%get3A_521] {strides = array<i32>} : memref<8192xf32, #tpu.memory_space<vmem>>, vector<16xf32>,
      %get3A_523 = vector.shape_cast %get3A_522 : vector<16xf32> to vector<16xf32>
      %mul3A_524 = arith.mulf %get3A_101, %get3A_523 : vector<16xf32>
      %add3A_525 = arith.addf %add3A_515, %mul3A_524 : vector<16xf32>
      %get3A_526 = arith.constant 704 : index
      %get3A_527 = tpu.vector_load %arg10[%get3A_526] {strides = array<i32>} : memref<8192xf32, #tpu.memory_space<vmem>>, vector<16xf32>,
      %get3A_528 = vector.shape_cast %get3A_527 : vector<16xf32> to vector<16xf32>
      %mul3A_529 = arith.mulf %get3A_106, %get3A_528 : vector<16xf32>
      %add3A_530 = arith.addf %add3A_520, %mul3A_529 : vector<16xf32>
      %get3A_531 = arith.constant 720 : index
      %get3A_532 = tpu.vector_load %arg10[%get3A_531] {strides = array<i32>} : memref<8192xf32, #tpu.memory_space<vmem>>, vector<16xf32>,
      %get3A_533 = vector.shape_cast %get3A_532 : vector<16xf32> to vector<16xf32>
      %mul3A_534 = arith.mulf %get3A_111, %get3A_533 : vector<16xf32>
      %add3A_535 = arith.addf %add3A_525, %mul3A_534 : vector<16xf32>
      %get3A_536 = arith.constant 736 : index
      %get3A_537 = tpu.vector_load %arg10[%get3A_536] {strides = array<i32>} : memref<8192xf32, #tpu.memory_space<vmem>>, vector<16xf32>,
      %get3A_538 = vector.shape_cast %get3A_537 : vector<16xf32> to vector<16xf32>
      %mul3A_539 = arith.mulf %get3A_116, %get3A_538 : vector<16xf32>
      %add3A_540 = arith.addf %add3A_530, %mul3A_539 : vector<16xf32>
      %get3A_541 = arith.constant 752 : index
      %get3A_542 = tpu.vector_load %arg10[%get3A_541] {strides = array<i32>} : memref<8192xf32, #tpu.memory_space<vmem>>, vector<16xf32>,
      %get3A_543 = vector.shape_cast %get3A_542 : vector<16xf32> to vector<16xf32>
      %mul3A_544 = arith.mulf %get3A_121, %get3A_543 : vector<16xf32>
      %add3A_545 = arith.addf %add3A_535, %mul3A_544 : vector<16xf32>
      %add3A_546 = arith.addf %add3A_540, %add3A_545 : vector<16xf32>
      %mul3A_547 = arith.mulf %add3A_546, %get3A_467 : vector<16xf32>
      %add3A_548 = arith.addf %add3A_214, %mul3A_547 : vector<16xf32>
      %get3A_549 = arith.constant 4608 : index
      %get3A_550 = tpu.vector_load %arg10[%get3A_549] {strides = array<i32>} : memref<8192xf32, #tpu.memory_space<vmem>>, vector<16xf32>,
      %get3A_551 = vector.shape_cast %get3A_550 : vector<16xf32> to vector<16xf32>
      %mul3A_552 = arith.mulf %get3A_46, %get3A_551 : vector<16xf32>
      %get3A_553 = arith.constant 4624 : index
      %get3A_554 = tpu.vector_load %arg10[%get3A_553] {strides = array<i32>} : memref<8192xf32, #tpu.memory_space<vmem>>, vector<16xf32>,
      %get3A_555 = vector.shape_cast %get3A_554 : vector<16xf32> to vector<16xf32>
      %mul3A_556 = arith.mulf %get3A_51, %get3A_555 : vector<16xf32>
      %get3A_557 = arith.constant 4640 : index
      %get3A_558 = tpu.vector_load %arg10[%get3A_557] {strides = array<i32>} : memref<8192xf32, #tpu.memory_space<vmem>>, vector<16xf32>,
      %get3A_559 = vector.shape_cast %get3A_558 : vector<16xf32> to vector<16xf32>
      %mul3A_560 = arith.mulf %get3A_56, %get3A_559 : vector<16xf32>
      %add3A_561 = arith.addf %mul3A_552, %mul3A_560 : vector<16xf32>
      %get3A_562 = arith.constant 4656 : index
      %get3A_563 = tpu.vector_load %arg10[%get3A_562] {strides = array<i32>} : memref<8192xf32, #tpu.memory_space<vmem>>, vector<16xf32>,
      %get3A_564 = vector.shape_cast %get3A_563 : vector<16xf32> to vector<16xf32>
      %mul3A_565 = arith.mulf %get3A_61, %get3A_564 : vector<16xf32>
      %add3A_566 = arith.addf %mul3A_556, %mul3A_565 : vector<16xf32>
      %get3A_567 = arith.constant 4672 : index
      %get3A_568 = tpu.vector_load %arg10[%get3A_567] {strides = array<i32>} : memref<8192xf32, #tpu.memory_space<vmem>>, vector<16xf32>,
      %get3A_569 = vector.shape_cast %get3A_568 : vector<16xf32> to vector<16xf32>
      %mul3A_570 = arith.mulf %get3A_66, %get3A_569 : vector<16xf32>
      %add3A_571 = arith.addf %add3A_561, %mul3A_570 : vector<16xf32>
      %get3A_572 = arith.constant 4688 : index
      %get3A_573 = tpu.vector_load %arg10[%get3A_572] {strides = array<i32>} : memref<8192xf32, #tpu.memory_space<vmem>>, vector<16xf32>,
      %get3A_574 = vector.shape_cast %get3A_573 : vector<16xf32> to vector<16xf32>
      %mul3A_575 = arith.mulf %get3A_71, %get3A_574 : vector<16xf32>
      %add3A_576 = arith.addf %add3A_566, %mul3A_575 : vector<16xf32>
      %get3A_577 = arith.constant 4704 : index
      %get3A_578 = tpu.vector_load %arg10[%get3A_577] {strides = array<i32>} : memref<8192xf32, #tpu.memory_space<vmem>>, vector<16xf32>,
      %get3A_579 = vector.shape_cast %get3A_578 : vector<16xf32> to vector<16xf32>
      %mul3A_580 = arith.mulf %get3A_76, %get3A_579 : vector<16xf32>
      %add3A_581 = arith.addf %add3A_571, %mul3A_580 : vector<16xf32>
      %get3A_582 = arith.constant 4720 : index
      %get3A_583 = tpu.vector_load %arg10[%get3A_582] {strides = array<i32>} : memref<8192xf32, #tpu.memory_space<vmem>>, vector<16xf32>,
      %get3A_584 = vector.shape_cast %get3A_583 : vector<16xf32> to vector<16xf32>
      %mul3A_585 = arith.mulf %get3A_81, %get3A_584 : vector<16xf32>
      %add3A_586 = arith.addf %add3A_576, %mul3A_585 : vector<16xf32>
      %get3A_587 = arith.constant 4736 : index
      %get3A_588 = tpu.vector_load %arg10[%get3A_587] {strides = array<i32>} : memref<8192xf32, #tpu.memory_space<vmem>>, vector<16xf32>,
      %get3A_589 = vector.shape_cast %get3A_588 : vector<16xf32> to vector<16xf32>
      %mul3A_590 = arith.mulf %get3A_86, %get3A_589 : vector<16xf32>
      %add3A_591 = arith.addf %add3A_581, %mul3A_590 : vector<16xf32>
      %get3A_592 = arith.constant 4752 : index
      %get3A_593 = tpu.vector_load %arg10[%get3A_592] {strides = array<i32>} : memref<8192xf32, #tpu.memory_space<vmem>>, vector<16xf32>,
      %get3A_594 = vector.shape_cast %get3A_593 : vector<16xf32> to vector<16xf32>
      %mul3A_595 = arith.mulf %get3A_91, %get3A_594 : vector<16xf32>
      %add3A_596 = arith.addf %add3A_586, %mul3A_595 : vector<16xf32>
      %get3A_597 = arith.constant 4768 : index
      %get3A_598 = tpu.vector_load %arg10[%get3A_597] {strides = array<i32>} : memref<8192xf32, #tpu.memory_space<vmem>>, vector<16xf32>,
      %get3A_599 = vector.shape_cast %get3A_598 : vector<16xf32> to vector<16xf32>
      %mul3A_600 = arith.mulf %get3A_96, %get3A_599 : vector<16xf32>
      %add3A_601 = arith.addf %add3A_591, %mul3A_600 : vector<16xf32>
      %get3A_602 = arith.constant 4784 : index
      %get3A_603 = tpu.vector_load %arg10[%get3A_602] {strides = array<i32>} : memref<8192xf32, #tpu.memory_space<vmem>>, vector<16xf32>,
      %get3A_604 = vector.shape_cast %get3A_603 : vector<16xf32> to vector<16xf32>
      %mul3A_605 = arith.mulf %get3A_101, %get3A_604 : vector<16xf32>
      %add3A_606 = arith.addf %add3A_596, %mul3A_605 : vector<16xf32>
      %get3A_607 = arith.constant 4800 : index
      %get3A_608 = tpu.vector_load %arg10[%get3A_607] {strides = array<i32>} : memref<8192xf32, #tpu.memory_space<vmem>>, vector<16xf32>,
      %get3A_609 = vector.shape_cast %get3A_608 : vector<16xf32> to vector<16xf32>
      %mul3A_610 = arith.mulf %get3A_106, %get3A_609 : vector<16xf32>
      %add3A_611 = arith.addf %add3A_601, %mul3A_610 : vector<16xf32>
      %get3A_612 = arith.constant 4816 : index
      %get3A_613 = tpu.vector_load %arg10[%get3A_612] {strides = array<i32>} : memref<8192xf32, #tpu.memory_space<vmem>>, vector<16xf32>,
      %get3A_614 = vector.shape_cast %get3A_613 : vector<16xf32> to vector<16xf32>
      %mul3A_615 = arith.mulf %get3A_111, %get3A_614 : vector<16xf32>
      %add3A_616 = arith.addf %add3A_606, %mul3A_615 : vector<16xf32>
      %get3A_617 = arith.constant 4832 : index
      %get3A_618 = tpu.vector_load %arg10[%get3A_617] {strides = array<i32>} : memref<8192xf32, #tpu.memory_space<vmem>>, vector<16xf32>,
      %get3A_619 = vector.shape_cast %get3A_618 : vector<16xf32> to vector<16xf32>
      %mul3A_620 = arith.mulf %get3A_116, %get3A_619 : vector<16xf32>
      %add3A_621 = arith.addf %add3A_611, %mul3A_620 : vector<16xf32>
      %get3A_622 = arith.constant 4848 : index
      %get3A_623 = tpu.vector_load %arg10[%get3A_622] {strides = array<i32>} : memref<8192xf32, #tpu.memory_space<vmem>>, vector<16xf32>,
      %get3A_624 = vector.shape_cast %get3A_623 : vector<16xf32> to vector<16xf32>
      %mul3A_625 = arith.mulf %get3A_121, %get3A_624 : vector<16xf32>
      %add3A_626 = arith.addf %add3A_616, %mul3A_625 : vector<16xf32>
      %add3A_627 = arith.addf %add3A_621, %add3A_626 : vector<16xf32>
      %mul3A_628 = arith.mulf %add3A_627, %get3A_467 : vector<16xf32>
      %add3A_629 = arith.addf %add3A_295, %mul3A_628 : vector<16xf32>
      %get3A_630 = arith.constant 3 : i32
      %get3A_631 = arith.index_cast %get3A_630 : i32 to index
      %get3A_632 = arith.index_cast %mul3A_41 : i32 to index
      %get3A_633 = tpu.vector_load %arg9[%get3A_631, %get3A_632] {strides = array<i32>} : memref<16x512xf32, #tpu.memory_space<vmem>>, vector<1x16xf32>,
      %get3A_634 = vector.shape_cast %get3A_633 : vector<1x16xf32> to vector<16xf32>
      %get3A_635 = arith.constant 768 : index
      %get3A_636 = tpu.vector_load %arg10[%get3A_635] {strides = array<i32>} : memref<8192xf32, #tpu.memory_space<vmem>>, vector<16xf32>,
      %get3A_637 = vector.shape_cast %get3A_636 : vector<16xf32> to vector<16xf32>
      %mul3A_638 = arith.mulf %get3A_46, %get3A_637 : vector<16xf32>
      %get3A_639 = arith.constant 784 : index
      %get3A_640 = tpu.vector_load %arg10[%get3A_639] {strides = array<i32>} : memref<8192xf32, #tpu.memory_space<vmem>>, vector<16xf32>,
      %get3A_641 = vector.shape_cast %get3A_640 : vector<16xf32> to vector<16xf32>
      %mul3A_642 = arith.mulf %get3A_51, %get3A_641 : vector<16xf32>
      %get3A_643 = arith.constant 800 : index
      %get3A_644 = tpu.vector_load %arg10[%get3A_643] {strides = array<i32>} : memref<8192xf32, #tpu.memory_space<vmem>>, vector<16xf32>,
      %get3A_645 = vector.shape_cast %get3A_644 : vector<16xf32> to vector<16xf32>
      %mul3A_646 = arith.mulf %get3A_56, %get3A_645 : vector<16xf32>
      %add3A_647 = arith.addf %mul3A_638, %mul3A_646 : vector<16xf32>
      %get3A_648 = arith.constant 816 : index
      %get3A_649 = tpu.vector_load %arg10[%get3A_648] {strides = array<i32>} : memref<8192xf32, #tpu.memory_space<vmem>>, vector<16xf32>,
      %get3A_650 = vector.shape_cast %get3A_649 : vector<16xf32> to vector<16xf32>
      %mul3A_651 = arith.mulf %get3A_61, %get3A_650 : vector<16xf32>
      %add3A_652 = arith.addf %mul3A_642, %mul3A_651 : vector<16xf32>
      %get3A_653 = arith.constant 832 : index
      %get3A_654 = tpu.vector_load %arg10[%get3A_653] {strides = array<i32>} : memref<8192xf32, #tpu.memory_space<vmem>>, vector<16xf32>,
      %get3A_655 = vector.shape_cast %get3A_654 : vector<16xf32> to vector<16xf32>
      %mul3A_656 = arith.mulf %get3A_66, %get3A_655 : vector<16xf32>
      %add3A_657 = arith.addf %add3A_647, %mul3A_656 : vector<16xf32>
      %get3A_658 = arith.constant 848 : index
      %get3A_659 = tpu.vector_load %arg10[%get3A_658] {strides = array<i32>} : memref<8192xf32, #tpu.memory_space<vmem>>, vector<16xf32>,
      %get3A_660 = vector.shape_cast %get3A_659 : vector<16xf32> to vector<16xf32>
      %mul3A_661 = arith.mulf %get3A_71, %get3A_660 : vector<16xf32>
      %add3A_662 = arith.addf %add3A_652, %mul3A_661 : vector<16xf32>
      %get3A_663 = arith.constant 864 : index
      %get3A_664 = tpu.vector_load %arg10[%get3A_663] {strides = array<i32>} : memref<8192xf32, #tpu.memory_space<vmem>>, vector<16xf32>,
      %get3A_665 = vector.shape_cast %get3A_664 : vector<16xf32> to vector<16xf32>
      %mul3A_666 = arith.mulf %get3A_76, %get3A_665 : vector<16xf32>
      %add3A_667 = arith.addf %add3A_657, %mul3A_666 : vector<16xf32>
      %get3A_668 = arith.constant 880 : index
      %get3A_669 = tpu.vector_load %arg10[%get3A_668] {strides = array<i32>} : memref<8192xf32, #tpu.memory_space<vmem>>, vector<16xf32>,
      %get3A_670 = vector.shape_cast %get3A_669 : vector<16xf32> to vector<16xf32>
      %mul3A_671 = arith.mulf %get3A_81, %get3A_670 : vector<16xf32>
      %add3A_672 = arith.addf %add3A_662, %mul3A_671 : vector<16xf32>
      %get3A_673 = arith.constant 896 : index
      %get3A_674 = tpu.vector_load %arg10[%get3A_673] {strides = array<i32>} : memref<8192xf32, #tpu.memory_space<vmem>>, vector<16xf32>,
      %get3A_675 = vector.shape_cast %get3A_674 : vector<16xf32> to vector<16xf32>
      %mul3A_676 = arith.mulf %get3A_86, %get3A_675 : vector<16xf32>
      %add3A_677 = arith.addf %add3A_667, %mul3A_676 : vector<16xf32>
      %get3A_678 = arith.constant 912 : index
      %get3A_679 = tpu.vector_load %arg10[%get3A_678] {strides = array<i32>} : memref<8192xf32, #tpu.memory_space<vmem>>, vector<16xf32>,
      %get3A_680 = vector.shape_cast %get3A_679 : vector<16xf32> to vector<16xf32>
      %mul3A_681 = arith.mulf %get3A_91, %get3A_680 : vector<16xf32>
      %add3A_682 = arith.addf %add3A_672, %mul3A_681 : vector<16xf32>
      %get3A_683 = arith.constant 928 : index
      %get3A_684 = tpu.vector_load %arg10[%get3A_683] {strides = array<i32>} : memref<8192xf32, #tpu.memory_space<vmem>>, vector<16xf32>,
      %get3A_685 = vector.shape_cast %get3A_684 : vector<16xf32> to vector<16xf32>
      %mul3A_686 = arith.mulf %get3A_96, %get3A_685 : vector<16xf32>
      %add3A_687 = arith.addf %add3A_677, %mul3A_686 : vector<16xf32>
      %get3A_688 = arith.constant 944 : index
      %get3A_689 = tpu.vector_load %arg10[%get3A_688] {strides = array<i32>} : memref<8192xf32, #tpu.memory_space<vmem>>, vector<16xf32>,
      %get3A_690 = vector.shape_cast %get3A_689 : vector<16xf32> to vector<16xf32>
      %mul3A_691 = arith.mulf %get3A_101, %get3A_690 : vector<16xf32>
      %add3A_692 = arith.addf %add3A_682, %mul3A_691 : vector<16xf32>
      %get3A_693 = arith.constant 960 : index
      %get3A_694 = tpu.vector_load %arg10[%get3A_693] {strides = array<i32>} : memref<8192xf32, #tpu.memory_space<vmem>>, vector<16xf32>,
      %get3A_695 = vector.shape_cast %get3A_694 : vector<16xf32> to vector<16xf32>
      %mul3A_696 = arith.mulf %get3A_106, %get3A_695 : vector<16xf32>
      %add3A_697 = arith.addf %add3A_687, %mul3A_696 : vector<16xf32>
      %get3A_698 = arith.constant 976 : index
      %get3A_699 = tpu.vector_load %arg10[%get3A_698] {strides = array<i32>} : memref<8192xf32, #tpu.memory_space<vmem>>, vector<16xf32>,
      %get3A_700 = vector.shape_cast %get3A_699 : vector<16xf32> to vector<16xf32>
      %mul3A_701 = arith.mulf %get3A_111, %get3A_700 : vector<16xf32>
      %add3A_702 = arith.addf %add3A_692, %mul3A_701 : vector<16xf32>
      %get3A_703 = arith.constant 992 : index
      %get3A_704 = tpu.vector_load %arg10[%get3A_703] {strides = array<i32>} : memref<8192xf32, #tpu.memory_space<vmem>>, vector<16xf32>,
      %get3A_705 = vector.shape_cast %get3A_704 : vector<16xf32> to vector<16xf32>
      %mul3A_706 = arith.mulf %get3A_116, %get3A_705 : vector<16xf32>
      %add3A_707 = arith.addf %add3A_697, %mul3A_706 : vector<16xf32>
      %get3A_708 = arith.constant 1008 : index
      %get3A_709 = tpu.vector_load %arg10[%get3A_708] {strides = array<i32>} : memref<8192xf32, #tpu.memory_space<vmem>>, vector<16xf32>,
      %get3A_710 = vector.shape_cast %get3A_709 : vector<16xf32> to vector<16xf32>
      %mul3A_711 = arith.mulf %get3A_121, %get3A_710 : vector<16xf32>
      %add3A_712 = arith.addf %add3A_702, %mul3A_711 : vector<16xf32>
      %add3A_713 = arith.addf %add3A_707, %add3A_712 : vector<16xf32>
      %mul3A_714 = arith.mulf %add3A_713, %get3A_634 : vector<16xf32>
      %add3A_715 = arith.addf %add3A_381, %mul3A_714 : vector<16xf32>
      %get3A_716 = arith.constant 4864 : index
      %get3A_717 = tpu.vector_load %arg10[%get3A_716] {strides = array<i32>} : memref<8192xf32, #tpu.memory_space<vmem>>, vector<16xf32>,
      %get3A_718 = vector.shape_cast %get3A_717 : vector<16xf32> to vector<16xf32>
      %mul3A_719 = arith.mulf %get3A_46, %get3A_718 : vector<16xf32>
      %get3A_720 = arith.constant 4880 : index
      %get3A_721 = tpu.vector_load %arg10[%get3A_720] {strides = array<i32>} : memref<8192xf32, #tpu.memory_space<vmem>>, vector<16xf32>,
      %get3A_722 = vector.shape_cast %get3A_721 : vector<16xf32> to vector<16xf32>
      %mul3A_723 = arith.mulf %get3A_51, %get3A_722 : vector<16xf32>
      %get3A_724 = arith.constant 4896 : index
      %get3A_725 = tpu.vector_load %arg10[%get3A_724] {strides = array<i32>} : memref<8192xf32, #tpu.memory_space<vmem>>, vector<16xf32>,
      %get3A_726 = vector.shape_cast %get3A_725 : vector<16xf32> to vector<16xf32>
      %mul3A_727 = arith.mulf %get3A_56, %get3A_726 : vector<16xf32>
      %add3A_728 = arith.addf %mul3A_719, %mul3A_727 : vector<16xf32>
      %get3A_729 = arith.constant 4912 : index
      %get3A_730 = tpu.vector_load %arg10[%get3A_729] {strides = array<i32>} : memref<8192xf32, #tpu.memory_space<vmem>>, vector<16xf32>,
      %get3A_731 = vector.shape_cast %get3A_730 : vector<16xf32> to vector<16xf32>
      %mul3A_732 = arith.mulf %get3A_61, %get3A_731 : vector<16xf32>
      %add3A_733 = arith.addf %mul3A_723, %mul3A_732 : vector<16xf32>
      %get3A_734 = arith.constant 4928 : index
      %get3A_735 = tpu.vector_load %arg10[%get3A_734] {strides = array<i32>} : memref<8192xf32, #tpu.memory_space<vmem>>, vector<16xf32>,
      %get3A_736 = vector.shape_cast %get3A_735 : vector<16xf32> to vector<16xf32>
      %mul3A_737 = arith.mulf %get3A_66, %get3A_736 : vector<16xf32>
      %add3A_738 = arith.addf %add3A_728, %mul3A_737 : vector<16xf32>
      %get3A_739 = arith.constant 4944 : index
      %get3A_740 = tpu.vector_load %arg10[%get3A_739] {strides = array<i32>} : memref<8192xf32, #tpu.memory_space<vmem>>, vector<16xf32>,
      %get3A_741 = vector.shape_cast %get3A_740 : vector<16xf32> to vector<16xf32>
      %mul3A_742 = arith.mulf %get3A_71, %get3A_741 : vector<16xf32>
      %add3A_743 = arith.addf %add3A_733, %mul3A_742 : vector<16xf32>
      %get3A_744 = arith.constant 4960 : index
      %get3A_745 = tpu.vector_load %arg10[%get3A_744] {strides = array<i32>} : memref<8192xf32, #tpu.memory_space<vmem>>, vector<16xf32>,
      %get3A_746 = vector.shape_cast %get3A_745 : vector<16xf32> to vector<16xf32>
      %mul3A_747 = arith.mulf %get3A_76, %get3A_746 : vector<16xf32>
      %add3A_748 = arith.addf %add3A_738, %mul3A_747 : vector<16xf32>
      %get3A_749 = arith.constant 4976 : index
      %get3A_750 = tpu.vector_load %arg10[%get3A_749] {strides = array<i32>} : memref<8192xf32, #tpu.memory_space<vmem>>, vector<16xf32>,
      %get3A_751 = vector.shape_cast %get3A_750 : vector<16xf32> to vector<16xf32>
      %mul3A_752 = arith.mulf %get3A_81, %get3A_751 : vector<16xf32>
      %add3A_753 = arith.addf %add3A_743, %mul3A_752 : vector<16xf32>
      %get3A_754 = arith.constant 4992 : index
      %get3A_755 = tpu.vector_load %arg10[%get3A_754] {strides = array<i32>} : memref<8192xf32, #tpu.memory_space<vmem>>, vector<16xf32>,
      %get3A_756 = vector.shape_cast %get3A_755 : vector<16xf32> to vector<16xf32>
      %mul3A_757 = arith.mulf %get3A_86, %get3A_756 : vector<16xf32>
      %add3A_758 = arith.addf %add3A_748, %mul3A_757 : vector<16xf32>
      %get3A_759 = arith.constant 5008 : index
      %get3A_760 = tpu.vector_load %arg10[%get3A_759] {strides = array<i32>} : memref<8192xf32, #tpu.memory_space<vmem>>, vector<16xf32>,
      %get3A_761 = vector.shape_cast %get3A_760 : vector<16xf32> to vector<16xf32>
      %mul3A_762 = arith.mulf %get3A_91, %get3A_761 : vector<16xf32>
      %add3A_763 = arith.addf %add3A_753, %mul3A_762 : vector<16xf32>
      %get3A_764 = arith.constant 5024 : index
      %get3A_765 = tpu.vector_load %arg10[%get3A_764] {strides = array<i32>} : memref<8192xf32, #tpu.memory_space<vmem>>, vector<16xf32>,
      %get3A_766 = vector.shape_cast %get3A_765 : vector<16xf32> to vector<16xf32>
      %mul3A_767 = arith.mulf %get3A_96, %get3A_766 : vector<16xf32>
      %add3A_768 = arith.addf %add3A_758, %mul3A_767 : vector<16xf32>
      %get3A_769 = arith.constant 5040 : index
      %get3A_770 = tpu.vector_load %arg10[%get3A_769] {strides = array<i32>} : memref<8192xf32, #tpu.memory_space<vmem>>, vector<16xf32>,
      %get3A_771 = vector.shape_cast %get3A_770 : vector<16xf32> to vector<16xf32>
      %mul3A_772 = arith.mulf %get3A_101, %get3A_771 : vector<16xf32>
      %add3A_773 = arith.addf %add3A_763, %mul3A_772 : vector<16xf32>
      %get3A_774 = arith.constant 5056 : index
      %get3A_775 = tpu.vector_load %arg10[%get3A_774] {strides = array<i32>} : memref<8192xf32, #tpu.memory_space<vmem>>, vector<16xf32>,
      %get3A_776 = vector.shape_cast %get3A_775 : vector<16xf32> to vector<16xf32>
      %mul3A_777 = arith.mulf %get3A_106, %get3A_776 : vector<16xf32>
      %add3A_778 = arith.addf %add3A_768, %mul3A_777 : vector<16xf32>
      %get3A_779 = arith.constant 5072 : index
      %get3A_780 = tpu.vector_load %arg10[%get3A_779] {strides = array<i32>} : memref<8192xf32, #tpu.memory_space<vmem>>, vector<16xf32>,
      %get3A_781 = vector.shape_cast %get3A_780 : vector<16xf32> to vector<16xf32>
      %mul3A_782 = arith.mulf %get3A_111, %get3A_781 : vector<16xf32>
      %add3A_783 = arith.addf %add3A_773, %mul3A_782 : vector<16xf32>
      %get3A_784 = arith.constant 5088 : index
      %get3A_785 = tpu.vector_load %arg10[%get3A_784] {strides = array<i32>} : memref<8192xf32, #tpu.memory_space<vmem>>, vector<16xf32>,
      %get3A_786 = vector.shape_cast %get3A_785 : vector<16xf32> to vector<16xf32>
      %mul3A_787 = arith.mulf %get3A_116, %get3A_786 : vector<16xf32>
      %add3A_788 = arith.addf %add3A_778, %mul3A_787 : vector<16xf32>
      %get3A_789 = arith.constant 5104 : index
      %get3A_790 = tpu.vector_load %arg10[%get3A_789] {strides = array<i32>} : memref<8192xf32, #tpu.memory_space<vmem>>, vector<16xf32>,
      %get3A_791 = vector.shape_cast %get3A_790 : vector<16xf32> to vector<16xf32>
      %mul3A_792 = arith.mulf %get3A_121, %get3A_791 : vector<16xf32>
      %add3A_793 = arith.addf %add3A_783, %mul3A_792 : vector<16xf32>
      %add3A_794 = arith.addf %add3A_788, %add3A_793 : vector<16xf32>
      %mul3A_795 = arith.mulf %add3A_794, %get3A_634 : vector<16xf32>
      %add3A_796 = arith.addf %add3A_462, %mul3A_795 : vector<16xf32>
      %get3A_797 = arith.constant 4 : i32
      %get3A_798 = arith.index_cast %get3A_797 : i32 to index
      %get3A_799 = arith.index_cast %mul3A_41 : i32 to index
      %get3A_800 = tpu.vector_load %arg9[%get3A_798, %get3A_799] {strides = array<i32>} : memref<16x512xf32, #tpu.memory_space<vmem>>, vector<1x16xf32>,
      %get3A_801 = vector.shape_cast %get3A_800 : vector<1x16xf32> to vector<16xf32>
      %get3A_802 = arith.constant 1024 : index
      %get3A_803 = tpu.vector_load %arg10[%get3A_802] {strides = array<i32>} : memref<8192xf32, #tpu.memory_space<vmem>>, vector<16xf32>,
      %get3A_804 = vector.shape_cast %get3A_803 : vector<16xf32> to vector<16xf32>
      %mul3A_805 = arith.mulf %get3A_46, %get3A_804 : vector<16xf32>
      %get3A_806 = arith.constant 1040 : index
      %get3A_807 = tpu.vector_load %arg10[%get3A_806] {strides = array<i32>} : memref<8192xf32, #tpu.memory_space<vmem>>, vector<16xf32>,
      %get3A_808 = vector.shape_cast %get3A_807 : vector<16xf32> to vector<16xf32>
      %mul3A_809 = arith.mulf %get3A_51, %get3A_808 : vector<16xf32>
      %get3A_810 = arith.constant 1056 : index
      %get3A_811 = tpu.vector_load %arg10[%get3A_810] {strides = array<i32>} : memref<8192xf32, #tpu.memory_space<vmem>>, vector<16xf32>,
      %get3A_812 = vector.shape_cast %get3A_811 : vector<16xf32> to vector<16xf32>
      %mul3A_813 = arith.mulf %get3A_56, %get3A_812 : vector<16xf32>
      %add3A_814 = arith.addf %mul3A_805, %mul3A_813 : vector<16xf32>
      %get3A_815 = arith.constant 1072 : index
      %get3A_816 = tpu.vector_load %arg10[%get3A_815] {strides = array<i32>} : memref<8192xf32, #tpu.memory_space<vmem>>, vector<16xf32>,
      %get3A_817 = vector.shape_cast %get3A_816 : vector<16xf32> to vector<16xf32>
      %mul3A_818 = arith.mulf %get3A_61, %get3A_817 : vector<16xf32>
      %add3A_819 = arith.addf %mul3A_809, %mul3A_818 : vector<16xf32>
      %get3A_820 = arith.constant 1088 : index
      %get3A_821 = tpu.vector_load %arg10[%get3A_820] {strides = array<i32>} : memref<8192xf32, #tpu.memory_space<vmem>>, vector<16xf32>,
      %get3A_822 = vector.shape_cast %get3A_821 : vector<16xf32> to vector<16xf32>
      %mul3A_823 = arith.mulf %get3A_66, %get3A_822 : vector<16xf32>
      %add3A_824 = arith.addf %add3A_814, %mul3A_823 : vector<16xf32>
      %get3A_825 = arith.constant 1104 : index
      %get3A_826 = tpu.vector_load %arg10[%get3A_825] {strides = array<i32>} : memref<8192xf32, #tpu.memory_space<vmem>>, vector<16xf32>,
      %get3A_827 = vector.shape_cast %get3A_826 : vector<16xf32> to vector<16xf32>
      %mul3A_828 = arith.mulf %get3A_71, %get3A_827 : vector<16xf32>
      %add3A_829 = arith.addf %add3A_819, %mul3A_828 : vector<16xf32>
      %get3A_830 = arith.constant 1120 : index
      %get3A_831 = tpu.vector_load %arg10[%get3A_830] {strides = array<i32>} : memref<8192xf32, #tpu.memory_space<vmem>>, vector<16xf32>,
      %get3A_832 = vector.shape_cast %get3A_831 : vector<16xf32> to vector<16xf32>
      %mul3A_833 = arith.mulf %get3A_76, %get3A_832 : vector<16xf32>
      %add3A_834 = arith.addf %add3A_824, %mul3A_833 : vector<16xf32>
      %get3A_835 = arith.constant 1136 : index
      %get3A_836 = tpu.vector_load %arg10[%get3A_835] {strides = array<i32>} : memref<8192xf32, #tpu.memory_space<vmem>>, vector<16xf32>,
      %get3A_837 = vector.shape_cast %get3A_836 : vector<16xf32> to vector<16xf32>
      %mul3A_838 = arith.mulf %get3A_81, %get3A_837 : vector<16xf32>
      %add3A_839 = arith.addf %add3A_829, %mul3A_838 : vector<16xf32>
      %get3A_840 = arith.constant 1152 : index
      %get3A_841 = tpu.vector_load %arg10[%get3A_840] {strides = array<i32>} : memref<8192xf32, #tpu.memory_space<vmem>>, vector<16xf32>,
      %get3A_842 = vector.shape_cast %get3A_841 : vector<16xf32> to vector<16xf32>
      %mul3A_843 = arith.mulf %get3A_86, %get3A_842 : vector<16xf32>
      %add3A_844 = arith.addf %add3A_834, %mul3A_843 : vector<16xf32>
      %get3A_845 = arith.constant 1168 : index
      %get3A_846 = tpu.vector_load %arg10[%get3A_845] {strides = array<i32>} : memref<8192xf32, #tpu.memory_space<vmem>>, vector<16xf32>,
      %get3A_847 = vector.shape_cast %get3A_846 : vector<16xf32> to vector<16xf32>
      %mul3A_848 = arith.mulf %get3A_91, %get3A_847 : vector<16xf32>
      %add3A_849 = arith.addf %add3A_839, %mul3A_848 : vector<16xf32>
      %get3A_850 = arith.constant 1184 : index
      %get3A_851 = tpu.vector_load %arg10[%get3A_850] {strides = array<i32>} : memref<8192xf32, #tpu.memory_space<vmem>>, vector<16xf32>,
      %get3A_852 = vector.shape_cast %get3A_851 : vector<16xf32> to vector<16xf32>
      %mul3A_853 = arith.mulf %get3A_96, %get3A_852 : vector<16xf32>
      %add3A_854 = arith.addf %add3A_844, %mul3A_853 : vector<16xf32>
      %get3A_855 = arith.constant 1200 : index
      %get3A_856 = tpu.vector_load %arg10[%get3A_855] {strides = array<i32>} : memref<8192xf32, #tpu.memory_space<vmem>>, vector<16xf32>,
      %get3A_857 = vector.shape_cast %get3A_856 : vector<16xf32> to vector<16xf32>
      %mul3A_858 = arith.mulf %get3A_101, %get3A_857 : vector<16xf32>
      %add3A_859 = arith.addf %add3A_849, %mul3A_858 : vector<16xf32>
      %get3A_860 = arith.constant 1216 : index
      %get3A_861 = tpu.vector_load %arg10[%get3A_860] {strides = array<i32>} : memref<8192xf32, #tpu.memory_space<vmem>>, vector<16xf32>,
      %get3A_862 = vector.shape_cast %get3A_861 : vector<16xf32> to vector<16xf32>
      %mul3A_863 = arith.mulf %get3A_106, %get3A_862 : vector<16xf32>
      %add3A_864 = arith.addf %add3A_854, %mul3A_863 : vector<16xf32>
      %get3A_865 = arith.constant 1232 : index
      %get3A_866 = tpu.vector_load %arg10[%get3A_865] {strides = array<i32>} : memref<8192xf32, #tpu.memory_space<vmem>>, vector<16xf32>,
      %get3A_867 = vector.shape_cast %get3A_866 : vector<16xf32> to vector<16xf32>
      %mul3A_868 = arith.mulf %get3A_111, %get3A_867 : vector<16xf32>
      %add3A_869 = arith.addf %add3A_859, %mul3A_868 : vector<16xf32>
      %get3A_870 = arith.constant 1248 : index
      %get3A_871 = tpu.vector_load %arg10[%get3A_870] {strides = array<i32>} : memref<8192xf32, #tpu.memory_space<vmem>>, vector<16xf32>,
      %get3A_872 = vector.shape_cast %get3A_871 : vector<16xf32> to vector<16xf32>
      %mul3A_873 = arith.mulf %get3A_116, %get3A_872 : vector<16xf32>
      %add3A_874 = arith.addf %add3A_864, %mul3A_873 : vector<16xf32>
      %get3A_875 = arith.constant 1264 : index
      %get3A_876 = tpu.vector_load %arg10[%get3A_875] {strides = array<i32>} : memref<8192xf32, #tpu.memory_space<vmem>>, vector<16xf32>,
      %get3A_877 = vector.shape_cast %get3A_876 : vector<16xf32> to vector<16xf32>
      %mul3A_878 = arith.mulf %get3A_121, %get3A_877 : vector<16xf32>
      %add3A_879 = arith.addf %add3A_869, %mul3A_878 : vector<16xf32>
      %add3A_880 = arith.addf %add3A_874, %add3A_879 : vector<16xf32>
      %mul3A_881 = arith.mulf %add3A_880, %get3A_801 : vector<16xf32>
      %add3A_882 = arith.addf %add3A_548, %mul3A_881 : vector<16xf32>
      %get3A_883 = arith.constant 5120 : index
      %get3A_884 = tpu.vector_load %arg10[%get3A_883] {strides = array<i32>} : memref<8192xf32, #tpu.memory_space<vmem>>, vector<16xf32>,
      %get3A_885 = vector.shape_cast %get3A_884 : vector<16xf32> to vector<16xf32>
      %mul3A_886 = arith.mulf %get3A_46, %get3A_885 : vector<16xf32>
      %get3A_887 = arith.constant 5136 : index
      %get3A_888 = tpu.vector_load %arg10[%get3A_887] {strides = array<i32>} : memref<8192xf32, #tpu.memory_space<vmem>>, vector<16xf32>,
      %get3A_889 = vector.shape_cast %get3A_888 : vector<16xf32> to vector<16xf32>
      %mul3A_890 = arith.mulf %get3A_51, %get3A_889 : vector<16xf32>
      %get3A_891 = arith.constant 5152 : index
      %get3A_892 = tpu.vector_load %arg10[%get3A_891] {strides = array<i32>} : memref<8192xf32, #tpu.memory_space<vmem>>, vector<16xf32>,
      %get3A_893 = vector.shape_cast %get3A_892 : vector<16xf32> to vector<16xf32>
      %mul3A_894 = arith.mulf %get3A_56, %get3A_893 : vector<16xf32>
      %add3A_895 = arith.addf %mul3A_886, %mul3A_894 : vector<16xf32>
      %get3A_896 = arith.constant 5168 : index
      %get3A_897 = tpu.vector_load %arg10[%get3A_896] {strides = array<i32>} : memref<8192xf32, #tpu.memory_space<vmem>>, vector<16xf32>,
      %get3A_898 = vector.shape_cast %get3A_897 : vector<16xf32> to vector<16xf32>
      %mul3A_899 = arith.mulf %get3A_61, %get3A_898 : vector<16xf32>
      %add3A_900 = arith.addf %mul3A_890, %mul3A_899 : vector<16xf32>
      %get3A_901 = arith.constant 5184 : index
      %get3A_902 = tpu.vector_load %arg10[%get3A_901] {strides = array<i32>} : memref<8192xf32, #tpu.memory_space<vmem>>, vector<16xf32>,
      %get3A_903 = vector.shape_cast %get3A_902 : vector<16xf32> to vector<16xf32>
      %mul3A_904 = arith.mulf %get3A_66, %get3A_903 : vector<16xf32>
      %add3A_905 = arith.addf %add3A_895, %mul3A_904 : vector<16xf32>
      %get3A_906 = arith.constant 5200 : index
      %get3A_907 = tpu.vector_load %arg10[%get3A_906] {strides = array<i32>} : memref<8192xf32, #tpu.memory_space<vmem>>, vector<16xf32>,
      %get3A_908 = vector.shape_cast %get3A_907 : vector<16xf32> to vector<16xf32>
      %mul3A_909 = arith.mulf %get3A_71, %get3A_908 : vector<16xf32>
      %add3A_910 = arith.addf %add3A_900, %mul3A_909 : vector<16xf32>
      %get3A_911 = arith.constant 5216 : index
      %get3A_912 = tpu.vector_load %arg10[%get3A_911] {strides = array<i32>} : memref<8192xf32, #tpu.memory_space<vmem>>, vector<16xf32>,
      %get3A_913 = vector.shape_cast %get3A_912 : vector<16xf32> to vector<16xf32>
      %mul3A_914 = arith.mulf %get3A_76, %get3A_913 : vector<16xf32>
      %add3A_915 = arith.addf %add3A_905, %mul3A_914 : vector<16xf32>
      %get3A_916 = arith.constant 5232 : index
      %get3A_917 = tpu.vector_load %arg10[%get3A_916] {strides = array<i32>} : memref<8192xf32, #tpu.memory_space<vmem>>, vector<16xf32>,
      %get3A_918 = vector.shape_cast %get3A_917 : vector<16xf32> to vector<16xf32>
      %mul3A_919 = arith.mulf %get3A_81, %get3A_918 : vector<16xf32>
      %add3A_920 = arith.addf %add3A_910, %mul3A_919 : vector<16xf32>
      %get3A_921 = arith.constant 5248 : index
      %get3A_922 = tpu.vector_load %arg10[%get3A_921] {strides = array<i32>} : memref<8192xf32, #tpu.memory_space<vmem>>, vector<16xf32>,
      %get3A_923 = vector.shape_cast %get3A_922 : vector<16xf32> to vector<16xf32>
      %mul3A_924 = arith.mulf %get3A_86, %get3A_923 : vector<16xf32>
      %add3A_925 = arith.addf %add3A_915, %mul3A_924 : vector<16xf32>
      %get3A_926 = arith.constant 5264 : index
      %get3A_927 = tpu.vector_load %arg10[%get3A_926] {strides = array<i32>} : memref<8192xf32, #tpu.memory_space<vmem>>, vector<16xf32>,
      %get3A_928 = vector.shape_cast %get3A_927 : vector<16xf32> to vector<16xf32>
      %mul3A_929 = arith.mulf %get3A_91, %get3A_928 : vector<16xf32>
      %add3A_930 = arith.addf %add3A_920, %mul3A_929 : vector<16xf32>
      %get3A_931 = arith.constant 5280 : index
      %get3A_932 = tpu.vector_load %arg10[%get3A_931] {strides = array<i32>} : memref<8192xf32, #tpu.memory_space<vmem>>, vector<16xf32>,
      %get3A_933 = vector.shape_cast %get3A_932 : vector<16xf32> to vector<16xf32>
      %mul3A_934 = arith.mulf %get3A_96, %get3A_933 : vector<16xf32>
      %add3A_935 = arith.addf %add3A_925, %mul3A_934 : vector<16xf32>
      %get3A_936 = arith.constant 5296 : index
      %get3A_937 = tpu.vector_load %arg10[%get3A_936] {strides = array<i32>} : memref<8192xf32, #tpu.memory_space<vmem>>, vector<16xf32>,
      %get3A_938 = vector.shape_cast %get3A_937 : vector<16xf32> to vector<16xf32>
      %mul3A_939 = arith.mulf %get3A_101, %get3A_938 : vector<16xf32>
      %add3A_940 = arith.addf %add3A_930, %mul3A_939 : vector<16xf32>
      %get3A_941 = arith.constant 5312 : index
      %get3A_942 = tpu.vector_load %arg10[%get3A_941] {strides = array<i32>} : memref<8192xf32, #tpu.memory_space<vmem>>, vector<16xf32>,
      %get3A_943 = vector.shape_cast %get3A_942 : vector<16xf32> to vector<16xf32>
      %mul3A_944 = arith.mulf %get3A_106, %get3A_943 : vector<16xf32>
      %add3A_945 = arith.addf %add3A_935, %mul3A_944 : vector<16xf32>
      %get3A_946 = arith.constant 5328 : index
      %get3A_947 = tpu.vector_load %arg10[%get3A_946] {strides = array<i32>} : memref<8192xf32, #tpu.memory_space<vmem>>, vector<16xf32>,
      %get3A_948 = vector.shape_cast %get3A_947 : vector<16xf32> to vector<16xf32>
      %mul3A_949 = arith.mulf %get3A_111, %get3A_948 : vector<16xf32>
      %add3A_950 = arith.addf %add3A_940, %mul3A_949 : vector<16xf32>
      %get3A_951 = arith.constant 5344 : index
      %get3A_952 = tpu.vector_load %arg10[%get3A_951] {strides = array<i32>} : memref<8192xf32, #tpu.memory_space<vmem>>, vector<16xf32>,
      %get3A_953 = vector.shape_cast %get3A_952 : vector<16xf32> to vector<16xf32>
      %mul3A_954 = arith.mulf %get3A_116, %get3A_953 : vector<16xf32>
      %add3A_955 = arith.addf %add3A_945, %mul3A_954 : vector<16xf32>
      %get3A_956 = arith.constant 5360 : index
      %get3A_957 = tpu.vector_load %arg10[%get3A_956] {strides = array<i32>} : memref<8192xf32, #tpu.memory_space<vmem>>, vector<16xf32>,
      %get3A_958 = vector.shape_cast %get3A_957 : vector<16xf32> to vector<16xf32>
      %mul3A_959 = arith.mulf %get3A_121, %get3A_958 : vector<16xf32>
      %add3A_960 = arith.addf %add3A_950, %mul3A_959 : vector<16xf32>
      %add3A_961 = arith.addf %add3A_955, %add3A_960 : vector<16xf32>
      %mul3A_962 = arith.mulf %add3A_961, %get3A_801 : vector<16xf32>
      %add3A_963 = arith.addf %add3A_629, %mul3A_962 : vector<16xf32>
      %get3A_964 = arith.constant 5 : i32
      %get3A_965 = arith.index_cast %get3A_964 : i32 to index
      %get3A_966 = arith.index_cast %mul3A_41 : i32 to index
      %get3A_967 = tpu.vector_load %arg9[%get3A_965, %get3A_966] {strides = array<i32>} : memref<16x512xf32, #tpu.memory_space<vmem>>, vector<1x16xf32>,
      %get3A_968 = vector.shape_cast %get3A_967 : vector<1x16xf32> to vector<16xf32>
      %get3A_969 = arith.constant 1280 : index
      %get3A_970 = tpu.vector_load %arg10[%get3A_969] {strides = array<i32>} : memref<8192xf32, #tpu.memory_space<vmem>>, vector<16xf32>,
      %get3A_971 = vector.shape_cast %get3A_970 : vector<16xf32> to vector<16xf32>
      %mul3A_972 = arith.mulf %get3A_46, %get3A_971 : vector<16xf32>
      %get3A_973 = arith.constant 1296 : index
      %get3A_974 = tpu.vector_load %arg10[%get3A_973] {strides = array<i32>} : memref<8192xf32, #tpu.memory_space<vmem>>, vector<16xf32>,
      %get3A_975 = vector.shape_cast %get3A_974 : vector<16xf32> to vector<16xf32>
      %mul3A_976 = arith.mulf %get3A_51, %get3A_975 : vector<16xf32>
      %get3A_977 = arith.constant 1312 : index
      %get3A_978 = tpu.vector_load %arg10[%get3A_977] {strides = array<i32>} : memref<8192xf32, #tpu.memory_space<vmem>>, vector<16xf32>,
      %get3A_979 = vector.shape_cast %get3A_978 : vector<16xf32> to vector<16xf32>
      %mul3A_980 = arith.mulf %get3A_56, %get3A_979 : vector<16xf32>
      %add3A_981 = arith.addf %mul3A_972, %mul3A_980 : vector<16xf32>
      %get3A_982 = arith.constant 1328 : index
      %get3A_983 = tpu.vector_load %arg10[%get3A_982] {strides = array<i32>} : memref<8192xf32, #tpu.memory_space<vmem>>, vector<16xf32>,
      %get3A_984 = vector.shape_cast %get3A_983 : vector<16xf32> to vector<16xf32>
      %mul3A_985 = arith.mulf %get3A_61, %get3A_984 : vector<16xf32>
      %add3A_986 = arith.addf %mul3A_976, %mul3A_985 : vector<16xf32>
      %get3A_987 = arith.constant 1344 : index
      %get3A_988 = tpu.vector_load %arg10[%get3A_987] {strides = array<i32>} : memref<8192xf32, #tpu.memory_space<vmem>>, vector<16xf32>,
      %get3A_989 = vector.shape_cast %get3A_988 : vector<16xf32> to vector<16xf32>
      %mul3A_990 = arith.mulf %get3A_66, %get3A_989 : vector<16xf32>
      %add3A_991 = arith.addf %add3A_981, %mul3A_990 : vector<16xf32>
      %get3A_992 = arith.constant 1360 : index
      %get3A_993 = tpu.vector_load %arg10[%get3A_992] {strides = array<i32>} : memref<8192xf32, #tpu.memory_space<vmem>>, vector<16xf32>,
      %get3A_994 = vector.shape_cast %get3A_993 : vector<16xf32> to vector<16xf32>
      %mul3A_995 = arith.mulf %get3A_71, %get3A_994 : vector<16xf32>
      %add3A_996 = arith.addf %add3A_986, %mul3A_995 : vector<16xf32>
      %get3A_997 = arith.constant 1376 : index
      %get3A_998 = tpu.vector_load %arg10[%get3A_997] {strides = array<i32>} : memref<8192xf32, #tpu.memory_space<vmem>>, vector<16xf32>,
      %get3A_999 = vector.shape_cast %get3A_998 : vector<16xf32> to vector<16xf32>
      %mul3A_1000 = arith.mulf %get3A_76, %get3A_999 : vector<16xf32>
      %add3A_1001 = arith.addf %add3A_991, %mul3A_1000 : vector<16xf32>
      %get3A_1002 = arith.constant 1392 : index
      %get3A_1003 = tpu.vector_load %arg10[%get3A_1002] {strides = array<i32>} : memref<8192xf32, #tpu.memory_space<vmem>>, vector<16xf32>,
      %get3A_1004 = vector.shape_cast %get3A_1003 : vector<16xf32> to vector<16xf32>
      %mul3A_1005 = arith.mulf %get3A_81, %get3A_1004 : vector<16xf32>
      %add3A_1006 = arith.addf %add3A_996, %mul3A_1005 : vector<16xf32>
      %get3A_1007 = arith.constant 1408 : index
      %get3A_1008 = tpu.vector_load %arg10[%get3A_1007] {strides = array<i32>} : memref<8192xf32, #tpu.memory_space<vmem>>, vector<16xf32>,
      %get3A_1009 = vector.shape_cast %get3A_1008 : vector<16xf32> to vector<16xf32>
      %mul3A_1010 = arith.mulf %get3A_86, %get3A_1009 : vector<16xf32>
      %add3A_1011 = arith.addf %add3A_1001, %mul3A_1010 : vector<16xf32>
      %get3A_1012 = arith.constant 1424 : index
      %get3A_1013 = tpu.vector_load %arg10[%get3A_1012] {strides = array<i32>} : memref<8192xf32, #tpu.memory_space<vmem>>, vector<16xf32>,
      %get3A_1014 = vector.shape_cast %get3A_1013 : vector<16xf32> to vector<16xf32>
      %mul3A_1015 = arith.mulf %get3A_91, %get3A_1014 : vector<16xf32>
      %add3A_1016 = arith.addf %add3A_1006, %mul3A_1015 : vector<16xf32>
      %get3A_1017 = arith.constant 1440 : index
      %get3A_1018 = tpu.vector_load %arg10[%get3A_1017] {strides = array<i32>} : memref<8192xf32, #tpu.memory_space<vmem>>, vector<16xf32>,
      %get3A_1019 = vector.shape_cast %get3A_1018 : vector<16xf32> to vector<16xf32>
      %mul3A_1020 = arith.mulf %get3A_96, %get3A_1019 : vector<16xf32>
      %add3A_1021 = arith.addf %add3A_1011, %mul3A_1020 : vector<16xf32>
      %get3A_1022 = arith.constant 1456 : index
      %get3A_1023 = tpu.vector_load %arg10[%get3A_1022] {strides = array<i32>} : memref<8192xf32, #tpu.memory_space<vmem>>, vector<16xf32>,
      %get3A_1024 = vector.shape_cast %get3A_1023 : vector<16xf32> to vector<16xf32>
      %mul3A_1025 = arith.mulf %get3A_101, %get3A_1024 : vector<16xf32>
      %add3A_1026 = arith.addf %add3A_1016, %mul3A_1025 : vector<16xf32>
      %get3A_1027 = arith.constant 1472 : index
      %get3A_1028 = tpu.vector_load %arg10[%get3A_1027] {strides = array<i32>} : memref<8192xf32, #tpu.memory_space<vmem>>, vector<16xf32>,
      %get3A_1029 = vector.shape_cast %get3A_1028 : vector<16xf32> to vector<16xf32>
      %mul3A_1030 = arith.mulf %get3A_106, %get3A_1029 : vector<16xf32>
      %add3A_1031 = arith.addf %add3A_1021, %mul3A_1030 : vector<16xf32>
      %get3A_1032 = arith.constant 1488 : index
      %get3A_1033 = tpu.vector_load %arg10[%get3A_1032] {strides = array<i32>} : memref<8192xf32, #tpu.memory_space<vmem>>, vector<16xf32>,
      %get3A_1034 = vector.shape_cast %get3A_1033 : vector<16xf32> to vector<16xf32>
      %mul3A_1035 = arith.mulf %get3A_111, %get3A_1034 : vector<16xf32>
      %add3A_1036 = arith.addf %add3A_1026, %mul3A_1035 : vector<16xf32>
      %get3A_1037 = arith.constant 1504 : index
      %get3A_1038 = tpu.vector_load %arg10[%get3A_1037] {strides = array<i32>} : memref<8192xf32, #tpu.memory_space<vmem>>, vector<16xf32>,
      %get3A_1039 = vector.shape_cast %get3A_1038 : vector<16xf32> to vector<16xf32>
      %mul3A_1040 = arith.mulf %get3A_116, %get3A_1039 : vector<16xf32>
      %add3A_1041 = arith.addf %add3A_1031, %mul3A_1040 : vector<16xf32>
      %get3A_1042 = arith.constant 1520 : index
      %get3A_1043 = tpu.vector_load %arg10[%get3A_1042] {strides = array<i32>} : memref<8192xf32, #tpu.memory_space<vmem>>, vector<16xf32>,
      %get3A_1044 = vector.shape_cast %get3A_1043 : vector<16xf32> to vector<16xf32>
      %mul3A_1045 = arith.mulf %get3A_121, %get3A_1044 : vector<16xf32>
      %add3A_1046 = arith.addf %add3A_1036, %mul3A_1045 : vector<16xf32>
      %add3A_1047 = arith.addf %add3A_1041, %add3A_1046 : vector<16xf32>
      %mul3A_1048 = arith.mulf %add3A_1047, %get3A_968 : vector<16xf32>
      %add3A_1049 = arith.addf %add3A_715, %mul3A_1048 : vector<16xf32>
      %get3A_1050 = arith.constant 5376 : index
      %get3A_1051 = tpu.vector_load %arg10[%get3A_1050] {strides = array<i32>} : memref<8192xf32, #tpu.memory_space<vmem>>, vector<16xf32>,
      %get3A_1052 = vector.shape_cast %get3A_1051 : vector<16xf32> to vector<16xf32>
      %mul3A_1053 = arith.mulf %get3A_46, %get3A_1052 : vector<16xf32>
      %get3A_1054 = arith.constant 5392 : index
      %get3A_1055 = tpu.vector_load %arg10[%get3A_1054] {strides = array<i32>} : memref<8192xf32, #tpu.memory_space<vmem>>, vector<16xf32>,
      %get3A_1056 = vector.shape_cast %get3A_1055 : vector<16xf32> to vector<16xf32>
      %mul3A_1057 = arith.mulf %get3A_51, %get3A_1056 : vector<16xf32>
      %get3A_1058 = arith.constant 5408 : index
      %get3A_1059 = tpu.vector_load %arg10[%get3A_1058] {strides = array<i32>} : memref<8192xf32, #tpu.memory_space<vmem>>, vector<16xf32>,
      %get3A_1060 = vector.shape_cast %get3A_1059 : vector<16xf32> to vector<16xf32>
      %mul3A_1061 = arith.mulf %get3A_56, %get3A_1060 : vector<16xf32>
      %add3A_1062 = arith.addf %mul3A_1053, %mul3A_1061 : vector<16xf32>
      %get3A_1063 = arith.constant 5424 : index
      %get3A_1064 = tpu.vector_load %arg10[%get3A_1063] {strides = array<i32>} : memref<8192xf32, #tpu.memory_space<vmem>>, vector<16xf32>,
      %get3A_1065 = vector.shape_cast %get3A_1064 : vector<16xf32> to vector<16xf32>
      %mul3A_1066 = arith.mulf %get3A_61, %get3A_1065 : vector<16xf32>
      %add3A_1067 = arith.addf %mul3A_1057, %mul3A_1066 : vector<16xf32>
      %get3A_1068 = arith.constant 5440 : index
      %get3A_1069 = tpu.vector_load %arg10[%get3A_1068] {strides = array<i32>} : memref<8192xf32, #tpu.memory_space<vmem>>, vector<16xf32>,
      %get3A_1070 = vector.shape_cast %get3A_1069 : vector<16xf32> to vector<16xf32>
      %mul3A_1071 = arith.mulf %get3A_66, %get3A_1070 : vector<16xf32>
      %add3A_1072 = arith.addf %add3A_1062, %mul3A_1071 : vector<16xf32>
      %get3A_1073 = arith.constant 5456 : index
      %get3A_1074 = tpu.vector_load %arg10[%get3A_1073] {strides = array<i32>} : memref<8192xf32, #tpu.memory_space<vmem>>, vector<16xf32>,
      %get3A_1075 = vector.shape_cast %get3A_1074 : vector<16xf32> to vector<16xf32>
      %mul3A_1076 = arith.mulf %get3A_71, %get3A_1075 : vector<16xf32>
      %add3A_1077 = arith.addf %add3A_1067, %mul3A_1076 : vector<16xf32>
      %get3A_1078 = arith.constant 5472 : index
      %get3A_1079 = tpu.vector_load %arg10[%get3A_1078] {strides = array<i32>} : memref<8192xf32, #tpu.memory_space<vmem>>, vector<16xf32>,
      %get3A_1080 = vector.shape_cast %get3A_1079 : vector<16xf32> to vector<16xf32>
      %mul3A_1081 = arith.mulf %get3A_76, %get3A_1080 : vector<16xf32>
      %add3A_1082 = arith.addf %add3A_1072, %mul3A_1081 : vector<16xf32>
      %get3A_1083 = arith.constant 5488 : index
      %get3A_1084 = tpu.vector_load %arg10[%get3A_1083] {strides = array<i32>} : memref<8192xf32, #tpu.memory_space<vmem>>, vector<16xf32>,
      %get3A_1085 = vector.shape_cast %get3A_1084 : vector<16xf32> to vector<16xf32>
      %mul3A_1086 = arith.mulf %get3A_81, %get3A_1085 : vector<16xf32>
      %add3A_1087 = arith.addf %add3A_1077, %mul3A_1086 : vector<16xf32>
      %get3A_1088 = arith.constant 5504 : index
      %get3A_1089 = tpu.vector_load %arg10[%get3A_1088] {strides = array<i32>} : memref<8192xf32, #tpu.memory_space<vmem>>, vector<16xf32>,
      %get3A_1090 = vector.shape_cast %get3A_1089 : vector<16xf32> to vector<16xf32>
      %mul3A_1091 = arith.mulf %get3A_86, %get3A_1090 : vector<16xf32>
      %add3A_1092 = arith.addf %add3A_1082, %mul3A_1091 : vector<16xf32>
      %get3A_1093 = arith.constant 5520 : index
      %get3A_1094 = tpu.vector_load %arg10[%get3A_1093] {strides = array<i32>} : memref<8192xf32, #tpu.memory_space<vmem>>, vector<16xf32>,
      %get3A_1095 = vector.shape_cast %get3A_1094 : vector<16xf32> to vector<16xf32>
      %mul3A_1096 = arith.mulf %get3A_91, %get3A_1095 : vector<16xf32>
      %add3A_1097 = arith.addf %add3A_1087, %mul3A_1096 : vector<16xf32>
      %get3A_1098 = arith.constant 5536 : index
      %get3A_1099 = tpu.vector_load %arg10[%get3A_1098] {strides = array<i32>} : memref<8192xf32, #tpu.memory_space<vmem>>, vector<16xf32>,
      %get3A_1100 = vector.shape_cast %get3A_1099 : vector<16xf32> to vector<16xf32>
      %mul3A_1101 = arith.mulf %get3A_96, %get3A_1100 : vector<16xf32>
      %add3A_1102 = arith.addf %add3A_1092, %mul3A_1101 : vector<16xf32>
      %get3A_1103 = arith.constant 5552 : index
      %get3A_1104 = tpu.vector_load %arg10[%get3A_1103] {strides = array<i32>} : memref<8192xf32, #tpu.memory_space<vmem>>, vector<16xf32>,
      %get3A_1105 = vector.shape_cast %get3A_1104 : vector<16xf32> to vector<16xf32>
      %mul3A_1106 = arith.mulf %get3A_101, %get3A_1105 : vector<16xf32>
      %add3A_1107 = arith.addf %add3A_1097, %mul3A_1106 : vector<16xf32>
      %get3A_1108 = arith.constant 5568 : index
      %get3A_1109 = tpu.vector_load %arg10[%get3A_1108] {strides = array<i32>} : memref<8192xf32, #tpu.memory_space<vmem>>, vector<16xf32>,
      %get3A_1110 = vector.shape_cast %get3A_1109 : vector<16xf32> to vector<16xf32>
      %mul3A_1111 = arith.mulf %get3A_106, %get3A_1110 : vector<16xf32>
      %add3A_1112 = arith.addf %add3A_1102, %mul3A_1111 : vector<16xf32>
      %get3A_1113 = arith.constant 5584 : index
      %get3A_1114 = tpu.vector_load %arg10[%get3A_1113] {strides = array<i32>} : memref<8192xf32, #tpu.memory_space<vmem>>, vector<16xf32>,
      %get3A_1115 = vector.shape_cast %get3A_1114 : vector<16xf32> to vector<16xf32>
      %mul3A_1116 = arith.mulf %get3A_111, %get3A_1115 : vector<16xf32>
      %add3A_1117 = arith.addf %add3A_1107, %mul3A_1116 : vector<16xf32>
      %get3A_1118 = arith.constant 5600 : index
      %get3A_1119 = tpu.vector_load %arg10[%get3A_1118] {strides = array<i32>} : memref<8192xf32, #tpu.memory_space<vmem>>, vector<16xf32>,
      %get3A_1120 = vector.shape_cast %get3A_1119 : vector<16xf32> to vector<16xf32>
      %mul3A_1121 = arith.mulf %get3A_116, %get3A_1120 : vector<16xf32>
      %add3A_1122 = arith.addf %add3A_1112, %mul3A_1121 : vector<16xf32>
      %get3A_1123 = arith.constant 5616 : index
      %get3A_1124 = tpu.vector_load %arg10[%get3A_1123] {strides = array<i32>} : memref<8192xf32, #tpu.memory_space<vmem>>, vector<16xf32>,
      %get3A_1125 = vector.shape_cast %get3A_1124 : vector<16xf32> to vector<16xf32>
      %mul3A_1126 = arith.mulf %get3A_121, %get3A_1125 : vector<16xf32>
      %add3A_1127 = arith.addf %add3A_1117, %mul3A_1126 : vector<16xf32>
      %add3A_1128 = arith.addf %add3A_1122, %add3A_1127 : vector<16xf32>
      %mul3A_1129 = arith.mulf %add3A_1128, %get3A_968 : vector<16xf32>
      %add3A_1130 = arith.addf %add3A_796, %mul3A_1129 : vector<16xf32>
      %get3A_1131 = arith.constant 6 : i32
      %get3A_1132 = arith.index_cast %get3A_1131 : i32 to index
      %get3A_1133 = arith.index_cast %mul3A_41 : i32 to index
      %get3A_1134 = tpu.vector_load %arg9[%get3A_1132, %get3A_1133] {strides = array<i32>} : memref<16x512xf32, #tpu.memory_space<vmem>>, vector<1x16xf32>,
      %get3A_1135 = vector.shape_cast %get3A_1134 : vector<1x16xf32> to vector<16xf32>
      %get3A_1136 = arith.constant 1536 : index
      %get3A_1137 = tpu.vector_load %arg10[%get3A_1136] {strides = array<i32>} : memref<8192xf32, #tpu.memory_space<vmem>>, vector<16xf32>,
      %get3A_1138 = vector.shape_cast %get3A_1137 : vector<16xf32> to vector<16xf32>
      %mul3A_1139 = arith.mulf %get3A_46, %get3A_1138 : vector<16xf32>
      %get3A_1140 = arith.constant 1552 : index
      %get3A_1141 = tpu.vector_load %arg10[%get3A_1140] {strides = array<i32>} : memref<8192xf32, #tpu.memory_space<vmem>>, vector<16xf32>,
      %get3A_1142 = vector.shape_cast %get3A_1141 : vector<16xf32> to vector<16xf32>
      %mul3A_1143 = arith.mulf %get3A_51, %get3A_1142 : vector<16xf32>
      %get3A_1144 = arith.constant 1568 : index
      %get3A_1145 = tpu.vector_load %arg10[%get3A_1144] {strides = array<i32>} : memref<8192xf32, #tpu.memory_space<vmem>>, vector<16xf32>,
      %get3A_1146 = vector.shape_cast %get3A_1145 : vector<16xf32> to vector<16xf32>
      %mul3A_1147 = arith.mulf %get3A_56, %get3A_1146 : vector<16xf32>
      %add3A_1148 = arith.addf %mul3A_1139, %mul3A_1147 : vector<16xf32>
      %get3A_1149 = arith.constant 1584 : index
      %get3A_1150 = tpu.vector_load %arg10[%get3A_1149] {strides = array<i32>} : memref<8192xf32, #tpu.memory_space<vmem>>, vector<16xf32>,
      %get3A_1151 = vector.shape_cast %get3A_1150 : vector<16xf32> to vector<16xf32>
      %mul3A_1152 = arith.mulf %get3A_61, %get3A_1151 : vector<16xf32>
      %add3A_1153 = arith.addf %mul3A_1143, %mul3A_1152 : vector<16xf32>
      %get3A_1154 = arith.constant 1600 : index
      %get3A_1155 = tpu.vector_load %arg10[%get3A_1154] {strides = array<i32>} : memref<8192xf32, #tpu.memory_space<vmem>>, vector<16xf32>,
      %get3A_1156 = vector.shape_cast %get3A_1155 : vector<16xf32> to vector<16xf32>
      %mul3A_1157 = arith.mulf %get3A_66, %get3A_1156 : vector<16xf32>
      %add3A_1158 = arith.addf %add3A_1148, %mul3A_1157 : vector<16xf32>
      %get3A_1159 = arith.constant 1616 : index
      %get3A_1160 = tpu.vector_load %arg10[%get3A_1159] {strides = array<i32>} : memref<8192xf32, #tpu.memory_space<vmem>>, vector<16xf32>,
      %get3A_1161 = vector.shape_cast %get3A_1160 : vector<16xf32> to vector<16xf32>
      %mul3A_1162 = arith.mulf %get3A_71, %get3A_1161 : vector<16xf32>
      %add3A_1163 = arith.addf %add3A_1153, %mul3A_1162 : vector<16xf32>
      %get3A_1164 = arith.constant 1632 : index
      %get3A_1165 = tpu.vector_load %arg10[%get3A_1164] {strides = array<i32>} : memref<8192xf32, #tpu.memory_space<vmem>>, vector<16xf32>,
      %get3A_1166 = vector.shape_cast %get3A_1165 : vector<16xf32> to vector<16xf32>
      %mul3A_1167 = arith.mulf %get3A_76, %get3A_1166 : vector<16xf32>
      %add3A_1168 = arith.addf %add3A_1158, %mul3A_1167 : vector<16xf32>
      %get3A_1169 = arith.constant 1648 : index
      %get3A_1170 = tpu.vector_load %arg10[%get3A_1169] {strides = array<i32>} : memref<8192xf32, #tpu.memory_space<vmem>>, vector<16xf32>,
      %get3A_1171 = vector.shape_cast %get3A_1170 : vector<16xf32> to vector<16xf32>
      %mul3A_1172 = arith.mulf %get3A_81, %get3A_1171 : vector<16xf32>
      %add3A_1173 = arith.addf %add3A_1163, %mul3A_1172 : vector<16xf32>
      %get3A_1174 = arith.constant 1664 : index
      %get3A_1175 = tpu.vector_load %arg10[%get3A_1174] {strides = array<i32>} : memref<8192xf32, #tpu.memory_space<vmem>>, vector<16xf32>,
      %get3A_1176 = vector.shape_cast %get3A_1175 : vector<16xf32> to vector<16xf32>
      %mul3A_1177 = arith.mulf %get3A_86, %get3A_1176 : vector<16xf32>
      %add3A_1178 = arith.addf %add3A_1168, %mul3A_1177 : vector<16xf32>
      %get3A_1179 = arith.constant 1680 : index
      %get3A_1180 = tpu.vector_load %arg10[%get3A_1179] {strides = array<i32>} : memref<8192xf32, #tpu.memory_space<vmem>>, vector<16xf32>,
      %get3A_1181 = vector.shape_cast %get3A_1180 : vector<16xf32> to vector<16xf32>
      %mul3A_1182 = arith.mulf %get3A_91, %get3A_1181 : vector<16xf32>
      %add3A_1183 = arith.addf %add3A_1173, %mul3A_1182 : vector<16xf32>
      %get3A_1184 = arith.constant 1696 : index
      %get3A_1185 = tpu.vector_load %arg10[%get3A_1184] {strides = array<i32>} : memref<8192xf32, #tpu.memory_space<vmem>>, vector<16xf32>,
      %get3A_1186 = vector.shape_cast %get3A_1185 : vector<16xf32> to vector<16xf32>
      %mul3A_1187 = arith.mulf %get3A_96, %get3A_1186 : vector<16xf32>
      %add3A_1188 = arith.addf %add3A_1178, %mul3A_1187 : vector<16xf32>
      %get3A_1189 = arith.constant 1712 : index
      %get3A_1190 = tpu.vector_load %arg10[%get3A_1189] {strides = array<i32>} : memref<8192xf32, #tpu.memory_space<vmem>>, vector<16xf32>,
      %get3A_1191 = vector.shape_cast %get3A_1190 : vector<16xf32> to vector<16xf32>
      %mul3A_1192 = arith.mulf %get3A_101, %get3A_1191 : vector<16xf32>
      %add3A_1193 = arith.addf %add3A_1183, %mul3A_1192 : vector<16xf32>
      %get3A_1194 = arith.constant 1728 : index
      %get3A_1195 = tpu.vector_load %arg10[%get3A_1194] {strides = array<i32>} : memref<8192xf32, #tpu.memory_space<vmem>>, vector<16xf32>,
      %get3A_1196 = vector.shape_cast %get3A_1195 : vector<16xf32> to vector<16xf32>
      %mul3A_1197 = arith.mulf %get3A_106, %get3A_1196 : vector<16xf32>
      %add3A_1198 = arith.addf %add3A_1188, %mul3A_1197 : vector<16xf32>
      %get3A_1199 = arith.constant 1744 : index
      %get3A_1200 = tpu.vector_load %arg10[%get3A_1199] {strides = array<i32>} : memref<8192xf32, #tpu.memory_space<vmem>>, vector<16xf32>,
      %get3A_1201 = vector.shape_cast %get3A_1200 : vector<16xf32> to vector<16xf32>
      %mul3A_1202 = arith.mulf %get3A_111, %get3A_1201 : vector<16xf32>
      %add3A_1203 = arith.addf %add3A_1193, %mul3A_1202 : vector<16xf32>
      %get3A_1204 = arith.constant 1760 : index
      %get3A_1205 = tpu.vector_load %arg10[%get3A_1204] {strides = array<i32>} : memref<8192xf32, #tpu.memory_space<vmem>>, vector<16xf32>,
      %get3A_1206 = vector.shape_cast %get3A_1205 : vector<16xf32> to vector<16xf32>
      %mul3A_1207 = arith.mulf %get3A_116, %get3A_1206 : vector<16xf32>
      %add3A_1208 = arith.addf %add3A_1198, %mul3A_1207 : vector<16xf32>
      %get3A_1209 = arith.constant 1776 : index
      %get3A_1210 = tpu.vector_load %arg10[%get3A_1209] {strides = array<i32>} : memref<8192xf32, #tpu.memory_space<vmem>>, vector<16xf32>,
      %get3A_1211 = vector.shape_cast %get3A_1210 : vector<16xf32> to vector<16xf32>
      %mul3A_1212 = arith.mulf %get3A_121, %get3A_1211 : vector<16xf32>
      %add3A_1213 = arith.addf %add3A_1203, %mul3A_1212 : vector<16xf32>
      %add3A_1214 = arith.addf %add3A_1208, %add3A_1213 : vector<16xf32>
      %mul3A_1215 = arith.mulf %add3A_1214, %get3A_1135 : vector<16xf32>
      %add3A_1216 = arith.addf %add3A_882, %mul3A_1215 : vector<16xf32>
      %get3A_1217 = arith.constant 5632 : index
      %get3A_1218 = tpu.vector_load %arg10[%get3A_1217] {strides = array<i32>} : memref<8192xf32, #tpu.memory_space<vmem>>, vector<16xf32>,
      %get3A_1219 = vector.shape_cast %get3A_1218 : vector<16xf32> to vector<16xf32>
      %mul3A_1220 = arith.mulf %get3A_46, %get3A_1219 : vector<16xf32>
      %get3A_1221 = arith.constant 5648 : index
      %get3A_1222 = tpu.vector_load %arg10[%get3A_1221] {strides = array<i32>} : memref<8192xf32, #tpu.memory_space<vmem>>, vector<16xf32>,
      %get3A_1223 = vector.shape_cast %get3A_1222 : vector<16xf32> to vector<16xf32>
      %mul3A_1224 = arith.mulf %get3A_51, %get3A_1223 : vector<16xf32>
      %get3A_1225 = arith.constant 5664 : index
      %get3A_1226 = tpu.vector_load %arg10[%get3A_1225] {strides = array<i32>} : memref<8192xf32, #tpu.memory_space<vmem>>, vector<16xf32>,
      %get3A_1227 = vector.shape_cast %get3A_1226 : vector<16xf32> to vector<16xf32>
      %mul3A_1228 = arith.mulf %get3A_56, %get3A_1227 : vector<16xf32>
      %add3A_1229 = arith.addf %mul3A_1220, %mul3A_1228 : vector<16xf32>
      %get3A_1230 = arith.constant 5680 : index
      %get3A_1231 = tpu.vector_load %arg10[%get3A_1230] {strides = array<i32>} : memref<8192xf32, #tpu.memory_space<vmem>>, vector<16xf32>,
      %get3A_1232 = vector.shape_cast %get3A_1231 : vector<16xf32> to vector<16xf32>
      %mul3A_1233 = arith.mulf %get3A_61, %get3A_1232 : vector<16xf32>
      %add3A_1234 = arith.addf %mul3A_1224, %mul3A_1233 : vector<16xf32>
      %get3A_1235 = arith.constant 5696 : index
      %get3A_1236 = tpu.vector_load %arg10[%get3A_1235] {strides = array<i32>} : memref<8192xf32, #tpu.memory_space<vmem>>, vector<16xf32>,
      %get3A_1237 = vector.shape_cast %get3A_1236 : vector<16xf32> to vector<16xf32>
      %mul3A_1238 = arith.mulf %get3A_66, %get3A_1237 : vector<16xf32>
      %add3A_1239 = arith.addf %add3A_1229, %mul3A_1238 : vector<16xf32>
      %get3A_1240 = arith.constant 5712 : index
      %get3A_1241 = tpu.vector_load %arg10[%get3A_1240] {strides = array<i32>} : memref<8192xf32, #tpu.memory_space<vmem>>, vector<16xf32>,
      %get3A_1242 = vector.shape_cast %get3A_1241 : vector<16xf32> to vector<16xf32>
      %mul3A_1243 = arith.mulf %get3A_71, %get3A_1242 : vector<16xf32>
      %add3A_1244 = arith.addf %add3A_1234, %mul3A_1243 : vector<16xf32>
      %get3A_1245 = arith.constant 5728 : index
      %get3A_1246 = tpu.vector_load %arg10[%get3A_1245] {strides = array<i32>} : memref<8192xf32, #tpu.memory_space<vmem>>, vector<16xf32>,
      %get3A_1247 = vector.shape_cast %get3A_1246 : vector<16xf32> to vector<16xf32>
      %mul3A_1248 = arith.mulf %get3A_76, %get3A_1247 : vector<16xf32>
      %add3A_1249 = arith.addf %add3A_1239, %mul3A_1248 : vector<16xf32>
      %get3A_1250 = arith.constant 5744 : index
      %get3A_1251 = tpu.vector_load %arg10[%get3A_1250] {strides = array<i32>} : memref<8192xf32, #tpu.memory_space<vmem>>, vector<16xf32>,
      %get3A_1252 = vector.shape_cast %get3A_1251 : vector<16xf32> to vector<16xf32>
      %mul3A_1253 = arith.mulf %get3A_81, %get3A_1252 : vector<16xf32>
      %add3A_1254 = arith.addf %add3A_1244, %mul3A_1253 : vector<16xf32>
      %get3A_1255 = arith.constant 5760 : index
      %get3A_1256 = tpu.vector_load %arg10[%get3A_1255] {strides = array<i32>} : memref<8192xf32, #tpu.memory_space<vmem>>, vector<16xf32>,
      %get3A_1257 = vector.shape_cast %get3A_1256 : vector<16xf32> to vector<16xf32>
      %mul3A_1258 = arith.mulf %get3A_86, %get3A_1257 : vector<16xf32>
      %add3A_1259 = arith.addf %add3A_1249, %mul3A_1258 : vector<16xf32>
      %get3A_1260 = arith.constant 5776 : index
      %get3A_1261 = tpu.vector_load %arg10[%get3A_1260] {strides = array<i32>} : memref<8192xf32, #tpu.memory_space<vmem>>, vector<16xf32>,
      %get3A_1262 = vector.shape_cast %get3A_1261 : vector<16xf32> to vector<16xf32>
      %mul3A_1263 = arith.mulf %get3A_91, %get3A_1262 : vector<16xf32>
      %add3A_1264 = arith.addf %add3A_1254, %mul3A_1263 : vector<16xf32>
      %get3A_1265 = arith.constant 5792 : index
      %get3A_1266 = tpu.vector_load %arg10[%get3A_1265] {strides = array<i32>} : memref<8192xf32, #tpu.memory_space<vmem>>, vector<16xf32>,
      %get3A_1267 = vector.shape_cast %get3A_1266 : vector<16xf32> to vector<16xf32>
      %mul3A_1268 = arith.mulf %get3A_96, %get3A_1267 : vector<16xf32>
      %add3A_1269 = arith.addf %add3A_1259, %mul3A_1268 : vector<16xf32>
      %get3A_1270 = arith.constant 5808 : index
      %get3A_1271 = tpu.vector_load %arg10[%get3A_1270] {strides = array<i32>} : memref<8192xf32, #tpu.memory_space<vmem>>, vector<16xf32>,
      %get3A_1272 = vector.shape_cast %get3A_1271 : vector<16xf32> to vector<16xf32>
      %mul3A_1273 = arith.mulf %get3A_101, %get3A_1272 : vector<16xf32>
      %add3A_1274 = arith.addf %add3A_1264, %mul3A_1273 : vector<16xf32>
      %get3A_1275 = arith.constant 5824 : index
      %get3A_1276 = tpu.vector_load %arg10[%get3A_1275] {strides = array<i32>} : memref<8192xf32, #tpu.memory_space<vmem>>, vector<16xf32>,
      %get3A_1277 = vector.shape_cast %get3A_1276 : vector<16xf32> to vector<16xf32>
      %mul3A_1278 = arith.mulf %get3A_106, %get3A_1277 : vector<16xf32>
      %add3A_1279 = arith.addf %add3A_1269, %mul3A_1278 : vector<16xf32>
      %get3A_1280 = arith.constant 5840 : index
      %get3A_1281 = tpu.vector_load %arg10[%get3A_1280] {strides = array<i32>} : memref<8192xf32, #tpu.memory_space<vmem>>, vector<16xf32>,
      %get3A_1282 = vector.shape_cast %get3A_1281 : vector<16xf32> to vector<16xf32>
      %mul3A_1283 = arith.mulf %get3A_111, %get3A_1282 : vector<16xf32>
      %add3A_1284 = arith.addf %add3A_1274, %mul3A_1283 : vector<16xf32>
      %get3A_1285 = arith.constant 5856 : index
      %get3A_1286 = tpu.vector_load %arg10[%get3A_1285] {strides = array<i32>} : memref<8192xf32, #tpu.memory_space<vmem>>, vector<16xf32>,
      %get3A_1287 = vector.shape_cast %get3A_1286 : vector<16xf32> to vector<16xf32>
      %mul3A_1288 = arith.mulf %get3A_116, %get3A_1287 : vector<16xf32>
      %add3A_1289 = arith.addf %add3A_1279, %mul3A_1288 : vector<16xf32>
      %get3A_1290 = arith.constant 5872 : index
      %get3A_1291 = tpu.vector_load %arg10[%get3A_1290] {strides = array<i32>} : memref<8192xf32, #tpu.memory_space<vmem>>, vector<16xf32>,
      %get3A_1292 = vector.shape_cast %get3A_1291 : vector<16xf32> to vector<16xf32>
      %mul3A_1293 = arith.mulf %get3A_121, %get3A_1292 : vector<16xf32>
      %add3A_1294 = arith.addf %add3A_1284, %mul3A_1293 : vector<16xf32>
      %add3A_1295 = arith.addf %add3A_1289, %add3A_1294 : vector<16xf32>
      %mul3A_1296 = arith.mulf %add3A_1295, %get3A_1135 : vector<16xf32>
      %add3A_1297 = arith.addf %add3A_963, %mul3A_1296 : vector<16xf32>
      %get3A_1298 = arith.constant 7 : i32
      %get3A_1299 = arith.index_cast %get3A_1298 : i32 to index
      %get3A_1300 = arith.index_cast %mul3A_41 : i32 to index
      %get3A_1301 = tpu.vector_load %arg9[%get3A_1299, %get3A_1300] {strides = array<i32>} : memref<16x512xf32, #tpu.memory_space<vmem>>, vector<1x16xf32>,
      %get3A_1302 = vector.shape_cast %get3A_1301 : vector<1x16xf32> to vector<16xf32>
      %get3A_1303 = arith.constant 1792 : index
      %get3A_1304 = tpu.vector_load %arg10[%get3A_1303] {strides = array<i32>} : memref<8192xf32, #tpu.memory_space<vmem>>, vector<16xf32>,
      %get3A_1305 = vector.shape_cast %get3A_1304 : vector<16xf32> to vector<16xf32>
      %mul3A_1306 = arith.mulf %get3A_46, %get3A_1305 : vector<16xf32>
      %get3A_1307 = arith.constant 1808 : index
      %get3A_1308 = tpu.vector_load %arg10[%get3A_1307] {strides = array<i32>} : memref<8192xf32, #tpu.memory_space<vmem>>, vector<16xf32>,
      %get3A_1309 = vector.shape_cast %get3A_1308 : vector<16xf32> to vector<16xf32>
      %mul3A_1310 = arith.mulf %get3A_51, %get3A_1309 : vector<16xf32>
      %get3A_1311 = arith.constant 1824 : index
      %get3A_1312 = tpu.vector_load %arg10[%get3A_1311] {strides = array<i32>} : memref<8192xf32, #tpu.memory_space<vmem>>, vector<16xf32>,
      %get3A_1313 = vector.shape_cast %get3A_1312 : vector<16xf32> to vector<16xf32>
      %mul3A_1314 = arith.mulf %get3A_56, %get3A_1313 : vector<16xf32>
      %add3A_1315 = arith.addf %mul3A_1306, %mul3A_1314 : vector<16xf32>
      %get3A_1316 = arith.constant 1840 : index
      %get3A_1317 = tpu.vector_load %arg10[%get3A_1316] {strides = array<i32>} : memref<8192xf32, #tpu.memory_space<vmem>>, vector<16xf32>,
      %get3A_1318 = vector.shape_cast %get3A_1317 : vector<16xf32> to vector<16xf32>
      %mul3A_1319 = arith.mulf %get3A_61, %get3A_1318 : vector<16xf32>
      %add3A_1320 = arith.addf %mul3A_1310, %mul3A_1319 : vector<16xf32>
      %get3A_1321 = arith.constant 1856 : index
      %get3A_1322 = tpu.vector_load %arg10[%get3A_1321] {strides = array<i32>} : memref<8192xf32, #tpu.memory_space<vmem>>, vector<16xf32>,
      %get3A_1323 = vector.shape_cast %get3A_1322 : vector<16xf32> to vector<16xf32>
      %mul3A_1324 = arith.mulf %get3A_66, %get3A_1323 : vector<16xf32>
      %add3A_1325 = arith.addf %add3A_1315, %mul3A_1324 : vector<16xf32>
      %get3A_1326 = arith.constant 1872 : index
      %get3A_1327 = tpu.vector_load %arg10[%get3A_1326] {strides = array<i32>} : memref<8192xf32, #tpu.memory_space<vmem>>, vector<16xf32>,
      %get3A_1328 = vector.shape_cast %get3A_1327 : vector<16xf32> to vector<16xf32>
      %mul3A_1329 = arith.mulf %get3A_71, %get3A_1328 : vector<16xf32>
      %add3A_1330 = arith.addf %add3A_1320, %mul3A_1329 : vector<16xf32>
      %get3A_1331 = arith.constant 1888 : index
      %get3A_1332 = tpu.vector_load %arg10[%get3A_1331] {strides = array<i32>} : memref<8192xf32, #tpu.memory_space<vmem>>, vector<16xf32>,
      %get3A_1333 = vector.shape_cast %get3A_1332 : vector<16xf32> to vector<16xf32>
      %mul3A_1334 = arith.mulf %get3A_76, %get3A_1333 : vector<16xf32>
      %add3A_1335 = arith.addf %add3A_1325, %mul3A_1334 : vector<16xf32>
      %get3A_1336 = arith.constant 1904 : index
      %get3A_1337 = tpu.vector_load %arg10[%get3A_1336] {strides = array<i32>} : memref<8192xf32, #tpu.memory_space<vmem>>, vector<16xf32>,
      %get3A_1338 = vector.shape_cast %get3A_1337 : vector<16xf32> to vector<16xf32>
      %mul3A_1339 = arith.mulf %get3A_81, %get3A_1338 : vector<16xf32>
      %add3A_1340 = arith.addf %add3A_1330, %mul3A_1339 : vector<16xf32>
      %get3A_1341 = arith.constant 1920 : index
      %get3A_1342 = tpu.vector_load %arg10[%get3A_1341] {strides = array<i32>} : memref<8192xf32, #tpu.memory_space<vmem>>, vector<16xf32>,
      %get3A_1343 = vector.shape_cast %get3A_1342 : vector<16xf32> to vector<16xf32>
      %mul3A_1344 = arith.mulf %get3A_86, %get3A_1343 : vector<16xf32>
      %add3A_1345 = arith.addf %add3A_1335, %mul3A_1344 : vector<16xf32>
      %get3A_1346 = arith.constant 1936 : index
      %get3A_1347 = tpu.vector_load %arg10[%get3A_1346] {strides = array<i32>} : memref<8192xf32, #tpu.memory_space<vmem>>, vector<16xf32>,
      %get3A_1348 = vector.shape_cast %get3A_1347 : vector<16xf32> to vector<16xf32>
      %mul3A_1349 = arith.mulf %get3A_91, %get3A_1348 : vector<16xf32>
      %add3A_1350 = arith.addf %add3A_1340, %mul3A_1349 : vector<16xf32>
      %get3A_1351 = arith.constant 1952 : index
      %get3A_1352 = tpu.vector_load %arg10[%get3A_1351] {strides = array<i32>} : memref<8192xf32, #tpu.memory_space<vmem>>, vector<16xf32>,
      %get3A_1353 = vector.shape_cast %get3A_1352 : vector<16xf32> to vector<16xf32>
      %mul3A_1354 = arith.mulf %get3A_96, %get3A_1353 : vector<16xf32>
      %add3A_1355 = arith.addf %add3A_1345, %mul3A_1354 : vector<16xf32>
      %get3A_1356 = arith.constant 1968 : index
      %get3A_1357 = tpu.vector_load %arg10[%get3A_1356] {strides = array<i32>} : memref<8192xf32, #tpu.memory_space<vmem>>, vector<16xf32>,
      %get3A_1358 = vector.shape_cast %get3A_1357 : vector<16xf32> to vector<16xf32>
      %mul3A_1359 = arith.mulf %get3A_101, %get3A_1358 : vector<16xf32>
      %add3A_1360 = arith.addf %add3A_1350, %mul3A_1359 : vector<16xf32>
      %get3A_1361 = arith.constant 1984 : index
      %get3A_1362 = tpu.vector_load %arg10[%get3A_1361] {strides = array<i32>} : memref<8192xf32, #tpu.memory_space<vmem>>, vector<16xf32>,
      %get3A_1363 = vector.shape_cast %get3A_1362 : vector<16xf32> to vector<16xf32>
      %mul3A_1364 = arith.mulf %get3A_106, %get3A_1363 : vector<16xf32>
      %add3A_1365 = arith.addf %add3A_1355, %mul3A_1364 : vector<16xf32>
      %get3A_1366 = arith.constant 2000 : index
      %get3A_1367 = tpu.vector_load %arg10[%get3A_1366] {strides = array<i32>} : memref<8192xf32, #tpu.memory_space<vmem>>, vector<16xf32>,
      %get3A_1368 = vector.shape_cast %get3A_1367 : vector<16xf32> to vector<16xf32>
      %mul3A_1369 = arith.mulf %get3A_111, %get3A_1368 : vector<16xf32>
      %add3A_1370 = arith.addf %add3A_1360, %mul3A_1369 : vector<16xf32>
      %get3A_1371 = arith.constant 2016 : index
      %get3A_1372 = tpu.vector_load %arg10[%get3A_1371] {strides = array<i32>} : memref<8192xf32, #tpu.memory_space<vmem>>, vector<16xf32>,
      %get3A_1373 = vector.shape_cast %get3A_1372 : vector<16xf32> to vector<16xf32>
      %mul3A_1374 = arith.mulf %get3A_116, %get3A_1373 : vector<16xf32>
      %add3A_1375 = arith.addf %add3A_1365, %mul3A_1374 : vector<16xf32>
      %get3A_1376 = arith.constant 2032 : index
      %get3A_1377 = tpu.vector_load %arg10[%get3A_1376] {strides = array<i32>} : memref<8192xf32, #tpu.memory_space<vmem>>, vector<16xf32>,
      %get3A_1378 = vector.shape_cast %get3A_1377 : vector<16xf32> to vector<16xf32>
      %mul3A_1379 = arith.mulf %get3A_121, %get3A_1378 : vector<16xf32>
      %add3A_1380 = arith.addf %add3A_1370, %mul3A_1379 : vector<16xf32>
      %add3A_1381 = arith.addf %add3A_1375, %add3A_1380 : vector<16xf32>
      %mul3A_1382 = arith.mulf %add3A_1381, %get3A_1302 : vector<16xf32>
      %add3A_1383 = arith.addf %add3A_1049, %mul3A_1382 : vector<16xf32>
      %get3A_1384 = arith.constant 5888 : index
      %get3A_1385 = tpu.vector_load %arg10[%get3A_1384] {strides = array<i32>} : memref<8192xf32, #tpu.memory_space<vmem>>, vector<16xf32>,
      %get3A_1386 = vector.shape_cast %get3A_1385 : vector<16xf32> to vector<16xf32>
      %mul3A_1387 = arith.mulf %get3A_46, %get3A_1386 : vector<16xf32>
      %get3A_1388 = arith.constant 5904 : index
      %get3A_1389 = tpu.vector_load %arg10[%get3A_1388] {strides = array<i32>} : memref<8192xf32, #tpu.memory_space<vmem>>, vector<16xf32>,
      %get3A_1390 = vector.shape_cast %get3A_1389 : vector<16xf32> to vector<16xf32>
      %mul3A_1391 = arith.mulf %get3A_51, %get3A_1390 : vector<16xf32>
      %get3A_1392 = arith.constant 5920 : index
      %get3A_1393 = tpu.vector_load %arg10[%get3A_1392] {strides = array<i32>} : memref<8192xf32, #tpu.memory_space<vmem>>, vector<16xf32>,
      %get3A_1394 = vector.shape_cast %get3A_1393 : vector<16xf32> to vector<16xf32>
      %mul3A_1395 = arith.mulf %get3A_56, %get3A_1394 : vector<16xf32>
      %add3A_1396 = arith.addf %mul3A_1387, %mul3A_1395 : vector<16xf32>
      %get3A_1397 = arith.constant 5936 : index
      %get3A_1398 = tpu.vector_load %arg10[%get3A_1397] {strides = array<i32>} : memref<8192xf32, #tpu.memory_space<vmem>>, vector<16xf32>,
      %get3A_1399 = vector.shape_cast %get3A_1398 : vector<16xf32> to vector<16xf32>
      %mul3A_1400 = arith.mulf %get3A_61, %get3A_1399 : vector<16xf32>
      %add3A_1401 = arith.addf %mul3A_1391, %mul3A_1400 : vector<16xf32>
      %get3A_1402 = arith.constant 5952 : index
      %get3A_1403 = tpu.vector_load %arg10[%get3A_1402] {strides = array<i32>} : memref<8192xf32, #tpu.memory_space<vmem>>, vector<16xf32>,
      %get3A_1404 = vector.shape_cast %get3A_1403 : vector<16xf32> to vector<16xf32>
      %mul3A_1405 = arith.mulf %get3A_66, %get3A_1404 : vector<16xf32>
      %add3A_1406 = arith.addf %add3A_1396, %mul3A_1405 : vector<16xf32>
      %get3A_1407 = arith.constant 5968 : index
      %get3A_1408 = tpu.vector_load %arg10[%get3A_1407] {strides = array<i32>} : memref<8192xf32, #tpu.memory_space<vmem>>, vector<16xf32>,
      %get3A_1409 = vector.shape_cast %get3A_1408 : vector<16xf32> to vector<16xf32>
      %mul3A_1410 = arith.mulf %get3A_71, %get3A_1409 : vector<16xf32>
      %add3A_1411 = arith.addf %add3A_1401, %mul3A_1410 : vector<16xf32>
      %get3A_1412 = arith.constant 5984 : index
      %get3A_1413 = tpu.vector_load %arg10[%get3A_1412] {strides = array<i32>} : memref<8192xf32, #tpu.memory_space<vmem>>, vector<16xf32>,
      %get3A_1414 = vector.shape_cast %get3A_1413 : vector<16xf32> to vector<16xf32>
      %mul3A_1415 = arith.mulf %get3A_76, %get3A_1414 : vector<16xf32>
      %add3A_1416 = arith.addf %add3A_1406, %mul3A_1415 : vector<16xf32>
      %get3A_1417 = arith.constant 6000 : index
      %get3A_1418 = tpu.vector_load %arg10[%get3A_1417] {strides = array<i32>} : memref<8192xf32, #tpu.memory_space<vmem>>, vector<16xf32>,
      %get3A_1419 = vector.shape_cast %get3A_1418 : vector<16xf32> to vector<16xf32>
      %mul3A_1420 = arith.mulf %get3A_81, %get3A_1419 : vector<16xf32>
      %add3A_1421 = arith.addf %add3A_1411, %mul3A_1420 : vector<16xf32>
      %get3A_1422 = arith.constant 6016 : index
      %get3A_1423 = tpu.vector_load %arg10[%get3A_1422] {strides = array<i32>} : memref<8192xf32, #tpu.memory_space<vmem>>, vector<16xf32>,
      %get3A_1424 = vector.shape_cast %get3A_1423 : vector<16xf32> to vector<16xf32>
      %mul3A_1425 = arith.mulf %get3A_86, %get3A_1424 : vector<16xf32>
      %add3A_1426 = arith.addf %add3A_1416, %mul3A_1425 : vector<16xf32>
      %get3A_1427 = arith.constant 6032 : index
      %get3A_1428 = tpu.vector_load %arg10[%get3A_1427] {strides = array<i32>} : memref<8192xf32, #tpu.memory_space<vmem>>, vector<16xf32>,
      %get3A_1429 = vector.shape_cast %get3A_1428 : vector<16xf32> to vector<16xf32>
      %mul3A_1430 = arith.mulf %get3A_91, %get3A_1429 : vector<16xf32>
      %add3A_1431 = arith.addf %add3A_1421, %mul3A_1430 : vector<16xf32>
      %get3A_1432 = arith.constant 6048 : index
      %get3A_1433 = tpu.vector_load %arg10[%get3A_1432] {strides = array<i32>} : memref<8192xf32, #tpu.memory_space<vmem>>, vector<16xf32>,
      %get3A_1434 = vector.shape_cast %get3A_1433 : vector<16xf32> to vector<16xf32>
      %mul3A_1435 = arith.mulf %get3A_96, %get3A_1434 : vector<16xf32>
      %add3A_1436 = arith.addf %add3A_1426, %mul3A_1435 : vector<16xf32>
      %get3A_1437 = arith.constant 6064 : index
      %get3A_1438 = tpu.vector_load %arg10[%get3A_1437] {strides = array<i32>} : memref<8192xf32, #tpu.memory_space<vmem>>, vector<16xf32>,
      %get3A_1439 = vector.shape_cast %get3A_1438 : vector<16xf32> to vector<16xf32>
      %mul3A_1440 = arith.mulf %get3A_101, %get3A_1439 : vector<16xf32>
      %add3A_1441 = arith.addf %add3A_1431, %mul3A_1440 : vector<16xf32>
      %get3A_1442 = arith.constant 6080 : index
      %get3A_1443 = tpu.vector_load %arg10[%get3A_1442] {strides = array<i32>} : memref<8192xf32, #tpu.memory_space<vmem>>, vector<16xf32>,
      %get3A_1444 = vector.shape_cast %get3A_1443 : vector<16xf32> to vector<16xf32>
      %mul3A_1445 = arith.mulf %get3A_106, %get3A_1444 : vector<16xf32>
      %add3A_1446 = arith.addf %add3A_1436, %mul3A_1445 : vector<16xf32>
      %get3A_1447 = arith.constant 6096 : index
      %get3A_1448 = tpu.vector_load %arg10[%get3A_1447] {strides = array<i32>} : memref<8192xf32, #tpu.memory_space<vmem>>, vector<16xf32>,
      %get3A_1449 = vector.shape_cast %get3A_1448 : vector<16xf32> to vector<16xf32>
      %mul3A_1450 = arith.mulf %get3A_111, %get3A_1449 : vector<16xf32>
      %add3A_1451 = arith.addf %add3A_1441, %mul3A_1450 : vector<16xf32>
      %get3A_1452 = arith.constant 6112 : index
      %get3A_1453 = tpu.vector_load %arg10[%get3A_1452] {strides = array<i32>} : memref<8192xf32, #tpu.memory_space<vmem>>, vector<16xf32>,
      %get3A_1454 = vector.shape_cast %get3A_1453 : vector<16xf32> to vector<16xf32>
      %mul3A_1455 = arith.mulf %get3A_116, %get3A_1454 : vector<16xf32>
      %add3A_1456 = arith.addf %add3A_1446, %mul3A_1455 : vector<16xf32>
      %get3A_1457 = arith.constant 6128 : index
      %get3A_1458 = tpu.vector_load %arg10[%get3A_1457] {strides = array<i32>} : memref<8192xf32, #tpu.memory_space<vmem>>, vector<16xf32>,
      %get3A_1459 = vector.shape_cast %get3A_1458 : vector<16xf32> to vector<16xf32>
      %mul3A_1460 = arith.mulf %get3A_121, %get3A_1459 : vector<16xf32>
      %add3A_1461 = arith.addf %add3A_1451, %mul3A_1460 : vector<16xf32>
      %add3A_1462 = arith.addf %add3A_1456, %add3A_1461 : vector<16xf32>
      %mul3A_1463 = arith.mulf %add3A_1462, %get3A_1302 : vector<16xf32>
      %add3A_1464 = arith.addf %add3A_1130, %mul3A_1463 : vector<16xf32>
      %get3A_1465 = arith.constant 8 : i32
      %get3A_1466 = arith.index_cast %get3A_1465 : i32 to index
      %get3A_1467 = arith.index_cast %mul3A_41 : i32 to index
      %get3A_1468 = tpu.vector_load %arg9[%get3A_1466, %get3A_1467] {strides = array<i32>} : memref<16x512xf32, #tpu.memory_space<vmem>>, vector<1x16xf32>,
      %get3A_1469 = vector.shape_cast %get3A_1468 : vector<1x16xf32> to vector<16xf32>
      %get3A_1470 = arith.constant 2048 : index
      %get3A_1471 = tpu.vector_load %arg10[%get3A_1470] {strides = array<i32>} : memref<8192xf32, #tpu.memory_space<vmem>>, vector<16xf32>,
      %get3A_1472 = vector.shape_cast %get3A_1471 : vector<16xf32> to vector<16xf32>
      %mul3A_1473 = arith.mulf %get3A_46, %get3A_1472 : vector<16xf32>
      %get3A_1474 = arith.constant 2064 : index
      %get3A_1475 = tpu.vector_load %arg10[%get3A_1474] {strides = array<i32>} : memref<8192xf32, #tpu.memory_space<vmem>>, vector<16xf32>,
      %get3A_1476 = vector.shape_cast %get3A_1475 : vector<16xf32> to vector<16xf32>
      %mul3A_1477 = arith.mulf %get3A_51, %get3A_1476 : vector<16xf32>
      %get3A_1478 = arith.constant 2080 : index
      %get3A_1479 = tpu.vector_load %arg10[%get3A_1478] {strides = array<i32>} : memref<8192xf32, #tpu.memory_space<vmem>>, vector<16xf32>,
      %get3A_1480 = vector.shape_cast %get3A_1479 : vector<16xf32> to vector<16xf32>
      %mul3A_1481 = arith.mulf %get3A_56, %get3A_1480 : vector<16xf32>
      %add3A_1482 = arith.addf %mul3A_1473, %mul3A_1481 : vector<16xf32>
      %get3A_1483 = arith.constant 2096 : index
      %get3A_1484 = tpu.vector_load %arg10[%get3A_1483] {strides = array<i32>} : memref<8192xf32, #tpu.memory_space<vmem>>, vector<16xf32>,
      %get3A_1485 = vector.shape_cast %get3A_1484 : vector<16xf32> to vector<16xf32>
      %mul3A_1486 = arith.mulf %get3A_61, %get3A_1485 : vector<16xf32>
      %add3A_1487 = arith.addf %mul3A_1477, %mul3A_1486 : vector<16xf32>
      %get3A_1488 = arith.constant 2112 : index
      %get3A_1489 = tpu.vector_load %arg10[%get3A_1488] {strides = array<i32>} : memref<8192xf32, #tpu.memory_space<vmem>>, vector<16xf32>,
      %get3A_1490 = vector.shape_cast %get3A_1489 : vector<16xf32> to vector<16xf32>
      %mul3A_1491 = arith.mulf %get3A_66, %get3A_1490 : vector<16xf32>
      %add3A_1492 = arith.addf %add3A_1482, %mul3A_1491 : vector<16xf32>
      %get3A_1493 = arith.constant 2128 : index
      %get3A_1494 = tpu.vector_load %arg10[%get3A_1493] {strides = array<i32>} : memref<8192xf32, #tpu.memory_space<vmem>>, vector<16xf32>,
      %get3A_1495 = vector.shape_cast %get3A_1494 : vector<16xf32> to vector<16xf32>
      %mul3A_1496 = arith.mulf %get3A_71, %get3A_1495 : vector<16xf32>
      %add3A_1497 = arith.addf %add3A_1487, %mul3A_1496 : vector<16xf32>
      %get3A_1498 = arith.constant 2144 : index
      %get3A_1499 = tpu.vector_load %arg10[%get3A_1498] {strides = array<i32>} : memref<8192xf32, #tpu.memory_space<vmem>>, vector<16xf32>,
      %get3A_1500 = vector.shape_cast %get3A_1499 : vector<16xf32> to vector<16xf32>
      %mul3A_1501 = arith.mulf %get3A_76, %get3A_1500 : vector<16xf32>
      %add3A_1502 = arith.addf %add3A_1492, %mul3A_1501 : vector<16xf32>
      %get3A_1503 = arith.constant 2160 : index
      %get3A_1504 = tpu.vector_load %arg10[%get3A_1503] {strides = array<i32>} : memref<8192xf32, #tpu.memory_space<vmem>>, vector<16xf32>,
      %get3A_1505 = vector.shape_cast %get3A_1504 : vector<16xf32> to vector<16xf32>
      %mul3A_1506 = arith.mulf %get3A_81, %get3A_1505 : vector<16xf32>
      %add3A_1507 = arith.addf %add3A_1497, %mul3A_1506 : vector<16xf32>
      %get3A_1508 = arith.constant 2176 : index
      %get3A_1509 = tpu.vector_load %arg10[%get3A_1508] {strides = array<i32>} : memref<8192xf32, #tpu.memory_space<vmem>>, vector<16xf32>,
      %get3A_1510 = vector.shape_cast %get3A_1509 : vector<16xf32> to vector<16xf32>
      %mul3A_1511 = arith.mulf %get3A_86, %get3A_1510 : vector<16xf32>
      %add3A_1512 = arith.addf %add3A_1502, %mul3A_1511 : vector<16xf32>
      %get3A_1513 = arith.constant 2192 : index
      %get3A_1514 = tpu.vector_load %arg10[%get3A_1513] {strides = array<i32>} : memref<8192xf32, #tpu.memory_space<vmem>>, vector<16xf32>,
      %get3A_1515 = vector.shape_cast %get3A_1514 : vector<16xf32> to vector<16xf32>
      %mul3A_1516 = arith.mulf %get3A_91, %get3A_1515 : vector<16xf32>
      %add3A_1517 = arith.addf %add3A_1507, %mul3A_1516 : vector<16xf32>
      %get3A_1518 = arith.constant 2208 : index
      %get3A_1519 = tpu.vector_load %arg10[%get3A_1518] {strides = array<i32>} : memref<8192xf32, #tpu.memory_space<vmem>>, vector<16xf32>,
      %get3A_1520 = vector.shape_cast %get3A_1519 : vector<16xf32> to vector<16xf32>
      %mul3A_1521 = arith.mulf %get3A_96, %get3A_1520 : vector<16xf32>
      %add3A_1522 = arith.addf %add3A_1512, %mul3A_1521 : vector<16xf32>
      %get3A_1523 = arith.constant 2224 : index
      %get3A_1524 = tpu.vector_load %arg10[%get3A_1523] {strides = array<i32>} : memref<8192xf32, #tpu.memory_space<vmem>>, vector<16xf32>,
      %get3A_1525 = vector.shape_cast %get3A_1524 : vector<16xf32> to vector<16xf32>
      %mul3A_1526 = arith.mulf %get3A_101, %get3A_1525 : vector<16xf32>
      %add3A_1527 = arith.addf %add3A_1517, %mul3A_1526 : vector<16xf32>
      %get3A_1528 = arith.constant 2240 : index
      %get3A_1529 = tpu.vector_load %arg10[%get3A_1528] {strides = array<i32>} : memref<8192xf32, #tpu.memory_space<vmem>>, vector<16xf32>,
      %get3A_1530 = vector.shape_cast %get3A_1529 : vector<16xf32> to vector<16xf32>
      %mul3A_1531 = arith.mulf %get3A_106, %get3A_1530 : vector<16xf32>
      %add3A_1532 = arith.addf %add3A_1522, %mul3A_1531 : vector<16xf32>
      %get3A_1533 = arith.constant 2256 : index
      %get3A_1534 = tpu.vector_load %arg10[%get3A_1533] {strides = array<i32>} : memref<8192xf32, #tpu.memory_space<vmem>>, vector<16xf32>,
      %get3A_1535 = vector.shape_cast %get3A_1534 : vector<16xf32> to vector<16xf32>
      %mul3A_1536 = arith.mulf %get3A_111, %get3A_1535 : vector<16xf32>
      %add3A_1537 = arith.addf %add3A_1527, %mul3A_1536 : vector<16xf32>
      %get3A_1538 = arith.constant 2272 : index
      %get3A_1539 = tpu.vector_load %arg10[%get3A_1538] {strides = array<i32>} : memref<8192xf32, #tpu.memory_space<vmem>>, vector<16xf32>,
      %get3A_1540 = vector.shape_cast %get3A_1539 : vector<16xf32> to vector<16xf32>
      %mul3A_1541 = arith.mulf %get3A_116, %get3A_1540 : vector<16xf32>
      %add3A_1542 = arith.addf %add3A_1532, %mul3A_1541 : vector<16xf32>
      %get3A_1543 = arith.constant 2288 : index
      %get3A_1544 = tpu.vector_load %arg10[%get3A_1543] {strides = array<i32>} : memref<8192xf32, #tpu.memory_space<vmem>>, vector<16xf32>,
      %get3A_1545 = vector.shape_cast %get3A_1544 : vector<16xf32> to vector<16xf32>
      %mul3A_1546 = arith.mulf %get3A_121, %get3A_1545 : vector<16xf32>
      %add3A_1547 = arith.addf %add3A_1537, %mul3A_1546 : vector<16xf32>
      %add3A_1548 = arith.addf %add3A_1542, %add3A_1547 : vector<16xf32>
      %mul3A_1549 = arith.mulf %add3A_1548, %get3A_1469 : vector<16xf32>
      %add3A_1550 = arith.addf %add3A_1216, %mul3A_1549 : vector<16xf32>
      %get3A_1551 = arith.constant 6144 : index
      %get3A_1552 = tpu.vector_load %arg10[%get3A_1551] {strides = array<i32>} : memref<8192xf32, #tpu.memory_space<vmem>>, vector<16xf32>,
      %get3A_1553 = vector.shape_cast %get3A_1552 : vector<16xf32> to vector<16xf32>
      %mul3A_1554 = arith.mulf %get3A_46, %get3A_1553 : vector<16xf32>
      %get3A_1555 = arith.constant 6160 : index
      %get3A_1556 = tpu.vector_load %arg10[%get3A_1555] {strides = array<i32>} : memref<8192xf32, #tpu.memory_space<vmem>>, vector<16xf32>,
      %get3A_1557 = vector.shape_cast %get3A_1556 : vector<16xf32> to vector<16xf32>
      %mul3A_1558 = arith.mulf %get3A_51, %get3A_1557 : vector<16xf32>
      %get3A_1559 = arith.constant 6176 : index
      %get3A_1560 = tpu.vector_load %arg10[%get3A_1559] {strides = array<i32>} : memref<8192xf32, #tpu.memory_space<vmem>>, vector<16xf32>,
      %get3A_1561 = vector.shape_cast %get3A_1560 : vector<16xf32> to vector<16xf32>
      %mul3A_1562 = arith.mulf %get3A_56, %get3A_1561 : vector<16xf32>
      %add3A_1563 = arith.addf %mul3A_1554, %mul3A_1562 : vector<16xf32>
      %get3A_1564 = arith.constant 6192 : index
      %get3A_1565 = tpu.vector_load %arg10[%get3A_1564] {strides = array<i32>} : memref<8192xf32, #tpu.memory_space<vmem>>, vector<16xf32>,
      %get3A_1566 = vector.shape_cast %get3A_1565 : vector<16xf32> to vector<16xf32>
      %mul3A_1567 = arith.mulf %get3A_61, %get3A_1566 : vector<16xf32>
      %add3A_1568 = arith.addf %mul3A_1558, %mul3A_1567 : vector<16xf32>
      %get3A_1569 = arith.constant 6208 : index
      %get3A_1570 = tpu.vector_load %arg10[%get3A_1569] {strides = array<i32>} : memref<8192xf32, #tpu.memory_space<vmem>>, vector<16xf32>,
      %get3A_1571 = vector.shape_cast %get3A_1570 : vector<16xf32> to vector<16xf32>
      %mul3A_1572 = arith.mulf %get3A_66, %get3A_1571 : vector<16xf32>
      %add3A_1573 = arith.addf %add3A_1563, %mul3A_1572 : vector<16xf32>
      %get3A_1574 = arith.constant 6224 : index
      %get3A_1575 = tpu.vector_load %arg10[%get3A_1574] {strides = array<i32>} : memref<8192xf32, #tpu.memory_space<vmem>>, vector<16xf32>,
      %get3A_1576 = vector.shape_cast %get3A_1575 : vector<16xf32> to vector<16xf32>
      %mul3A_1577 = arith.mulf %get3A_71, %get3A_1576 : vector<16xf32>
      %add3A_1578 = arith.addf %add3A_1568, %mul3A_1577 : vector<16xf32>
      %get3A_1579 = arith.constant 6240 : index
      %get3A_1580 = tpu.vector_load %arg10[%get3A_1579] {strides = array<i32>} : memref<8192xf32, #tpu.memory_space<vmem>>, vector<16xf32>,
      %get3A_1581 = vector.shape_cast %get3A_1580 : vector<16xf32> to vector<16xf32>
      %mul3A_1582 = arith.mulf %get3A_76, %get3A_1581 : vector<16xf32>
      %add3A_1583 = arith.addf %add3A_1573, %mul3A_1582 : vector<16xf32>
      %get3A_1584 = arith.constant 6256 : index
      %get3A_1585 = tpu.vector_load %arg10[%get3A_1584] {strides = array<i32>} : memref<8192xf32, #tpu.memory_space<vmem>>, vector<16xf32>,
      %get3A_1586 = vector.shape_cast %get3A_1585 : vector<16xf32> to vector<16xf32>
      %mul3A_1587 = arith.mulf %get3A_81, %get3A_1586 : vector<16xf32>
      %add3A_1588 = arith.addf %add3A_1578, %mul3A_1587 : vector<16xf32>
      %get3A_1589 = arith.constant 6272 : index
      %get3A_1590 = tpu.vector_load %arg10[%get3A_1589] {strides = array<i32>} : memref<8192xf32, #tpu.memory_space<vmem>>, vector<16xf32>,
      %get3A_1591 = vector.shape_cast %get3A_1590 : vector<16xf32> to vector<16xf32>
      %mul3A_1592 = arith.mulf %get3A_86, %get3A_1591 : vector<16xf32>
      %add3A_1593 = arith.addf %add3A_1583, %mul3A_1592 : vector<16xf32>
      %get3A_1594 = arith.constant 6288 : index
      %get3A_1595 = tpu.vector_load %arg10[%get3A_1594] {strides = array<i32>} : memref<8192xf32, #tpu.memory_space<vmem>>, vector<16xf32>,
      %get3A_1596 = vector.shape_cast %get3A_1595 : vector<16xf32> to vector<16xf32>
      %mul3A_1597 = arith.mulf %get3A_91, %get3A_1596 : vector<16xf32>
      %add3A_1598 = arith.addf %add3A_1588, %mul3A_1597 : vector<16xf32>
      %get3A_1599 = arith.constant 6304 : index
      %get3A_1600 = tpu.vector_load %arg10[%get3A_1599] {strides = array<i32>} : memref<8192xf32, #tpu.memory_space<vmem>>, vector<16xf32>,
      %get3A_1601 = vector.shape_cast %get3A_1600 : vector<16xf32> to vector<16xf32>
      %mul3A_1602 = arith.mulf %get3A_96, %get3A_1601 : vector<16xf32>
      %add3A_1603 = arith.addf %add3A_1593, %mul3A_1602 : vector<16xf32>
      %get3A_1604 = arith.constant 6320 : index
      %get3A_1605 = tpu.vector_load %arg10[%get3A_1604] {strides = array<i32>} : memref<8192xf32, #tpu.memory_space<vmem>>, vector<16xf32>,
      %get3A_1606 = vector.shape_cast %get3A_1605 : vector<16xf32> to vector<16xf32>
      %mul3A_1607 = arith.mulf %get3A_101, %get3A_1606 : vector<16xf32>
      %add3A_1608 = arith.addf %add3A_1598, %mul3A_1607 : vector<16xf32>
      %get3A_1609 = arith.constant 6336 : index
      %get3A_1610 = tpu.vector_load %arg10[%get3A_1609] {strides = array<i32>} : memref<8192xf32, #tpu.memory_space<vmem>>, vector<16xf32>,
      %get3A_1611 = vector.shape_cast %get3A_1610 : vector<16xf32> to vector<16xf32>
      %mul3A_1612 = arith.mulf %get3A_106, %get3A_1611 : vector<16xf32>
      %add3A_1613 = arith.addf %add3A_1603, %mul3A_1612 : vector<16xf32>
      %get3A_1614 = arith.constant 6352 : index
      %get3A_1615 = tpu.vector_load %arg10[%get3A_1614] {strides = array<i32>} : memref<8192xf32, #tpu.memory_space<vmem>>, vector<16xf32>,
      %get3A_1616 = vector.shape_cast %get3A_1615 : vector<16xf32> to vector<16xf32>
      %mul3A_1617 = arith.mulf %get3A_111, %get3A_1616 : vector<16xf32>
      %add3A_1618 = arith.addf %add3A_1608, %mul3A_1617 : vector<16xf32>
      %get3A_1619 = arith.constant 6368 : index
      %get3A_1620 = tpu.vector_load %arg10[%get3A_1619] {strides = array<i32>} : memref<8192xf32, #tpu.memory_space<vmem>>, vector<16xf32>,
      %get3A_1621 = vector.shape_cast %get3A_1620 : vector<16xf32> to vector<16xf32>
      %mul3A_1622 = arith.mulf %get3A_116, %get3A_1621 : vector<16xf32>
      %add3A_1623 = arith.addf %add3A_1613, %mul3A_1622 : vector<16xf32>
      %get3A_1624 = arith.constant 6384 : index
      %get3A_1625 = tpu.vector_load %arg10[%get3A_1624] {strides = array<i32>} : memref<8192xf32, #tpu.memory_space<vmem>>, vector<16xf32>,
      %get3A_1626 = vector.shape_cast %get3A_1625 : vector<16xf32> to vector<16xf32>
      %mul3A_1627 = arith.mulf %get3A_121, %get3A_1626 : vector<16xf32>
      %add3A_1628 = arith.addf %add3A_1618, %mul3A_1627 : vector<16xf32>
      %add3A_1629 = arith.addf %add3A_1623, %add3A_1628 : vector<16xf32>
      %mul3A_1630 = arith.mulf %add3A_1629, %get3A_1469 : vector<16xf32>
      %add3A_1631 = arith.addf %add3A_1297, %mul3A_1630 : vector<16xf32>
      %get3A_1632 = arith.constant 9 : i32
      %get3A_1633 = arith.index_cast %get3A_1632 : i32 to index
      %get3A_1634 = arith.index_cast %mul3A_41 : i32 to index
      %get3A_1635 = tpu.vector_load %arg9[%get3A_1633, %get3A_1634] {strides = array<i32>} : memref<16x512xf32, #tpu.memory_space<vmem>>, vector<1x16xf32>,
      %get3A_1636 = vector.shape_cast %get3A_1635 : vector<1x16xf32> to vector<16xf32>
      %get3A_1637 = arith.constant 2304 : index
      %get3A_1638 = tpu.vector_load %arg10[%get3A_1637] {strides = array<i32>} : memref<8192xf32, #tpu.memory_space<vmem>>, vector<16xf32>,
      %get3A_1639 = vector.shape_cast %get3A_1638 : vector<16xf32> to vector<16xf32>
      %mul3A_1640 = arith.mulf %get3A_46, %get3A_1639 : vector<16xf32>
      %get3A_1641 = arith.constant 2320 : index
      %get3A_1642 = tpu.vector_load %arg10[%get3A_1641] {strides = array<i32>} : memref<8192xf32, #tpu.memory_space<vmem>>, vector<16xf32>,
      %get3A_1643 = vector.shape_cast %get3A_1642 : vector<16xf32> to vector<16xf32>
      %mul3A_1644 = arith.mulf %get3A_51, %get3A_1643 : vector<16xf32>
      %get3A_1645 = arith.constant 2336 : index
      %get3A_1646 = tpu.vector_load %arg10[%get3A_1645] {strides = array<i32>} : memref<8192xf32, #tpu.memory_space<vmem>>, vector<16xf32>,
      %get3A_1647 = vector.shape_cast %get3A_1646 : vector<16xf32> to vector<16xf32>
      %mul3A_1648 = arith.mulf %get3A_56, %get3A_1647 : vector<16xf32>
      %add3A_1649 = arith.addf %mul3A_1640, %mul3A_1648 : vector<16xf32>
      %get3A_1650 = arith.constant 2352 : index
      %get3A_1651 = tpu.vector_load %arg10[%get3A_1650] {strides = array<i32>} : memref<8192xf32, #tpu.memory_space<vmem>>, vector<16xf32>,
      %get3A_1652 = vector.shape_cast %get3A_1651 : vector<16xf32> to vector<16xf32>
      %mul3A_1653 = arith.mulf %get3A_61, %get3A_1652 : vector<16xf32>
      %add3A_1654 = arith.addf %mul3A_1644, %mul3A_1653 : vector<16xf32>
      %get3A_1655 = arith.constant 2368 : index
      %get3A_1656 = tpu.vector_load %arg10[%get3A_1655] {strides = array<i32>} : memref<8192xf32, #tpu.memory_space<vmem>>, vector<16xf32>,
      %get3A_1657 = vector.shape_cast %get3A_1656 : vector<16xf32> to vector<16xf32>
      %mul3A_1658 = arith.mulf %get3A_66, %get3A_1657 : vector<16xf32>
      %add3A_1659 = arith.addf %add3A_1649, %mul3A_1658 : vector<16xf32>
      %get3A_1660 = arith.constant 2384 : index
      %get3A_1661 = tpu.vector_load %arg10[%get3A_1660] {strides = array<i32>} : memref<8192xf32, #tpu.memory_space<vmem>>, vector<16xf32>,
      %get3A_1662 = vector.shape_cast %get3A_1661 : vector<16xf32> to vector<16xf32>
      %mul3A_1663 = arith.mulf %get3A_71, %get3A_1662 : vector<16xf32>
      %add3A_1664 = arith.addf %add3A_1654, %mul3A_1663 : vector<16xf32>
      %get3A_1665 = arith.constant 2400 : index
      %get3A_1666 = tpu.vector_load %arg10[%get3A_1665] {strides = array<i32>} : memref<8192xf32, #tpu.memory_space<vmem>>, vector<16xf32>,
      %get3A_1667 = vector.shape_cast %get3A_1666 : vector<16xf32> to vector<16xf32>
      %mul3A_1668 = arith.mulf %get3A_76, %get3A_1667 : vector<16xf32>
      %add3A_1669 = arith.addf %add3A_1659, %mul3A_1668 : vector<16xf32>
      %get3A_1670 = arith.constant 2416 : index
      %get3A_1671 = tpu.vector_load %arg10[%get3A_1670] {strides = array<i32>} : memref<8192xf32, #tpu.memory_space<vmem>>, vector<16xf32>,
      %get3A_1672 = vector.shape_cast %get3A_1671 : vector<16xf32> to vector<16xf32>
      %mul3A_1673 = arith.mulf %get3A_81, %get3A_1672 : vector<16xf32>
      %add3A_1674 = arith.addf %add3A_1664, %mul3A_1673 : vector<16xf32>
      %get3A_1675 = arith.constant 2432 : index
      %get3A_1676 = tpu.vector_load %arg10[%get3A_1675] {strides = array<i32>} : memref<8192xf32, #tpu.memory_space<vmem>>, vector<16xf32>,
      %get3A_1677 = vector.shape_cast %get3A_1676 : vector<16xf32> to vector<16xf32>
      %mul3A_1678 = arith.mulf %get3A_86, %get3A_1677 : vector<16xf32>
      %add3A_1679 = arith.addf %add3A_1669, %mul3A_1678 : vector<16xf32>
      %get3A_1680 = arith.constant 2448 : index
      %get3A_1681 = tpu.vector_load %arg10[%get3A_1680] {strides = array<i32>} : memref<8192xf32, #tpu.memory_space<vmem>>, vector<16xf32>,
      %get3A_1682 = vector.shape_cast %get3A_1681 : vector<16xf32> to vector<16xf32>
      %mul3A_1683 = arith.mulf %get3A_91, %get3A_1682 : vector<16xf32>
      %add3A_1684 = arith.addf %add3A_1674, %mul3A_1683 : vector<16xf32>
      %get3A_1685 = arith.constant 2464 : index
      %get3A_1686 = tpu.vector_load %arg10[%get3A_1685] {strides = array<i32>} : memref<8192xf32, #tpu.memory_space<vmem>>, vector<16xf32>,
      %get3A_1687 = vector.shape_cast %get3A_1686 : vector<16xf32> to vector<16xf32>
      %mul3A_1688 = arith.mulf %get3A_96, %get3A_1687 : vector<16xf32>
      %add3A_1689 = arith.addf %add3A_1679, %mul3A_1688 : vector<16xf32>
      %get3A_1690 = arith.constant 2480 : index
      %get3A_1691 = tpu.vector_load %arg10[%get3A_1690] {strides = array<i32>} : memref<8192xf32, #tpu.memory_space<vmem>>, vector<16xf32>,
      %get3A_1692 = vector.shape_cast %get3A_1691 : vector<16xf32> to vector<16xf32>
      %mul3A_1693 = arith.mulf %get3A_101, %get3A_1692 : vector<16xf32>
      %add3A_1694 = arith.addf %add3A_1684, %mul3A_1693 : vector<16xf32>
      %get3A_1695 = arith.constant 2496 : index
      %get3A_1696 = tpu.vector_load %arg10[%get3A_1695] {strides = array<i32>} : memref<8192xf32, #tpu.memory_space<vmem>>, vector<16xf32>,
      %get3A_1697 = vector.shape_cast %get3A_1696 : vector<16xf32> to vector<16xf32>
      %mul3A_1698 = arith.mulf %get3A_106, %get3A_1697 : vector<16xf32>
      %add3A_1699 = arith.addf %add3A_1689, %mul3A_1698 : vector<16xf32>
      %get3A_1700 = arith.constant 2512 : index
      %get3A_1701 = tpu.vector_load %arg10[%get3A_1700] {strides = array<i32>} : memref<8192xf32, #tpu.memory_space<vmem>>, vector<16xf32>,
      %get3A_1702 = vector.shape_cast %get3A_1701 : vector<16xf32> to vector<16xf32>
      %mul3A_1703 = arith.mulf %get3A_111, %get3A_1702 : vector<16xf32>
      %add3A_1704 = arith.addf %add3A_1694, %mul3A_1703 : vector<16xf32>
      %get3A_1705 = arith.constant 2528 : index
      %get3A_1706 = tpu.vector_load %arg10[%get3A_1705] {strides = array<i32>} : memref<8192xf32, #tpu.memory_space<vmem>>, vector<16xf32>,
      %get3A_1707 = vector.shape_cast %get3A_1706 : vector<16xf32> to vector<16xf32>
      %mul3A_1708 = arith.mulf %get3A_116, %get3A_1707 : vector<16xf32>
      %add3A_1709 = arith.addf %add3A_1699, %mul3A_1708 : vector<16xf32>
      %get3A_1710 = arith.constant 2544 : index
      %get3A_1711 = tpu.vector_load %arg10[%get3A_1710] {strides = array<i32>} : memref<8192xf32, #tpu.memory_space<vmem>>, vector<16xf32>,
      %get3A_1712 = vector.shape_cast %get3A_1711 : vector<16xf32> to vector<16xf32>
      %mul3A_1713 = arith.mulf %get3A_121, %get3A_1712 : vector<16xf32>
      %add3A_1714 = arith.addf %add3A_1704, %mul3A_1713 : vector<16xf32>
      %add3A_1715 = arith.addf %add3A_1709, %add3A_1714 : vector<16xf32>
      %mul3A_1716 = arith.mulf %add3A_1715, %get3A_1636 : vector<16xf32>
      %add3A_1717 = arith.addf %add3A_1383, %mul3A_1716 : vector<16xf32>
      %get3A_1718 = arith.constant 6400 : index
      %get3A_1719 = tpu.vector_load %arg10[%get3A_1718] {strides = array<i32>} : memref<8192xf32, #tpu.memory_space<vmem>>, vector<16xf32>,
      %get3A_1720 = vector.shape_cast %get3A_1719 : vector<16xf32> to vector<16xf32>
      %mul3A_1721 = arith.mulf %get3A_46, %get3A_1720 : vector<16xf32>
      %get3A_1722 = arith.constant 6416 : index
      %get3A_1723 = tpu.vector_load %arg10[%get3A_1722] {strides = array<i32>} : memref<8192xf32, #tpu.memory_space<vmem>>, vector<16xf32>,
      %get3A_1724 = vector.shape_cast %get3A_1723 : vector<16xf32> to vector<16xf32>
      %mul3A_1725 = arith.mulf %get3A_51, %get3A_1724 : vector<16xf32>
      %get3A_1726 = arith.constant 6432 : index
      %get3A_1727 = tpu.vector_load %arg10[%get3A_1726] {strides = array<i32>} : memref<8192xf32, #tpu.memory_space<vmem>>, vector<16xf32>,
      %get3A_1728 = vector.shape_cast %get3A_1727 : vector<16xf32> to vector<16xf32>
      %mul3A_1729 = arith.mulf %get3A_56, %get3A_1728 : vector<16xf32>
      %add3A_1730 = arith.addf %mul3A_1721, %mul3A_1729 : vector<16xf32>
      %get3A_1731 = arith.constant 6448 : index
      %get3A_1732 = tpu.vector_load %arg10[%get3A_1731] {strides = array<i32>} : memref<8192xf32, #tpu.memory_space<vmem>>, vector<16xf32>,
      %get3A_1733 = vector.shape_cast %get3A_1732 : vector<16xf32> to vector<16xf32>
      %mul3A_1734 = arith.mulf %get3A_61, %get3A_1733 : vector<16xf32>
      %add3A_1735 = arith.addf %mul3A_1725, %mul3A_1734 : vector<16xf32>
      %get3A_1736 = arith.constant 6464 : index
      %get3A_1737 = tpu.vector_load %arg10[%get3A_1736] {strides = array<i32>} : memref<8192xf32, #tpu.memory_space<vmem>>, vector<16xf32>,
      %get3A_1738 = vector.shape_cast %get3A_1737 : vector<16xf32> to vector<16xf32>
      %mul3A_1739 = arith.mulf %get3A_66, %get3A_1738 : vector<16xf32>
      %add3A_1740 = arith.addf %add3A_1730, %mul3A_1739 : vector<16xf32>
      %get3A_1741 = arith.constant 6480 : index
      %get3A_1742 = tpu.vector_load %arg10[%get3A_1741] {strides = array<i32>} : memref<8192xf32, #tpu.memory_space<vmem>>, vector<16xf32>,
      %get3A_1743 = vector.shape_cast %get3A_1742 : vector<16xf32> to vector<16xf32>
      %mul3A_1744 = arith.mulf %get3A_71, %get3A_1743 : vector<16xf32>
      %add3A_1745 = arith.addf %add3A_1735, %mul3A_1744 : vector<16xf32>
      %get3A_1746 = arith.constant 6496 : index
      %get3A_1747 = tpu.vector_load %arg10[%get3A_1746] {strides = array<i32>} : memref<8192xf32, #tpu.memory_space<vmem>>, vector<16xf32>,
      %get3A_1748 = vector.shape_cast %get3A_1747 : vector<16xf32> to vector<16xf32>
      %mul3A_1749 = arith.mulf %get3A_76, %get3A_1748 : vector<16xf32>
      %add3A_1750 = arith.addf %add3A_1740, %mul3A_1749 : vector<16xf32>
      %get3A_1751 = arith.constant 6512 : index
      %get3A_1752 = tpu.vector_load %arg10[%get3A_1751] {strides = array<i32>} : memref<8192xf32, #tpu.memory_space<vmem>>, vector<16xf32>,
      %get3A_1753 = vector.shape_cast %get3A_1752 : vector<16xf32> to vector<16xf32>
      %mul3A_1754 = arith.mulf %get3A_81, %get3A_1753 : vector<16xf32>
      %add3A_1755 = arith.addf %add3A_1745, %mul3A_1754 : vector<16xf32>
      %get3A_1756 = arith.constant 6528 : index
      %get3A_1757 = tpu.vector_load %arg10[%get3A_1756] {strides = array<i32>} : memref<8192xf32, #tpu.memory_space<vmem>>, vector<16xf32>,
      %get3A_1758 = vector.shape_cast %get3A_1757 : vector<16xf32> to vector<16xf32>
      %mul3A_1759 = arith.mulf %get3A_86, %get3A_1758 : vector<16xf32>
      %add3A_1760 = arith.addf %add3A_1750, %mul3A_1759 : vector<16xf32>
      %get3A_1761 = arith.constant 6544 : index
      %get3A_1762 = tpu.vector_load %arg10[%get3A_1761] {strides = array<i32>} : memref<8192xf32, #tpu.memory_space<vmem>>, vector<16xf32>,
      %get3A_1763 = vector.shape_cast %get3A_1762 : vector<16xf32> to vector<16xf32>
      %mul3A_1764 = arith.mulf %get3A_91, %get3A_1763 : vector<16xf32>
      %add3A_1765 = arith.addf %add3A_1755, %mul3A_1764 : vector<16xf32>
      %get3A_1766 = arith.constant 6560 : index
      %get3A_1767 = tpu.vector_load %arg10[%get3A_1766] {strides = array<i32>} : memref<8192xf32, #tpu.memory_space<vmem>>, vector<16xf32>,
      %get3A_1768 = vector.shape_cast %get3A_1767 : vector<16xf32> to vector<16xf32>
      %mul3A_1769 = arith.mulf %get3A_96, %get3A_1768 : vector<16xf32>
      %add3A_1770 = arith.addf %add3A_1760, %mul3A_1769 : vector<16xf32>
      %get3A_1771 = arith.constant 6576 : index
      %get3A_1772 = tpu.vector_load %arg10[%get3A_1771] {strides = array<i32>} : memref<8192xf32, #tpu.memory_space<vmem>>, vector<16xf32>,
      %get3A_1773 = vector.shape_cast %get3A_1772 : vector<16xf32> to vector<16xf32>
      %mul3A_1774 = arith.mulf %get3A_101, %get3A_1773 : vector<16xf32>
      %add3A_1775 = arith.addf %add3A_1765, %mul3A_1774 : vector<16xf32>
      %get3A_1776 = arith.constant 6592 : index
      %get3A_1777 = tpu.vector_load %arg10[%get3A_1776] {strides = array<i32>} : memref<8192xf32, #tpu.memory_space<vmem>>, vector<16xf32>,
      %get3A_1778 = vector.shape_cast %get3A_1777 : vector<16xf32> to vector<16xf32>
      %mul3A_1779 = arith.mulf %get3A_106, %get3A_1778 : vector<16xf32>
      %add3A_1780 = arith.addf %add3A_1770, %mul3A_1779 : vector<16xf32>
      %get3A_1781 = arith.constant 6608 : index
      %get3A_1782 = tpu.vector_load %arg10[%get3A_1781] {strides = array<i32>} : memref<8192xf32, #tpu.memory_space<vmem>>, vector<16xf32>,
      %get3A_1783 = vector.shape_cast %get3A_1782 : vector<16xf32> to vector<16xf32>
      %mul3A_1784 = arith.mulf %get3A_111, %get3A_1783 : vector<16xf32>
      %add3A_1785 = arith.addf %add3A_1775, %mul3A_1784 : vector<16xf32>
      %get3A_1786 = arith.constant 6624 : index
      %get3A_1787 = tpu.vector_load %arg10[%get3A_1786] {strides = array<i32>} : memref<8192xf32, #tpu.memory_space<vmem>>, vector<16xf32>,
      %get3A_1788 = vector.shape_cast %get3A_1787 : vector<16xf32> to vector<16xf32>
      %mul3A_1789 = arith.mulf %get3A_116, %get3A_1788 : vector<16xf32>
      %add3A_1790 = arith.addf %add3A_1780, %mul3A_1789 : vector<16xf32>
      %get3A_1791 = arith.constant 6640 : index
      %get3A_1792 = tpu.vector_load %arg10[%get3A_1791] {strides = array<i32>} : memref<8192xf32, #tpu.memory_space<vmem>>, vector<16xf32>,
      %get3A_1793 = vector.shape_cast %get3A_1792 : vector<16xf32> to vector<16xf32>
      %mul3A_1794 = arith.mulf %get3A_121, %get3A_1793 : vector<16xf32>
      %add3A_1795 = arith.addf %add3A_1785, %mul3A_1794 : vector<16xf32>
      %add3A_1796 = arith.addf %add3A_1790, %add3A_1795 : vector<16xf32>
      %mul3A_1797 = arith.mulf %add3A_1796, %get3A_1636 : vector<16xf32>
      %add3A_1798 = arith.addf %add3A_1464, %mul3A_1797 : vector<16xf32>
      %get3A_1799 = arith.constant 10 : i32
      %get3A_1800 = arith.index_cast %get3A_1799 : i32 to index
      %get3A_1801 = arith.index_cast %mul3A_41 : i32 to index
      %get3A_1802 = tpu.vector_load %arg9[%get3A_1800, %get3A_1801] {strides = array<i32>} : memref<16x512xf32, #tpu.memory_space<vmem>>, vector<1x16xf32>,
      %get3A_1803 = vector.shape_cast %get3A_1802 : vector<1x16xf32> to vector<16xf32>
      %get3A_1804 = arith.constant 2560 : index
      %get3A_1805 = tpu.vector_load %arg10[%get3A_1804] {strides = array<i32>} : memref<8192xf32, #tpu.memory_space<vmem>>, vector<16xf32>,
      %get3A_1806 = vector.shape_cast %get3A_1805 : vector<16xf32> to vector<16xf32>
      %mul3A_1807 = arith.mulf %get3A_46, %get3A_1806 : vector<16xf32>
      %get3A_1808 = arith.constant 2576 : index
      %get3A_1809 = tpu.vector_load %arg10[%get3A_1808] {strides = array<i32>} : memref<8192xf32, #tpu.memory_space<vmem>>, vector<16xf32>,
      %get3A_1810 = vector.shape_cast %get3A_1809 : vector<16xf32> to vector<16xf32>
      %mul3A_1811 = arith.mulf %get3A_51, %get3A_1810 : vector<16xf32>
      %get3A_1812 = arith.constant 2592 : index
      %get3A_1813 = tpu.vector_load %arg10[%get3A_1812] {strides = array<i32>} : memref<8192xf32, #tpu.memory_space<vmem>>, vector<16xf32>,
      %get3A_1814 = vector.shape_cast %get3A_1813 : vector<16xf32> to vector<16xf32>
      %mul3A_1815 = arith.mulf %get3A_56, %get3A_1814 : vector<16xf32>
      %add3A_1816 = arith.addf %mul3A_1807, %mul3A_1815 : vector<16xf32>
      %get3A_1817 = arith.constant 2608 : index
      %get3A_1818 = tpu.vector_load %arg10[%get3A_1817] {strides = array<i32>} : memref<8192xf32, #tpu.memory_space<vmem>>, vector<16xf32>,
      %get3A_1819 = vector.shape_cast %get3A_1818 : vector<16xf32> to vector<16xf32>
      %mul3A_1820 = arith.mulf %get3A_61, %get3A_1819 : vector<16xf32>
      %add3A_1821 = arith.addf %mul3A_1811, %mul3A_1820 : vector<16xf32>
      %get3A_1822 = arith.constant 2624 : index
      %get3A_1823 = tpu.vector_load %arg10[%get3A_1822] {strides = array<i32>} : memref<8192xf32, #tpu.memory_space<vmem>>, vector<16xf32>,
      %get3A_1824 = vector.shape_cast %get3A_1823 : vector<16xf32> to vector<16xf32>
      %mul3A_1825 = arith.mulf %get3A_66, %get3A_1824 : vector<16xf32>
      %add3A_1826 = arith.addf %add3A_1816, %mul3A_1825 : vector<16xf32>
      %get3A_1827 = arith.constant 2640 : index
      %get3A_1828 = tpu.vector_load %arg10[%get3A_1827] {strides = array<i32>} : memref<8192xf32, #tpu.memory_space<vmem>>, vector<16xf32>,
      %get3A_1829 = vector.shape_cast %get3A_1828 : vector<16xf32> to vector<16xf32>
      %mul3A_1830 = arith.mulf %get3A_71, %get3A_1829 : vector<16xf32>
      %add3A_1831 = arith.addf %add3A_1821, %mul3A_1830 : vector<16xf32>
      %get3A_1832 = arith.constant 2656 : index
      %get3A_1833 = tpu.vector_load %arg10[%get3A_1832] {strides = array<i32>} : memref<8192xf32, #tpu.memory_space<vmem>>, vector<16xf32>,
      %get3A_1834 = vector.shape_cast %get3A_1833 : vector<16xf32> to vector<16xf32>
      %mul3A_1835 = arith.mulf %get3A_76, %get3A_1834 : vector<16xf32>
      %add3A_1836 = arith.addf %add3A_1826, %mul3A_1835 : vector<16xf32>
      %get3A_1837 = arith.constant 2672 : index
      %get3A_1838 = tpu.vector_load %arg10[%get3A_1837] {strides = array<i32>} : memref<8192xf32, #tpu.memory_space<vmem>>, vector<16xf32>,
      %get3A_1839 = vector.shape_cast %get3A_1838 : vector<16xf32> to vector<16xf32>
      %mul3A_1840 = arith.mulf %get3A_81, %get3A_1839 : vector<16xf32>
      %add3A_1841 = arith.addf %add3A_1831, %mul3A_1840 : vector<16xf32>
      %get3A_1842 = arith.constant 2688 : index
      %get3A_1843 = tpu.vector_load %arg10[%get3A_1842] {strides = array<i32>} : memref<8192xf32, #tpu.memory_space<vmem>>, vector<16xf32>,
      %get3A_1844 = vector.shape_cast %get3A_1843 : vector<16xf32> to vector<16xf32>
      %mul3A_1845 = arith.mulf %get3A_86, %get3A_1844 : vector<16xf32>
      %add3A_1846 = arith.addf %add3A_1836, %mul3A_1845 : vector<16xf32>
      %get3A_1847 = arith.constant 2704 : index
      %get3A_1848 = tpu.vector_load %arg10[%get3A_1847] {strides = array<i32>} : memref<8192xf32, #tpu.memory_space<vmem>>, vector<16xf32>,
      %get3A_1849 = vector.shape_cast %get3A_1848 : vector<16xf32> to vector<16xf32>
      %mul3A_1850 = arith.mulf %get3A_91, %get3A_1849 : vector<16xf32>
      %add3A_1851 = arith.addf %add3A_1841, %mul3A_1850 : vector<16xf32>
      %get3A_1852 = arith.constant 2720 : index
      %get3A_1853 = tpu.vector_load %arg10[%get3A_1852] {strides = array<i32>} : memref<8192xf32, #tpu.memory_space<vmem>>, vector<16xf32>,
      %get3A_1854 = vector.shape_cast %get3A_1853 : vector<16xf32> to vector<16xf32>
      %mul3A_1855 = arith.mulf %get3A_96, %get3A_1854 : vector<16xf32>
      %add3A_1856 = arith.addf %add3A_1846, %mul3A_1855 : vector<16xf32>
      %get3A_1857 = arith.constant 2736 : index
      %get3A_1858 = tpu.vector_load %arg10[%get3A_1857] {strides = array<i32>} : memref<8192xf32, #tpu.memory_space<vmem>>, vector<16xf32>,
      %get3A_1859 = vector.shape_cast %get3A_1858 : vector<16xf32> to vector<16xf32>
      %mul3A_1860 = arith.mulf %get3A_101, %get3A_1859 : vector<16xf32>
      %add3A_1861 = arith.addf %add3A_1851, %mul3A_1860 : vector<16xf32>
      %get3A_1862 = arith.constant 2752 : index
      %get3A_1863 = tpu.vector_load %arg10[%get3A_1862] {strides = array<i32>} : memref<8192xf32, #tpu.memory_space<vmem>>, vector<16xf32>,
      %get3A_1864 = vector.shape_cast %get3A_1863 : vector<16xf32> to vector<16xf32>
      %mul3A_1865 = arith.mulf %get3A_106, %get3A_1864 : vector<16xf32>
      %add3A_1866 = arith.addf %add3A_1856, %mul3A_1865 : vector<16xf32>
      %get3A_1867 = arith.constant 2768 : index
      %get3A_1868 = tpu.vector_load %arg10[%get3A_1867] {strides = array<i32>} : memref<8192xf32, #tpu.memory_space<vmem>>, vector<16xf32>,
      %get3A_1869 = vector.shape_cast %get3A_1868 : vector<16xf32> to vector<16xf32>
      %mul3A_1870 = arith.mulf %get3A_111, %get3A_1869 : vector<16xf32>
      %add3A_1871 = arith.addf %add3A_1861, %mul3A_1870 : vector<16xf32>
      %get3A_1872 = arith.constant 2784 : index
      %get3A_1873 = tpu.vector_load %arg10[%get3A_1872] {strides = array<i32>} : memref<8192xf32, #tpu.memory_space<vmem>>, vector<16xf32>,
      %get3A_1874 = vector.shape_cast %get3A_1873 : vector<16xf32> to vector<16xf32>
      %mul3A_1875 = arith.mulf %get3A_116, %get3A_1874 : vector<16xf32>
      %add3A_1876 = arith.addf %add3A_1866, %mul3A_1875 : vector<16xf32>
      %get3A_1877 = arith.constant 2800 : index
      %get3A_1878 = tpu.vector_load %arg10[%get3A_1877] {strides = array<i32>} : memref<8192xf32, #tpu.memory_space<vmem>>, vector<16xf32>,
      %get3A_1879 = vector.shape_cast %get3A_1878 : vector<16xf32> to vector<16xf32>
      %mul3A_1880 = arith.mulf %get3A_121, %get3A_1879 : vector<16xf32>
      %add3A_1881 = arith.addf %add3A_1871, %mul3A_1880 : vector<16xf32>
      %add3A_1882 = arith.addf %add3A_1876, %add3A_1881 : vector<16xf32>
      %mul3A_1883 = arith.mulf %add3A_1882, %get3A_1803 : vector<16xf32>
      %add3A_1884 = arith.addf %add3A_1550, %mul3A_1883 : vector<16xf32>
      %get3A_1885 = arith.constant 6656 : index
      %get3A_1886 = tpu.vector_load %arg10[%get3A_1885] {strides = array<i32>} : memref<8192xf32, #tpu.memory_space<vmem>>, vector<16xf32>,
      %get3A_1887 = vector.shape_cast %get3A_1886 : vector<16xf32> to vector<16xf32>
      %mul3A_1888 = arith.mulf %get3A_46, %get3A_1887 : vector<16xf32>
      %get3A_1889 = arith.constant 6672 : index
      %get3A_1890 = tpu.vector_load %arg10[%get3A_1889] {strides = array<i32>} : memref<8192xf32, #tpu.memory_space<vmem>>, vector<16xf32>,
      %get3A_1891 = vector.shape_cast %get3A_1890 : vector<16xf32> to vector<16xf32>
      %mul3A_1892 = arith.mulf %get3A_51, %get3A_1891 : vector<16xf32>
      %get3A_1893 = arith.constant 6688 : index
      %get3A_1894 = tpu.vector_load %arg10[%get3A_1893] {strides = array<i32>} : memref<8192xf32, #tpu.memory_space<vmem>>, vector<16xf32>,
      %get3A_1895 = vector.shape_cast %get3A_1894 : vector<16xf32> to vector<16xf32>
      %mul3A_1896 = arith.mulf %get3A_56, %get3A_1895 : vector<16xf32>
      %add3A_1897 = arith.addf %mul3A_1888, %mul3A_1896 : vector<16xf32>
      %get3A_1898 = arith.constant 6704 : index
      %get3A_1899 = tpu.vector_load %arg10[%get3A_1898] {strides = array<i32>} : memref<8192xf32, #tpu.memory_space<vmem>>, vector<16xf32>,
      %get3A_1900 = vector.shape_cast %get3A_1899 : vector<16xf32> to vector<16xf32>
      %mul3A_1901 = arith.mulf %get3A_61, %get3A_1900 : vector<16xf32>
      %add3A_1902 = arith.addf %mul3A_1892, %mul3A_1901 : vector<16xf32>
      %get3A_1903 = arith.constant 6720 : index
      %get3A_1904 = tpu.vector_load %arg10[%get3A_1903] {strides = array<i32>} : memref<8192xf32, #tpu.memory_space<vmem>>, vector<16xf32>,
      %get3A_1905 = vector.shape_cast %get3A_1904 : vector<16xf32> to vector<16xf32>
      %mul3A_1906 = arith.mulf %get3A_66, %get3A_1905 : vector<16xf32>
      %add3A_1907 = arith.addf %add3A_1897, %mul3A_1906 : vector<16xf32>
      %get3A_1908 = arith.constant 6736 : index
      %get3A_1909 = tpu.vector_load %arg10[%get3A_1908] {strides = array<i32>} : memref<8192xf32, #tpu.memory_space<vmem>>, vector<16xf32>,
      %get3A_1910 = vector.shape_cast %get3A_1909 : vector<16xf32> to vector<16xf32>
      %mul3A_1911 = arith.mulf %get3A_71, %get3A_1910 : vector<16xf32>
      %add3A_1912 = arith.addf %add3A_1902, %mul3A_1911 : vector<16xf32>
      %get3A_1913 = arith.constant 6752 : index
      %get3A_1914 = tpu.vector_load %arg10[%get3A_1913] {strides = array<i32>} : memref<8192xf32, #tpu.memory_space<vmem>>, vector<16xf32>,
      %get3A_1915 = vector.shape_cast %get3A_1914 : vector<16xf32> to vector<16xf32>
      %mul3A_1916 = arith.mulf %get3A_76, %get3A_1915 : vector<16xf32>
      %add3A_1917 = arith.addf %add3A_1907, %mul3A_1916 : vector<16xf32>
      %get3A_1918 = arith.constant 6768 : index
      %get3A_1919 = tpu.vector_load %arg10[%get3A_1918] {strides = array<i32>} : memref<8192xf32, #tpu.memory_space<vmem>>, vector<16xf32>,
      %get3A_1920 = vector.shape_cast %get3A_1919 : vector<16xf32> to vector<16xf32>
      %mul3A_1921 = arith.mulf %get3A_81, %get3A_1920 : vector<16xf32>
      %add3A_1922 = arith.addf %add3A_1912, %mul3A_1921 : vector<16xf32>
      %get3A_1923 = arith.constant 6784 : index
      %get3A_1924 = tpu.vector_load %arg10[%get3A_1923] {strides = array<i32>} : memref<8192xf32, #tpu.memory_space<vmem>>, vector<16xf32>,
      %get3A_1925 = vector.shape_cast %get3A_1924 : vector<16xf32> to vector<16xf32>
      %mul3A_1926 = arith.mulf %get3A_86, %get3A_1925 : vector<16xf32>
      %add3A_1927 = arith.addf %add3A_1917, %mul3A_1926 : vector<16xf32>
      %get3A_1928 = arith.constant 6800 : index
      %get3A_1929 = tpu.vector_load %arg10[%get3A_1928] {strides = array<i32>} : memref<8192xf32, #tpu.memory_space<vmem>>, vector<16xf32>,
      %get3A_1930 = vector.shape_cast %get3A_1929 : vector<16xf32> to vector<16xf32>
      %mul3A_1931 = arith.mulf %get3A_91, %get3A_1930 : vector<16xf32>
      %add3A_1932 = arith.addf %add3A_1922, %mul3A_1931 : vector<16xf32>
      %get3A_1933 = arith.constant 6816 : index
      %get3A_1934 = tpu.vector_load %arg10[%get3A_1933] {strides = array<i32>} : memref<8192xf32, #tpu.memory_space<vmem>>, vector<16xf32>,
      %get3A_1935 = vector.shape_cast %get3A_1934 : vector<16xf32> to vector<16xf32>
      %mul3A_1936 = arith.mulf %get3A_96, %get3A_1935 : vector<16xf32>
      %add3A_1937 = arith.addf %add3A_1927, %mul3A_1936 : vector<16xf32>
      %get3A_1938 = arith.constant 6832 : index
      %get3A_1939 = tpu.vector_load %arg10[%get3A_1938] {strides = array<i32>} : memref<8192xf32, #tpu.memory_space<vmem>>, vector<16xf32>,
      %get3A_1940 = vector.shape_cast %get3A_1939 : vector<16xf32> to vector<16xf32>
      %mul3A_1941 = arith.mulf %get3A_101, %get3A_1940 : vector<16xf32>
      %add3A_1942 = arith.addf %add3A_1932, %mul3A_1941 : vector<16xf32>
      %get3A_1943 = arith.constant 6848 : index
      %get3A_1944 = tpu.vector_load %arg10[%get3A_1943] {strides = array<i32>} : memref<8192xf32, #tpu.memory_space<vmem>>, vector<16xf32>,
      %get3A_1945 = vector.shape_cast %get3A_1944 : vector<16xf32> to vector<16xf32>
      %mul3A_1946 = arith.mulf %get3A_106, %get3A_1945 : vector<16xf32>
      %add3A_1947 = arith.addf %add3A_1937, %mul3A_1946 : vector<16xf32>
      %get3A_1948 = arith.constant 6864 : index
      %get3A_1949 = tpu.vector_load %arg10[%get3A_1948] {strides = array<i32>} : memref<8192xf32, #tpu.memory_space<vmem>>, vector<16xf32>,
      %get3A_1950 = vector.shape_cast %get3A_1949 : vector<16xf32> to vector<16xf32>
      %mul3A_1951 = arith.mulf %get3A_111, %get3A_1950 : vector<16xf32>
      %add3A_1952 = arith.addf %add3A_1942, %mul3A_1951 : vector<16xf32>
      %get3A_1953 = arith.constant 6880 : index
      %get3A_1954 = tpu.vector_load %arg10[%get3A_1953] {strides = array<i32>} : memref<8192xf32, #tpu.memory_space<vmem>>, vector<16xf32>,
      %get3A_1955 = vector.shape_cast %get3A_1954 : vector<16xf32> to vector<16xf32>
      %mul3A_1956 = arith.mulf %get3A_116, %get3A_1955 : vector<16xf32>
      %add3A_1957 = arith.addf %add3A_1947, %mul3A_1956 : vector<16xf32>
      %get3A_1958 = arith.constant 6896 : index
      %get3A_1959 = tpu.vector_load %arg10[%get3A_1958] {strides = array<i32>} : memref<8192xf32, #tpu.memory_space<vmem>>, vector<16xf32>,
      %get3A_1960 = vector.shape_cast %get3A_1959 : vector<16xf32> to vector<16xf32>
      %mul3A_1961 = arith.mulf %get3A_121, %get3A_1960 : vector<16xf32>
      %add3A_1962 = arith.addf %add3A_1952, %mul3A_1961 : vector<16xf32>
      %add3A_1963 = arith.addf %add3A_1957, %add3A_1962 : vector<16xf32>
      %mul3A_1964 = arith.mulf %add3A_1963, %get3A_1803 : vector<16xf32>
      %add3A_1965 = arith.addf %add3A_1631, %mul3A_1964 : vector<16xf32>
      %get3A_1966 = arith.constant 11 : i32
      %get3A_1967 = arith.index_cast %get3A_1966 : i32 to index
      %get3A_1968 = arith.index_cast %mul3A_41 : i32 to index
      %get3A_1969 = tpu.vector_load %arg9[%get3A_1967, %get3A_1968] {strides = array<i32>} : memref<16x512xf32, #tpu.memory_space<vmem>>, vector<1x16xf32>,
      %get3A_1970 = vector.shape_cast %get3A_1969 : vector<1x16xf32> to vector<16xf32>
      %get3A_1971 = arith.constant 2816 : index
      %get3A_1972 = tpu.vector_load %arg10[%get3A_1971] {strides = array<i32>} : memref<8192xf32, #tpu.memory_space<vmem>>, vector<16xf32>,
      %get3A_1973 = vector.shape_cast %get3A_1972 : vector<16xf32> to vector<16xf32>
      %mul3A_1974 = arith.mulf %get3A_46, %get3A_1973 : vector<16xf32>
      %get3A_1975 = arith.constant 2832 : index
      %get3A_1976 = tpu.vector_load %arg10[%get3A_1975] {strides = array<i32>} : memref<8192xf32, #tpu.memory_space<vmem>>, vector<16xf32>,
      %get3A_1977 = vector.shape_cast %get3A_1976 : vector<16xf32> to vector<16xf32>
      %mul3A_1978 = arith.mulf %get3A_51, %get3A_1977 : vector<16xf32>
      %get3A_1979 = arith.constant 2848 : index
      %get3A_1980 = tpu.vector_load %arg10[%get3A_1979] {strides = array<i32>} : memref<8192xf32, #tpu.memory_space<vmem>>, vector<16xf32>,
      %get3A_1981 = vector.shape_cast %get3A_1980 : vector<16xf32> to vector<16xf32>
      %mul3A_1982 = arith.mulf %get3A_56, %get3A_1981 : vector<16xf32>
      %add3A_1983 = arith.addf %mul3A_1974, %mul3A_1982 : vector<16xf32>
      %get3A_1984 = arith.constant 2864 : index
      %get3A_1985 = tpu.vector_load %arg10[%get3A_1984] {strides = array<i32>} : memref<8192xf32, #tpu.memory_space<vmem>>, vector<16xf32>,
      %get3A_1986 = vector.shape_cast %get3A_1985 : vector<16xf32> to vector<16xf32>
      %mul3A_1987 = arith.mulf %get3A_61, %get3A_1986 : vector<16xf32>
      %add3A_1988 = arith.addf %mul3A_1978, %mul3A_1987 : vector<16xf32>
      %get3A_1989 = arith.constant 2880 : index
      %get3A_1990 = tpu.vector_load %arg10[%get3A_1989] {strides = array<i32>} : memref<8192xf32, #tpu.memory_space<vmem>>, vector<16xf32>,
      %get3A_1991 = vector.shape_cast %get3A_1990 : vector<16xf32> to vector<16xf32>
      %mul3A_1992 = arith.mulf %get3A_66, %get3A_1991 : vector<16xf32>
      %add3A_1993 = arith.addf %add3A_1983, %mul3A_1992 : vector<16xf32>
      %get3A_1994 = arith.constant 2896 : index
      %get3A_1995 = tpu.vector_load %arg10[%get3A_1994] {strides = array<i32>} : memref<8192xf32, #tpu.memory_space<vmem>>, vector<16xf32>,
      %get3A_1996 = vector.shape_cast %get3A_1995 : vector<16xf32> to vector<16xf32>
      %mul3A_1997 = arith.mulf %get3A_71, %get3A_1996 : vector<16xf32>
      %add3A_1998 = arith.addf %add3A_1988, %mul3A_1997 : vector<16xf32>
      %get3A_1999 = arith.constant 2912 : index
      %get3A_2000 = tpu.vector_load %arg10[%get3A_1999] {strides = array<i32>} : memref<8192xf32, #tpu.memory_space<vmem>>, vector<16xf32>,
      %get3A_2001 = vector.shape_cast %get3A_2000 : vector<16xf32> to vector<16xf32>
      %mul3A_2002 = arith.mulf %get3A_76, %get3A_2001 : vector<16xf32>
      %add3A_2003 = arith.addf %add3A_1993, %mul3A_2002 : vector<16xf32>
      %get3A_2004 = arith.constant 2928 : index
      %get3A_2005 = tpu.vector_load %arg10[%get3A_2004] {strides = array<i32>} : memref<8192xf32, #tpu.memory_space<vmem>>, vector<16xf32>,
      %get3A_2006 = vector.shape_cast %get3A_2005 : vector<16xf32> to vector<16xf32>
      %mul3A_2007 = arith.mulf %get3A_81, %get3A_2006 : vector<16xf32>
      %add3A_2008 = arith.addf %add3A_1998, %mul3A_2007 : vector<16xf32>
      %get3A_2009 = arith.constant 2944 : index
      %get3A_2010 = tpu.vector_load %arg10[%get3A_2009] {strides = array<i32>} : memref<8192xf32, #tpu.memory_space<vmem>>, vector<16xf32>,
      %get3A_2011 = vector.shape_cast %get3A_2010 : vector<16xf32> to vector<16xf32>
      %mul3A_2012 = arith.mulf %get3A_86, %get3A_2011 : vector<16xf32>
      %add3A_2013 = arith.addf %add3A_2003, %mul3A_2012 : vector<16xf32>
      %get3A_2014 = arith.constant 2960 : index
      %get3A_2015 = tpu.vector_load %arg10[%get3A_2014] {strides = array<i32>} : memref<8192xf32, #tpu.memory_space<vmem>>, vector<16xf32>,
      %get3A_2016 = vector.shape_cast %get3A_2015 : vector<16xf32> to vector<16xf32>
      %mul3A_2017 = arith.mulf %get3A_91, %get3A_2016 : vector<16xf32>
      %add3A_2018 = arith.addf %add3A_2008, %mul3A_2017 : vector<16xf32>
      %get3A_2019 = arith.constant 2976 : index
      %get3A_2020 = tpu.vector_load %arg10[%get3A_2019] {strides = array<i32>} : memref<8192xf32, #tpu.memory_space<vmem>>, vector<16xf32>,
      %get3A_2021 = vector.shape_cast %get3A_2020 : vector<16xf32> to vector<16xf32>
      %mul3A_2022 = arith.mulf %get3A_96, %get3A_2021 : vector<16xf32>
      %add3A_2023 = arith.addf %add3A_2013, %mul3A_2022 : vector<16xf32>
      %get3A_2024 = arith.constant 2992 : index
      %get3A_2025 = tpu.vector_load %arg10[%get3A_2024] {strides = array<i32>} : memref<8192xf32, #tpu.memory_space<vmem>>, vector<16xf32>,
      %get3A_2026 = vector.shape_cast %get3A_2025 : vector<16xf32> to vector<16xf32>
      %mul3A_2027 = arith.mulf %get3A_101, %get3A_2026 : vector<16xf32>
      %add3A_2028 = arith.addf %add3A_2018, %mul3A_2027 : vector<16xf32>
      %get3A_2029 = arith.constant 3008 : index
      %get3A_2030 = tpu.vector_load %arg10[%get3A_2029] {strides = array<i32>} : memref<8192xf32, #tpu.memory_space<vmem>>, vector<16xf32>,
      %get3A_2031 = vector.shape_cast %get3A_2030 : vector<16xf32> to vector<16xf32>
      %mul3A_2032 = arith.mulf %get3A_106, %get3A_2031 : vector<16xf32>
      %add3A_2033 = arith.addf %add3A_2023, %mul3A_2032 : vector<16xf32>
      %get3A_2034 = arith.constant 3024 : index
      %get3A_2035 = tpu.vector_load %arg10[%get3A_2034] {strides = array<i32>} : memref<8192xf32, #tpu.memory_space<vmem>>, vector<16xf32>,
      %get3A_2036 = vector.shape_cast %get3A_2035 : vector<16xf32> to vector<16xf32>
      %mul3A_2037 = arith.mulf %get3A_111, %get3A_2036 : vector<16xf32>
      %add3A_2038 = arith.addf %add3A_2028, %mul3A_2037 : vector<16xf32>
      %get3A_2039 = arith.constant 3040 : index
      %get3A_2040 = tpu.vector_load %arg10[%get3A_2039] {strides = array<i32>} : memref<8192xf32, #tpu.memory_space<vmem>>, vector<16xf32>,
      %get3A_2041 = vector.shape_cast %get3A_2040 : vector<16xf32> to vector<16xf32>
      %mul3A_2042 = arith.mulf %get3A_116, %get3A_2041 : vector<16xf32>
      %add3A_2043 = arith.addf %add3A_2033, %mul3A_2042 : vector<16xf32>
      %get3A_2044 = arith.constant 3056 : index
      %get3A_2045 = tpu.vector_load %arg10[%get3A_2044] {strides = array<i32>} : memref<8192xf32, #tpu.memory_space<vmem>>, vector<16xf32>,
      %get3A_2046 = vector.shape_cast %get3A_2045 : vector<16xf32> to vector<16xf32>
      %mul3A_2047 = arith.mulf %get3A_121, %get3A_2046 : vector<16xf32>
      %add3A_2048 = arith.addf %add3A_2038, %mul3A_2047 : vector<16xf32>
      %add3A_2049 = arith.addf %add3A_2043, %add3A_2048 : vector<16xf32>
      %mul3A_2050 = arith.mulf %add3A_2049, %get3A_1970 : vector<16xf32>
      %add3A_2051 = arith.addf %add3A_1717, %mul3A_2050 : vector<16xf32>
      %get3A_2052 = arith.constant 6912 : index
      %get3A_2053 = tpu.vector_load %arg10[%get3A_2052] {strides = array<i32>} : memref<8192xf32, #tpu.memory_space<vmem>>, vector<16xf32>,
      %get3A_2054 = vector.shape_cast %get3A_2053 : vector<16xf32> to vector<16xf32>
      %mul3A_2055 = arith.mulf %get3A_46, %get3A_2054 : vector<16xf32>
      %get3A_2056 = arith.constant 6928 : index
      %get3A_2057 = tpu.vector_load %arg10[%get3A_2056] {strides = array<i32>} : memref<8192xf32, #tpu.memory_space<vmem>>, vector<16xf32>,
      %get3A_2058 = vector.shape_cast %get3A_2057 : vector<16xf32> to vector<16xf32>
      %mul3A_2059 = arith.mulf %get3A_51, %get3A_2058 : vector<16xf32>
      %get3A_2060 = arith.constant 6944 : index
      %get3A_2061 = tpu.vector_load %arg10[%get3A_2060] {strides = array<i32>} : memref<8192xf32, #tpu.memory_space<vmem>>, vector<16xf32>,
      %get3A_2062 = vector.shape_cast %get3A_2061 : vector<16xf32> to vector<16xf32>
      %mul3A_2063 = arith.mulf %get3A_56, %get3A_2062 : vector<16xf32>
      %add3A_2064 = arith.addf %mul3A_2055, %mul3A_2063 : vector<16xf32>
      %get3A_2065 = arith.constant 6960 : index
      %get3A_2066 = tpu.vector_load %arg10[%get3A_2065] {strides = array<i32>} : memref<8192xf32, #tpu.memory_space<vmem>>, vector<16xf32>,
      %get3A_2067 = vector.shape_cast %get3A_2066 : vector<16xf32> to vector<16xf32>
      %mul3A_2068 = arith.mulf %get3A_61, %get3A_2067 : vector<16xf32>
      %add3A_2069 = arith.addf %mul3A_2059, %mul3A_2068 : vector<16xf32>
      %get3A_2070 = arith.constant 6976 : index
      %get3A_2071 = tpu.vector_load %arg10[%get3A_2070] {strides = array<i32>} : memref<8192xf32, #tpu.memory_space<vmem>>, vector<16xf32>,
      %get3A_2072 = vector.shape_cast %get3A_2071 : vector<16xf32> to vector<16xf32>
      %mul3A_2073 = arith.mulf %get3A_66, %get3A_2072 : vector<16xf32>
      %add3A_2074 = arith.addf %add3A_2064, %mul3A_2073 : vector<16xf32>
      %get3A_2075 = arith.constant 6992 : index
      %get3A_2076 = tpu.vector_load %arg10[%get3A_2075] {strides = array<i32>} : memref<8192xf32, #tpu.memory_space<vmem>>, vector<16xf32>,
      %get3A_2077 = vector.shape_cast %get3A_2076 : vector<16xf32> to vector<16xf32>
      %mul3A_2078 = arith.mulf %get3A_71, %get3A_2077 : vector<16xf32>
      %add3A_2079 = arith.addf %add3A_2069, %mul3A_2078 : vector<16xf32>
      %get3A_2080 = arith.constant 7008 : index
      %get3A_2081 = tpu.vector_load %arg10[%get3A_2080] {strides = array<i32>} : memref<8192xf32, #tpu.memory_space<vmem>>, vector<16xf32>,
      %get3A_2082 = vector.shape_cast %get3A_2081 : vector<16xf32> to vector<16xf32>
      %mul3A_2083 = arith.mulf %get3A_76, %get3A_2082 : vector<16xf32>
      %add3A_2084 = arith.addf %add3A_2074, %mul3A_2083 : vector<16xf32>
      %get3A_2085 = arith.constant 7024 : index
      %get3A_2086 = tpu.vector_load %arg10[%get3A_2085] {strides = array<i32>} : memref<8192xf32, #tpu.memory_space<vmem>>, vector<16xf32>,
      %get3A_2087 = vector.shape_cast %get3A_2086 : vector<16xf32> to vector<16xf32>
      %mul3A_2088 = arith.mulf %get3A_81, %get3A_2087 : vector<16xf32>
      %add3A_2089 = arith.addf %add3A_2079, %mul3A_2088 : vector<16xf32>
      %get3A_2090 = arith.constant 7040 : index
      %get3A_2091 = tpu.vector_load %arg10[%get3A_2090] {strides = array<i32>} : memref<8192xf32, #tpu.memory_space<vmem>>, vector<16xf32>,
      %get3A_2092 = vector.shape_cast %get3A_2091 : vector<16xf32> to vector<16xf32>
      %mul3A_2093 = arith.mulf %get3A_86, %get3A_2092 : vector<16xf32>
      %add3A_2094 = arith.addf %add3A_2084, %mul3A_2093 : vector<16xf32>
      %get3A_2095 = arith.constant 7056 : index
      %get3A_2096 = tpu.vector_load %arg10[%get3A_2095] {strides = array<i32>} : memref<8192xf32, #tpu.memory_space<vmem>>, vector<16xf32>,
      %get3A_2097 = vector.shape_cast %get3A_2096 : vector<16xf32> to vector<16xf32>
      %mul3A_2098 = arith.mulf %get3A_91, %get3A_2097 : vector<16xf32>
      %add3A_2099 = arith.addf %add3A_2089, %mul3A_2098 : vector<16xf32>
      %get3A_2100 = arith.constant 7072 : index
      %get3A_2101 = tpu.vector_load %arg10[%get3A_2100] {strides = array<i32>} : memref<8192xf32, #tpu.memory_space<vmem>>, vector<16xf32>,
      %get3A_2102 = vector.shape_cast %get3A_2101 : vector<16xf32> to vector<16xf32>
      %mul3A_2103 = arith.mulf %get3A_96, %get3A_2102 : vector<16xf32>
      %add3A_2104 = arith.addf %add3A_2094, %mul3A_2103 : vector<16xf32>
      %get3A_2105 = arith.constant 7088 : index
      %get3A_2106 = tpu.vector_load %arg10[%get3A_2105] {strides = array<i32>} : memref<8192xf32, #tpu.memory_space<vmem>>, vector<16xf32>,
      %get3A_2107 = vector.shape_cast %get3A_2106 : vector<16xf32> to vector<16xf32>
      %mul3A_2108 = arith.mulf %get3A_101, %get3A_2107 : vector<16xf32>
      %add3A_2109 = arith.addf %add3A_2099, %mul3A_2108 : vector<16xf32>
      %get3A_2110 = arith.constant 7104 : index
      %get3A_2111 = tpu.vector_load %arg10[%get3A_2110] {strides = array<i32>} : memref<8192xf32, #tpu.memory_space<vmem>>, vector<16xf32>,
      %get3A_2112 = vector.shape_cast %get3A_2111 : vector<16xf32> to vector<16xf32>
      %mul3A_2113 = arith.mulf %get3A_106, %get3A_2112 : vector<16xf32>
      %add3A_2114 = arith.addf %add3A_2104, %mul3A_2113 : vector<16xf32>
      %get3A_2115 = arith.constant 7120 : index
      %get3A_2116 = tpu.vector_load %arg10[%get3A_2115] {strides = array<i32>} : memref<8192xf32, #tpu.memory_space<vmem>>, vector<16xf32>,
      %get3A_2117 = vector.shape_cast %get3A_2116 : vector<16xf32> to vector<16xf32>
      %mul3A_2118 = arith.mulf %get3A_111, %get3A_2117 : vector<16xf32>
      %add3A_2119 = arith.addf %add3A_2109, %mul3A_2118 : vector<16xf32>
      %get3A_2120 = arith.constant 7136 : index
      %get3A_2121 = tpu.vector_load %arg10[%get3A_2120] {strides = array<i32>} : memref<8192xf32, #tpu.memory_space<vmem>>, vector<16xf32>,
      %get3A_2122 = vector.shape_cast %get3A_2121 : vector<16xf32> to vector<16xf32>
      %mul3A_2123 = arith.mulf %get3A_116, %get3A_2122 : vector<16xf32>
      %add3A_2124 = arith.addf %add3A_2114, %mul3A_2123 : vector<16xf32>
      %get3A_2125 = arith.constant 7152 : index
      %get3A_2126 = tpu.vector_load %arg10[%get3A_2125] {strides = array<i32>} : memref<8192xf32, #tpu.memory_space<vmem>>, vector<16xf32>,
      %get3A_2127 = vector.shape_cast %get3A_2126 : vector<16xf32> to vector<16xf32>
      %mul3A_2128 = arith.mulf %get3A_121, %get3A_2127 : vector<16xf32>
      %add3A_2129 = arith.addf %add3A_2119, %mul3A_2128 : vector<16xf32>
      %add3A_2130 = arith.addf %add3A_2124, %add3A_2129 : vector<16xf32>
      %mul3A_2131 = arith.mulf %add3A_2130, %get3A_1970 : vector<16xf32>
      %add3A_2132 = arith.addf %add3A_1798, %mul3A_2131 : vector<16xf32>
      %get3A_2133 = arith.constant 12 : i32
      %get3A_2134 = arith.index_cast %get3A_2133 : i32 to index
      %get3A_2135 = arith.index_cast %mul3A_41 : i32 to index
      %get3A_2136 = tpu.vector_load %arg9[%get3A_2134, %get3A_2135] {strides = array<i32>} : memref<16x512xf32, #tpu.memory_space<vmem>>, vector<1x16xf32>,
      %get3A_2137 = vector.shape_cast %get3A_2136 : vector<1x16xf32> to vector<16xf32>
      %get3A_2138 = arith.constant 3072 : index
      %get3A_2139 = tpu.vector_load %arg10[%get3A_2138] {strides = array<i32>} : memref<8192xf32, #tpu.memory_space<vmem>>, vector<16xf32>,
      %get3A_2140 = vector.shape_cast %get3A_2139 : vector<16xf32> to vector<16xf32>
      %mul3A_2141 = arith.mulf %get3A_46, %get3A_2140 : vector<16xf32>
      %get3A_2142 = arith.constant 3088 : index
      %get3A_2143 = tpu.vector_load %arg10[%get3A_2142] {strides = array<i32>} : memref<8192xf32, #tpu.memory_space<vmem>>, vector<16xf32>,
      %get3A_2144 = vector.shape_cast %get3A_2143 : vector<16xf32> to vector<16xf32>
      %mul3A_2145 = arith.mulf %get3A_51, %get3A_2144 : vector<16xf32>
      %get3A_2146 = arith.constant 3104 : index
      %get3A_2147 = tpu.vector_load %arg10[%get3A_2146] {strides = array<i32>} : memref<8192xf32, #tpu.memory_space<vmem>>, vector<16xf32>,
      %get3A_2148 = vector.shape_cast %get3A_2147 : vector<16xf32> to vector<16xf32>
      %mul3A_2149 = arith.mulf %get3A_56, %get3A_2148 : vector<16xf32>
      %add3A_2150 = arith.addf %mul3A_2141, %mul3A_2149 : vector<16xf32>
      %get3A_2151 = arith.constant 3120 : index
      %get3A_2152 = tpu.vector_load %arg10[%get3A_2151] {strides = array<i32>} : memref<8192xf32, #tpu.memory_space<vmem>>, vector<16xf32>,
      %get3A_2153 = vector.shape_cast %get3A_2152 : vector<16xf32> to vector<16xf32>
      %mul3A_2154 = arith.mulf %get3A_61, %get3A_2153 : vector<16xf32>
      %add3A_2155 = arith.addf %mul3A_2145, %mul3A_2154 : vector<16xf32>
      %get3A_2156 = arith.constant 3136 : index
      %get3A_2157 = tpu.vector_load %arg10[%get3A_2156] {strides = array<i32>} : memref<8192xf32, #tpu.memory_space<vmem>>, vector<16xf32>,
      %get3A_2158 = vector.shape_cast %get3A_2157 : vector<16xf32> to vector<16xf32>
      %mul3A_2159 = arith.mulf %get3A_66, %get3A_2158 : vector<16xf32>
      %add3A_2160 = arith.addf %add3A_2150, %mul3A_2159 : vector<16xf32>
      %get3A_2161 = arith.constant 3152 : index
      %get3A_2162 = tpu.vector_load %arg10[%get3A_2161] {strides = array<i32>} : memref<8192xf32, #tpu.memory_space<vmem>>, vector<16xf32>,
      %get3A_2163 = vector.shape_cast %get3A_2162 : vector<16xf32> to vector<16xf32>
      %mul3A_2164 = arith.mulf %get3A_71, %get3A_2163 : vector<16xf32>
      %add3A_2165 = arith.addf %add3A_2155, %mul3A_2164 : vector<16xf32>
      %get3A_2166 = arith.constant 3168 : index
      %get3A_2167 = tpu.vector_load %arg10[%get3A_2166] {strides = array<i32>} : memref<8192xf32, #tpu.memory_space<vmem>>, vector<16xf32>,
      %get3A_2168 = vector.shape_cast %get3A_2167 : vector<16xf32> to vector<16xf32>
      %mul3A_2169 = arith.mulf %get3A_76, %get3A_2168 : vector<16xf32>
      %add3A_2170 = arith.addf %add3A_2160, %mul3A_2169 : vector<16xf32>
      %get3A_2171 = arith.constant 3184 : index
      %get3A_2172 = tpu.vector_load %arg10[%get3A_2171] {strides = array<i32>} : memref<8192xf32, #tpu.memory_space<vmem>>, vector<16xf32>,
      %get3A_2173 = vector.shape_cast %get3A_2172 : vector<16xf32> to vector<16xf32>
      %mul3A_2174 = arith.mulf %get3A_81, %get3A_2173 : vector<16xf32>
      %add3A_2175 = arith.addf %add3A_2165, %mul3A_2174 : vector<16xf32>
      %get3A_2176 = arith.constant 3200 : index
      %get3A_2177 = tpu.vector_load %arg10[%get3A_2176] {strides = array<i32>} : memref<8192xf32, #tpu.memory_space<vmem>>, vector<16xf32>,
      %get3A_2178 = vector.shape_cast %get3A_2177 : vector<16xf32> to vector<16xf32>
      %mul3A_2179 = arith.mulf %get3A_86, %get3A_2178 : vector<16xf32>
      %add3A_2180 = arith.addf %add3A_2170, %mul3A_2179 : vector<16xf32>
      %get3A_2181 = arith.constant 3216 : index
      %get3A_2182 = tpu.vector_load %arg10[%get3A_2181] {strides = array<i32>} : memref<8192xf32, #tpu.memory_space<vmem>>, vector<16xf32>,
      %get3A_2183 = vector.shape_cast %get3A_2182 : vector<16xf32> to vector<16xf32>
      %mul3A_2184 = arith.mulf %get3A_91, %get3A_2183 : vector<16xf32>
      %add3A_2185 = arith.addf %add3A_2175, %mul3A_2184 : vector<16xf32>
      %get3A_2186 = arith.constant 3232 : index
      %get3A_2187 = tpu.vector_load %arg10[%get3A_2186] {strides = array<i32>} : memref<8192xf32, #tpu.memory_space<vmem>>, vector<16xf32>,
      %get3A_2188 = vector.shape_cast %get3A_2187 : vector<16xf32> to vector<16xf32>
      %mul3A_2189 = arith.mulf %get3A_96, %get3A_2188 : vector<16xf32>
      %add3A_2190 = arith.addf %add3A_2180, %mul3A_2189 : vector<16xf32>
      %get3A_2191 = arith.constant 3248 : index
      %get3A_2192 = tpu.vector_load %arg10[%get3A_2191] {strides = array<i32>} : memref<8192xf32, #tpu.memory_space<vmem>>, vector<16xf32>,
      %get3A_2193 = vector.shape_cast %get3A_2192 : vector<16xf32> to vector<16xf32>
      %mul3A_2194 = arith.mulf %get3A_101, %get3A_2193 : vector<16xf32>
      %add3A_2195 = arith.addf %add3A_2185, %mul3A_2194 : vector<16xf32>
      %get3A_2196 = arith.constant 3264 : index
      %get3A_2197 = tpu.vector_load %arg10[%get3A_2196] {strides = array<i32>} : memref<8192xf32, #tpu.memory_space<vmem>>, vector<16xf32>,
      %get3A_2198 = vector.shape_cast %get3A_2197 : vector<16xf32> to vector<16xf32>
      %mul3A_2199 = arith.mulf %get3A_106, %get3A_2198 : vector<16xf32>
      %add3A_2200 = arith.addf %add3A_2190, %mul3A_2199 : vector<16xf32>
      %get3A_2201 = arith.constant 3280 : index
      %get3A_2202 = tpu.vector_load %arg10[%get3A_2201] {strides = array<i32>} : memref<8192xf32, #tpu.memory_space<vmem>>, vector<16xf32>,
      %get3A_2203 = vector.shape_cast %get3A_2202 : vector<16xf32> to vector<16xf32>
      %mul3A_2204 = arith.mulf %get3A_111, %get3A_2203 : vector<16xf32>
      %add3A_2205 = arith.addf %add3A_2195, %mul3A_2204 : vector<16xf32>
      %get3A_2206 = arith.constant 3296 : index
      %get3A_2207 = tpu.vector_load %arg10[%get3A_2206] {strides = array<i32>} : memref<8192xf32, #tpu.memory_space<vmem>>, vector<16xf32>,
      %get3A_2208 = vector.shape_cast %get3A_2207 : vector<16xf32> to vector<16xf32>
      %mul3A_2209 = arith.mulf %get3A_116, %get3A_2208 : vector<16xf32>
      %add3A_2210 = arith.addf %add3A_2200, %mul3A_2209 : vector<16xf32>
      %get3A_2211 = arith.constant 3312 : index
      %get3A_2212 = tpu.vector_load %arg10[%get3A_2211] {strides = array<i32>} : memref<8192xf32, #tpu.memory_space<vmem>>, vector<16xf32>,
      %get3A_2213 = vector.shape_cast %get3A_2212 : vector<16xf32> to vector<16xf32>
      %mul3A_2214 = arith.mulf %get3A_121, %get3A_2213 : vector<16xf32>
      %add3A_2215 = arith.addf %add3A_2205, %mul3A_2214 : vector<16xf32>
      %add3A_2216 = arith.addf %add3A_2210, %add3A_2215 : vector<16xf32>
      %mul3A_2217 = arith.mulf %add3A_2216, %get3A_2137 : vector<16xf32>
      %add3A_2218 = arith.addf %add3A_1884, %mul3A_2217 : vector<16xf32>
      %get3A_2219 = arith.constant 7168 : index
      %get3A_2220 = tpu.vector_load %arg10[%get3A_2219] {strides = array<i32>} : memref<8192xf32, #tpu.memory_space<vmem>>, vector<16xf32>,
      %get3A_2221 = vector.shape_cast %get3A_2220 : vector<16xf32> to vector<16xf32>
      %mul3A_2222 = arith.mulf %get3A_46, %get3A_2221 : vector<16xf32>
      %get3A_2223 = arith.constant 7184 : index
      %get3A_2224 = tpu.vector_load %arg10[%get3A_2223] {strides = array<i32>} : memref<8192xf32, #tpu.memory_space<vmem>>, vector<16xf32>,
      %get3A_2225 = vector.shape_cast %get3A_2224 : vector<16xf32> to vector<16xf32>
      %mul3A_2226 = arith.mulf %get3A_51, %get3A_2225 : vector<16xf32>
      %get3A_2227 = arith.constant 7200 : index
      %get3A_2228 = tpu.vector_load %arg10[%get3A_2227] {strides = array<i32>} : memref<8192xf32, #tpu.memory_space<vmem>>, vector<16xf32>,
      %get3A_2229 = vector.shape_cast %get3A_2228 : vector<16xf32> to vector<16xf32>
      %mul3A_2230 = arith.mulf %get3A_56, %get3A_2229 : vector<16xf32>
      %add3A_2231 = arith.addf %mul3A_2222, %mul3A_2230 : vector<16xf32>
      %get3A_2232 = arith.constant 7216 : index
      %get3A_2233 = tpu.vector_load %arg10[%get3A_2232] {strides = array<i32>} : memref<8192xf32, #tpu.memory_space<vmem>>, vector<16xf32>,
      %get3A_2234 = vector.shape_cast %get3A_2233 : vector<16xf32> to vector<16xf32>
      %mul3A_2235 = arith.mulf %get3A_61, %get3A_2234 : vector<16xf32>
      %add3A_2236 = arith.addf %mul3A_2226, %mul3A_2235 : vector<16xf32>
      %get3A_2237 = arith.constant 7232 : index
      %get3A_2238 = tpu.vector_load %arg10[%get3A_2237] {strides = array<i32>} : memref<8192xf32, #tpu.memory_space<vmem>>, vector<16xf32>,
      %get3A_2239 = vector.shape_cast %get3A_2238 : vector<16xf32> to vector<16xf32>
      %mul3A_2240 = arith.mulf %get3A_66, %get3A_2239 : vector<16xf32>
      %add3A_2241 = arith.addf %add3A_2231, %mul3A_2240 : vector<16xf32>
      %get3A_2242 = arith.constant 7248 : index
      %get3A_2243 = tpu.vector_load %arg10[%get3A_2242] {strides = array<i32>} : memref<8192xf32, #tpu.memory_space<vmem>>, vector<16xf32>,
      %get3A_2244 = vector.shape_cast %get3A_2243 : vector<16xf32> to vector<16xf32>
      %mul3A_2245 = arith.mulf %get3A_71, %get3A_2244 : vector<16xf32>
      %add3A_2246 = arith.addf %add3A_2236, %mul3A_2245 : vector<16xf32>
      %get3A_2247 = arith.constant 7264 : index
      %get3A_2248 = tpu.vector_load %arg10[%get3A_2247] {strides = array<i32>} : memref<8192xf32, #tpu.memory_space<vmem>>, vector<16xf32>,
      %get3A_2249 = vector.shape_cast %get3A_2248 : vector<16xf32> to vector<16xf32>
      %mul3A_2250 = arith.mulf %get3A_76, %get3A_2249 : vector<16xf32>
      %add3A_2251 = arith.addf %add3A_2241, %mul3A_2250 : vector<16xf32>
      %get3A_2252 = arith.constant 7280 : index
      %get3A_2253 = tpu.vector_load %arg10[%get3A_2252] {strides = array<i32>} : memref<8192xf32, #tpu.memory_space<vmem>>, vector<16xf32>,
      %get3A_2254 = vector.shape_cast %get3A_2253 : vector<16xf32> to vector<16xf32>
      %mul3A_2255 = arith.mulf %get3A_81, %get3A_2254 : vector<16xf32>
      %add3A_2256 = arith.addf %add3A_2246, %mul3A_2255 : vector<16xf32>
      %get3A_2257 = arith.constant 7296 : index
      %get3A_2258 = tpu.vector_load %arg10[%get3A_2257] {strides = array<i32>} : memref<8192xf32, #tpu.memory_space<vmem>>, vector<16xf32>,
      %get3A_2259 = vector.shape_cast %get3A_2258 : vector<16xf32> to vector<16xf32>
      %mul3A_2260 = arith.mulf %get3A_86, %get3A_2259 : vector<16xf32>
      %add3A_2261 = arith.addf %add3A_2251, %mul3A_2260 : vector<16xf32>
      %get3A_2262 = arith.constant 7312 : index
      %get3A_2263 = tpu.vector_load %arg10[%get3A_2262] {strides = array<i32>} : memref<8192xf32, #tpu.memory_space<vmem>>, vector<16xf32>,
      %get3A_2264 = vector.shape_cast %get3A_2263 : vector<16xf32> to vector<16xf32>
      %mul3A_2265 = arith.mulf %get3A_91, %get3A_2264 : vector<16xf32>
      %add3A_2266 = arith.addf %add3A_2256, %mul3A_2265 : vector<16xf32>
      %get3A_2267 = arith.constant 7328 : index
      %get3A_2268 = tpu.vector_load %arg10[%get3A_2267] {strides = array<i32>} : memref<8192xf32, #tpu.memory_space<vmem>>, vector<16xf32>,
      %get3A_2269 = vector.shape_cast %get3A_2268 : vector<16xf32> to vector<16xf32>
      %mul3A_2270 = arith.mulf %get3A_96, %get3A_2269 : vector<16xf32>
      %add3A_2271 = arith.addf %add3A_2261, %mul3A_2270 : vector<16xf32>
      %get3A_2272 = arith.constant 7344 : index
      %get3A_2273 = tpu.vector_load %arg10[%get3A_2272] {strides = array<i32>} : memref<8192xf32, #tpu.memory_space<vmem>>, vector<16xf32>,
      %get3A_2274 = vector.shape_cast %get3A_2273 : vector<16xf32> to vector<16xf32>
      %mul3A_2275 = arith.mulf %get3A_101, %get3A_2274 : vector<16xf32>
      %add3A_2276 = arith.addf %add3A_2266, %mul3A_2275 : vector<16xf32>
      %get3A_2277 = arith.constant 7360 : index
      %get3A_2278 = tpu.vector_load %arg10[%get3A_2277] {strides = array<i32>} : memref<8192xf32, #tpu.memory_space<vmem>>, vector<16xf32>,
      %get3A_2279 = vector.shape_cast %get3A_2278 : vector<16xf32> to vector<16xf32>
      %mul3A_2280 = arith.mulf %get3A_106, %get3A_2279 : vector<16xf32>
      %add3A_2281 = arith.addf %add3A_2271, %mul3A_2280 : vector<16xf32>
      %get3A_2282 = arith.constant 7376 : index
      %get3A_2283 = tpu.vector_load %arg10[%get3A_2282] {strides = array<i32>} : memref<8192xf32, #tpu.memory_space<vmem>>, vector<16xf32>,
      %get3A_2284 = vector.shape_cast %get3A_2283 : vector<16xf32> to vector<16xf32>
      %mul3A_2285 = arith.mulf %get3A_111, %get3A_2284 : vector<16xf32>
      %add3A_2286 = arith.addf %add3A_2276, %mul3A_2285 : vector<16xf32>
      %get3A_2287 = arith.constant 7392 : index
      %get3A_2288 = tpu.vector_load %arg10[%get3A_2287] {strides = array<i32>} : memref<8192xf32, #tpu.memory_space<vmem>>, vector<16xf32>,
      %get3A_2289 = vector.shape_cast %get3A_2288 : vector<16xf32> to vector<16xf32>
      %mul3A_2290 = arith.mulf %get3A_116, %get3A_2289 : vector<16xf32>
      %add3A_2291 = arith.addf %add3A_2281, %mul3A_2290 : vector<16xf32>
      %get3A_2292 = arith.constant 7408 : index
      %get3A_2293 = tpu.vector_load %arg10[%get3A_2292] {strides = array<i32>} : memref<8192xf32, #tpu.memory_space<vmem>>, vector<16xf32>,
      %get3A_2294 = vector.shape_cast %get3A_2293 : vector<16xf32> to vector<16xf32>
      %mul3A_2295 = arith.mulf %get3A_121, %get3A_2294 : vector<16xf32>
      %add3A_2296 = arith.addf %add3A_2286, %mul3A_2295 : vector<16xf32>
      %add3A_2297 = arith.addf %add3A_2291, %add3A_2296 : vector<16xf32>
      %mul3A_2298 = arith.mulf %add3A_2297, %get3A_2137 : vector<16xf32>
      %add3A_2299 = arith.addf %add3A_1965, %mul3A_2298 : vector<16xf32>
      %get3A_2300 = arith.constant 13 : i32
      %get3A_2301 = arith.index_cast %get3A_2300 : i32 to index
      %get3A_2302 = arith.index_cast %mul3A_41 : i32 to index
      %get3A_2303 = tpu.vector_load %arg9[%get3A_2301, %get3A_2302] {strides = array<i32>} : memref<16x512xf32, #tpu.memory_space<vmem>>, vector<1x16xf32>,
      %get3A_2304 = vector.shape_cast %get3A_2303 : vector<1x16xf32> to vector<16xf32>
      %get3A_2305 = arith.constant 3328 : index
      %get3A_2306 = tpu.vector_load %arg10[%get3A_2305] {strides = array<i32>} : memref<8192xf32, #tpu.memory_space<vmem>>, vector<16xf32>,
      %get3A_2307 = vector.shape_cast %get3A_2306 : vector<16xf32> to vector<16xf32>
      %mul3A_2308 = arith.mulf %get3A_46, %get3A_2307 : vector<16xf32>
      %get3A_2309 = arith.constant 3344 : index
      %get3A_2310 = tpu.vector_load %arg10[%get3A_2309] {strides = array<i32>} : memref<8192xf32, #tpu.memory_space<vmem>>, vector<16xf32>,
      %get3A_2311 = vector.shape_cast %get3A_2310 : vector<16xf32> to vector<16xf32>
      %mul3A_2312 = arith.mulf %get3A_51, %get3A_2311 : vector<16xf32>
      %get3A_2313 = arith.constant 3360 : index
      %get3A_2314 = tpu.vector_load %arg10[%get3A_2313] {strides = array<i32>} : memref<8192xf32, #tpu.memory_space<vmem>>, vector<16xf32>,
      %get3A_2315 = vector.shape_cast %get3A_2314 : vector<16xf32> to vector<16xf32>
      %mul3A_2316 = arith.mulf %get3A_56, %get3A_2315 : vector<16xf32>
      %add3A_2317 = arith.addf %mul3A_2308, %mul3A_2316 : vector<16xf32>
      %get3A_2318 = arith.constant 3376 : index
      %get3A_2319 = tpu.vector_load %arg10[%get3A_2318] {strides = array<i32>} : memref<8192xf32, #tpu.memory_space<vmem>>, vector<16xf32>,
      %get3A_2320 = vector.shape_cast %get3A_2319 : vector<16xf32> to vector<16xf32>
      %mul3A_2321 = arith.mulf %get3A_61, %get3A_2320 : vector<16xf32>
      %add3A_2322 = arith.addf %mul3A_2312, %mul3A_2321 : vector<16xf32>
      %get3A_2323 = arith.constant 3392 : index
      %get3A_2324 = tpu.vector_load %arg10[%get3A_2323] {strides = array<i32>} : memref<8192xf32, #tpu.memory_space<vmem>>, vector<16xf32>,
      %get3A_2325 = vector.shape_cast %get3A_2324 : vector<16xf32> to vector<16xf32>
      %mul3A_2326 = arith.mulf %get3A_66, %get3A_2325 : vector<16xf32>
      %add3A_2327 = arith.addf %add3A_2317, %mul3A_2326 : vector<16xf32>
      %get3A_2328 = arith.constant 3408 : index
      %get3A_2329 = tpu.vector_load %arg10[%get3A_2328] {strides = array<i32>} : memref<8192xf32, #tpu.memory_space<vmem>>, vector<16xf32>,
      %get3A_2330 = vector.shape_cast %get3A_2329 : vector<16xf32> to vector<16xf32>
      %mul3A_2331 = arith.mulf %get3A_71, %get3A_2330 : vector<16xf32>
      %add3A_2332 = arith.addf %add3A_2322, %mul3A_2331 : vector<16xf32>
      %get3A_2333 = arith.constant 3424 : index
      %get3A_2334 = tpu.vector_load %arg10[%get3A_2333] {strides = array<i32>} : memref<8192xf32, #tpu.memory_space<vmem>>, vector<16xf32>,
      %get3A_2335 = vector.shape_cast %get3A_2334 : vector<16xf32> to vector<16xf32>
      %mul3A_2336 = arith.mulf %get3A_76, %get3A_2335 : vector<16xf32>
      %add3A_2337 = arith.addf %add3A_2327, %mul3A_2336 : vector<16xf32>
      %get3A_2338 = arith.constant 3440 : index
      %get3A_2339 = tpu.vector_load %arg10[%get3A_2338] {strides = array<i32>} : memref<8192xf32, #tpu.memory_space<vmem>>, vector<16xf32>,
      %get3A_2340 = vector.shape_cast %get3A_2339 : vector<16xf32> to vector<16xf32>
      %mul3A_2341 = arith.mulf %get3A_81, %get3A_2340 : vector<16xf32>
      %add3A_2342 = arith.addf %add3A_2332, %mul3A_2341 : vector<16xf32>
      %get3A_2343 = arith.constant 3456 : index
      %get3A_2344 = tpu.vector_load %arg10[%get3A_2343] {strides = array<i32>} : memref<8192xf32, #tpu.memory_space<vmem>>, vector<16xf32>,
      %get3A_2345 = vector.shape_cast %get3A_2344 : vector<16xf32> to vector<16xf32>
      %mul3A_2346 = arith.mulf %get3A_86, %get3A_2345 : vector<16xf32>
      %add3A_2347 = arith.addf %add3A_2337, %mul3A_2346 : vector<16xf32>
      %get3A_2348 = arith.constant 3472 : index
      %get3A_2349 = tpu.vector_load %arg10[%get3A_2348] {strides = array<i32>} : memref<8192xf32, #tpu.memory_space<vmem>>, vector<16xf32>,
      %get3A_2350 = vector.shape_cast %get3A_2349 : vector<16xf32> to vector<16xf32>
      %mul3A_2351 = arith.mulf %get3A_91, %get3A_2350 : vector<16xf32>
      %add3A_2352 = arith.addf %add3A_2342, %mul3A_2351 : vector<16xf32>
      %get3A_2353 = arith.constant 3488 : index
      %get3A_2354 = tpu.vector_load %arg10[%get3A_2353] {strides = array<i32>} : memref<8192xf32, #tpu.memory_space<vmem>>, vector<16xf32>,
      %get3A_2355 = vector.shape_cast %get3A_2354 : vector<16xf32> to vector<16xf32>
      %mul3A_2356 = arith.mulf %get3A_96, %get3A_2355 : vector<16xf32>
      %add3A_2357 = arith.addf %add3A_2347, %mul3A_2356 : vector<16xf32>
      %get3A_2358 = arith.constant 3504 : index
      %get3A_2359 = tpu.vector_load %arg10[%get3A_2358] {strides = array<i32>} : memref<8192xf32, #tpu.memory_space<vmem>>, vector<16xf32>,
      %get3A_2360 = vector.shape_cast %get3A_2359 : vector<16xf32> to vector<16xf32>
      %mul3A_2361 = arith.mulf %get3A_101, %get3A_2360 : vector<16xf32>
      %add3A_2362 = arith.addf %add3A_2352, %mul3A_2361 : vector<16xf32>
      %get3A_2363 = arith.constant 3520 : index
      %get3A_2364 = tpu.vector_load %arg10[%get3A_2363] {strides = array<i32>} : memref<8192xf32, #tpu.memory_space<vmem>>, vector<16xf32>,
      %get3A_2365 = vector.shape_cast %get3A_2364 : vector<16xf32> to vector<16xf32>
      %mul3A_2366 = arith.mulf %get3A_106, %get3A_2365 : vector<16xf32>
      %add3A_2367 = arith.addf %add3A_2357, %mul3A_2366 : vector<16xf32>
      %get3A_2368 = arith.constant 3536 : index
      %get3A_2369 = tpu.vector_load %arg10[%get3A_2368] {strides = array<i32>} : memref<8192xf32, #tpu.memory_space<vmem>>, vector<16xf32>,
      %get3A_2370 = vector.shape_cast %get3A_2369 : vector<16xf32> to vector<16xf32>
      %mul3A_2371 = arith.mulf %get3A_111, %get3A_2370 : vector<16xf32>
      %add3A_2372 = arith.addf %add3A_2362, %mul3A_2371 : vector<16xf32>
      %get3A_2373 = arith.constant 3552 : index
      %get3A_2374 = tpu.vector_load %arg10[%get3A_2373] {strides = array<i32>} : memref<8192xf32, #tpu.memory_space<vmem>>, vector<16xf32>,
      %get3A_2375 = vector.shape_cast %get3A_2374 : vector<16xf32> to vector<16xf32>
      %mul3A_2376 = arith.mulf %get3A_116, %get3A_2375 : vector<16xf32>
      %add3A_2377 = arith.addf %add3A_2367, %mul3A_2376 : vector<16xf32>
      %get3A_2378 = arith.constant 3568 : index
      %get3A_2379 = tpu.vector_load %arg10[%get3A_2378] {strides = array<i32>} : memref<8192xf32, #tpu.memory_space<vmem>>, vector<16xf32>,
      %get3A_2380 = vector.shape_cast %get3A_2379 : vector<16xf32> to vector<16xf32>
      %mul3A_2381 = arith.mulf %get3A_121, %get3A_2380 : vector<16xf32>
      %add3A_2382 = arith.addf %add3A_2372, %mul3A_2381 : vector<16xf32>
      %add3A_2383 = arith.addf %add3A_2377, %add3A_2382 : vector<16xf32>
      %mul3A_2384 = arith.mulf %add3A_2383, %get3A_2304 : vector<16xf32>
      %add3A_2385 = arith.addf %add3A_2051, %mul3A_2384 : vector<16xf32>
      %get3A_2386 = arith.constant 7424 : index
      %get3A_2387 = tpu.vector_load %arg10[%get3A_2386] {strides = array<i32>} : memref<8192xf32, #tpu.memory_space<vmem>>, vector<16xf32>,
      %get3A_2388 = vector.shape_cast %get3A_2387 : vector<16xf32> to vector<16xf32>
      %mul3A_2389 = arith.mulf %get3A_46, %get3A_2388 : vector<16xf32>
      %get3A_2390 = arith.constant 7440 : index
      %get3A_2391 = tpu.vector_load %arg10[%get3A_2390] {strides = array<i32>} : memref<8192xf32, #tpu.memory_space<vmem>>, vector<16xf32>,
      %get3A_2392 = vector.shape_cast %get3A_2391 : vector<16xf32> to vector<16xf32>
      %mul3A_2393 = arith.mulf %get3A_51, %get3A_2392 : vector<16xf32>
      %get3A_2394 = arith.constant 7456 : index
      %get3A_2395 = tpu.vector_load %arg10[%get3A_2394] {strides = array<i32>} : memref<8192xf32, #tpu.memory_space<vmem>>, vector<16xf32>,
      %get3A_2396 = vector.shape_cast %get3A_2395 : vector<16xf32> to vector<16xf32>
      %mul3A_2397 = arith.mulf %get3A_56, %get3A_2396 : vector<16xf32>
      %add3A_2398 = arith.addf %mul3A_2389, %mul3A_2397 : vector<16xf32>
      %get3A_2399 = arith.constant 7472 : index
      %get3A_2400 = tpu.vector_load %arg10[%get3A_2399] {strides = array<i32>} : memref<8192xf32, #tpu.memory_space<vmem>>, vector<16xf32>,
      %get3A_2401 = vector.shape_cast %get3A_2400 : vector<16xf32> to vector<16xf32>
      %mul3A_2402 = arith.mulf %get3A_61, %get3A_2401 : vector<16xf32>
      %add3A_2403 = arith.addf %mul3A_2393, %mul3A_2402 : vector<16xf32>
      %get3A_2404 = arith.constant 7488 : index
      %get3A_2405 = tpu.vector_load %arg10[%get3A_2404] {strides = array<i32>} : memref<8192xf32, #tpu.memory_space<vmem>>, vector<16xf32>,
      %get3A_2406 = vector.shape_cast %get3A_2405 : vector<16xf32> to vector<16xf32>
      %mul3A_2407 = arith.mulf %get3A_66, %get3A_2406 : vector<16xf32>
      %add3A_2408 = arith.addf %add3A_2398, %mul3A_2407 : vector<16xf32>
      %get3A_2409 = arith.constant 7504 : index
      %get3A_2410 = tpu.vector_load %arg10[%get3A_2409] {strides = array<i32>} : memref<8192xf32, #tpu.memory_space<vmem>>, vector<16xf32>,
      %get3A_2411 = vector.shape_cast %get3A_2410 : vector<16xf32> to vector<16xf32>
      %mul3A_2412 = arith.mulf %get3A_71, %get3A_2411 : vector<16xf32>
      %add3A_2413 = arith.addf %add3A_2403, %mul3A_2412 : vector<16xf32>
      %get3A_2414 = arith.constant 7520 : index
      %get3A_2415 = tpu.vector_load %arg10[%get3A_2414] {strides = array<i32>} : memref<8192xf32, #tpu.memory_space<vmem>>, vector<16xf32>,
      %get3A_2416 = vector.shape_cast %get3A_2415 : vector<16xf32> to vector<16xf32>
      %mul3A_2417 = arith.mulf %get3A_76, %get3A_2416 : vector<16xf32>
      %add3A_2418 = arith.addf %add3A_2408, %mul3A_2417 : vector<16xf32>
      %get3A_2419 = arith.constant 7536 : index
      %get3A_2420 = tpu.vector_load %arg10[%get3A_2419] {strides = array<i32>} : memref<8192xf32, #tpu.memory_space<vmem>>, vector<16xf32>,
      %get3A_2421 = vector.shape_cast %get3A_2420 : vector<16xf32> to vector<16xf32>
      %mul3A_2422 = arith.mulf %get3A_81, %get3A_2421 : vector<16xf32>
      %add3A_2423 = arith.addf %add3A_2413, %mul3A_2422 : vector<16xf32>
      %get3A_2424 = arith.constant 7552 : index
      %get3A_2425 = tpu.vector_load %arg10[%get3A_2424] {strides = array<i32>} : memref<8192xf32, #tpu.memory_space<vmem>>, vector<16xf32>,
      %get3A_2426 = vector.shape_cast %get3A_2425 : vector<16xf32> to vector<16xf32>
      %mul3A_2427 = arith.mulf %get3A_86, %get3A_2426 : vector<16xf32>
      %add3A_2428 = arith.addf %add3A_2418, %mul3A_2427 : vector<16xf32>
      %get3A_2429 = arith.constant 7568 : index
      %get3A_2430 = tpu.vector_load %arg10[%get3A_2429] {strides = array<i32>} : memref<8192xf32, #tpu.memory_space<vmem>>, vector<16xf32>,
      %get3A_2431 = vector.shape_cast %get3A_2430 : vector<16xf32> to vector<16xf32>
      %mul3A_2432 = arith.mulf %get3A_91, %get3A_2431 : vector<16xf32>
      %add3A_2433 = arith.addf %add3A_2423, %mul3A_2432 : vector<16xf32>
      %get3A_2434 = arith.constant 7584 : index
      %get3A_2435 = tpu.vector_load %arg10[%get3A_2434] {strides = array<i32>} : memref<8192xf32, #tpu.memory_space<vmem>>, vector<16xf32>,
      %get3A_2436 = vector.shape_cast %get3A_2435 : vector<16xf32> to vector<16xf32>
      %mul3A_2437 = arith.mulf %get3A_96, %get3A_2436 : vector<16xf32>
      %add3A_2438 = arith.addf %add3A_2428, %mul3A_2437 : vector<16xf32>
      %get3A_2439 = arith.constant 7600 : index
      %get3A_2440 = tpu.vector_load %arg10[%get3A_2439] {strides = array<i32>} : memref<8192xf32, #tpu.memory_space<vmem>>, vector<16xf32>,
      %get3A_2441 = vector.shape_cast %get3A_2440 : vector<16xf32> to vector<16xf32>
      %mul3A_2442 = arith.mulf %get3A_101, %get3A_2441 : vector<16xf32>
      %add3A_2443 = arith.addf %add3A_2433, %mul3A_2442 : vector<16xf32>
      %get3A_2444 = arith.constant 7616 : index
      %get3A_2445 = tpu.vector_load %arg10[%get3A_2444] {strides = array<i32>} : memref<8192xf32, #tpu.memory_space<vmem>>, vector<16xf32>,
      %get3A_2446 = vector.shape_cast %get3A_2445 : vector<16xf32> to vector<16xf32>
      %mul3A_2447 = arith.mulf %get3A_106, %get3A_2446 : vector<16xf32>
      %add3A_2448 = arith.addf %add3A_2438, %mul3A_2447 : vector<16xf32>
      %get3A_2449 = arith.constant 7632 : index
      %get3A_2450 = tpu.vector_load %arg10[%get3A_2449] {strides = array<i32>} : memref<8192xf32, #tpu.memory_space<vmem>>, vector<16xf32>,
      %get3A_2451 = vector.shape_cast %get3A_2450 : vector<16xf32> to vector<16xf32>
      %mul3A_2452 = arith.mulf %get3A_111, %get3A_2451 : vector<16xf32>
      %add3A_2453 = arith.addf %add3A_2443, %mul3A_2452 : vector<16xf32>
      %get3A_2454 = arith.constant 7648 : index
      %get3A_2455 = tpu.vector_load %arg10[%get3A_2454] {strides = array<i32>} : memref<8192xf32, #tpu.memory_space<vmem>>, vector<16xf32>,
      %get3A_2456 = vector.shape_cast %get3A_2455 : vector<16xf32> to vector<16xf32>
      %mul3A_2457 = arith.mulf %get3A_116, %get3A_2456 : vector<16xf32>
      %add3A_2458 = arith.addf %add3A_2448, %mul3A_2457 : vector<16xf32>
      %get3A_2459 = arith.constant 7664 : index
      %get3A_2460 = tpu.vector_load %arg10[%get3A_2459] {strides = array<i32>} : memref<8192xf32, #tpu.memory_space<vmem>>, vector<16xf32>,
      %get3A_2461 = vector.shape_cast %get3A_2460 : vector<16xf32> to vector<16xf32>
      %mul3A_2462 = arith.mulf %get3A_121, %get3A_2461 : vector<16xf32>
      %add3A_2463 = arith.addf %add3A_2453, %mul3A_2462 : vector<16xf32>
      %add3A_2464 = arith.addf %add3A_2458, %add3A_2463 : vector<16xf32>
      %mul3A_2465 = arith.mulf %add3A_2464, %get3A_2304 : vector<16xf32>
      %add3A_2466 = arith.addf %add3A_2132, %mul3A_2465 : vector<16xf32>
      %get3A_2467 = arith.constant 14 : i32
      %get3A_2468 = arith.index_cast %get3A_2467 : i32 to index
      %get3A_2469 = arith.index_cast %mul3A_41 : i32 to index
      %get3A_2470 = tpu.vector_load %arg9[%get3A_2468, %get3A_2469] {strides = array<i32>} : memref<16x512xf32, #tpu.memory_space<vmem>>, vector<1x16xf32>,
      %get3A_2471 = vector.shape_cast %get3A_2470 : vector<1x16xf32> to vector<16xf32>
      %get3A_2472 = arith.constant 3584 : index
      %get3A_2473 = tpu.vector_load %arg10[%get3A_2472] {strides = array<i32>} : memref<8192xf32, #tpu.memory_space<vmem>>, vector<16xf32>,
      %get3A_2474 = vector.shape_cast %get3A_2473 : vector<16xf32> to vector<16xf32>
      %mul3A_2475 = arith.mulf %get3A_46, %get3A_2474 : vector<16xf32>
      %get3A_2476 = arith.constant 3600 : index
      %get3A_2477 = tpu.vector_load %arg10[%get3A_2476] {strides = array<i32>} : memref<8192xf32, #tpu.memory_space<vmem>>, vector<16xf32>,
      %get3A_2478 = vector.shape_cast %get3A_2477 : vector<16xf32> to vector<16xf32>
      %mul3A_2479 = arith.mulf %get3A_51, %get3A_2478 : vector<16xf32>
      %get3A_2480 = arith.constant 3616 : index
      %get3A_2481 = tpu.vector_load %arg10[%get3A_2480] {strides = array<i32>} : memref<8192xf32, #tpu.memory_space<vmem>>, vector<16xf32>,
      %get3A_2482 = vector.shape_cast %get3A_2481 : vector<16xf32> to vector<16xf32>
      %mul3A_2483 = arith.mulf %get3A_56, %get3A_2482 : vector<16xf32>
      %add3A_2484 = arith.addf %mul3A_2475, %mul3A_2483 : vector<16xf32>
      %get3A_2485 = arith.constant 3632 : index
      %get3A_2486 = tpu.vector_load %arg10[%get3A_2485] {strides = array<i32>} : memref<8192xf32, #tpu.memory_space<vmem>>, vector<16xf32>,
      %get3A_2487 = vector.shape_cast %get3A_2486 : vector<16xf32> to vector<16xf32>
      %mul3A_2488 = arith.mulf %get3A_61, %get3A_2487 : vector<16xf32>
      %add3A_2489 = arith.addf %mul3A_2479, %mul3A_2488 : vector<16xf32>
      %get3A_2490 = arith.constant 3648 : index
      %get3A_2491 = tpu.vector_load %arg10[%get3A_2490] {strides = array<i32>} : memref<8192xf32, #tpu.memory_space<vmem>>, vector<16xf32>,
      %get3A_2492 = vector.shape_cast %get3A_2491 : vector<16xf32> to vector<16xf32>
      %mul3A_2493 = arith.mulf %get3A_66, %get3A_2492 : vector<16xf32>
      %add3A_2494 = arith.addf %add3A_2484, %mul3A_2493 : vector<16xf32>
      %get3A_2495 = arith.constant 3664 : index
      %get3A_2496 = tpu.vector_load %arg10[%get3A_2495] {strides = array<i32>} : memref<8192xf32, #tpu.memory_space<vmem>>, vector<16xf32>,
      %get3A_2497 = vector.shape_cast %get3A_2496 : vector<16xf32> to vector<16xf32>
      %mul3A_2498 = arith.mulf %get3A_71, %get3A_2497 : vector<16xf32>
      %add3A_2499 = arith.addf %add3A_2489, %mul3A_2498 : vector<16xf32>
      %get3A_2500 = arith.constant 3680 : index
      %get3A_2501 = tpu.vector_load %arg10[%get3A_2500] {strides = array<i32>} : memref<8192xf32, #tpu.memory_space<vmem>>, vector<16xf32>,
      %get3A_2502 = vector.shape_cast %get3A_2501 : vector<16xf32> to vector<16xf32>
      %mul3A_2503 = arith.mulf %get3A_76, %get3A_2502 : vector<16xf32>
      %add3A_2504 = arith.addf %add3A_2494, %mul3A_2503 : vector<16xf32>
      %get3A_2505 = arith.constant 3696 : index
      %get3A_2506 = tpu.vector_load %arg10[%get3A_2505] {strides = array<i32>} : memref<8192xf32, #tpu.memory_space<vmem>>, vector<16xf32>,
      %get3A_2507 = vector.shape_cast %get3A_2506 : vector<16xf32> to vector<16xf32>
      %mul3A_2508 = arith.mulf %get3A_81, %get3A_2507 : vector<16xf32>
      %add3A_2509 = arith.addf %add3A_2499, %mul3A_2508 : vector<16xf32>
      %get3A_2510 = arith.constant 3712 : index
      %get3A_2511 = tpu.vector_load %arg10[%get3A_2510] {strides = array<i32>} : memref<8192xf32, #tpu.memory_space<vmem>>, vector<16xf32>,
      %get3A_2512 = vector.shape_cast %get3A_2511 : vector<16xf32> to vector<16xf32>
      %mul3A_2513 = arith.mulf %get3A_86, %get3A_2512 : vector<16xf32>
      %add3A_2514 = arith.addf %add3A_2504, %mul3A_2513 : vector<16xf32>
      %get3A_2515 = arith.constant 3728 : index
      %get3A_2516 = tpu.vector_load %arg10[%get3A_2515] {strides = array<i32>} : memref<8192xf32, #tpu.memory_space<vmem>>, vector<16xf32>,
      %get3A_2517 = vector.shape_cast %get3A_2516 : vector<16xf32> to vector<16xf32>
      %mul3A_2518 = arith.mulf %get3A_91, %get3A_2517 : vector<16xf32>
      %add3A_2519 = arith.addf %add3A_2509, %mul3A_2518 : vector<16xf32>
      %get3A_2520 = arith.constant 3744 : index
      %get3A_2521 = tpu.vector_load %arg10[%get3A_2520] {strides = array<i32>} : memref<8192xf32, #tpu.memory_space<vmem>>, vector<16xf32>,
      %get3A_2522 = vector.shape_cast %get3A_2521 : vector<16xf32> to vector<16xf32>
      %mul3A_2523 = arith.mulf %get3A_96, %get3A_2522 : vector<16xf32>
      %add3A_2524 = arith.addf %add3A_2514, %mul3A_2523 : vector<16xf32>
      %get3A_2525 = arith.constant 3760 : index
      %get3A_2526 = tpu.vector_load %arg10[%get3A_2525] {strides = array<i32>} : memref<8192xf32, #tpu.memory_space<vmem>>, vector<16xf32>,
      %get3A_2527 = vector.shape_cast %get3A_2526 : vector<16xf32> to vector<16xf32>
      %mul3A_2528 = arith.mulf %get3A_101, %get3A_2527 : vector<16xf32>
      %add3A_2529 = arith.addf %add3A_2519, %mul3A_2528 : vector<16xf32>
      %get3A_2530 = arith.constant 3776 : index
      %get3A_2531 = tpu.vector_load %arg10[%get3A_2530] {strides = array<i32>} : memref<8192xf32, #tpu.memory_space<vmem>>, vector<16xf32>,
      %get3A_2532 = vector.shape_cast %get3A_2531 : vector<16xf32> to vector<16xf32>
      %mul3A_2533 = arith.mulf %get3A_106, %get3A_2532 : vector<16xf32>
      %add3A_2534 = arith.addf %add3A_2524, %mul3A_2533 : vector<16xf32>
      %get3A_2535 = arith.constant 3792 : index
      %get3A_2536 = tpu.vector_load %arg10[%get3A_2535] {strides = array<i32>} : memref<8192xf32, #tpu.memory_space<vmem>>, vector<16xf32>,
      %get3A_2537 = vector.shape_cast %get3A_2536 : vector<16xf32> to vector<16xf32>
      %mul3A_2538 = arith.mulf %get3A_111, %get3A_2537 : vector<16xf32>
      %add3A_2539 = arith.addf %add3A_2529, %mul3A_2538 : vector<16xf32>
      %get3A_2540 = arith.constant 3808 : index
      %get3A_2541 = tpu.vector_load %arg10[%get3A_2540] {strides = array<i32>} : memref<8192xf32, #tpu.memory_space<vmem>>, vector<16xf32>,
      %get3A_2542 = vector.shape_cast %get3A_2541 : vector<16xf32> to vector<16xf32>
      %mul3A_2543 = arith.mulf %get3A_116, %get3A_2542 : vector<16xf32>
      %add3A_2544 = arith.addf %add3A_2534, %mul3A_2543 : vector<16xf32>
      %get3A_2545 = arith.constant 3824 : index
      %get3A_2546 = tpu.vector_load %arg10[%get3A_2545] {strides = array<i32>} : memref<8192xf32, #tpu.memory_space<vmem>>, vector<16xf32>,
      %get3A_2547 = vector.shape_cast %get3A_2546 : vector<16xf32> to vector<16xf32>
      %mul3A_2548 = arith.mulf %get3A_121, %get3A_2547 : vector<16xf32>
      %add3A_2549 = arith.addf %add3A_2539, %mul3A_2548 : vector<16xf32>
      %add3A_2550 = arith.addf %add3A_2544, %add3A_2549 : vector<16xf32>
      %mul3A_2551 = arith.mulf %add3A_2550, %get3A_2471 : vector<16xf32>
      %add3A_2552 = arith.addf %add3A_2218, %mul3A_2551 : vector<16xf32>
      %get3A_2553 = arith.constant 7680 : index
      %get3A_2554 = tpu.vector_load %arg10[%get3A_2553] {strides = array<i32>} : memref<8192xf32, #tpu.memory_space<vmem>>, vector<16xf32>,
      %get3A_2555 = vector.shape_cast %get3A_2554 : vector<16xf32> to vector<16xf32>
      %mul3A_2556 = arith.mulf %get3A_46, %get3A_2555 : vector<16xf32>
      %get3A_2557 = arith.constant 7696 : index
      %get3A_2558 = tpu.vector_load %arg10[%get3A_2557] {strides = array<i32>} : memref<8192xf32, #tpu.memory_space<vmem>>, vector<16xf32>,
      %get3A_2559 = vector.shape_cast %get3A_2558 : vector<16xf32> to vector<16xf32>
      %mul3A_2560 = arith.mulf %get3A_51, %get3A_2559 : vector<16xf32>
      %get3A_2561 = arith.constant 7712 : index
      %get3A_2562 = tpu.vector_load %arg10[%get3A_2561] {strides = array<i32>} : memref<8192xf32, #tpu.memory_space<vmem>>, vector<16xf32>,
      %get3A_2563 = vector.shape_cast %get3A_2562 : vector<16xf32> to vector<16xf32>
      %mul3A_2564 = arith.mulf %get3A_56, %get3A_2563 : vector<16xf32>
      %add3A_2565 = arith.addf %mul3A_2556, %mul3A_2564 : vector<16xf32>
      %get3A_2566 = arith.constant 7728 : index
      %get3A_2567 = tpu.vector_load %arg10[%get3A_2566] {strides = array<i32>} : memref<8192xf32, #tpu.memory_space<vmem>>, vector<16xf32>,
      %get3A_2568 = vector.shape_cast %get3A_2567 : vector<16xf32> to vector<16xf32>
      %mul3A_2569 = arith.mulf %get3A_61, %get3A_2568 : vector<16xf32>
      %add3A_2570 = arith.addf %mul3A_2560, %mul3A_2569 : vector<16xf32>
      %get3A_2571 = arith.constant 7744 : index
      %get3A_2572 = tpu.vector_load %arg10[%get3A_2571] {strides = array<i32>} : memref<8192xf32, #tpu.memory_space<vmem>>, vector<16xf32>,
      %get3A_2573 = vector.shape_cast %get3A_2572 : vector<16xf32> to vector<16xf32>
      %mul3A_2574 = arith.mulf %get3A_66, %get3A_2573 : vector<16xf32>
      %add3A_2575 = arith.addf %add3A_2565, %mul3A_2574 : vector<16xf32>
      %get3A_2576 = arith.constant 7760 : index
      %get3A_2577 = tpu.vector_load %arg10[%get3A_2576] {strides = array<i32>} : memref<8192xf32, #tpu.memory_space<vmem>>, vector<16xf32>,
      %get3A_2578 = vector.shape_cast %get3A_2577 : vector<16xf32> to vector<16xf32>
      %mul3A_2579 = arith.mulf %get3A_71, %get3A_2578 : vector<16xf32>
      %add3A_2580 = arith.addf %add3A_2570, %mul3A_2579 : vector<16xf32>
      %get3A_2581 = arith.constant 7776 : index
      %get3A_2582 = tpu.vector_load %arg10[%get3A_2581] {strides = array<i32>} : memref<8192xf32, #tpu.memory_space<vmem>>, vector<16xf32>,
      %get3A_2583 = vector.shape_cast %get3A_2582 : vector<16xf32> to vector<16xf32>
      %mul3A_2584 = arith.mulf %get3A_76, %get3A_2583 : vector<16xf32>
      %add3A_2585 = arith.addf %add3A_2575, %mul3A_2584 : vector<16xf32>
      %get3A_2586 = arith.constant 7792 : index
      %get3A_2587 = tpu.vector_load %arg10[%get3A_2586] {strides = array<i32>} : memref<8192xf32, #tpu.memory_space<vmem>>, vector<16xf32>,
      %get3A_2588 = vector.shape_cast %get3A_2587 : vector<16xf32> to vector<16xf32>
      %mul3A_2589 = arith.mulf %get3A_81, %get3A_2588 : vector<16xf32>
      %add3A_2590 = arith.addf %add3A_2580, %mul3A_2589 : vector<16xf32>
      %get3A_2591 = arith.constant 7808 : index
      %get3A_2592 = tpu.vector_load %arg10[%get3A_2591] {strides = array<i32>} : memref<8192xf32, #tpu.memory_space<vmem>>, vector<16xf32>,
      %get3A_2593 = vector.shape_cast %get3A_2592 : vector<16xf32> to vector<16xf32>
      %mul3A_2594 = arith.mulf %get3A_86, %get3A_2593 : vector<16xf32>
      %add3A_2595 = arith.addf %add3A_2585, %mul3A_2594 : vector<16xf32>
      %get3A_2596 = arith.constant 7824 : index
      %get3A_2597 = tpu.vector_load %arg10[%get3A_2596] {strides = array<i32>} : memref<8192xf32, #tpu.memory_space<vmem>>, vector<16xf32>,
      %get3A_2598 = vector.shape_cast %get3A_2597 : vector<16xf32> to vector<16xf32>
      %mul3A_2599 = arith.mulf %get3A_91, %get3A_2598 : vector<16xf32>
      %add3A_2600 = arith.addf %add3A_2590, %mul3A_2599 : vector<16xf32>
      %get3A_2601 = arith.constant 7840 : index
      %get3A_2602 = tpu.vector_load %arg10[%get3A_2601] {strides = array<i32>} : memref<8192xf32, #tpu.memory_space<vmem>>, vector<16xf32>,
      %get3A_2603 = vector.shape_cast %get3A_2602 : vector<16xf32> to vector<16xf32>
      %mul3A_2604 = arith.mulf %get3A_96, %get3A_2603 : vector<16xf32>
      %add3A_2605 = arith.addf %add3A_2595, %mul3A_2604 : vector<16xf32>
      %get3A_2606 = arith.constant 7856 : index
      %get3A_2607 = tpu.vector_load %arg10[%get3A_2606] {strides = array<i32>} : memref<8192xf32, #tpu.memory_space<vmem>>, vector<16xf32>,
      %get3A_2608 = vector.shape_cast %get3A_2607 : vector<16xf32> to vector<16xf32>
      %mul3A_2609 = arith.mulf %get3A_101, %get3A_2608 : vector<16xf32>
      %add3A_2610 = arith.addf %add3A_2600, %mul3A_2609 : vector<16xf32>
      %get3A_2611 = arith.constant 7872 : index
      %get3A_2612 = tpu.vector_load %arg10[%get3A_2611] {strides = array<i32>} : memref<8192xf32, #tpu.memory_space<vmem>>, vector<16xf32>,
      %get3A_2613 = vector.shape_cast %get3A_2612 : vector<16xf32> to vector<16xf32>
      %mul3A_2614 = arith.mulf %get3A_106, %get3A_2613 : vector<16xf32>
      %add3A_2615 = arith.addf %add3A_2605, %mul3A_2614 : vector<16xf32>
      %get3A_2616 = arith.constant 7888 : index
      %get3A_2617 = tpu.vector_load %arg10[%get3A_2616] {strides = array<i32>} : memref<8192xf32, #tpu.memory_space<vmem>>, vector<16xf32>,
      %get3A_2618 = vector.shape_cast %get3A_2617 : vector<16xf32> to vector<16xf32>
      %mul3A_2619 = arith.mulf %get3A_111, %get3A_2618 : vector<16xf32>
      %add3A_2620 = arith.addf %add3A_2610, %mul3A_2619 : vector<16xf32>
      %get3A_2621 = arith.constant 7904 : index
      %get3A_2622 = tpu.vector_load %arg10[%get3A_2621] {strides = array<i32>} : memref<8192xf32, #tpu.memory_space<vmem>>, vector<16xf32>,
      %get3A_2623 = vector.shape_cast %get3A_2622 : vector<16xf32> to vector<16xf32>
      %mul3A_2624 = arith.mulf %get3A_116, %get3A_2623 : vector<16xf32>
      %add3A_2625 = arith.addf %add3A_2615, %mul3A_2624 : vector<16xf32>
      %get3A_2626 = arith.constant 7920 : index
      %get3A_2627 = tpu.vector_load %arg10[%get3A_2626] {strides = array<i32>} : memref<8192xf32, #tpu.memory_space<vmem>>, vector<16xf32>,
      %get3A_2628 = vector.shape_cast %get3A_2627 : vector<16xf32> to vector<16xf32>
      %mul3A_2629 = arith.mulf %get3A_121, %get3A_2628 : vector<16xf32>
      %add3A_2630 = arith.addf %add3A_2620, %mul3A_2629 : vector<16xf32>
      %add3A_2631 = arith.addf %add3A_2625, %add3A_2630 : vector<16xf32>
      %mul3A_2632 = arith.mulf %add3A_2631, %get3A_2471 : vector<16xf32>
      %add3A_2633 = arith.addf %add3A_2299, %mul3A_2632 : vector<16xf32>
      %get3A_2634 = arith.constant 15 : i32
      %get3A_2635 = arith.index_cast %get3A_2634 : i32 to index
      %get3A_2636 = arith.index_cast %mul3A_41 : i32 to index
      %get3A_2637 = tpu.vector_load %arg9[%get3A_2635, %get3A_2636] {strides = array<i32>} : memref<16x512xf32, #tpu.memory_space<vmem>>, vector<1x16xf32>,
      %get3A_2638 = vector.shape_cast %get3A_2637 : vector<1x16xf32> to vector<16xf32>
      %get3A_2639 = arith.constant 3840 : index
      %get3A_2640 = tpu.vector_load %arg10[%get3A_2639] {strides = array<i32>} : memref<8192xf32, #tpu.memory_space<vmem>>, vector<16xf32>,
      %get3A_2641 = vector.shape_cast %get3A_2640 : vector<16xf32> to vector<16xf32>
      %mul3A_2642 = arith.mulf %get3A_46, %get3A_2641 : vector<16xf32>
      %get3A_2643 = arith.constant 3856 : index
      %get3A_2644 = tpu.vector_load %arg10[%get3A_2643] {strides = array<i32>} : memref<8192xf32, #tpu.memory_space<vmem>>, vector<16xf32>,
      %get3A_2645 = vector.shape_cast %get3A_2644 : vector<16xf32> to vector<16xf32>
      %mul3A_2646 = arith.mulf %get3A_51, %get3A_2645 : vector<16xf32>
      %get3A_2647 = arith.constant 3872 : index
      %get3A_2648 = tpu.vector_load %arg10[%get3A_2647] {strides = array<i32>} : memref<8192xf32, #tpu.memory_space<vmem>>, vector<16xf32>,
      %get3A_2649 = vector.shape_cast %get3A_2648 : vector<16xf32> to vector<16xf32>
      %mul3A_2650 = arith.mulf %get3A_56, %get3A_2649 : vector<16xf32>
      %add3A_2651 = arith.addf %mul3A_2642, %mul3A_2650 : vector<16xf32>
      %get3A_2652 = arith.constant 3888 : index
      %get3A_2653 = tpu.vector_load %arg10[%get3A_2652] {strides = array<i32>} : memref<8192xf32, #tpu.memory_space<vmem>>, vector<16xf32>,
      %get3A_2654 = vector.shape_cast %get3A_2653 : vector<16xf32> to vector<16xf32>
      %mul3A_2655 = arith.mulf %get3A_61, %get3A_2654 : vector<16xf32>
      %add3A_2656 = arith.addf %mul3A_2646, %mul3A_2655 : vector<16xf32>
      %get3A_2657 = arith.constant 3904 : index
      %get3A_2658 = tpu.vector_load %arg10[%get3A_2657] {strides = array<i32>} : memref<8192xf32, #tpu.memory_space<vmem>>, vector<16xf32>,
      %get3A_2659 = vector.shape_cast %get3A_2658 : vector<16xf32> to vector<16xf32>
      %mul3A_2660 = arith.mulf %get3A_66, %get3A_2659 : vector<16xf32>
      %add3A_2661 = arith.addf %add3A_2651, %mul3A_2660 : vector<16xf32>
      %get3A_2662 = arith.constant 3920 : index
      %get3A_2663 = tpu.vector_load %arg10[%get3A_2662] {strides = array<i32>} : memref<8192xf32, #tpu.memory_space<vmem>>, vector<16xf32>,
      %get3A_2664 = vector.shape_cast %get3A_2663 : vector<16xf32> to vector<16xf32>
      %mul3A_2665 = arith.mulf %get3A_71, %get3A_2664 : vector<16xf32>
      %add3A_2666 = arith.addf %add3A_2656, %mul3A_2665 : vector<16xf32>
      %get3A_2667 = arith.constant 3936 : index
      %get3A_2668 = tpu.vector_load %arg10[%get3A_2667] {strides = array<i32>} : memref<8192xf32, #tpu.memory_space<vmem>>, vector<16xf32>,
      %get3A_2669 = vector.shape_cast %get3A_2668 : vector<16xf32> to vector<16xf32>
      %mul3A_2670 = arith.mulf %get3A_76, %get3A_2669 : vector<16xf32>
      %add3A_2671 = arith.addf %add3A_2661, %mul3A_2670 : vector<16xf32>
      %get3A_2672 = arith.constant 3952 : index
      %get3A_2673 = tpu.vector_load %arg10[%get3A_2672] {strides = array<i32>} : memref<8192xf32, #tpu.memory_space<vmem>>, vector<16xf32>,
      %get3A_2674 = vector.shape_cast %get3A_2673 : vector<16xf32> to vector<16xf32>
      %mul3A_2675 = arith.mulf %get3A_81, %get3A_2674 : vector<16xf32>
      %add3A_2676 = arith.addf %add3A_2666, %mul3A_2675 : vector<16xf32>
      %get3A_2677 = arith.constant 3968 : index
      %get3A_2678 = tpu.vector_load %arg10[%get3A_2677] {strides = array<i32>} : memref<8192xf32, #tpu.memory_space<vmem>>, vector<16xf32>,
      %get3A_2679 = vector.shape_cast %get3A_2678 : vector<16xf32> to vector<16xf32>
      %mul3A_2680 = arith.mulf %get3A_86, %get3A_2679 : vector<16xf32>
      %add3A_2681 = arith.addf %add3A_2671, %mul3A_2680 : vector<16xf32>
      %get3A_2682 = arith.constant 3984 : index
      %get3A_2683 = tpu.vector_load %arg10[%get3A_2682] {strides = array<i32>} : memref<8192xf32, #tpu.memory_space<vmem>>, vector<16xf32>,
      %get3A_2684 = vector.shape_cast %get3A_2683 : vector<16xf32> to vector<16xf32>
      %mul3A_2685 = arith.mulf %get3A_91, %get3A_2684 : vector<16xf32>
      %add3A_2686 = arith.addf %add3A_2676, %mul3A_2685 : vector<16xf32>
      %get3A_2687 = arith.constant 4000 : index
      %get3A_2688 = tpu.vector_load %arg10[%get3A_2687] {strides = array<i32>} : memref<8192xf32, #tpu.memory_space<vmem>>, vector<16xf32>,
      %get3A_2689 = vector.shape_cast %get3A_2688 : vector<16xf32> to vector<16xf32>
      %mul3A_2690 = arith.mulf %get3A_96, %get3A_2689 : vector<16xf32>
      %add3A_2691 = arith.addf %add3A_2681, %mul3A_2690 : vector<16xf32>
      %get3A_2692 = arith.constant 4016 : index
      %get3A_2693 = tpu.vector_load %arg10[%get3A_2692] {strides = array<i32>} : memref<8192xf32, #tpu.memory_space<vmem>>, vector<16xf32>,
      %get3A_2694 = vector.shape_cast %get3A_2693 : vector<16xf32> to vector<16xf32>
      %mul3A_2695 = arith.mulf %get3A_101, %get3A_2694 : vector<16xf32>
      %add3A_2696 = arith.addf %add3A_2686, %mul3A_2695 : vector<16xf32>
      %get3A_2697 = arith.constant 4032 : index
      %get3A_2698 = tpu.vector_load %arg10[%get3A_2697] {strides = array<i32>} : memref<8192xf32, #tpu.memory_space<vmem>>, vector<16xf32>,
      %get3A_2699 = vector.shape_cast %get3A_2698 : vector<16xf32> to vector<16xf32>
      %mul3A_2700 = arith.mulf %get3A_106, %get3A_2699 : vector<16xf32>
      %add3A_2701 = arith.addf %add3A_2691, %mul3A_2700 : vector<16xf32>
      %get3A_2702 = arith.constant 4048 : index
      %get3A_2703 = tpu.vector_load %arg10[%get3A_2702] {strides = array<i32>} : memref<8192xf32, #tpu.memory_space<vmem>>, vector<16xf32>,
      %get3A_2704 = vector.shape_cast %get3A_2703 : vector<16xf32> to vector<16xf32>
      %mul3A_2705 = arith.mulf %get3A_111, %get3A_2704 : vector<16xf32>
      %add3A_2706 = arith.addf %add3A_2696, %mul3A_2705 : vector<16xf32>
      %get3A_2707 = arith.constant 4064 : index
      %get3A_2708 = tpu.vector_load %arg10[%get3A_2707] {strides = array<i32>} : memref<8192xf32, #tpu.memory_space<vmem>>, vector<16xf32>,
      %get3A_2709 = vector.shape_cast %get3A_2708 : vector<16xf32> to vector<16xf32>
      %mul3A_2710 = arith.mulf %get3A_116, %get3A_2709 : vector<16xf32>
      %add3A_2711 = arith.addf %add3A_2701, %mul3A_2710 : vector<16xf32>
      %get3A_2712 = arith.constant 4080 : index
      %get3A_2713 = tpu.vector_load %arg10[%get3A_2712] {strides = array<i32>} : memref<8192xf32, #tpu.memory_space<vmem>>, vector<16xf32>,
      %get3A_2714 = vector.shape_cast %get3A_2713 : vector<16xf32> to vector<16xf32>
      %mul3A_2715 = arith.mulf %get3A_121, %get3A_2714 : vector<16xf32>
      %add3A_2716 = arith.addf %add3A_2706, %mul3A_2715 : vector<16xf32>
      %add3A_2717 = arith.addf %add3A_2711, %add3A_2716 : vector<16xf32>
      %mul3A_2718 = arith.mulf %add3A_2717, %get3A_2638 : vector<16xf32>
      %add3A_2719 = arith.addf %add3A_2385, %mul3A_2718 : vector<16xf32>
      %get3A_2720 = arith.constant 7936 : index
      %get3A_2721 = tpu.vector_load %arg10[%get3A_2720] {strides = array<i32>} : memref<8192xf32, #tpu.memory_space<vmem>>, vector<16xf32>,
      %get3A_2722 = vector.shape_cast %get3A_2721 : vector<16xf32> to vector<16xf32>
      %mul3A_2723 = arith.mulf %get3A_46, %get3A_2722 : vector<16xf32>
      %get3A_2724 = arith.constant 7952 : index
      %get3A_2725 = tpu.vector_load %arg10[%get3A_2724] {strides = array<i32>} : memref<8192xf32, #tpu.memory_space<vmem>>, vector<16xf32>,
      %get3A_2726 = vector.shape_cast %get3A_2725 : vector<16xf32> to vector<16xf32>
      %mul3A_2727 = arith.mulf %get3A_51, %get3A_2726 : vector<16xf32>
      %get3A_2728 = arith.constant 7968 : index
      %get3A_2729 = tpu.vector_load %arg10[%get3A_2728] {strides = array<i32>} : memref<8192xf32, #tpu.memory_space<vmem>>, vector<16xf32>,
      %get3A_2730 = vector.shape_cast %get3A_2729 : vector<16xf32> to vector<16xf32>
      %mul3A_2731 = arith.mulf %get3A_56, %get3A_2730 : vector<16xf32>
      %add3A_2732 = arith.addf %mul3A_2723, %mul3A_2731 : vector<16xf32>
      %get3A_2733 = arith.constant 7984 : index
      %get3A_2734 = tpu.vector_load %arg10[%get3A_2733] {strides = array<i32>} : memref<8192xf32, #tpu.memory_space<vmem>>, vector<16xf32>,
      %get3A_2735 = vector.shape_cast %get3A_2734 : vector<16xf32> to vector<16xf32>
      %mul3A_2736 = arith.mulf %get3A_61, %get3A_2735 : vector<16xf32>
      %add3A_2737 = arith.addf %mul3A_2727, %mul3A_2736 : vector<16xf32>
      %get3A_2738 = arith.constant 8000 : index
      %get3A_2739 = tpu.vector_load %arg10[%get3A_2738] {strides = array<i32>} : memref<8192xf32, #tpu.memory_space<vmem>>, vector<16xf32>,
      %get3A_2740 = vector.shape_cast %get3A_2739 : vector<16xf32> to vector<16xf32>
      %mul3A_2741 = arith.mulf %get3A_66, %get3A_2740 : vector<16xf32>
      %add3A_2742 = arith.addf %add3A_2732, %mul3A_2741 : vector<16xf32>
      %get3A_2743 = arith.constant 8016 : index
      %get3A_2744 = tpu.vector_load %arg10[%get3A_2743] {strides = array<i32>} : memref<8192xf32, #tpu.memory_space<vmem>>, vector<16xf32>,
      %get3A_2745 = vector.shape_cast %get3A_2744 : vector<16xf32> to vector<16xf32>
      %mul3A_2746 = arith.mulf %get3A_71, %get3A_2745 : vector<16xf32>
      %add3A_2747 = arith.addf %add3A_2737, %mul3A_2746 : vector<16xf32>
      %get3A_2748 = arith.constant 8032 : index
      %get3A_2749 = tpu.vector_load %arg10[%get3A_2748] {strides = array<i32>} : memref<8192xf32, #tpu.memory_space<vmem>>, vector<16xf32>,
      %get3A_2750 = vector.shape_cast %get3A_2749 : vector<16xf32> to vector<16xf32>
      %mul3A_2751 = arith.mulf %get3A_76, %get3A_2750 : vector<16xf32>
      %add3A_2752 = arith.addf %add3A_2742, %mul3A_2751 : vector<16xf32>
      %get3A_2753 = arith.constant 8048 : index
      %get3A_2754 = tpu.vector_load %arg10[%get3A_2753] {strides = array<i32>} : memref<8192xf32, #tpu.memory_space<vmem>>, vector<16xf32>,
      %get3A_2755 = vector.shape_cast %get3A_2754 : vector<16xf32> to vector<16xf32>
      %mul3A_2756 = arith.mulf %get3A_81, %get3A_2755 : vector<16xf32>
      %add3A_2757 = arith.addf %add3A_2747, %mul3A_2756 : vector<16xf32>
      %get3A_2758 = arith.constant 8064 : index
      %get3A_2759 = tpu.vector_load %arg10[%get3A_2758] {strides = array<i32>} : memref<8192xf32, #tpu.memory_space<vmem>>, vector<16xf32>,
      %get3A_2760 = vector.shape_cast %get3A_2759 : vector<16xf32> to vector<16xf32>
      %mul3A_2761 = arith.mulf %get3A_86, %get3A_2760 : vector<16xf32>
      %add3A_2762 = arith.addf %add3A_2752, %mul3A_2761 : vector<16xf32>
      %get3A_2763 = arith.constant 8080 : index
      %get3A_2764 = tpu.vector_load %arg10[%get3A_2763] {strides = array<i32>} : memref<8192xf32, #tpu.memory_space<vmem>>, vector<16xf32>,
      %get3A_2765 = vector.shape_cast %get3A_2764 : vector<16xf32> to vector<16xf32>
      %mul3A_2766 = arith.mulf %get3A_91, %get3A_2765 : vector<16xf32>
      %add3A_2767 = arith.addf %add3A_2757, %mul3A_2766 : vector<16xf32>
      %get3A_2768 = arith.constant 8096 : index
      %get3A_2769 = tpu.vector_load %arg10[%get3A_2768] {strides = array<i32>} : memref<8192xf32, #tpu.memory_space<vmem>>, vector<16xf32>,
      %get3A_2770 = vector.shape_cast %get3A_2769 : vector<16xf32> to vector<16xf32>
      %mul3A_2771 = arith.mulf %get3A_96, %get3A_2770 : vector<16xf32>
      %add3A_2772 = arith.addf %add3A_2762, %mul3A_2771 : vector<16xf32>
      %get3A_2773 = arith.constant 8112 : index
      %get3A_2774 = tpu.vector_load %arg10[%get3A_2773] {strides = array<i32>} : memref<8192xf32, #tpu.memory_space<vmem>>, vector<16xf32>,
      %get3A_2775 = vector.shape_cast %get3A_2774 : vector<16xf32> to vector<16xf32>
      %mul3A_2776 = arith.mulf %get3A_101, %get3A_2775 : vector<16xf32>
      %add3A_2777 = arith.addf %add3A_2767, %mul3A_2776 : vector<16xf32>
      %get3A_2778 = arith.constant 8128 : index
      %get3A_2779 = tpu.vector_load %arg10[%get3A_2778] {strides = array<i32>} : memref<8192xf32, #tpu.memory_space<vmem>>, vector<16xf32>,
      %get3A_2780 = vector.shape_cast %get3A_2779 : vector<16xf32> to vector<16xf32>
      %mul3A_2781 = arith.mulf %get3A_106, %get3A_2780 : vector<16xf32>
      %add3A_2782 = arith.addf %add3A_2772, %mul3A_2781 : vector<16xf32>
      %get3A_2783 = arith.constant 8144 : index
      %get3A_2784 = tpu.vector_load %arg10[%get3A_2783] {strides = array<i32>} : memref<8192xf32, #tpu.memory_space<vmem>>, vector<16xf32>,
      %get3A_2785 = vector.shape_cast %get3A_2784 : vector<16xf32> to vector<16xf32>
      %mul3A_2786 = arith.mulf %get3A_111, %get3A_2785 : vector<16xf32>
      %add3A_2787 = arith.addf %add3A_2777, %mul3A_2786 : vector<16xf32>
      %get3A_2788 = arith.constant 8160 : index
      %get3A_2789 = tpu.vector_load %arg10[%get3A_2788] {strides = array<i32>} : memref<8192xf32, #tpu.memory_space<vmem>>, vector<16xf32>,
      %get3A_2790 = vector.shape_cast %get3A_2789 : vector<16xf32> to vector<16xf32>
      %mul3A_2791 = arith.mulf %get3A_116, %get3A_2790 : vector<16xf32>
      %add3A_2792 = arith.addf %add3A_2782, %mul3A_2791 : vector<16xf32>
      %get3A_2793 = arith.constant 8176 : index
      %get3A_2794 = tpu.vector_load %arg10[%get3A_2793] {strides = array<i32>} : memref<8192xf32, #tpu.memory_space<vmem>>, vector<16xf32>,
      %get3A_2795 = vector.shape_cast %get3A_2794 : vector<16xf32> to vector<16xf32>
      %mul3A_2796 = arith.mulf %get3A_121, %get3A_2795 : vector<16xf32>
      %add3A_2797 = arith.addf %add3A_2787, %mul3A_2796 : vector<16xf32>
      %add3A_2798 = arith.addf %add3A_2792, %add3A_2797 : vector<16xf32>
      %mul3A_2799 = arith.mulf %add3A_2798, %get3A_2638 : vector<16xf32>
      %add3A_2800 = arith.addf %add3A_2466, %mul3A_2799 : vector<16xf32>
      %add3A_2801 = arith.addf %add3A_2552, %add3A_2719 : vector<16xf32>
      %add3A_2802 = arith.addf %add3A_2633, %add3A_2800 : vector<16xf32>
      %slice3A = vector.extract_strided_slice %get3A_18 {offsets = [0], sizes = [1], strides = [1]} : vector<16xf32> to vector<1xf32>
      %squeeze3A = vector.extract %slice3A[0] : f32 from vector<1xf32>
      %mul3A_2803 = vector.broadcast %squeeze3A : f32 to vector<16xf32>
      %mul3A_2804 = arith.mulf %mul3A_2803, %add3A_2801 : vector<16xf32>
      %slice3A_2805 = vector.extract_strided_slice %get3A_18 {offsets = [5], sizes = [1], strides = [1]} : vector<16xf32> to vector<1xf32>
      %squeeze3A_2806 = vector.extract %slice3A_2805[0] : f32 from vector<1xf32>
      %mul3A_2807 = vector.broadcast %squeeze3A_2806 : f32 to vector<16xf32>
      %mul3A_2808 = arith.mulf %mul3A_2807, %add3A_2802 : vector<16xf32>
      %add3A_2809 = arith.addf %mul3A_2804, %mul3A_2808 : vector<16xf32>
      %slice3A_2810 = vector.extract_strided_slice %get3A_18 {offsets = [1], sizes = [1], strides = [1]} : vector<16xf32> to vector<1xf32>
      %squeeze3A_2811 = vector.extract %slice3A_2810[0] : f32 from vector<1xf32>
      %mul3A_2812 = vector.broadcast %squeeze3A_2811 : f32 to vector<16xf32>
      %mul3A_2813 = arith.mulf %mul3A_2812, %add3A_2801 : vector<16xf32>
      %slice3A_2814 = vector.extract_strided_slice %get3A_18 {offsets = [6], sizes = [1], strides = [1]} : vector<16xf32> to vector<1xf32>
      %squeeze3A_2815 = vector.extract %slice3A_2814[0] : f32 from vector<1xf32>
      %mul3A_2816 = vector.broadcast %squeeze3A_2815 : f32 to vector<16xf32>
      %mul3A_2817 = arith.mulf %mul3A_2816, %add3A_2802 : vector<16xf32>
      %add3A_2818 = arith.addf %mul3A_2813, %mul3A_2817 : vector<16xf32>
      %slice3A_2819 = vector.extract_strided_slice %get3A_18 {offsets = [2], sizes = [1], strides = [1]} : vector<16xf32> to vector<1xf32>
      %squeeze3A_2820 = vector.extract %slice3A_2819[0] : f32 from vector<1xf32>
      %mul3A_2821 = vector.broadcast %squeeze3A_2820 : f32 to vector<16xf32>
      %mul3A_2822 = arith.mulf %mul3A_2821, %add3A_2801 : vector<16xf32>
      %slice3A_2823 = vector.extract_strided_slice %get3A_18 {offsets = [7], sizes = [1], strides = [1]} : vector<16xf32> to vector<1xf32>
      %squeeze3A_2824 = vector.extract %slice3A_2823[0] : f32 from vector<1xf32>
      %mul3A_2825 = vector.broadcast %squeeze3A_2824 : f32 to vector<16xf32>
      %mul3A_2826 = arith.mulf %mul3A_2825, %add3A_2802 : vector<16xf32>
      %add3A_2827 = arith.addf %mul3A_2822, %mul3A_2826 : vector<16xf32>
      %slice3A_2828 = vector.extract_strided_slice %get3A_18 {offsets = [3], sizes = [1], strides = [1]} : vector<16xf32> to vector<1xf32>
      %squeeze3A_2829 = vector.extract %slice3A_2828[0] : f32 from vector<1xf32>
      %mul3A_2830 = vector.broadcast %squeeze3A_2829 : f32 to vector<16xf32>
      %mul3A_2831 = arith.mulf %mul3A_2830, %add3A_2801 : vector<16xf32>
      %slice3A_2832 = vector.extract_strided_slice %get3A_18 {offsets = [8], sizes = [1], strides = [1]} : vector<16xf32> to vector<1xf32>
      %squeeze3A_2833 = vector.extract %slice3A_2832[0] : f32 from vector<1xf32>
      %mul3A_2834 = vector.broadcast %squeeze3A_2833 : f32 to vector<16xf32>
      %mul3A_2835 = arith.mulf %mul3A_2834, %add3A_2802 : vector<16xf32>
      %add3A_2836 = arith.addf %mul3A_2831, %mul3A_2835 : vector<16xf32>
      %slice3A_2837 = vector.extract_strided_slice %get3A_18 {offsets = [4], sizes = [1], strides = [1]} : vector<16xf32> to vector<1xf32>
      %squeeze3A_2838 = vector.extract %slice3A_2837[0] : f32 from vector<1xf32>
      %mul3A_2839 = vector.broadcast %squeeze3A_2838 : f32 to vector<16xf32>
      %mul3A_2840 = arith.mulf %mul3A_2839, %add3A_2801 : vector<16xf32>
      %slice3A_2841 = vector.extract_strided_slice %get3A_18 {offsets = [9], sizes = [1], strides = [1]} : vector<16xf32> to vector<1xf32>
      %squeeze3A_2842 = vector.extract %slice3A_2841[0] : f32 from vector<1xf32>
      %mul3A_2843 = vector.broadcast %squeeze3A_2842 : f32 to vector<16xf32>
      %mul3A_2844 = arith.mulf %mul3A_2843, %add3A_2802 : vector<16xf32>
      %add3A_2845 = arith.addf %mul3A_2840, %mul3A_2844 : vector<16xf32>
      %max3A = arith.maximumf %add3A_2809, %add3A_2818 : vector<16xf32>
      %max3A_2846 = arith.maximumf %max3A, %add3A_2827 : vector<16xf32>
      %max3A_2847 = arith.maximumf %max3A_2846, %add3A_2836 : vector<16xf32>
      %max3A_2848 = arith.maximumf %max3A_2847, %add3A_2845 : vector<16xf32>
      %sub3A = arith.subf %add3A_2809, %max3A_2848 : vector<16xf32>
      %exp3A = math.exp %sub3A : vector<16xf32>
      %sub3A_2849 = arith.subf %add3A_2818, %max3A_2848 : vector<16xf32>
      %exp3A_2850 = math.exp %sub3A_2849 : vector<16xf32>
      %sub3A_2851 = arith.subf %add3A_2827, %max3A_2848 : vector<16xf32>
      %exp3A_2852 = math.exp %sub3A_2851 : vector<16xf32>
      %sub3A_2853 = arith.subf %add3A_2836, %max3A_2848 : vector<16xf32>
      %exp3A_2854 = math.exp %sub3A_2853 : vector<16xf32>
      %sub3A_2855 = arith.subf %add3A_2845, %max3A_2848 : vector<16xf32>
      %exp3A_2856 = math.exp %sub3A_2855 : vector<16xf32>
      %slice3A_2857 = vector.extract_strided_slice %get3A_18 {offsets = [10], sizes = [1], strides = [1]} : vector<16xf32> to vector<1xf32>
      %squeeze3A_2858 = vector.extract %slice3A_2857[0] : f32 from vector<1xf32>
      %mul3A_2859 = vector.broadcast %squeeze3A_2858 : f32 to vector<16xf32>
      %mul3A_2860 = arith.mulf %exp3A, %mul3A_2859 : vector<16xf32>
      %add3A_2861 = arith.addf %exp3A, %exp3A_2850 : vector<16xf32>
      %slice3A_2862 = vector.extract_strided_slice %get3A_18 {offsets = [11], sizes = [1], strides = [1]} : vector<16xf32> to vector<1xf32>
      %squeeze3A_2863 = vector.extract %slice3A_2862[0] : f32 from vector<1xf32>
      %mul3A_2864 = vector.broadcast %squeeze3A_2863 : f32 to vector<16xf32>
      %mul3A_2865 = arith.mulf %exp3A_2850, %mul3A_2864 : vector<16xf32>
      %add3A_2866 = arith.addf %mul3A_2860, %mul3A_2865 : vector<16xf32>
      %add3A_2867 = arith.addf %add3A_2861, %exp3A_2852 : vector<16xf32>
      %slice3A_2868 = vector.extract_strided_slice %get3A_18 {offsets = [12], sizes = [1], strides = [1]} : vector<16xf32> to vector<1xf32>
      %squeeze3A_2869 = vector.extract %slice3A_2868[0] : f32 from vector<1xf32>
      %mul3A_2870 = vector.broadcast %squeeze3A_2869 : f32 to vector<16xf32>
      %mul3A_2871 = arith.mulf %exp3A_2852, %mul3A_2870 : vector<16xf32>
      %add3A_2872 = arith.addf %add3A_2866, %mul3A_2871 : vector<16xf32>
      %add3A_2873 = arith.addf %add3A_2867, %exp3A_2854 : vector<16xf32>
      %slice3A_2874 = vector.extract_strided_slice %get3A_18 {offsets = [13], sizes = [1], strides = [1]} : vector<16xf32> to vector<1xf32>
      %squeeze3A_2875 = vector.extract %slice3A_2874[0] : f32 from vector<1xf32>
      %mul3A_2876 = vector.broadcast %squeeze3A_2875 : f32 to vector<16xf32>
      %mul3A_2877 = arith.mulf %exp3A_2854, %mul3A_2876 : vector<16xf32>
      %add3A_2878 = arith.addf %add3A_2872, %mul3A_2877 : vector<16xf32>
      %add3A_2879 = arith.addf %add3A_2873, %exp3A_2856 : vector<16xf32>
      %slice3A_2880 = vector.extract_strided_slice %get3A_18 {offsets = [14], sizes = [1], strides = [1]} : vector<16xf32> to vector<1xf32>
      %squeeze3A_2881 = vector.extract %slice3A_2880[0] : f32 from vector<1xf32>
      %mul3A_2882 = vector.broadcast %squeeze3A_2881 : f32 to vector<16xf32>
      %mul3A_2883 = arith.mulf %exp3A_2856, %mul3A_2882 : vector<16xf32>
      %add3A_2884 = arith.addf %add3A_2878, %mul3A_2883 : vector<16xf32>
      %div3A = arith.divf %add3A_2884, %add3A_2879 : vector<16xf32>
      %swap3A = arith.constant 0 : i32
      %swap3A_2885 = arith.index_cast %swap3A : i32 to index
      %swap3A_2886 = arith.index_cast %mul3A_41 : i32 to index
      %swap3A_2887 = tpu.vector_load %arg12[%swap3A_2885, %swap3A_2886] {strides = array<i32>} : memref<5x512xf32, #tpu.memory_space<vmem>>, vector<1x16xf32>,
      %swap3A_2888 = vector.shape_cast %swap3A_2887 : vector<1x16xf32> to vector<16xf32>
      %swap3A_2889 = vector.shape_cast %add3A_2809 : vector<16xf32> to vector<1x16xf32>
      tpu.vector_store %arg12[%swap3A_2885, %swap3A_2886], %swap3A_2889 {strides = array<i32>} : memref<5x512xf32, #tpu.memory_space<vmem>>, vector<1x16xf32>,
      %swap3A_2890 = arith.constant 1 : i32
      %swap3A_2891 = arith.index_cast %swap3A_2890 : i32 to index
      %swap3A_2892 = arith.index_cast %mul3A_41 : i32 to index
      %swap3A_2893 = tpu.vector_load %arg12[%swap3A_2891, %swap3A_2892] {strides = array<i32>} : memref<5x512xf32, #tpu.memory_space<vmem>>, vector<1x16xf32>,
      %swap3A_2894 = vector.shape_cast %swap3A_2893 : vector<1x16xf32> to vector<16xf32>
      %swap3A_2895 = vector.shape_cast %add3A_2818 : vector<16xf32> to vector<1x16xf32>
      tpu.vector_store %arg12[%swap3A_2891, %swap3A_2892], %swap3A_2895 {strides = array<i32>} : memref<5x512xf32, #tpu.memory_space<vmem>>, vector<1x16xf32>,
      %swap3A_2896 = arith.constant 2 : i32
      %swap3A_2897 = arith.index_cast %swap3A_2896 : i32 to index
      %swap3A_2898 = arith.index_cast %mul3A_41 : i32 to index
      %swap3A_2899 = tpu.vector_load %arg12[%swap3A_2897, %swap3A_2898] {strides = array<i32>} : memref<5x512xf32, #tpu.memory_space<vmem>>, vector<1x16xf32>,
      %swap3A_2900 = vector.shape_cast %swap3A_2899 : vector<1x16xf32> to vector<16xf32>
      %swap3A_2901 = vector.shape_cast %add3A_2827 : vector<16xf32> to vector<1x16xf32>
      tpu.vector_store %arg12[%swap3A_2897, %swap3A_2898], %swap3A_2901 {strides = array<i32>} : memref<5x512xf32, #tpu.memory_space<vmem>>, vector<1x16xf32>,
      %swap3A_2902 = arith.constant 3 : i32
      %swap3A_2903 = arith.index_cast %swap3A_2902 : i32 to index
      %swap3A_2904 = arith.index_cast %mul3A_41 : i32 to index
      %swap3A_2905 = tpu.vector_load %arg12[%swap3A_2903, %swap3A_2904] {strides = array<i32>} : memref<5x512xf32, #tpu.memory_space<vmem>>, vector<1x16xf32>,
      %swap3A_2906 = vector.shape_cast %swap3A_2905 : vector<1x16xf32> to vector<16xf32>
      %swap3A_2907 = vector.shape_cast %add3A_2836 : vector<16xf32> to vector<1x16xf32>
      tpu.vector_store %arg12[%swap3A_2903, %swap3A_2904], %swap3A_2907 {strides = array<i32>} : memref<5x512xf32, #tpu.memory_space<vmem>>, vector<1x16xf32>,
      %swap3A_2908 = arith.constant 4 : i32
      %swap3A_2909 = arith.index_cast %swap3A_2908 : i32 to index
      %swap3A_2910 = arith.index_cast %mul3A_41 : i32 to index
      %swap3A_2911 = tpu.vector_load %arg12[%swap3A_2909, %swap3A_2910] {strides = array<i32>} : memref<5x512xf32, #tpu.memory_space<vmem>>, vector<1x16xf32>,
      %swap3A_2912 = vector.shape_cast %swap3A_2911 : vector<1x16xf32> to vector<16xf32>
      %swap3A_2913 = vector.shape_cast %add3A_2845 : vector<16xf32> to vector<1x16xf32>
      tpu.vector_store %arg12[%swap3A_2909, %swap3A_2910], %swap3A_2913 {strides = array<i32>} : memref<5x512xf32, #tpu.memory_space<vmem>>, vector<1x16xf32>,
      %swap3A_2914 = arith.index_cast %mul3A_41 : i32 to index
      %swap3A_2915 = tpu.vector_load %arg13[%swap3A_2914] {strides = array<i32>} : memref<512xf32, #tpu.memory_space<vmem>>, vector<16xf32>,
      %swap3A_2916 = vector.shape_cast %swap3A_2915 : vector<16xf32> to vector<16xf32>
      %swap3A_2917 = vector.shape_cast %div3A : vector<16xf32> to vector<16xf32>
      tpu.vector_store %arg13[%swap3A_2914], %swap3A_2917 {strides = array<i32>} : memref<512xf32, #tpu.memory_space<vmem>>, vector<16xf32>,
    }
    %scan3A_22 = arith.constant 32 : i32
    %dma_start3A_23 = arith.constant 0 : i32
    %dma_start3A_24 = tpu.memref_slice %arg6[%dma_start3A_23, %mul3A_2] : memref<5x16384xf32, #tpu.memory_space<hbm>> -> memref<5x512xf32, #tpu.memory_space<hbm>>
    %dma_start3A_25 = arith.constant 0 : i32
    %dma_start3A_26 = tpu.memref_slice %arg6[%dma_start3A_25, %mul3A_2] : memref<5x16384xf32, #tpu.memory_space<hbm>> -> memref<5x512xf32, #tpu.memory_space<hbm>>
    tpu.enqueue_dma source(%arg12 : memref<5x512xf32, #tpu.memory_space<vmem>>) target(%dma_start3A_26 : memref<5x512xf32, #tpu.memory_space<hbm>>) target_semaphore(%arg14 : memref<!tpu.dma_semaphore, #tpu.memory_space<semaphore_mem>>)
    %dma_wait3A_27 = arith.constant 0 : i32
    %dma_wait3A_28 = tpu.memref_slice %arg6[%dma_wait3A_27, %mul3A_2] : memref<5x16384xf32, #tpu.memory_space<hbm>> -> memref<5x512xf32, #tpu.memory_space<hbm>>
    %dma_wait3A_29 = arith.constant 0 : i32
    %dma_wait3A_30 = tpu.memref_slice %arg6[%dma_wait3A_29, %mul3A_2] : memref<5x16384xf32, #tpu.memory_space<hbm>> -> memref<5x512xf32, #tpu.memory_space<hbm>>
    tpu.wait_dma2 semaphore(%arg14 : memref<!tpu.dma_semaphore, #tpu.memory_space<semaphore_mem>>) src(%arg12 : memref<5x512xf32, #tpu.memory_space<vmem>>) dst(%dma_wait3A_30 : memref<5x512xf32, #tpu.memory_space<hbm>>)
    %dma_start3A_31 = tpu.memref_slice %arg7[%mul3A_2] : memref<16384xf32, #tpu.memory_space<hbm>> -> memref<512xf32, #tpu.memory_space<hbm>>
    %dma_start3A_32 = tpu.memref_slice %arg7[%mul3A_2] : memref<16384xf32, #tpu.memory_space<hbm>> -> memref<512xf32, #tpu.memory_space<hbm>>
    tpu.enqueue_dma source(%arg13 : memref<512xf32, #tpu.memory_space<vmem>>) target(%dma_start3A_32 : memref<512xf32, #tpu.memory_space<hbm>>) target_semaphore(%arg14 : memref<!tpu.dma_semaphore, #tpu.memory_space<semaphore_mem>>)
    %dma_wait3A_33 = tpu.memref_slice %arg7[%mul3A_2] : memref<16384xf32, #tpu.memory_space<hbm>> -> memref<512xf32, #tpu.memory_space<hbm>>
    %dma_wait3A_34 = tpu.memref_slice %arg7[%mul3A_2] : memref<16384xf32, #tpu.memory_space<hbm>> -> memref<512xf32, #tpu.memory_space<hbm>>
    tpu.wait_dma2 semaphore(%arg14 : memref<!tpu.dma_semaphore, #tpu.memory_space<semaphore_mem>>) src(%arg13 : memref<512xf32, #tpu.memory_space<vmem>>) dst(%dma_wait3A_34 : memref<512xf32, #tpu.memory_space<hbm>>)
    return
  }
}

</mosaic_0001>

<sc_bundles>
// kernel: kernel.3.cloned.1.call-start
scs
__scs_entry_jumppad:
0x0: {  	(pc) =	sbr.rel $0x88, $3  }
0x1: {  	(tag) =	ssettag $0x0;
	lr =	simm.s32 $0x1  }
0x2: {  	[smem:$0x3F9C] =	sst lr;
	_ =	strace $0xD0000000  }
0x3: {  	_ = 	snop  }
0x4: {  	_ = 	snop  }
0x5: {  	_ = 	snop  }
0x6: {  	_ = 	snop  }
0x7: {  	_ = 	snop  }
__scs_overlays_trampoline_lowered:
0x8: {  	[smem:$0x3FAB] =	sst s0  }
0x9: {  	[smem:$0x3FAC] =	sst s1  }
0xa: {  	[smem:$0x3FAD] =	sst s2  }
0xb: {  	[smem:$0x3FAE] =	sst s3  }
0xc: {  	[smem:$0x3FAF] =	sst s4  }
0xd: {  	[smem:$0x3FB0] =	sst s5  }
0xe: {  	[smem:$0x3FB1] =	sst s6  }
0xf: {  	[smem:$0x3FB2] =	sst s7  }
0x10: {  	[smem:$0x3FB3] =	sst s8  }
0x11: {  	[smem:$0x3FB4] =	sst s9;
	s0 =	simm.s32 @!p0 $0x0  }
0x12: {  	s1 =	sld [smem:$0x3F9A];
	s0 =	simm.s32 @p0 $0x1  }
0x13: {  	[smem:$0x3FB5] =	sst s0;
	s0 =	simm.s32 @!p1 $0x0  }
0x14: {  	s2 =	sld [smem:$0x3F99];
	s0 =	simm.s32 @p1 $0x1  }
0x15: {  	[smem:$0x3FB6] =	sst s0;
	s0 =	simm.s32 @!p2 $0x0  }
0x16: {  	s3 =	sld [smem:$0x3FDB];
	s0 =	simm.s32 @p2 $0x1  }
0x17: {  	s4 =	simm.s32 $0x1BF5;
	[smem:$0x3FB8] =	sst s0  }
0x18: {  	s0 =	sld [smem:$0x3F9B];
	_ =	swait.ge [sflag:s4], $0x0  }
0x19: {  	s7 =	sld [smem:$0x3F9C]  }
0x1a: {  	s8 =	sadd.s32 $0xFFFFE003, lr  }
0x1b: {  	s9 =	sadd.s32 $0xFFFFFEF7, lr;
	s5 =	simm.s32 $0xFFFFFFFF;
	p2 =	slt.u32 s8, $0xFFFFF086  }
0x1c: {  	p1 =	slt.u32 s9, $0xF7A;
	s5 =	simm.s32 @!p2 $0x0  }
0x1d: {  	s5 =	simm.s32 @p1 $0x1;
	p0 =	seq.s32 s7, s2  }
0x1e: {  	s7 =	smul.u32 @!p0 $0xF7A, s2;
	p2 =	seq.s32 @!p0 s5, $0x0  }
0x1f: {  	s9 =	smul.u32 $0xF7A, s1;
	s8 =	simm.s32 @!p0 $0x1BF5;
	p2 =	por !p2, p0  }
0x20: {  	[sflag:s8] =	ssyncset.s32 @!p0 $0xFFFFF086;
	s6 =	sadd.s32 @!p0 s3, s7;
	s7 =	simm.s32 @!p0 $0x108  }
0x21: {  	s3 =	sadd.s32 s3, s9;
	s6 =	sadd.s32 @!p0 $0x88, s6;
	s7 =	simm.s32 @p2 $0x1082  }
0x22: {  	[simem:s7], [sflag:s8] =	dma.local @!p0 [hbm:s6], $0xF7A  }
0x23: {  	s9 =	sor.u32 $0xD0000000, s2;
	s6 =	simm.s32 $0x108;
	_ =	swait.ge @!p0 [sflag:s8], $0x0  }
0x24: {  	s3 =	sadd.s32 $0x88, s3;
	s6 =	simm.s32 @!p1 $0x1082;
	[sflag:s4] =	ssyncset.s32 $0xFFFFF086  }
0x25: {  	[simem:s6], [sflag:s4] =	dma.local [hbm:s3], $0xF7A  }
0x26: {  	[smem:$0x3F9C] =	sst s1;
	(tag) =	ssettag s2;
	_ =	strace s9  }
0x27: {  	s1 =	sld [smem:$0x3FAC]  }
0x28: {  	s2 =	sld [smem:$0x3FAD]  }
0x29: {  	s4 =	sld [smem:$0x3FAF]  }
0x2a: {  	p0 =	seq.s32 s5, $0x0;
	s5 =	sld [smem:$0x3FB0]  }
0x2b: {  	s6 =	sld [smem:$0x3FB1]  }
0x2c: {  	s7 =	sld [smem:$0x3FB2]  }
0x2d: {  	s3 =	simm.s32 $0x108;
	s8 =	sld [smem:$0x3FB3]  }
0x2e: {  	s3 =	simm.s32 @!p0 $0x1082;
	s9 =	sld [smem:$0x3FB4]  }
0x2f: {  	lr =	sadd.s32 s0, s3;
	s0 =	sld [smem:$0x3FAB]  }
0x30: {  	s3 =	sld [smem:$0x3FAE]  }
0x31: {  	[smem:$0x3FB7] =	sst s10  }
0x32: {  	s10 =	sld [smem:$0x3FB5];
	_ =	sdelay $0x3  }
0x33: {  	p0 =	seq.s32 s10, $0x1;
	s10 =	sld [smem:$0x3FB7];
	_ =	sdelay $0x3  }
0x34: {  	[smem:$0x3FB7] =	sst s10  }
0x35: {  	s10 =	sld [smem:$0x3FB6];
	_ =	sdelay $0x3  }
0x36: {  	p1 =	seq.s32 s10, $0x1;
	s10 =	sld [smem:$0x3FB7];
	_ =	sdelay $0x3  }
0x37: {  	[smem:$0x3FB7] =	sst s10  }
0x38: {  	s10 =	sld [smem:$0x3FB8]  }
0x39: {  	_ = 	snop;
	(pc) =	sbr.ind lr, $3  }
0x3a: {  	_ = 	snop  }
0x3b: {  	_ = 	snop  }
0x3c: {  	p2 =	seq.s32 s10, $0x1;
	s10 =	sld [smem:$0x3FB7]  }
0x3d: {  	_ =	shalt  }
0x3e: {  	_ =	shalt  }
0x3f: {  	_ =	shalt  }
0x40: {  	_ =	shalt  }
0x41: {  	_ =	shalt  }
0x42: {  	_ =	shalt  }
0x43: {  	_ =	shalt  }
0x44: {  	_ =	shalt  }
0x45: {  	_ =	shalt  }
0x46: {  	_ =	shalt  }
0x47: {  	_ =	shalt  }
0x48: {  	_ =	shalt  }
0x49: {  	_ =	shalt  }
0x4a: {  	_ =	shalt  }
0x4b: {  	_ =	shalt  }
0x4c: {  	_ =	shalt  }
0x4d: {  	_ =	shalt  }
0x4e: {  	_ =	shalt  }
0x4f: {  	_ =	shalt  }
0x50: {  	_ =	shalt  }
0x51: {  	_ =	shalt  }
0x52: {  	_ =	shalt  }
0x53: {  	_ =	shalt  }
0x54: {  	_ =	shalt  }
0x55: {  	_ =	shalt  }
0x56: {  	_ =	shalt  }
0x57: {  	_ =	shalt  }
0x58: {  	_ =	shalt  }
0x59: {  	_ =	shalt  }
0x5a: {  	_ =	shalt  }
0x5b: {  	_ =	shalt  }
0x5c: {  	_ =	shalt  }
0x5d: {  	_ =	shalt  }
0x5e: {  	_ =	shalt  }
0x5f: {  	_ =	shalt  }
0x60: {  	_ =	shalt  }
0x61: {  	_ =	shalt  }
0x62: {  	_ =	shalt  }
0x63: {  	_ =	shalt  }
0x64: {  	_ =	shalt  }
0x65: {  	_ =	shalt  }
0x66: {  	_ =	shalt  }
0x67: {  	_ =	shalt  }
0x68: {  	_ =	shalt  }
0x69: {  	_ =	shalt  }
0x6a: {  	_ =	shalt  }
0x6b: {  	_ =	shalt  }
0x6c: {  	_ =	shalt  }
0x6d: {  	_ =	shalt  }
0x6e: {  	_ =	shalt  }
0x6f: {  	_ =	shalt  }
0x70: {  	_ =	shalt  }
0x71: {  	_ =	shalt  }
0x72: {  	_ =	shalt  }
0x73: {  	_ =	shalt  }
0x74: {  	_ =	shalt  }
0x75: {  	_ =	shalt  }
0x76: {  	_ =	shalt  }
0x77: {  	_ =	shalt  }
0x78: {  	_ =	shalt  }
0x79: {  	_ =	shalt  }
0x7a: {  	_ =	shalt  }
0x7b: {  	_ =	shalt  }
0x7c: {  	_ =	shalt  }
0x7d: {  	_ =	shalt  }
0x7e: {  	_ =	shalt  }
0x7f: {  	_ =	shalt  }
0x80: {  	_ =	shalt  }
0x81: {  	_ =	shalt  }
0x82: {  	_ =	shalt  }
0x83: {  	_ =	shalt  }
0x84: {  	_ =	shalt  }
0x85: {  	_ =	shalt  }
0x86: {  	_ =	shalt  }
0x87: {  	_ =	shalt  }
.Lfunc_end0:
.L_simem_size_0:
called_computation_lowered:
.L_overlay_start_0:
0x88: {  	s2 =	sld [smem:$0x3FD9]  }
0x89: {  	s3 =	sld [smem:$0x3FFE];
	_ =	sdelay $0x1  }
0x8a: {  	s1 =	srdreg.scid  }
0x8b: {  	s0 =	sand.u32 $0x1, s1  }
0x8c: {  	s14 =	sshll.u32 s0, $0xA;
	s2 =	sadd.s32 s3, s2  }
0x8d: {  	s2 =	sadd.s32 s2, s14  }
0x8e: {  	[smem:$0x3FC3] =	sst s2  }
0x8f: {  	_ = 	snop  }
0x90: {  	s2 =	sld [smem:$0x3FD0];
	_ =	sdelay $0x1  }
0x91: {  	s15 =	sld [smem:$0x3FC9]  }
0x92: {  	s5 =	simm.s32 $0xA;
	s6 =	simm.s32 $0x10;
	s4 =	sld [smem:$0x3FC8]  }
0x93: {  	[smem:s6], [sflag:s5] =	dma.local [hbm:s2], $0x1  }
0x94: {  	_ =	swait.eq [sflag:s5], $0x1  }
0x95: {  	[sflag:s5] =	ssyncset.done $0x0  }
0x96: {  	s16 =	sld [smem:$0x10];
	[sflag:s5] =	ssyncadd.s32 $0xFFFFFFFF  }
0x97: {  	s17 =	sld [smem:$0x11];
	(tm) =	ssettm $0x1  }
0x98: {  	s18 =	sld [smem:$0x3FFB];
	_ =	sdelay $0x3  }
0x99: {  	_ =	strace s18  }
0x9a: {  	s6 =	sld [smem:$0x3FFC];
	_ =	sdelay $0x3  }
0x9b: {  	_ =	strace s6  }
0x9c: {  	s6 =	sld [smem:$0x3FFD];
	_ =	sdelay $0x3  }
0x9d: {  	_ =	strace s6  }
0x9e: {  	_ =	strace $0x8FFFFFFF  }
0x9f: {  	s19 =	sld [smem:$0x3FDB];
	_ =	sdelay $0x1  }
0xa0: {  	s7 =	simm.s32 $_scs_section_size  }
0xa1: {  	s8 =	simm.s32 $_size__tile_overlayer_lowered;
	s9 =	simm.s32 $_tile_overlayer_lowered  }
0xa2: {  	s22 =	simm.s32 $0x1BFF;
	s21 =	sshll.u32 s9, $0x1;
	s6 =	sadd.s32 s7, s19  }
0xa3: {  	s10 =	simm.s32 $0x0;
	s20 =	sshll.u32 s8, $0x1;
	s8 =	sadd.s32 s21, s6  }
0xa4: {  	[timem:s10], [sflag:s22] =	dma.local [hbm:s8], s20  }
0xa5: {  	_ =	swait.ge [sflag:s22], s20  }
0xa6: {  	s7 =	ssub.s32 $0x0, s20;
	[sflag:s22] =	ssyncset.done $0x0  }
0xa7: {  	[sflag:s22] =	ssyncadd.s32 s7;
	_ =	sdelay $0x1  }
0xa8: {  	s23 =	simm.s32 $0x1B8B  }
0xa9: {  	_ =	swait.ge [sflag:s23], $0x1  }
0xaa: {  	[sflag:s23] =	ssyncset.done $0x0  }
0xab: {  	s25 =	simm.s32 $0x1B8E;
	s24 =	sld [smem:$0x3FFE];
	[sflag:s23] =	ssyncadd.s32 $0xFFFFFFFF  }
0xac: {  	s26 =	simm.s32 $execute0_lowered;
	[smem:$0x3FD2] =	sst s25  }
0xad: {  	s8 =	sshll.u32 s26, $0x1;
	_ =	strace $0x80000046;
	[dreg:$0x1] =	wrdreg $0xFFFFFFFF  }
0xae: {  	s28 =	simm.s32 $_size_execute0_lowered;
	s6 =	sadd.s32 s6, s8;
	[dreg:$0x0] =	wrdreg $0x0  }
0xaf: {  	s8 =	sshll.u32 s28, $0x1;
	[dreg:$0x2] =	wrdreg s6  }
0xb0: {  	[dreg:$0x3] =	wrdreg s8  }
0xb1: {  	[dreg:$0x4] =	wrdreg $0xC0  }
0xb2: {  	_ =	task [dreg:s10], $0x5FFFF  }
0xb3: {  	[dreg:$0x1] =	wrdreg $0xFFFFFFFF  }
0xb4: {  	[dreg:$0x0] =	wrdreg $0x60  }
0xb5: {  	[dreg:$0x2] =	wrdreg s15  }
0xb6: {  	[dreg:$0x3] =	wrdreg s4  }
0xb7: {  	[dreg:$0x4] =	wrdreg s24  }
0xb8: {  	[dreg:$0x5] =	wrdreg s17  }
0xb9: {  	[dreg:$0x6] =	wrdreg s16  }
0xba: {  	[dreg:$0x7] =	wrdreg $0x9  }
0xbb: {  	_ =	task.clear_ibuf [dreg:s10], $0x8FFFF;
	_ =	strace $0x90000046  }
0xbc: {  	s29 =	simm.s32 $0x9;
	_ =	strace $0x80000048  }
0xbd: {  	_ =	swait.ge [sflag:s29], $0x1  }
0xbe: {  	[sflag:s29] =	ssyncadd.s32 $0xFFFFFFFF  }
0xbf: {  	_ =	strace $0x90000048  }
0xc0: {  	_ =	sfence  }
0xc1: {  	s30 =	sld [smem:$0x0];
	_ =	sdelay $0x2  }
0xc2: {  	s31 =	sshll.u32 s1, $0xD;
	s1 =	sshrl.u32 s1, $0x2  }
0xc3: {  	s3 =	sand.u32 $0x4000, s31;
	s1 =	sadd.s32 s1, s30  }
0xc4: {  	s0 =	sor.u32 s3, s0;
	s1 =	sshll.u32 s1, $0x11  }
0xc5: {  	s0 =	sor.u32 s1, s0  }
0xc6: {  	s0 =	sadd.s32 $0x8F2B, s0  }
0xc7: {  	[sflag:s0] =	ssyncadd.remote.s32 $0x1  }
0xc8: {  	_ =	sfence.sel $0xFFFF  }
0xc9: {  	[dreg:$0x0] =	wrdreg $0xFFFFFFFF;
	(pc) =	sbr.abs _section_cstart, $3  }
0xca: {  	[dreg:$0x1] =	wrdreg $0xFFFFFFFF  }
0xcb: {  	_ =	task.clear_ibuf [dreg:s10], $0x2FFFF;
	_ =	strace $0x9FFFFFFF  }
0xcc: {  	(tm) =	ssettm $0x7FFFFFFF  }
0xcd: {  	_ =	shalt  }
tec
execute0_lowered:
.L_overlay_start_1:
0x0: {  	(tag) =	ssettag $0x1  }
0x1: {  	s5 =	rddreg [dreg:$0x0]  }
0x2: {  	s6 =	rddreg [dreg:$0x1]  }
0x3: {  	s4 =	rddreg [dreg:$0x2]  }
0x4: {  	s7 =	rddreg [dreg:$0x3]  }
0x5: {  	s8 =	rddreg [dreg:$0x4]  }
0x6: {  	s0 =	rddreg [dreg:$0x5];
	s1 =	simm.s32 $0x0;
	s2 =	srdreg.scid  }
0x7: {  	s13 =	simm.s32 $0x2000;
	s14 =	simm.s32 $0x4000;
	s15 =	simm.s32 $0x6000  }
0x8: {  	s16 =	simm.s32 $0x6080;
	s17 =	simm.s32 $0x7080;
	s18 =	simm.s32 $0x0  }
0x9: {  	[smem:$0x7FF] =	sst s1;
	s9 =	sand.u32 $0x1, s2;
	s3 =	sadd.s32 $0x800, s4  }
0xa: {  	s2 =	stileid.u32;
	s4 =	sadd.s32 $0xC00, s4;
	_ =	strace $0x80000047  }
0xb: {  	s10 =	ssub.s32 $0x2, s9;
	s9 =	sshll.u32 s9, $0xD;
	s12 =	sshll.u32 s2, $0x9  }
0xc: {  	s11 =	sshrl.u32 s10, $0x1;
	s9 =	sor.u32 s12, s9;
	s12 =	simm.s32 $0x1  }
0xd: {  	s10 =	ssub.s32 s10, s11;
	s5 =	sadd.s32 s5, s9;
	s6 =	sadd.s32 s6, s9  }
0xe: {  	s31 =	sshrl.u32 s9, $0x3;
	s7 =	sadd.s32 s7, s9;
	s11 =	simm.s32 $0x20000  }
0xf: {  	s8 =	sadd.s32 s8, s31;
	s9 =	smax.u32 s10, $0x1;
	s10 =	simm.s32 $0x1000  }
.LBB2_1:
0x10: {  	[tilespmem:s1], [sflag:$0x1] =	stream.strided.gather [hbm4b:s5+s10], $0x2000, s11, s10, $0x38;
	[tilespmem:$0x7280] =	vst v63  }
0x11: {  	_ =	swait.ge [sflag:s12], $0x2000  }
0x12: {  	[sflag:s12] =	ssyncset.done $0x0  }
0x13: {  	[sflag:s12] =	ssyncadd.s32 $0xFFFFE000  }
0x14: {  	[tilespmem:s13], [sflag:$0x1] =	stream.strided.gather [hbm4b:s6+s10], $0x2000, s11, s10, $0x38;
	[tilespmem:$0x7280] =	vst v63  }
0x15: {  	_ =	swait.ge [sflag:s12], $0x2000  }
0x16: {  	[sflag:s12] =	ssyncset.done $0x0  }
0x17: {  	[sflag:s12] =	ssyncadd.s32 $0xFFFFE000  }
0x18: {  	[tilespmem:s14], [sflag:$0x1] =	stream.linear.gather [hbm4b:s3+s1], $0x2000, $0x38;
	[tilespmem:$0x7280] =	vst v63  }
0x19: {  	_ =	swait.ge [sflag:s12], $0x2000  }
0x1a: {  	[sflag:s12] =	ssyncset.done $0x0  }
0x1b: {  	[sflag:s12] =	ssyncadd.s32 $0xFFFFE000  }
0x1c: {  	[tilespmem:s15], [sflag:$0x1] =	stream.linear.gather [hbm4b:s4+s1], $0x80, $0x38;
	[tilespmem:$0x7280] =	vst v63  }
0x1d: {  	_ =	swait.ge [sflag:s12], $0x80  }
0x1e: {  	[sflag:s12] =	ssyncset.done $0x0  }
0x1f: {  	[sflag:s12] =	ssyncadd.s32 $0xFFFFFF80  }
0x20: {  	v0 =	vld [tilespmem:$0x6000];
	_ =	sdelay $0x4  }
0x21: {  	v1 =	vbroadcast v0, $0x0  }
0x22: {  	v51 =	vbroadcast v0, $0x5  }
0x23: {  	v52 =	vbroadcast v0, $0x1;
	[tilespmem:$0x1FF10] =	vst v1  }
0x24: {  	v53 =	vbroadcast v0, $0x6;
	[tilespmem:$0x1FF20] =	vst v51  }
0x25: {  	v54 =	vbroadcast v0, $0x2;
	[tilespmem:$0x1FF30] =	vst v52  }
0x26: {  	v55 =	vbroadcast v0, $0x7;
	[tilespmem:$0x1FF40] =	vst v53  }
0x27: {  	v56 =	vbroadcast v0, $0x3;
	[tilespmem:$0x1FF50] =	vst v54  }
0x28: {  	v57 =	vbroadcast v0, $0x8;
	[tilespmem:$0x1FF60] =	vst v55  }
0x29: {  	v58 =	vbroadcast v0, $0x4;
	[tilespmem:$0x1FF70] =	vst v56  }
0x2a: {  	v59 =	vbroadcast v0, $0x9;
	[tilespmem:$0x1FF80] =	vst v57  }
0x2b: {  	v60 =	vbroadcast v0, $0xA;
	[tilespmem:$0x1FF90] =	vst v58  }
0x2c: {  	v61 =	vbroadcast v0, $0xB;
	[tilespmem:$0x1FFA0] =	vst v59  }
0x2d: {  	v62 =	vbroadcast v0, $0xC;
	[tilespmem:$0x1FFB0] =	vst v60  }
0x2e: {  	v63 =	vbroadcast v0, $0xD;
	[tilespmem:$0x1FFC0] =	vst v61  }
0x2f: {  	v0 =	vbroadcast v0, $0xE;
	[tilespmem:$0x1FFD0] =	vst v62  }
0x30: {  	[tilespmem:$0x1FFE0] =	vst v63  }
0x31: {  	s19 =	simm.s32 $0x7080;
	s20 =	simm.s32 $0x0;
	s21 =	simm.s32 $0x0;
	[tilespmem:$0x1FFF0] =	vst v0  }
.LBB2_2:
0x32: {  	v62 =	vld [tilespmem:$0x41F0];
	_ =	sdelay $0x4  }
0x33: {  	[tilespmem:$0x1ECE0] =	vst v62;
	v62 =	vld [tilespmem:$0x5130];
	_ =	sdelay $0x4  }
0x34: {  	[tilespmem:$0x1EC50] =	vst v62;
	v62 =	vld [tilespmem:$0x5140];
	_ =	sdelay $0x4  }
0x35: {  	[tilespmem:$0x1EC70] =	vst v62;
	v62 =	vld [tilespmem:$0x5150];
	_ =	sdelay $0x4  }
0x36: {  	[tilespmem:$0x1EC90] =	vst v62;
	v62 =	vld [tilespmem:$0x5160];
	_ =	sdelay $0x4  }
0x37: {  	[tilespmem:$0x1ECA0] =	vst v62;
	v62 =	vld [tilespmem:$0x5170];
	_ =	sdelay $0x4  }
0x38: {  	[tilespmem:$0x1ECB0] =	vst v62;
	v62 =	vld [tilespmem:$0x5180];
	_ =	sdelay $0x4  }
0x39: {  	[tilespmem:$0x1ECD0] =	vst v62;
	v62 =	vld [tilespmem:$0x5190];
	_ =	sdelay $0x4  }
0x3a: {  	[tilespmem:$0x1ECF0] =	vst v62;
	v62 =	vld [tilespmem:$0x51A0];
	_ =	sdelay $0x4  }
0x3b: {  	[tilespmem:$0x1ED00] =	vst v62;
	v62 =	vld [tilespmem:$0x51B0];
	_ =	sdelay $0x4  }
0x3c: {  	[tilespmem:$0x1ED10] =	vst v62;
	v62 =	vld [tilespmem:$0x51C0];
	_ =	sdelay $0x4  }
0x3d: {  	[tilespmem:$0x1ED60] =	vst v62;
	v62 =	vld [tilespmem:$0x51D0];
	_ =	sdelay $0x4  }
0x3e: {  	[tilespmem:$0x1ED80] =	vst v62;
	v62 =	vld [tilespmem:$0x51E0];
	_ =	sdelay $0x4  }
0x3f: {  	[tilespmem:$0x1EF40] =	vst v62;
	v62 =	vld [tilespmem:$0x51F0];
	_ =	sdelay $0x4  }
0x40: {  	[tilespmem:$0x1EF50] =	vst v62;
	v62 =	vld [tilespmem:$0x4200];
	_ =	sdelay $0x4  }
0x41: {  	[tilespmem:$0x1ED20] =	vst v62;
	v62 =	vld [tilespmem:$0x4210];
	_ =	sdelay $0x4  }
0x42: {  	[tilespmem:$0x1ED40] =	vst v62;
	v62 =	vld [tilespmem:$0x4220];
	_ =	sdelay $0x4  }
0x43: {  	[tilespmem:$0x1ED30] =	vst v62;
	v62 =	vld [tilespmem:$0x4230];
	_ =	sdelay $0x4  }
0x44: {  	[tilespmem:$0x1ED50] =	vst v62;
	v62 =	vld [tilespmem:$0x4240];
	_ =	sdelay $0x4  }
0x45: {  	[tilespmem:$0x1ED70] =	vst v62;
	v62 =	vld [tilespmem:$0x4250];
	_ =	sdelay $0x4  }
0x46: {  	[tilespmem:$0x1ED90] =	vst v62;
	v62 =	vld [tilespmem:$0x4260];
	_ =	sdelay $0x4  }
0x47: {  	[tilespmem:$0x1EDA0] =	vst v62;
	v62 =	vld [tilespmem:$0x4270];
	_ =	sdelay $0x4  }
0x48: {  	[tilespmem:$0x1EDB0] =	vst v62;
	v62 =	vld [tilespmem:$0x4280];
	_ =	sdelay $0x4  }
0x49: {  	[tilespmem:$0x1EDC0] =	vst v62;
	v62 =	vld [tilespmem:$0x4290];
	_ =	sdelay $0x4  }
0x4a: {  	[tilespmem:$0x1EDD0] =	vst v62;
	v62 =	vld [tilespmem:$0x42A0];
	_ =	sdelay $0x4  }
0x4b: {  	[tilespmem:$0x1EE20] =	vst v62;
	v62 =	vld [tilespmem:$0x42B0];
	_ =	sdelay $0x4  }
0x4c: {  	[tilespmem:$0x1EE60] =	vst v62;
	v62 =	vld [tilespmem:$0x42C0];
	_ =	sdelay $0x4  }
0x4d: {  	[tilespmem:$0x1EE80] =	vst v62;
	v62 =	vld [tilespmem:$0x42D0];
	_ =	sdelay $0x4  }
0x4e: {  	[tilespmem:$0x1EEC0] =	vst v62;
	v62 =	vld [tilespmem:$0x42E0];
	_ =	sdelay $0x4  }
0x4f: {  	[tilespmem:$0x1EEE0] =	vst v62;
	v62 =	vld [tilespmem:$0x42F0];
	_ =	sdelay $0x4  }
0x50: {  	[tilespmem:$0x1EF10] =	vst v62;
	v62 =	vld [tilespmem:$0x5200];
	_ =	sdelay $0x4  }
0x51: {  	[tilespmem:$0x1EDE0] =	vst v62;
	v62 =	vld [tilespmem:$0x5210];
	_ =	sdelay $0x4  }
0x52: {  	[tilespmem:$0x1EE00] =	vst v62;
	v62 =	vld [tilespmem:$0x5220];
	_ =	sdelay $0x4  }
0x53: {  	[tilespmem:$0x1EDF0] =	vst v62;
	v62 =	vld [tilespmem:$0x5230];
	_ =	sdelay $0x4  }
0x54: {  	[tilespmem:$0x1EE10] =	vst v62;
	v62 =	vld [tilespmem:$0x5240];
	_ =	sdelay $0x4  }
0x55: {  	[tilespmem:$0x1EE30] =	vst v62;
	v62 =	vld [tilespmem:$0x5250]  }
0x56: {  	v1 =	vld [tilespmem:$0x4000]  }
0x57: {  	v3 =	vld [tilespmem:$0x4010]  }
0x58: {  	v2 =	vld [tilespmem:$0x4030]  }
0x59: {  	v4 =	vld [tilespmem:$0x4040]  }
0x5a: {  	[tilespmem:$0x1EE40] =	vst v62;
	v62 =	vld [tilespmem:$0x5260]  }
0x5b: {  	v5 =	vld [tilespmem:$0x4050]  }
0x5c: {  	v6 =	vld [tilespmem:$0x4060]  }
0x5d: {  	v7 =	vld [tilespmem:$0x4070]  }
0x5e: {  	v8 =	vld [tilespmem:$0x4080]  }
0x5f: {  	[tilespmem:$0x1EE50] =	vst v62;
	v62 =	vld [tilespmem:$0x5270]  }
0x60: {  	v9 =	vld [tilespmem:$0x4090]  }
0x61: {  	v10 =	vld [tilespmem:$0x40A0]  }
0x62: {  	v11 =	vld [tilespmem:$0x40B0]  }
0x63: {  	v31 =	vld [tilespmem:$0x40C0]  }
0x64: {  	[tilespmem:$0x1EE70] =	vst v62;
	v62 =	vld [tilespmem:$0x5280]  }
0x65: {  	v13 =	vld [tilespmem:$0x40D0]  }
0x66: {  	v39 =	vld [tilespmem:$0x40E0]  }
0x67: {  	v41 =	vld [tilespmem:$0x40F0]  }
0x68: {  	v14 =	vld [tilespmem:$0x5000]  }
0x69: {  	[tilespmem:$0x1EE90] =	vst v62;
	v62 =	vld [tilespmem:$0x5290]  }
0x6a: {  	v33 =	vld [tilespmem:$0x5010]  }
0x6b: {  	v12 =	vld [tilespmem:$0x5020]  }
0x6c: {  	v32 =	vld [tilespmem:$0x5030]  }
0x6d: {  	v34 =	vld [tilespmem:$0x5040]  }
0x6e: {  	[tilespmem:$0x1EEA0] =	vst v62;
	v62 =	vld [tilespmem:$0x52A0]  }
0x6f: {  	v35 =	vld [tilespmem:$0x5050]  }
0x70: {  	v36 =	vld [tilespmem:$0x5060]  }
0x71: {  	v37 =	vld [tilespmem:$0x5070]  }
0x72: {  	v38 =	vld [tilespmem:$0x5080]  }
0x73: {  	[tilespmem:$0x1EEB0] =	vst v62;
	v62 =	vld [tilespmem:$0x52B0]  }
0x74: {  	v40 =	vld [tilespmem:$0x5090]  }
0x75: {  	v43 =	vld [tilespmem:$0x50A0]  }
0x76: {  	v44 =	vld [tilespmem:$0x50B0]  }
0x77: {  	v46 =	vld [tilespmem:$0x50C0]  }
0x78: {  	[tilespmem:$0x1EED0] =	vst v62;
	v62 =	vld [tilespmem:$0x52C0]  }
0x79: {  	v47 =	vld [tilespmem:$0x50D0]  }
0x7a: {  	v56 =	vld [tilespmem:$0x50E0]  }
0x7b: {  	v58 =	vld [tilespmem:$0x50F0]  }
0x7c: {  	v45 =	vld [tilespmem:$0x4100]  }
0x7d: {  	[tilespmem:$0x1EEF0] =	vst v62;
	v62 =	vld [tilespmem:$0x52D0]  }
0x7e: {  	v49 =	vld [tilespmem:$0x4110]  }
0x7f: {  	v48 =	vld [tilespmem:$0x4130]  }
0x80: {  	v50 =	vld [tilespmem:$0x4140]  }
0x81: {  	v51 =	vld [tilespmem:$0x4150]  }
0x82: {  	[tilespmem:$0x1EF00] =	vst v62;
	v62 =	vld [tilespmem:$0x52E0]  }
0x83: {  	v52 =	vld [tilespmem:$0x4160]  }
0x84: {  	v53 =	vld [tilespmem:$0x4170]  }
0x85: {  	v54 =	vld [tilespmem:$0x4180]  }
0x86: {  	v57 =	vld [tilespmem:$0x4190]  }
0x87: {  	[tilespmem:$0x1EF20] =	vst v62;
	v62 =	vld [tilespmem:$0x52F0]  }
0x88: {  	v59 =	vld [tilespmem:$0x41A0]  }
0x89: {  	s30 =	sand.u32 $0xFFFFFC00, s20;
	v63 =	vld [tilespmem:$0x41B0]  }
0x8a: {  	s22 =	sand.u32 $0x70, s21;
	s23 =	sand.u32 $0xC00, s20;
	v55 =	vld [tilespmem:$0x41C0];
	s24 =	sadd.s32 s30, s21  }
0x8b: {  	v60 =	vld [tilespmem:$0x41D0];
	s22 =	sor.u32 s22, s23;
	s23 =	sor.u32 $0x180, s24  }
0x8c: {  	[tilespmem:$0x1EF30] =	vst v62;
	v62 =	vld [tilespmem:s23+$0x2000]  }
0x8d: {  	v61 =	vld [tilespmem:$0x41E0]  }
0x8e: {  	v30 =	vld [tilespmem:s22+$0x0]  }
0x8f: {  	v29 =	vld [tilespmem:s22+$0x80]  }
0x90: {  	v28 =	vld [tilespmem:s22+$0x100]  }
0x91: {  	[tilespmem:$0x1F1C0] =	vst v62;
	v62 =	vld [tilespmem:$0x4300]  }
0x92: {  	v26 =	vld [tilespmem:s22+$0x200]  }
0x93: {  	s28 =	sor.u32 s21, s20;
	v25 =	vld [tilespmem:s22+$0x280]  }
0x94: {  	s26 =	sor.u32 $0x380, s28;
	v24 =	vld [tilespmem:s22+$0x300]  }
0x95: {  	v23 =	vld [tilespmem:s26+$0x0]  }
0x96: {  	[tilespmem:$0x1EF70] =	vst v62;
	v62 =	vld [tilespmem:$0x4310]  }
0x97: {  	v22 =	vld [tilespmem:s22+$0x1000]  }
0x98: {  	v21 =	vld [tilespmem:s22+$0x1080]  }
0x99: {  	v20 =	vld [tilespmem:s22+$0x1100]  }
0x9a: {  	v18 =	vld [tilespmem:s22+$0x1200]  }
0x9b: {  	[tilespmem:$0x1EF90] =	vst v62;
	v62 =	vld [tilespmem:$0x4320]  }
0x9c: {  	v17 =	vld [tilespmem:s22+$0x1280]  }
0x9d: {  	s31 =	sor.u32 $0x1380, s28;
	v15 =	vld [tilespmem:s22+$0x1300]  }
0x9e: {  	v16 =	vld [tilespmem:s31+$0x0]  }
0x9f: {  	v0 =	vld [tilespmem:s22+$0x2000]  }
0xa0: {  	[tilespmem:$0x1EF80] =	vst v62;
	v62 =	vld [tilespmem:$0x4330]  }
0xa1: {  	v42 =	vld [tilespmem:s22+$0x2080]  }
0xa2: {  	s25 =	sor.u32 $0x1180, s24;
	v27 =	vld [tilespmem:s23+$0x0]  }
0xa3: {  	v19 =	vld [tilespmem:s25+$0x0];
	[tilespmem:$0x1EC60] =	vst v55  }
0xa4: {  	[tilespmem:$0x1EC80] =	vst v60;
	v60 =	vld [tilespmem:$0x5110]  }
0xa5: {  	[tilespmem:$0x1EFA0] =	vst v62;
	v62 =	vld [tilespmem:$0x4340]  }
0xa6: {  	[tilespmem:$0x1ECC0] =	vst v61;
	v61 =	vld [tilespmem:$0x5100]  }
0xa7: {  	v55 =	vld [tilespmem:s22+$0x2100];
	[tilespmem:$0x1EF60] =	vst v0  }
0xa8: {  	v0 =	vld [tilespmem:$0x4020];
	[tilespmem:$0x1F170] =	vst v42  }
0xa9: {  	v42 =	vld [tilespmem:$0x4120];
	[tilespmem:$0x1EC40] =	vst v60  }
0xaa: {  	v60 =	vld [tilespmem:$0x5120];
	[tilespmem:$0x1EFB0] =	vst v62  }
0xab: {  	v62 =	vld [tilespmem:$0x4350];
	_ =	sdelay $0x4  }
0xac: {  	[tilespmem:$0x1EFC0] =	vst v62;
	v62 =	vld [tilespmem:$0x4360];
	_ =	sdelay $0x4  }
0xad: {  	[tilespmem:$0x1EFD0] =	vst v62;
	v62 =	vld [tilespmem:$0x4370];
	_ =	sdelay $0x4  }
0xae: {  	[tilespmem:$0x1EFE0] =	vst v62;
	v62 =	vld [tilespmem:$0x4380];
	_ =	sdelay $0x4  }
0xaf: {  	[tilespmem:$0x1EFF0] =	vst v62;
	v62 =	vld [tilespmem:$0x4390];
	_ =	sdelay $0x4  }
0xb0: {  	[tilespmem:$0x1F000] =	vst v62;
	v62 =	vld [tilespmem:$0x43A0];
	_ =	sdelay $0x4  }
0xb1: {  	[tilespmem:$0x1F070] =	vst v62;
	v62 =	vld [tilespmem:$0x43B0];
	_ =	sdelay $0x4  }
0xb2: {  	[tilespmem:$0x1F090] =	vst v62;
	v62 =	vld [tilespmem:$0x43C0];
	_ =	sdelay $0x4  }
0xb3: {  	[tilespmem:$0x1F0D0] =	vst v62;
	v62 =	vld [tilespmem:$0x43D0];
	_ =	sdelay $0x4  }
0xb4: {  	[tilespmem:$0x1F0F0] =	vst v62;
	v62 =	vld [tilespmem:$0x43E0];
	_ =	sdelay $0x4  }
0xb5: {  	[tilespmem:$0x1F130] =	vst v62;
	v62 =	vld [tilespmem:$0x43F0];
	_ =	sdelay $0x4  }
0xb6: {  	[tilespmem:$0x1F140] =	vst v62;
	v62 =	vld [tilespmem:$0x5300];
	_ =	sdelay $0x4  }
0xb7: {  	[tilespmem:$0x1F010] =	vst v62;
	v62 =	vld [tilespmem:$0x5310];
	_ =	sdelay $0x4  }
0xb8: {  	[tilespmem:$0x1F030] =	vst v62;
	v62 =	vld [tilespmem:$0x5320];
	_ =	sdelay $0x4  }
0xb9: {  	[tilespmem:$0x1F020] =	vst v62;
	v62 =	vld [tilespmem:$0x5330];
	_ =	sdelay $0x4  }
0xba: {  	[tilespmem:$0x1F040] =	vst v62;
	v62 =	vld [tilespmem:$0x5340];
	_ =	sdelay $0x4  }
0xbb: {  	[tilespmem:$0x1F050] =	vst v62;
	v62 =	vld [tilespmem:$0x5350];
	_ =	sdelay $0x2  }
0xbc: {  	v1 =	vmul.f32 v1, v30;
	v0 =	vmul.f32 v0, v28;
	_ =	sdelay $0x1  }
0xbd: {  	v0 =	vadd.f32 v0, v1;
	v1 =	vmul.f32 v4, v26;
	[tilespmem:$0x1F060] =	vst v62;
	v62 =	vld [tilespmem:$0x5360]  }
0xbe: {  	v3 =	vmul.f32 v3, v29;
	v2 =	vmul.f32 v2, v27  }
0xbf: {  	v0 =	vadd.f32 v1, v0;
	v1 =	vmul.f32 v6, v24  }
0xc0: {  	v2 =	vadd.f32 v2, v3;
	v3 =	vmul.f32 v5, v25  }
0xc1: {  	v0 =	vadd.f32 v1, v0;
	v1 =	vmul.f32 v8, v22  }
0xc2: {  	v32 =	vmul.f32 v32, v27;
	v2 =	vadd.f32 v3, v2;
	[tilespmem:$0x1F080] =	vst v62;
	v62 =	vld [tilespmem:$0x5370]  }
0xc3: {  	v3 =	vmul.f32 v7, v23;
	v0 =	vadd.f32 v1, v0;
	v1 =	vmul.f32 v10, v20;
	v10 =	vld [tilespmem:$0x5570]  }
0xc4: {  	v8 =	vmul.f32 v9, v21;
	v9 =	vmul.f32 v11, v19;
	v11 =	vld [tilespmem:$0x5580]  }
0xc5: {  	v2 =	vadd.f32 v3, v2;
	v0 =	vadd.f32 v1, v0;
	v1 =	vmul.f32 v14, v30;
	v14 =	vld [tilespmem:$0x5590]  }
0xc6: {  	v3 =	vmul.f32 v31, v18;
	v31 =	vmul.f32 v33, v29;
	v33 =	vld [tilespmem:$0x55A0]  }
0xc7: {  	v2 =	vadd.f32 v8, v2;
	[tilespmem:$0x1F0A0] =	vst v62;
	v62 =	vld [tilespmem:$0x5380]  }
0xc8: {  	v5 =	vmul.f32 v13, v17;
	v13 =	vmul.f32 v12, v28;
	v4 =	vadd.f32 v32, v31;
	v12 =	vld [tilespmem:$0x55C0];
	[tilespmem:$0x1F4C0] =	vst v10  }
0xc9: {  	v32 =	vmul.f32 v37, v23;
	v2 =	vadd.f32 v9, v2;
	v9 =	vmul.f32 v34, v26;
	[tilespmem:$0x1F4E0] =	vst v11  }
0xca: {  	v34 =	vmul.f32 v40, v21;
	v1 =	vadd.f32 v13, v1;
	v13 =	vmul.f32 v39, v15;
	[tilespmem:$0x1F500] =	vst v14  }
0xcb: {  	[tilespmem:$0x1F510] =	vst v33;
	v11 =	vmul.f32 v35, v25;
	v14 =	vmul.f32 v36, v24  }
0xcc: {  	v1 =	vadd.f32 v9, v1;
	v33 =	vmul.f32 v38, v22;
	v35 =	vmul.f32 v43, v20;
	[tilespmem:$0x1F0B0] =	vst v62;
	v62 =	vld [tilespmem:$0x5390]  }
0xcd: {  	v10 =	vld [tilespmem:$0x55B0];
	[tilespmem:$0x1F540] =	vst v12;
	v12 =	vmul.f32 v46, v18;
	v43 =	vmul.f32 v52, v24;
	v4 =	vadd.f32 v11, v4  }
0xce: {  	v52 =	vmul.f32 v58, v16;
	v58 =	vmul.f32 v57, v21  }
0xcf: {  	v57 =	vld [tilespmem:$0x1ECA0];
	v1 =	vadd.f32 v14, v1;
	v4 =	vadd.f32 v32, v4;
	v32 =	vmul.f32 v42, v28  }
0xd0: {  	v0 =	vadd.f32 v3, v0;
	v42 =	vmul.f32 v56, v15;
	v56 =	vmul.f32 v54, v22;
	v54 =	vld [tilespmem:$0x1EC80]  }
0xd1: {  	v14 =	vmul.f32 v45, v30;
	v1 =	vadd.f32 v33, v1;
	v33 =	vmul.f32 v49, v29;
	[tilespmem:$0x1F0C0] =	vst v62;
	v62 =	vld [tilespmem:$0x53A0]  }
0xd2: {  	[tilespmem:$0x1F520] =	vst v10;
	v10 =	vmul.f32 v59, v20;
	v59 =	vld [tilespmem:$0x1ECC0];
	v4 =	vadd.f32 v34, v4;
	v34 =	vmul.f32 v48, v27  }
0xd3: {  	v1 =	vadd.f32 v35, v1;
	v3 =	vadd.f32 v32, v14;
	v14 =	vmul.f32 v60, v28;
	v60 =	vld [tilespmem:$0x1ECD0]  }
0xd4: {  	v36 =	vmul.f32 v44, v19;
	v6 =	vadd.f32 v34, v33;
	v34 =	vld [tilespmem:$0x1EC40]  }
0xd5: {  	v0 =	vadd.f32 v13, v0;
	v1 =	vadd.f32 v12, v1;
	v12 =	vmul.f32 v63, v19;
	v63 =	vld [tilespmem:$0x1ECF0]  }
0xd6: {  	v13 =	vmul.f32 v47, v17;
	v4 =	vadd.f32 v36, v4;
	v36 =	vmul.f32 v51, v25;
	[tilespmem:$0x1F0E0] =	vst v62;
	v62 =	vld [tilespmem:$0x53B0]  }
0xd7: {  	v35 =	vmul.f32 v50, v26;
	v33 =	vld [tilespmem:$0x5650]  }
0xd8: {  	v4 =	vadd.f32 v13, v4;
	v6 =	vadd.f32 v36, v6;
	v36 =	vld [tilespmem:$0x1EC50]  }
0xd9: {  	v3 =	vadd.f32 v35, v3;
	v13 =	vmul.f32 v61, v30;
	v61 =	vld [tilespmem:$0x1ECE0]  }
0xda: {  	v53 =	vmul.f32 v53, v23;
	v4 =	vadd.f32 v52, v4;
	v52 =	vld [tilespmem:$0x1EC60]  }
0xdb: {  	v3 =	vadd.f32 v43, v3;
	[tilespmem:$0x1F100] =	vst v62;
	v62 =	vld [tilespmem:$0x53C0]  }
0xdc: {  	v6 =	vadd.f32 v53, v6;
	v53 =	vld [tilespmem:$0x1EC70]  }
0xdd: {  	v9 =	vadd.f32 v56, v3;
	v56 =	vld [tilespmem:$0x1EC90]  }
0xde: {  	v3 =	vadd.f32 v14, v13;
	v13 =	vld [tilespmem:$0x1ED10]  }
0xdf: {  	v2 =	vadd.f32 v5, v2;
	v5 =	vmul.f32 v34, v29;
	v34 =	vld [tilespmem:$0x1ED20]  }
0xe0: {  	[tilespmem:$0x1F110] =	vst v62;
	v62 =	vld [tilespmem:$0x53D0]  }
0xe1: {  	v1 =	vadd.f32 v42, v1;
	[tilespmem:$0x1F570] =	vst v33;
	v33 =	vld [tilespmem:$0x5680];
	v11 =	vadd.f32 v58, v6  }
0xe2: {  	v31 =	vmul.f32 v41, v16;
	v58 =	vld [tilespmem:$0x1ECB0]  }
0xe3: {  	v1 =	vadd.f32 v4, v1;
	v4 =	vadd.f32 v12, v11;
	v12 =	vld [tilespmem:$0x1ED00]  }
0xe4: {  	v2 =	vadd.f32 v31, v2;
	v6 =	vmul.f32 v52, v18;
	v52 =	vld [tilespmem:$0x1ED30]  }
0xe5: {  	v7 =	vmul.f32 v36, v27;
	[tilespmem:$0x1F120] =	vst v62;
	v62 =	vld [tilespmem:$0x53E0]  }
0xe6: {  	v0 =	vadd.f32 v2, v0;
	v2 =	vadd.f32 v10, v9;
	v8 =	vmul.f32 v53, v26;
	v53 =	vld [tilespmem:$0x5660]  }
0xe7: {  	v5 =	vadd.f32 v7, v5;
	v7 =	vmul.f32 v54, v17;
	v54 =	vld [tilespmem:$0x1ED40]  }
0xe8: {  	v9 =	vmul.f32 v56, v25;
	[tilespmem:$0x1F5A0] =	vst v33;
	v33 =	vld [tilespmem:$0x1EDD0];
	v2 =	vadd.f32 v6, v2;
	v3 =	vadd.f32 v8, v3  }
0xe9: {  	v6 =	vmul.f32 v57, v24;
	v4 =	vadd.f32 v7, v4;
	v7 =	vmul.f32 v58, v23;
	v58 =	vld [tilespmem:$0x1ED50]  }
0xea: {  	v5 =	vadd.f32 v9, v5;
	[tilespmem:$0x1F150] =	vst v62;
	v62 =	vld [tilespmem:$0x53F0]  }
0xeb: {  	v3 =	vadd.f32 v6, v3;
	v6 =	vmul.f32 v59, v15;
	v59 =	vld [tilespmem:$0x5670]  }
0xec: {  	v5 =	vadd.f32 v7, v5;
	v7 =	vmul.f32 v61, v16;
	[tilespmem:$0x1F580] =	vst v53;
	v53 =	vld [tilespmem:$0x5690]  }
0xed: {  	v2 =	vadd.f32 v6, v2;
	v6 =	vmul.f32 v12, v20;
	v12 =	vld [tilespmem:$0x1ED60]  }
0xee: {  	v8 =	vmul.f32 v60, v22;
	v4 =	vadd.f32 v7, v4;
	v7 =	vmul.f32 v13, v19;
	v13 =	vld [tilespmem:$0x1ED70]  }
0xef: {  	v9 =	vmul.f32 v63, v21;
	[tilespmem:$0x1F160] =	vst v62;
	v62 =	vld [tilespmem:s22+$0x2200]  }
0xf0: {  	v3 =	vadd.f32 v8, v3;
	v8 =	vmul.f32 v52, v28;
	v52 =	vld [tilespmem:$0x1ED90]  }
0xf1: {  	v5 =	vadd.f32 v9, v5;
	v9 =	vmul.f32 v58, v27;
	v58 =	vld [tilespmem:$0x56A0]  }
0xf2: {  	v3 =	vadd.f32 v6, v3;
	v6 =	vmul.f32 v34, v30;
	v34 =	vld [tilespmem:$0x1ED80]  }
0xf3: {  	v5 =	vadd.f32 v7, v5;
	v7 =	vmul.f32 v54, v29;
	v54 =	vld [tilespmem:$0x1EDA0]  }
0xf4: {  	[tilespmem:$0x1F3F0] =	vst v62;
	v62 =	vld [tilespmem:$0x4400]  }
0xf5: {  	[tilespmem:$0x1F590] =	vst v59;
	v59 =	vld [tilespmem:$0x1EDB0]  }
0xf6: {  	[tilespmem:$0x1F5B0] =	vst v53;
	v53 =	vld [tilespmem:$0x1EDF0]  }
0xf7: {  	v6 =	vadd.f32 v8, v6;
	v8 =	vmul.f32 v12, v18;
	v12 =	vld [tilespmem:$0x56B0]  }
0xf8: {  	v10 =	vmul.f32 v13, v26;
	v13 =	vld [tilespmem:$0x1EDC0]  }
0xf9: {  	[tilespmem:$0x1F180] =	vst v62;
	v62 =	vld [tilespmem:$0x4410]  }
0xfa: {  	v11 =	vmul.f32 v52, v25;
	v52 =	vld [tilespmem:$0x1EDE0]  }
0xfb: {  	[tilespmem:$0x1F5C0] =	vst v58;
	v58 =	vld [tilespmem:$0x1EE00]  }
0xfc: {  	v7 =	vadd.f32 v9, v7;
	v9 =	vmul.f32 v34, v17;
	v34 =	vld [tilespmem:$0x56C0]  }
0xfd: {  	v3 =	vadd.f32 v8, v3;
	v8 =	vmul.f32 v54, v24;
	v54 =	vld [tilespmem:$0x56D0]  }
0xfe: {  	[tilespmem:$0x1F1A0] =	vst v62;
	v62 =	vld [tilespmem:$0x4420]  }
0xff: {  	v7 =	vadd.f32 v11, v7;
	v5 =	vadd.f32 v9, v5;
	v9 =	vmul.f32 v59, v23;
	v59 =	vld [tilespmem:$0x1EE10]  }
0x100: {  	v11 =	vmul.f32 v53, v28;
	v53 =	vld [tilespmem:$0x56F0]  }
0x101: {  	v6 =	vadd.f32 v10, v6;
	v7 =	vadd.f32 v9, v7;
	v9 =	vmul.f32 v52, v30;
	v52 =	vld [tilespmem:$0x1EE30]  }
0x102: {  	[tilespmem:$0x1F5E0] =	vst v34;
	v34 =	vld [tilespmem:$0x1EE20]  }
0x103: {  	v6 =	vadd.f32 v8, v6;
	v8 =	vmul.f32 v13, v22;
	[tilespmem:$0x1F190] =	vst v62;
	v62 =	vld [tilespmem:$0x4430]  }
0x104: {  	[tilespmem:$0x1F5F0] =	vst v54;
	v54 =	vld [tilespmem:$0x1EE40]  }
0x105: {  	v6 =	vadd.f32 v8, v6;
	v8 =	vmul.f32 v58, v29;
	v58 =	vld [tilespmem:$0x1EE50]  }
0x106: {  	[tilespmem:$0x1F610] =	vst v53;
	v53 =	vld [tilespmem:$0x4710]  }
0x107: {  	v13 =	vmul.f32 v52, v26;
	v52 =	vld [tilespmem:$0x1EE70]  }
0x108: {  	v10 =	vmul.f32 v33, v21;
	[tilespmem:$0x1F1B0] =	vst v62;
	v62 =	vld [tilespmem:$0x4440]  }
0x109: {  	v9 =	vadd.f32 v11, v9;
	v11 =	vmul.f32 v34, v20;
	v34 =	vld [tilespmem:$0x1EE60]  }
0x10a: {  	v7 =	vadd.f32 v10, v7;
	v10 =	vmul.f32 v54, v25;
	v54 =	vld [tilespmem:$0x1EE80]  }
0x10b: {  	[tilespmem:$0x1F5D0] =	vst v12;
	v12 =	vmul.f32 v59, v27;
	v6 =	vadd.f32 v11, v6;
	v11 =	vmul.f32 v58, v24;
	v58 =	vld [tilespmem:$0x1EE90]  }
0x10c: {  	[tilespmem:$0x1F640] =	vst v53;
	v53 =	vld [tilespmem:$0x4740]  }
0x10d: {  	v8 =	vadd.f32 v12, v8;
	[tilespmem:$0x1F1D0] =	vst v62;
	v62 =	vld [tilespmem:$0x4450]  }
0x10e: {  	v9 =	vadd.f32 v13, v9;
	v12 =	vmul.f32 v52, v23;
	v52 =	vld [tilespmem:$0x1EEB0]  }
0x10f: {  	v8 =	vadd.f32 v10, v8;
	v10 =	vmul.f32 v34, v19;
	v34 =	vld [tilespmem:$0x4730]  }
0x110: {  	v9 =	vadd.f32 v11, v9;
	v11 =	vmul.f32 v54, v18;
	v54 =	vld [tilespmem:$0x1EEC0]  }
0x111: {  	v8 =	vadd.f32 v12, v8;
	v12 =	vld [tilespmem:$0x1EEA0]  }
0x112: {  	[tilespmem:$0x1F1E0] =	vst v62;
	v62 =	vld [tilespmem:$0x4460]  }
0x113: {  	v13 =	vmul.f32 v58, v22;
	v58 =	vld [tilespmem:$0x1EED0]  }
0x114: {  	[tilespmem:$0x1F660] =	vst v53;
	v53 =	vld [tilespmem:$0x1EF00]  }
0x115: {  	v9 =	vadd.f32 v13, v9;
	v13 =	vld [tilespmem:$0x1EEE0]  }
0x116: {  	v6 =	vadd.f32 v11, v6;
	v11 =	vmul.f32 v52, v20;
	v52 =	vld [tilespmem:$0x4760]  }
0x117: {  	[tilespmem:$0x1F1F0] =	vst v62;
	v62 =	vld [tilespmem:$0x4470]  }
0x118: {  	v7 =	vadd.f32 v10, v7;
	[tilespmem:$0x1F650] =	vst v34;
	v34 =	vld [tilespmem:$0x1EEF0];
	v10 =	vmul.f32 v12, v21  }
0x119: {  	v12 =	vmul.f32 v58, v19;
	v58 =	vld [tilespmem:$0x1EF10]  }
0x11a: {  	v8 =	vadd.f32 v10, v8;
	v10 =	vmul.f32 v54, v17;
	v54 =	vld [tilespmem:$0x4770]  }
0x11b: {  	[tilespmem:$0x1F680] =	vst v52;
	v52 =	vld [tilespmem:$0x1EF30]  }
0x11c: {  	v9 =	vadd.f32 v11, v9;
	v11 =	vmul.f32 v13, v15;
	[tilespmem:$0x1F200] =	vst v62;
	v62 =	vld [tilespmem:$0x4480]  }
0x11d: {  	v13 =	vmul.f32 v34, v18;
	v34 =	vld [tilespmem:$0x1EF20]  }
0x11e: {  	v6 =	vadd.f32 v11, v6;
	v11 =	vmul.f32 v58, v16;
	v58 =	vld [tilespmem:$0x1EF50]  }
0x11f: {  	v7 =	vadd.f32 v10, v7;
	v8 =	vadd.f32 v12, v8;
	v10 =	vmul.f32 v53, v17;
	[tilespmem:$0x1F690] =	vst v54;
	v54 =	vld [tilespmem:$0x1EF40];
	_ =	sdelay $0x1  }
0x120: {  	v8 =	vadd.f32 v10, v8;
	v12 =	vmul.f32 v52, v16;
	[tilespmem:$0x1F210] =	vst v62;
	v62 =	vld [tilespmem:$0x4490]  }
0x121: {  	v9 =	vadd.f32 v13, v9  }
0x122: {  	v10 =	vmul.f32 v34, v15;
	v8 =	vadd.f32 v12, v8;
	v12 =	vld [tilespmem:$0x47B0];
	v13 =	vmul.f32 v58, v16  }
0x123: {  	v7 =	vadd.f32 v11, v7;
	v11 =	vmul.f32 v54, v15;
	v54 =	vld [tilespmem:$0x1EF60]  }
0x124: {  	v9 =	vadd.f32 v10, v9;
	v5 =	vadd.f32 v13, v5;
	v13 =	vld [tilespmem:$0x5700]  }
0x125: {  	[tilespmem:$0x1F220] =	vst v62;
	v62 =	vld [tilespmem:$0x44A0]  }
0x126: {  	v34 =	vadd.f32 v8, v9;
	v3 =	vadd.f32 v11, v3;
	v11 =	vld [tilespmem:$0x1EF70]  }
0x127: {  	v6 =	vadd.f32 v7, v6;
	[tilespmem:$0x1F720] =	vst v12;
	v12 =	vld [tilespmem:$0x1EF80]  }
0x128: {  	v3 =	vadd.f32 v5, v3;
	v5 =	vmul.f32 v34, v55;
	v34 =	vld [tilespmem:$0x1EF90]  }
0x129: {  	v2 =	vadd.f32 v4, v2;
	v4 =	vmul.f32 v6, v55;
	v55 =	vld [tilespmem:$0x5710]  }
0x12a: {  	[tilespmem:$0x1F270] =	vst v62;
	v62 =	vld [tilespmem:$0x44B0]  }
0x12b: {  	v0 =	vmul.f32 v0, v54;
	v1 =	vmul.f32 v1, v54;
	v54 =	vld [tilespmem:$0x1EFA0]  }
0x12c: {  	[tilespmem:$0x1F6C0] =	vst v13;
	v13 =	vld [tilespmem:$0x5720]  }
0x12d: {  	v6 =	vmul.f32 v11, v30;
	v11 =	vld [tilespmem:$0x1EFD0]  }
0x12e: {  	v7 =	vmul.f32 v12, v28;
	v12 =	vld [tilespmem:$0x1EFB0]  }
0x12f: {  	[tilespmem:$0x1F290] =	vst v62;
	v62 =	vld [tilespmem:$0x44C0]  }
0x130: {  	[tilespmem:$0x1F6E0] =	vst v55;
	v55 =	vld [tilespmem:$0x5730]  }
0x131: {  	v0 =	vadd.f32 $0.0e+00, v0;
	v9 =	vmul.f32 v54, v27;
	v54 =	vld [tilespmem:$0x1EFC0]  }
0x132: {  	[tilespmem:$0x1F6D0] =	vst v13;
	v13 =	vld [tilespmem:$0x5740]  }
0x133: {  	v0 =	vadd.f32 v4, v0;
	v4 =	vadd.f32 v7, v6;
	v6 =	vmul.f32 v12, v26;
	v12 =	vld [tilespmem:$0x1EFE0]  }
0x134: {  	[tilespmem:$0x1F2D0] =	vst v62;
	v62 =	vld [tilespmem:$0x44D0]  }
0x135: {  	[tilespmem:$0x1F6F0] =	vst v55;
	v55 =	vld [tilespmem:$0x5750]  }
0x136: {  	v8 =	vmul.f32 v34, v29;
	v7 =	vmul.f32 v54, v25;
	v54 =	vld [tilespmem:$0x1F000]  }
0x137: {  	v4 =	vadd.f32 v6, v4;
	v6 =	vmul.f32 v11, v24;
	v11 =	vld [tilespmem:$0x1F010]  }
0x138: {  	v1 =	vadd.f32 $0.0e+00, v1;
	v34 =	vadd.f32 v9, v8;
	[tilespmem:$0x1F710] =	vst v13;
	v13 =	vld [tilespmem:$0x5760]  }
0x139: {  	[tilespmem:$0x1F2F0] =	vst v62;
	v62 =	vld [tilespmem:$0x44E0]  }
0x13a: {  	v1 =	vadd.f32 v5, v1;
	v5 =	vadd.f32 v7, v34;
	v34 =	vld [tilespmem:$0x1EFF0]  }
0x13b: {  	v8 =	vmul.f32 v12, v23;
	v12 =	vld [tilespmem:$0x1F020]  }
0x13c: {  	[tilespmem:$0x1F730] =	vst v55;
	v55 =	vld [tilespmem:$0x5770]  }
0x13d: {  	v9 =	vmul.f32 v54, v21;
	v54 =	vld [tilespmem:$0x1F040]  }
0x13e: {  	[tilespmem:$0x1F330] =	vst v62;
	v62 =	vld [tilespmem:$0x44F0]  }
0x13f: {  	[tilespmem:$0x1F740] =	vst v13;
	v13 =	vld [tilespmem:$0x1F050]  }
0x140: {  	v7 =	vmul.f32 v34, v22;
	v34 =	vld [tilespmem:$0x1F030]  }
0x141: {  	v10 =	vmul.f32 v12, v28;
	v12 =	vld [tilespmem:$0x1F080]  }
0x142: {  	[tilespmem:$0x1F750] =	vst v55;
	v55 =	vld [tilespmem:$0x5790]  }
0x143: {  	[tilespmem:$0x1F350] =	vst v62;
	v62 =	vld [tilespmem:$0x5400]  }
0x144: {  	v4 =	vadd.f32 v6, v4;
	v6 =	vmul.f32 v11, v30;
	v11 =	vmul.f32 v54, v27;
	v54 =	vld [tilespmem:$0x1F060]  }
0x145: {  	v5 =	vadd.f32 v8, v5;
	v8 =	vmul.f32 v34, v29;
	v34 =	vld [tilespmem:$0x5780]  }
0x146: {  	v4 =	vadd.f32 v7, v4;
	v7 =	vmul.f32 v13, v26;
	v13 =	vld [tilespmem:$0x57A0]  }
0x147: {  	v8 =	vadd.f32 v11, v8;
	v11 =	vld [tilespmem:$0x1F070]  }
0x148: {  	[tilespmem:$0x1F230] =	vst v62;
	v62 =	vld [tilespmem:$0x5410]  }
0x149: {  	[tilespmem:$0x1F770] =	vst v55;
	v55 =	vld [tilespmem:$0x57B0]  }
0x14a: {  	[tilespmem:$0x1F760] =	vst v34;
	v34 =	vld [tilespmem:$0x1F090]  }
0x14b: {  	v5 =	vadd.f32 v9, v5;
	v9 =	vmul.f32 v54, v25;
	v54 =	vld [tilespmem:$0x1F0A0]  }
0x14c: {  	[tilespmem:$0x1F780] =	vst v13;
	v13 =	vld [tilespmem:$0x1F0B0]  }
0x14d: {  	[tilespmem:$0x1F250] =	vst v62;
	v62 =	vld [tilespmem:$0x5420]  }
0x14e: {  	v6 =	vadd.f32 v10, v6;
	[tilespmem:$0x1F790] =	vst v55;
	v55 =	vld [tilespmem:$0x57D0]  }
0x14f: {  	v8 =	vadd.f32 v9, v8;
	v9 =	vmul.f32 v34, v19;
	v34 =	vld [tilespmem:$0x57C0]  }
0x150: {  	v6 =	vadd.f32 v7, v6;
	v7 =	vmul.f32 v11, v20;
	v11 =	vmul.f32 v54, v23;
	v54 =	vld [tilespmem:$0x1F0C0]  }
0x151: {  	v10 =	vmul.f32 v12, v24;
	v12 =	vld [tilespmem:$0x1F0E0]  }
0x152: {  	[tilespmem:$0x1F240] =	vst v62;
	v62 =	vld [tilespmem:$0x5430]  }
0x153: {  	v8 =	vadd.f32 v11, v8;
	v11 =	vld [tilespmem:$0x1F0D0]  }
0x154: {  	v6 =	vadd.f32 v10, v6;
	v4 =	vadd.f32 v7, v4;
	v7 =	vmul.f32 v13, v22;
	v13 =	vld [tilespmem:$0x57E0]  }
0x155: {  	v5 =	vadd.f32 v9, v5;
	v9 =	vmul.f32 v54, v21;
	v54 =	vld [tilespmem:$0x1F100]  }
0x156: {  	[tilespmem:$0x1F7B0] =	vst v55;
	v55 =	vld [tilespmem:$0x57F0];
	v6 =	vadd.f32 v7, v6;
	v10 =	vmul.f32 v12, v20  }
0x157: {  	[tilespmem:$0x1F260] =	vst v62;
	v62 =	vld [tilespmem:$0x5440]  }
0x158: {  	v6 =	vadd.f32 v10, v6;
	v10 =	vld [tilespmem:$0x1F110]  }
0x159: {  	[tilespmem:$0x1F7A0] =	vst v34;
	v34 =	vld [tilespmem:$0x1F0F0]  }
0x15a: {  	v7 =	vmul.f32 v11, v18;
	v11 =	vmul.f32 v54, v19;
	v54 =	vld [tilespmem:$0x1F130]  }
0x15b: {  	[tilespmem:$0x1F7D0] =	vst v55;
	v55 =	vld [tilespmem:$0x1F140]  }
0x15c: {  	[tilespmem:$0x1F280] =	vst v62;
	v62 =	vld [tilespmem:$0x5450]  }
0x15d: {  	v4 =	vadd.f32 v7, v4;
	v7 =	vmul.f32 v10, v18;
	v12 =	vld [tilespmem:$0x1F120]  }
0x15e: {  	[tilespmem:$0x1F7C0] =	vst v13;
	v13 =	vld [tilespmem:$0x4800]  }
0x15f: {  	v6 =	vadd.f32 v7, v6;
	v7 =	vmul.f32 v54, v15;
	v54 =	vld [tilespmem:$0x1F160]  }
0x160: {  	v8 =	vadd.f32 v9, v8;
	v9 =	vmul.f32 v34, v17;
	v10 =	vmul.f32 v55, v16;
	v55 =	vld [tilespmem:$0x4820]  }
0x161: {  	[tilespmem:$0x1F2A0] =	vst v62;
	v62 =	vld [tilespmem:$0x5460]  }
0x162: {  	v5 =	vadd.f32 v9, v5;
	v9 =	vmul.f32 v12, v17;
	v12 =	vld [tilespmem:$0x4810]  }
0x163: {  	[tilespmem:$0x1F7E0] =	vst v13;
	v13 =	vld [tilespmem:$0x1F150]  }
0x164: {  	v8 =	vadd.f32 v11, v8;
	v11 =	vmul.f32 v54, v16;
	v54 =	vld [tilespmem:$0x1F170]  }
0x165: {  	[tilespmem:$0x1F7F0] =	vst v55;
	v55 =	vld [tilespmem:$0x4840]  }
0x166: {  	[tilespmem:$0x1F2B0] =	vst v62;
	v62 =	vld [tilespmem:$0x5470];
	_ =	sdelay $0x1  }
0x167: {  	[tilespmem:$0x1F800] =	vst v12;
	v12 =	vld [tilespmem:$0x1F180]  }
0x168: {  	v4 =	vadd.f32 v7, v4;
	v7 =	vmul.f32 v2, v54;
	v3 =	vmul.f32 v3, v54;
	v54 =	vld [tilespmem:$0x4850]  }
0x169: {  	[tilespmem:$0x1F810] =	vst v55;
	v55 =	vld [tilespmem:$0x1F1A0]  }
0x16a: {  	v8 =	vadd.f32 v9, v8;
	v9 =	vmul.f32 v13, v15;
	[tilespmem:$0x1F2C0] =	vst v62;
	v62 =	vld [tilespmem:$0x5480]  }
0x16b: {  	v13 =	vld [tilespmem:$0x1F190]  }
0x16c: {  	v6 =	vadd.f32 v9, v6;
	v8 =	vadd.f32 v11, v8  }
0x16d: {  	[tilespmem:$0x1F820] =	vst v54;
	v54 =	vld [tilespmem:$0x1F1D0]  }
0x16e: {  	v5 =	vadd.f32 v10, v5;
	v6 =	vadd.f32 v8, v6;
	v8 =	vmul.f32 v55, v29;
	v55 =	vld [tilespmem:$0x4870]  }
0x16f: {  	[tilespmem:$0x1F2E0] =	vst v62;
	v62 =	vld [tilespmem:$0x5490]  }
0x170: {  	v4 =	vadd.f32 v5, v4;
	v5 =	vmul.f32 v12, v30;
	v9 =	vmul.f32 v13, v28;
	v13 =	vld [tilespmem:$0x4860]  }
0x171: {  	v12 =	vld [tilespmem:$0x1F1B0]  }
0x172: {  	v5 =	vadd.f32 v9, v5;
	v9 =	vmul.f32 v54, v26;
	v54 =	vld [tilespmem:$0x1F1F0]  }
0x173: {  	[tilespmem:$0x1F840] =	vst v55;
	v55 =	vld [tilespmem:$0x4890]  }
0x174: {  	[tilespmem:$0x1F300] =	vst v62;
	v62 =	vld [tilespmem:$0x54A0]  }
0x175: {  	[tilespmem:$0x1F830] =	vst v13;
	v13 =	vld [tilespmem:$0x4880]  }
0x176: {  	v10 =	vmul.f32 v12, v27;
	v12 =	vld [tilespmem:$0x1F1E0]  }
0x177: {  	v5 =	vadd.f32 v9, v5;
	v9 =	vmul.f32 v54, v24;
	v54 =	vld [tilespmem:$0x1F210]  }
0x178: {  	v11 =	vld [tilespmem:$0x1F1C0]  }
0x179: {  	[tilespmem:$0x1F310] =	vst v62;
	v62 =	vld [tilespmem:$0x54B0]  }
0x17a: {  	[tilespmem:$0x1F850] =	vst v13;
	v13 =	vld [tilespmem:$0x48A0]  }
0x17b: {  	v8 =	vadd.f32 v10, v8;
	v10 =	vmul.f32 v12, v25;
	v12 =	vld [tilespmem:$0x1F200]  }
0x17c: {  	[tilespmem:$0x1F860] =	vst v55;
	v55 =	vmul.f32 v54, v22;
	v54 =	vld [tilespmem:$0x48C0];
	_ =	sdelay $0x1  }
0x17d: {  	[tilespmem:$0x1F320] =	vst v62;
	v62 =	vld [tilespmem:$0x54C0]  }
0x17e: {  	[tilespmem:$0x1F8B0] =	vst v13;
	v13 =	vld [tilespmem:$0x1F220]  }
0x17f: {  	v8 =	vadd.f32 v10, v8;
	v10 =	vmul.f32 v12, v23;
	v12 =	vld [tilespmem:$0x48B0]  }
0x180: {  	v4 =	vmul.f32 v4, v11;
	v7 =	vadd.f32 $0.0e+00, v7;
	[tilespmem:$0x1F910] =	vst v54;
	v54 =	vld [tilespmem:$0x1F250]  }
0x181: {  	v6 =	vmul.f32 v6, v11;
	v3 =	vadd.f32 $0.0e+00, v3  }
0x182: {  	v4 =	vadd.f32 v4, v7;
	v7 =	vadd.f32 v9, v5;
	[tilespmem:$0x1F340] =	vst v62;
	v62 =	vld [tilespmem:$0x54D0]  }
0x183: {  	v5 =	vadd.f32 v6, v3;
	v3 =	vadd.f32 v10, v8;
	v6 =	vmul.f32 v13, v21  }
0x184: {  	[tilespmem:$0x1F8D0] =	vst v12;
	v12 =	vld [tilespmem:$0x1F240]  }
0x185: {  	v3 =	vadd.f32 v6, v3;
	v6 =	vmul.f32 v54, v29;
	v54 =	vld [tilespmem:$0x48F0];
	_ =	sdelay $0x1  }
0x186: {  	[tilespmem:$0x1F360] =	vst v62;
	v62 =	vld [tilespmem:$0x54E0]  }
0x187: {  	v7 =	vadd.f32 v55, v7;
	v55 =	vld [tilespmem:$0x1F230]  }
0x188: {  	v9 =	vmul.f32 v12, v28;
	v12 =	vld [tilespmem:$0x1F270]  }
0x189: {  	[tilespmem:$0x1F980] =	vst v54;
	v54 =	vld [tilespmem:$0x1F2A0];
	_ =	sdelay $0x1  }
0x18a: {  	[tilespmem:$0x1F370] =	vst v62;
	v62 =	vld [tilespmem:$0x54F0]  }
0x18b: {  	v8 =	vmul.f32 v55, v30;
	_ =	sdelay $0x1  }
0x18c: {  	v8 =	vadd.f32 v9, v8;
	v9 =	vmul.f32 v12, v20;
	v12 =	vmul.f32 v54, v25;
	v54 =	vld [tilespmem:$0x5800];
	_ =	sdelay $0x1  }
0x18d: {  	[tilespmem:$0x1F380] =	vst v62;
	v62 =	vld [tilespmem:s22+$0x2280]  }
0x18e: {  	v13 =	vld [tilespmem:$0x48D0];
	_ =	sdelay $0x1  }
0x18f: {  	[tilespmem:$0x1F870] =	vst v54;
	v54 =	vld [tilespmem:$0x5810];
	_ =	sdelay $0x1  }
0x190: {  	[tilespmem:$0x1F560] =	vst v62;
	v62 =	vld [tilespmem:$0x4500]  }
0x191: {  	[tilespmem:$0x1F930] =	vst v13;
	v13 =	vld [tilespmem:$0x1F280]  }
0x192: {  	v55 =	vld [tilespmem:$0x1F260]  }
0x193: {  	[tilespmem:$0x1F890] =	vst v54;
	v54 =	vld [tilespmem:$0x5820];
	_ =	sdelay $0x1  }
0x194: {  	[tilespmem:$0x1F390] =	vst v62;
	v62 =	vld [tilespmem:$0x4510]  }
0x195: {  	v11 =	vmul.f32 v13, v26;
	v13 =	vld [tilespmem:$0x1F290];
	_ =	sdelay $0x1  }
0x196: {  	v10 =	vmul.f32 v55, v27;
	[tilespmem:$0x1F880] =	vst v54;
	v54 =	vld [tilespmem:$0x5830];
	_ =	sdelay $0x1  }
0x197: {  	v6 =	vadd.f32 v10, v6;
	[tilespmem:$0x1F3B0] =	vst v62;
	v62 =	vld [tilespmem:$0x4520]  }
0x198: {  	v10 =	vmul.f32 v13, v19;
	v13 =	vld [tilespmem:$0x1F2B0]  }
0x199: {  	v6 =	vadd.f32 v12, v6;
	v12 =	vld [tilespmem:$0x1F2D0]  }
0x19a: {  	[tilespmem:$0x1F8A0] =	vst v54;
	v54 =	vld [tilespmem:$0x1F300];
	_ =	sdelay $0x1  }
0x19b: {  	[tilespmem:$0x1F3A0] =	vst v62;
	v62 =	vld [tilespmem:$0x4530]  }
0x19c: {  	v7 =	vadd.f32 v9, v7;
	v8 =	vadd.f32 v11, v8;
	v9 =	vmul.f32 v13, v24;
	_ =	sdelay $0x1  }
0x19d: {  	v8 =	vadd.f32 v9, v8;
	v9 =	vmul.f32 v12, v18;
	v12 =	vmul.f32 v54, v21;
	v54 =	vld [tilespmem:$0x5840]  }
0x19e: {  	v39 =	vld [tilespmem:$0x55D0]  }
0x19f: {  	[tilespmem:$0x1F3C0] =	vst v62;
	v62 =	vld [tilespmem:$0x4540]  }
0x1a0: {  	v13 =	vld [tilespmem:$0x1F2C0]  }
0x1a1: {  	v37 =	vld [tilespmem:$0x55E0]  }
0x1a2: {  	[tilespmem:$0x1F8C0] =	vst v54;
	v54 =	vld [tilespmem:$0x5850]  }
0x1a3: {  	v31 =	vld [tilespmem:s22+$0x2300]  }
0x1a4: {  	[tilespmem:$0x1F3D0] =	vst v62;
	v62 =	vld [tilespmem:$0x4550]  }
0x1a5: {  	v3 =	vadd.f32 v10, v3;
	v10 =	vmul.f32 v13, v23;
	v13 =	vld [tilespmem:$0x1F2E0]  }
0x1a6: {  	v40 =	vld [tilespmem:$0x4600]  }
0x1a7: {  	[tilespmem:$0x1F8E0] =	vst v54;
	v54 =	vld [tilespmem:$0x5860]  }
0x1a8: {  	v41 =	vld [tilespmem:$0x4610]  }
0x1a9: {  	[tilespmem:$0x1F3E0] =	vst v62;
	v62 =	vld [tilespmem:$0x4560]  }
0x1aa: {  	v11 =	vmul.f32 v13, v22;
	v13 =	vld [tilespmem:$0x1F2F0]  }
0x1ab: {  	v47 =	vld [tilespmem:$0x4650]  }
0x1ac: {  	[tilespmem:$0x1F8F0] =	vst v54;
	v54 =	vld [tilespmem:$0x5870]  }
0x1ad: {  	v38 =	vld [tilespmem:$0x55F0]  }
0x1ae: {  	v6 =	vadd.f32 v10, v6;
	[tilespmem:$0x1F400] =	vst v62;
	v62 =	vld [tilespmem:$0x4570]  }
0x1af: {  	v10 =	vmul.f32 v13, v17;
	v13 =	vld [tilespmem:$0x1F310]  }
0x1b0: {  	v6 =	vadd.f32 v12, v6;
	v12 =	vld [tilespmem:$0x1F330]  }
0x1b1: {  	[tilespmem:$0x1F900] =	vst v54;
	v54 =	vld [tilespmem:$0x1F360]  }
0x1b2: {  	v44 =	vld [tilespmem:$0x4620]  }
0x1b3: {  	[tilespmem:$0x1F410] =	vst v62;
	v62 =	vld [tilespmem:$0x4580]  }
0x1b4: {  	v7 =	vadd.f32 v9, v7;
	v8 =	vadd.f32 v11, v8;
	v9 =	vmul.f32 v13, v20;
	v13 =	vld [tilespmem:$0x1F320]  }
0x1b5: {  	v46 =	vld [tilespmem:$0x4640]  }
0x1b6: {  	v8 =	vadd.f32 v9, v8;
	v9 =	vmul.f32 v12, v15;
	v12 =	vmul.f32 v54, v17;
	v54 =	vld [tilespmem:$0x5880]  }
0x1b7: {  	v45 =	vld [tilespmem:$0x4630]  }
0x1b8: {  	[tilespmem:$0x1F420] =	vst v62;
	v62 =	vld [tilespmem:$0x4590]  }
0x1b9: {  	v3 =	vadd.f32 v10, v3;
	v10 =	vmul.f32 v13, v19;
	v13 =	vld [tilespmem:$0x1F340]  }
0x1ba: {  	v49 =	vld [tilespmem:$0x4670]  }
0x1bb: {  	[tilespmem:$0x1F920] =	vst v54;
	v54 =	vld [tilespmem:$0x5890]  }
0x1bc: {  	v48 =	vld [tilespmem:$0x4660]  }
0x1bd: {  	[tilespmem:$0x1F430] =	vst v62;
	v62 =	vld [tilespmem:$0x45A0]  }
0x1be: {  	v11 =	vmul.f32 v13, v18;
	v13 =	vld [tilespmem:$0x1F350]  }
0x1bf: {  	v50 =	vld [tilespmem:$0x4680]  }
0x1c0: {  	[tilespmem:$0x1F940] =	vst v54;
	v54 =	vld [tilespmem:$0x58A0]  }
0x1c1: {  	v32 =	vld [tilespmem:$0x46F0]  }
0x1c2: {  	[tilespmem:$0x1F480] =	vst v62;
	v62 =	vld [tilespmem:$0x45B0]  }
0x1c3: {  	v6 =	vadd.f32 v10, v6;
	v10 =	vmul.f32 v13, v16;
	v13 =	vld [tilespmem:$0x1F370]  }
0x1c4: {  	v51 =	vld [tilespmem:$0x4690]  }
0x1c5: {  	[tilespmem:$0x1F950] =	vst v54;
	v54 =	vld [tilespmem:$0x58B0]  }
0x1c6: {  	v35 =	vld [tilespmem:$0x46C0]  }
0x1c7: {  	[tilespmem:$0x1F4A0] =	vst v62;
	v62 =	vld [tilespmem:$0x45C0]  }
0x1c8: {  	v7 =	vadd.f32 v9, v7;
	v9 =	vmul.f32 v13, v15;
	v13 =	vld [tilespmem:$0x1F380]  }
0x1c9: {  	v6 =	vadd.f32 v12, v6;
	v12 =	vld [tilespmem:$0x1F390]  }
0x1ca: {  	[tilespmem:$0x1F960] =	vst v54;
	v54 =	vld [tilespmem:$0x1F3C0]  }
0x1cb: {  	v42 =	vld [tilespmem:$0x46A0]  }
0x1cc: {  	[tilespmem:$0x1F4D0] =	vst v62;
	v62 =	vld [tilespmem:$0x45D0]  }
0x1cd: {  	v8 =	vadd.f32 v11, v8;
	v3 =	vadd.f32 v10, v3;
	v10 =	vmul.f32 v13, v16;
	v13 =	vld [tilespmem:$0x1F3A0]  }
0x1ce: {  	v43 =	vld [tilespmem:$0x46B0]  }
0x1cf: {  	v8 =	vadd.f32 v9, v8;
	v9 =	vmul.f32 v12, v30;
	v12 =	vmul.f32 v54, v27;
	v54 =	vld [tilespmem:$0x58C0]  }
0x1d0: {  	v14 =	vld [tilespmem:$0x46E0]  }
0x1d1: {  	[tilespmem:$0x1F4F0] =	vst v62;
	v62 =	vld [tilespmem:$0x45E0]  }
0x1d2: {  	v11 =	vmul.f32 v13, v28;
	v13 =	vld [tilespmem:$0x1F3B0]  }
0x1d3: {  	v36 =	vld [tilespmem:$0x46D0]  }
0x1d4: {  	[tilespmem:$0x1F970] =	vst v54;
	v54 =	vld [tilespmem:$0x1F3D0]  }
0x1d5: {  	v56 =	vld [tilespmem:$0x5600]  }
0x1d6: {  	[tilespmem:$0x1F530] =	vst v62;
	v62 =	vld [tilespmem:$0x45F0]  }
0x1d7: {  	v6 =	vadd.f32 v10, v6;
	v10 =	vmul.f32 v13, v29;
	v13 =	vld [tilespmem:$0x58D0]  }
0x1d8: {  	v57 =	vld [tilespmem:$0x5610]  }
0x1d9: {  	v3 =	vadd.f32 v3, v7;
	v7 =	vadd.f32 v11, v9;
	v9 =	vmul.f32 v54, v26;
	v54 =	vld [tilespmem:$0x1F3E0]  }
0x1da: {  	v6 =	vadd.f32 v6, v8;
	v8 =	vadd.f32 v12, v10;
	v12 =	vld [tilespmem:$0x58E0]  }
0x1db: {  	[tilespmem:$0x1F550] =	vst v62;
	v62 =	vld [tilespmem:$0x5500]  }
0x1dc: {  	[tilespmem:$0x1F990] =	vst v13;
	v13 =	vld [tilespmem:$0x1F400]  }
0x1dd: {  	v11 =	vld [tilespmem:$0x1F3F0]  }
0x1de: {  	v10 =	vmul.f32 v54, v25;
	v54 =	vld [tilespmem:$0x58F0]  }
0x1df: {  	[tilespmem:$0x1F9A0] =	vst v12;
	v12 =	vld [tilespmem:$0x1F420]  }
0x1e0: {  	[tilespmem:$0x1F440] =	vst v62;
	v62 =	vld [tilespmem:$0x5510]  }
0x1e1: {  	v7 =	vadd.f32 v9, v7;
	v9 =	vmul.f32 v13, v24;
	v13 =	vld [tilespmem:$0x4900]  }
0x1e2: {  	v59 =	vld [tilespmem:$0x4700];
	v3 =	vmul.f32 v3, v11  }
0x1e3: {  	[tilespmem:$0x1F9B0] =	vst v54;
	v54 =	vld [tilespmem:$0x1F410]  }
0x1e4: {  	v0 =	vadd.f32 v3, v0;
	v3 =	vadd.f32 v9, v7;
	v7 =	vmul.f32 v12, v22;
	v12 =	vld [tilespmem:$0x1F430]  }
0x1e5: {  	[tilespmem:$0x1F460] =	vst v62;
	v62 =	vld [tilespmem:$0x5520]  }
0x1e6: {  	[tilespmem:$0x1F9C0] =	vst v13;
	v13 =	vld [tilespmem:$0x4910]  }
0x1e7: {  	v60 =	vld [tilespmem:$0x5620]  }
0x1e8: {  	[tilespmem:$0x1F620] =	vst v59;
	v59 =	vld [tilespmem:$0x4720];
	v6 =	vmul.f32 v6, v11;
	v8 =	vadd.f32 v10, v8;
	v10 =	vmul.f32 v54, v23  }
0x1e9: {  	v63 =	vld [tilespmem:$0x5640]  }
0x1ea: {  	v1 =	vadd.f32 v6, v1;
	v6 =	vadd.f32 v10, v8;
	v8 =	vmul.f32 v12, v21;
	v12 =	vld [tilespmem:$0x1F440];
	[tilespmem:$0x1F450] =	vst v62  }
0x1eb: {  	[tilespmem:$0x1F9E0] =	vst v13;
	v13 =	vld [tilespmem:$0x1F450]  }
0x1ec: {  	v61 =	vld [tilespmem:$0x5630]  }
0x1ed: {  	[tilespmem:$0x1F630] =	vst v59;
	v59 =	vld [tilespmem:$0x4750]  }
0x1ee: {  	v62 =	vld [tilespmem:$0x5530]  }
0x1ef: {  	v3 =	vadd.f32 v7, v3;
	v7 =	vmul.f32 v12, v30;
	v12 =	vld [tilespmem:$0x4920]  }
0x1f0: {  	v9 =	vmul.f32 v13, v28;
	v13 =	vld [tilespmem:$0x1F460]  }
0x1f1: {  	v33 =	vld [tilespmem:$0x56E0]  }
0x1f2: {  	[tilespmem:$0x1F670] =	vst v59;
	v59 =	vld [tilespmem:$0x4780]  }
0x1f3: {  	[tilespmem:$0x1F470] =	vst v62;
	v62 =	vld [tilespmem:$0x5540]  }
0x1f4: {  	[tilespmem:$0x1F9D0] =	vst v12;
	v12 =	vld [tilespmem:$0x1F470]  }
0x1f5: {  	v6 =	vadd.f32 v8, v6;
	v8 =	vmul.f32 v13, v29;
	v13 =	vld [tilespmem:$0x4930]  }
0x1f6: {  	[tilespmem:$0x1F600] =	vst v33;
	v33 =	vld [tilespmem:s26+$0x2000]  }
0x1f7: {  	v53 =	vld [tilespmem:$0x4790]  }
0x1f8: {  	[tilespmem:$0x1F6A0] =	vst v59;
	v59 =	vld [tilespmem:$0x47A0]  }
0x1f9: {  	[tilespmem:$0x1F490] =	vst v62;
	v10 =	vmul.f32 v12, v27;
	v12 =	vld [tilespmem:$0x1F480]  }
0x1fa: {  	[tilespmem:$0x1F9F0] =	vst v13;
	v13 =	vld [tilespmem:$0x1F490]  }
0x1fb: {  	v52 =	vld [tilespmem:$0x47E0]  }
0x1fc: {  	[tilespmem:$0x1F6B0] =	vst v53;
	v53 =	vld [tilespmem:$0x47F0]  }
0x1fd: {  	[tilespmem:$0x1F700] =	vst v59;
	v59 =	vld [tilespmem:$0x47C0]  }
0x1fe: {  	v7 =	vadd.f32 v9, v7;
	v9 =	vmul.f32 v12, v20;
	v12 =	vld [tilespmem:$0x4940]  }
0x1ff: {  	v11 =	vmul.f32 v13, v26;
	v13 =	vld [tilespmem:$0x4950]  }
0x200: {  	v62 =	vld [tilespmem:$0x5550]  }
0x201: {  	v58 =	vld [tilespmem:$0x47D0]  }
0x202: {  	v34 =	vld [tilespmem:s22+$0x3000]  }
0x203: {  	[tilespmem:$0x1FA00] =	vst v12;
	v12 =	vld [tilespmem:$0x1F4A0]  }
0x204: {  	[tilespmem:$0x1FA10] =	vst v13;
	v13 =	vld [tilespmem:$0x4960]  }
0x205: {  	[tilespmem:$0x1F4B0] =	vst v62;
	v62 =	vld [tilespmem:$0x5560]  }
0x206: {  	v2 =	vld [tilespmem:$0x4830]  }
0x207: {  	v55 =	vld [tilespmem:$0x48E0]  }
0x208: {  	v54 =	vld [tilespmem:s22+$0x3080]  }
0x209: {  	v8 =	vadd.f32 v10, v8;
	v10 =	vmul.f32 v12, v19;
	v12 =	vld [tilespmem:$0x1F4B0];
	[tilespmem:$0x1FA20] =	vst v13  }
0x20a: {  	v3 =	vadd.f32 v9, v3;
	v9 =	vmul.f32 v62, v24;
	v62 =	vld [tilespmem:$0x1F4C0];
	_ =	sdelay $0x1  }
0x20b: {  	v7 =	vadd.f32 v11, v7;
	v11 =	vld [tilespmem:$0x4970]  }
0x20c: {  	v13 =	vld [tilespmem:$0x1F4E0];
	_ =	sdelay $0x1  }
0x20d: {  	v6 =	vadd.f32 v10, v6;
	v10 =	vmul.f32 v62, v23;
	v62 =	vld [tilespmem:$0x4980];
	_ =	sdelay $0x1  }
0x20e: {  	v12 =	vmul.f32 v12, v25  }
0x20f: {  	[tilespmem:$0x1FA30] =	vst v11;
	v11 =	vmul.f32 v13, v22;
	v13 =	vld [tilespmem:$0x1F4F0]  }
0x210: {  	v8 =	vadd.f32 v12, v8;
	v12 =	vld [tilespmem:$0x1F4D0]  }
0x211: {  	[tilespmem:$0x1FA40] =	vst v62;
	v62 =	vld [tilespmem:$0x1F500];
	_ =	sdelay $0x2  }
0x212: {  	v8 =	vadd.f32 v10, v8;
	v10 =	vmul.f32 v13, v17;
	v13 =	vld [tilespmem:$0x1F510];
	_ =	sdelay $0x1  }
0x213: {  	v7 =	vadd.f32 v9, v7;
	v9 =	vmul.f32 v12, v18;
	v12 =	vmul.f32 v62, v21;
	v62 =	vld [tilespmem:$0x4990];
	_ =	sdelay $0x2  }
0x214: {  	v3 =	vadd.f32 v9, v3;
	v9 =	vmul.f32 v13, v20;
	v13 =	vld [tilespmem:$0x1F520];
	_ =	sdelay $0x1  }
0x215: {  	[tilespmem:$0x1FA50] =	vst v62;
	v62 =	vld [tilespmem:$0x49A0];
	_ =	sdelay $0x2  }
0x216: {  	v6 =	vadd.f32 v10, v6;
	v10 =	vmul.f32 v13, v19;
	v13 =	vld [tilespmem:$0x1F540]  }
0x217: {  	v8 =	vadd.f32 v12, v8;
	v12 =	vld [tilespmem:$0x1F530]  }
0x218: {  	[tilespmem:$0x1FA60] =	vst v62;
	v62 =	vld [tilespmem:$0x49B0];
	_ =	sdelay $0x2  }
0x219: {  	v7 =	vadd.f32 v11, v7;
	v11 =	vmul.f32 v13, v18;
	v13 =	vld [tilespmem:$0x1F550];
	_ =	sdelay $0x1  }
0x21a: {  	v7 =	vadd.f32 v9, v7;
	v9 =	vmul.f32 v12, v15;
	[tilespmem:$0x1FA70] =	vst v62;
	v62 =	vld [tilespmem:$0x49C0]  }
0x21b: {  	v41 =	vmul.f32 v41, v29;
	v8 =	vadd.f32 v10, v8;
	v12 =	vmul.f32 v39, v17;
	v39 =	vld [tilespmem:$0x49D0]  }
0x21c: {  	v3 =	vadd.f32 v9, v3;
	v9 =	vmul.f32 v40, v30;
	v40 =	vmul.f32 v44, v28;
	v44 =	vld [tilespmem:$0x5900]  }
0x21d: {  	v8 =	vadd.f32 v12, v8;
	v12 =	vmul.f32 v49, v23;
	v49 =	vld [tilespmem:$0x5960];
	v10 =	vmul.f32 v13, v16  }
0x21e: {  	v9 =	vadd.f32 v40, v9;
	v40 =	vmul.f32 v47, v25;
	v47 =	vld [tilespmem:$0x5940];
	v13 =	vmul.f32 v38, v16  }
0x21f: {  	v7 =	vadd.f32 v11, v7;
	v38 =	vld [tilespmem:$0x49F0];
	v6 =	vadd.f32 v10, v6;
	[tilespmem:$0x1FA80] =	vst v62;
	v62 =	vmul.f32 v37, v15  }
0x220: {  	v8 =	vadd.f32 v13, v8;
	v13 =	vmul.f32 v46, v26;
	v46 =	vld [tilespmem:$0x5930];
	v10 =	vmul.f32 v42, v20  }
0x221: {  	v42 =	vmul.f32 v36, v17;
	v36 =	vld [tilespmem:s22+$0x3100];
	v7 =	vadd.f32 v62, v7;
	v62 =	vmul.f32 v45, v27  }
0x222: {  	v6 =	vadd.f32 v6, v3;
	v3 =	vld [tilespmem:$0x5920]  }
0x223: {  	v7 =	vadd.f32 v8, v7;
	v8 =	vadd.f32 v62, v41;
	v41 =	vld [tilespmem:$0x1F560]  }
0x224: {  	v37 =	vld [tilespmem:$0x49E0]  }
0x225: {  	v9 =	vadd.f32 v13, v9;
	v45 =	vld [tilespmem:$0x5910];
	v62 =	vmul.f32 v48, v24  }
0x226: {  	v48 =	vld [tilespmem:$0x5950];
	v8 =	vadd.f32 v40, v8  }
0x227: {  	v13 =	vadd.f32 v62, v9;
	v40 =	vmul.f32 v50, v22;
	v62 =	vmul.f32 v51, v21;
	v51 =	vld [tilespmem:$0x5970]  }
0x228: {  	v50 =	vmul.f32 v63, v26;
	v63 =	vld [tilespmem:$0x59B0];
	v6 =	vmul.f32 v6, v41  }
0x229: {  	v7 =	vmul.f32 v7, v41;
	v41 =	vadd.f32 v12, v8;
	v12 =	vmul.f32 v56, v30;
	v56 =	vld [tilespmem:$0x5980]  }
0x22a: {  	v4 =	vadd.f32 v6, v4;
	v6 =	vadd.f32 v40, v13;
	v40 =	vmul.f32 v57, v29;
	v57 =	vld [tilespmem:$0x5990]  }
0x22b: {  	v5 =	vadd.f32 v7, v5;
	v7 =	vadd.f32 v62, v41;
	v41 =	vmul.f32 v61, v27;
	v61 =	vld [tilespmem:$0x59A0]  }
0x22c: {  	v62 =	vld [tilespmem:$0x1F570]  }
0x22d: {  	v13 =	vmul.f32 v60, v28;
	v60 =	vmul.f32 v43, v19;
	v43 =	vld [tilespmem:$0x1F580]  }
0x22e: {  	[tilespmem:$0x1FA90] =	vst v63;
	v63 =	vmul.f32 v35, v18;
	v35 =	vmul.f32 v14, v15;
	v14 =	vld [tilespmem:$0x1F610]  }
0x22f: {  	v7 =	vadd.f32 v60, v7;
	v60 =	vld [tilespmem:$0x1F590]  }
0x230: {  	v9 =	vadd.f32 v13, v12;
	v8 =	vadd.f32 v41, v40;
	v40 =	vld [tilespmem:$0x1F5A0]  }
0x231: {  	v6 =	vadd.f32 v10, v6;
	v41 =	vld [tilespmem:$0x59E0]  }
0x232: {  	v9 =	vadd.f32 v50, v9;
	v50 =	vld [tilespmem:$0x59C0]  }
0x233: {  	v6 =	vadd.f32 v63, v6;
	v63 =	vld [tilespmem:$0x4A00]  }
0x234: {  	v7 =	vadd.f32 v42, v7;
	v42 =	vmul.f32 v32, v16;
	v13 =	vmul.f32 v62, v25;
	v62 =	vld [tilespmem:$0x59D0]  }
0x235: {  	v10 =	vmul.f32 v43, v24;
	v43 =	vld [tilespmem:$0x1F5B0]  }
0x236: {  	v7 =	vadd.f32 v42, v7;
	v42 =	vld [tilespmem:$0x1F640]  }
0x237: {  	v11 =	vmul.f32 v60, v23;
	v60 =	vld [tilespmem:$0x1F5C0]  }
0x238: {  	v12 =	vmul.f32 v40, v22;
	v40 =	vld [tilespmem:$0x1F5E0]  }
0x239: {  	[tilespmem:$0x1FAC0] =	vst v41;
	v41 =	vld [tilespmem:$0x4A10]  }
0x23a: {  	[tilespmem:$0x1FAA0] =	vst v50;
	v50 =	vld [tilespmem:$0x59F0]  }
0x23b: {  	[tilespmem:$0x1FAE0] =	vst v63;
	v63 =	vld [tilespmem:$0x4A30]  }
0x23c: {  	[tilespmem:$0x1FAB0] =	vst v62;
	v62 =	vld [tilespmem:$0x1F5D0]  }
0x23d: {  	v8 =	vadd.f32 v13, v8;
	v9 =	vadd.f32 v10, v9;
	v13 =	vmul.f32 v43, v21;
	v43 =	vld [tilespmem:$0x1F5F0]  }
0x23e: {  	v10 =	vmul.f32 v60, v20;
	v60 =	vld [tilespmem:$0x1F600]  }
0x23f: {  	v9 =	vadd.f32 v12, v9;
	v12 =	vmul.f32 v40, v18;
	v40 =	vld [tilespmem:$0x1F630]  }
0x240: {  	[tilespmem:$0x1FB00] =	vst v41;
	v41 =	vld [tilespmem:$0x4A50]  }
0x241: {  	[tilespmem:$0x1FAD0] =	vst v50;
	v50 =	vld [tilespmem:$0x4A20]  }
0x242: {  	v9 =	vadd.f32 v10, v9;
	v10 =	vadd.f32 v35, v6;
	v6 =	vld [tilespmem:$0x4A40]  }
0x243: {  	v8 =	vadd.f32 v11, v8;
	v35 =	vld [tilespmem:$0x1F620]  }
0x244: {  	[tilespmem:$0x1FB10] =	vst v63;
	v63 =	vld [tilespmem:$0x4A70]  }
0x245: {  	v8 =	vadd.f32 v13, v8;
	v11 =	vmul.f32 v62, v19;
	v13 =	vmul.f32 v43, v17;
	v43 =	vld [tilespmem:$0x1F650]  }
0x246: {  	v9 =	vadd.f32 v12, v9;
	[tilespmem:$0x1FB20] =	vst v41;
	v41 =	vld [tilespmem:$0x1F680]  }
0x247: {  	v8 =	vadd.f32 v11, v8;
	v62 =	vmul.f32 v60, v15;
	v11 =	vmul.f32 v42, v29;
	v42 =	vld [tilespmem:$0x4A90]  }
0x248: {  	[tilespmem:$0x1FAF0] =	vst v50;
	v50 =	vld [tilespmem:$0x4A60]  }
0x249: {  	v9 =	vadd.f32 v62, v9;
	v62 =	vld [tilespmem:$0x1F660]  }
0x24a: {  	v12 =	vmul.f32 v35, v30;
	v35 =	vld [tilespmem:$0x1F670]  }
0x24b: {  	v8 =	vadd.f32 v13, v8;
	v13 =	vmul.f32 v40, v28;
	v40 =	vld [tilespmem:$0x4A80]  }
0x24c: {  	v32 =	vmul.f32 v14, v16;
	[tilespmem:$0x1FB40] =	vst v63;
	v63 =	vld [tilespmem:$0x4AB0];
	v14 =	vmul.f32 v43, v27  }
0x24d: {  	v43 =	vld [tilespmem:$0x1F690]  }
0x24e: {  	v8 =	vadd.f32 v32, v8;
	v32 =	vadd.f32 v14, v11;
	v14 =	vld [tilespmem:$0x1F6B0]  }
0x24f: {  	[tilespmem:$0x1FB60] =	vst v42;
	v42 =	vld [tilespmem:$0x4AC0]  }
0x250: {  	[tilespmem:$0x1FB30] =	vst v50;
	v50 =	vld [tilespmem:$0x4AA0]  }
0x251: {  	v60 =	vadd.f32 v13, v12;
	v12 =	vmul.f32 v62, v26;
	v62 =	vld [tilespmem:$0x1F6A0]  }
0x252: {  	v11 =	vmul.f32 v35, v25;
	v35 =	vld [tilespmem:$0x1F6E0]  }
0x253: {  	v7 =	vadd.f32 v7, v10;
	v8 =	vadd.f32 v8, v9;
	[tilespmem:$0x1FB50] =	vst v40;
	v40 =	vld [tilespmem:$0x1F6F0]  }
0x254: {  	[tilespmem:$0x1FBB0] =	vst v63;
	v63 =	vld [tilespmem:$0x5A00]  }
0x255: {  	v7 =	vmul.f32 v7, v31;
	v8 =	vmul.f32 v8, v31;
	v31 =	vld [tilespmem:$0x1F6C0]  }
0x256: {  	v10 =	vadd.f32 v12, v60;
	v12 =	vmul.f32 v41, v24;
	v9 =	vadd.f32 v11, v32;
	v32 =	vld [tilespmem:$0x1F6D0]  }
0x257: {  	v11 =	vmul.f32 v43, v23;
	v43 =	vld [tilespmem:$0x4AD0]  }
0x258: {  	v41 =	vld [tilespmem:$0x1F700];
	v60 =	vadd.f32 v12, v10  }
0x259: {  	v13 =	vadd.f32 v11, v9;
	v9 =	vmul.f32 v14, v21;
	v12 =	vmul.f32 v40, v27;
	v40 =	vld [tilespmem:$0x4AE0]  }
0x25a: {  	v0 =	vadd.f32 v7, v0;
	[tilespmem:$0x1FBA0] =	vst v50;
	v10 =	vmul.f32 v62, v22;
	v50 =	vld [tilespmem:$0x1F710]  }
0x25b: {  	v1 =	vadd.f32 v8, v1;
	v62 =	vld [tilespmem:$0x1F730];
	v8 =	vadd.f32 v9, v13;
	v9 =	vmul.f32 v35, v29  }
0x25c: {  	v35 =	vld [tilespmem:$0x5A20];
	v7 =	vadd.f32 v10, v60;
	v10 =	vmul.f32 v31, v30;
	v11 =	vmul.f32 v32, v28  }
0x25d: {  	v60 =	vld [tilespmem:$0x1F720]  }
0x25e: {  	v10 =	vadd.f32 v11, v10;
	v11 =	vmul.f32 v41, v20;
	v41 =	vld [tilespmem:$0x4AF0]  }
0x25f: {  	v13 =	vmul.f32 v50, v26;
	v50 =	vld [tilespmem:$0x1F740]  }
0x260: {  	v14 =	vmul.f32 v62, v25;
	v62 =	vld [tilespmem:$0x1F750]  }
0x261: {  	[tilespmem:$0x1FB80] =	vst v35;
	v35 =	vld [tilespmem:$0x1F780]  }
0x262: {  	v9 =	vadd.f32 v12, v9;
	v12 =	vmul.f32 v60, v19;
	v60 =	vld [tilespmem:$0x5A10]  }
0x263: {  	v11 =	vadd.f32 v11, v7;
	v7 =	vld [tilespmem:$0x5A40]  }
0x264: {  	v32 =	vadd.f32 v13, v10;
	v12 =	vadd.f32 v12, v8;
	v8 =	vld [tilespmem:$0x5A30]  }
0x265: {  	v9 =	vadd.f32 v14, v9;
	v14 =	vmul.f32 v59, v18;
	v10 =	vmul.f32 v50, v24;
	v50 =	vld [tilespmem:$0x1F760]  }
0x266: {  	[tilespmem:$0x1FB70] =	vst v63;
	v63 =	vmul.f32 v62, v23;
	v62 =	vld [tilespmem:$0x1F770]  }
0x267: {  	v11 =	vadd.f32 v14, v11;
	v14 =	vmul.f32 v35, v20;
	v35 =	vld [tilespmem:$0x1F7E0];
	[tilespmem:$0x1FB90] =	vst v60;
	v60 =	vmul.f32 v58, v17  }
0x268: {  	v58 =	vld [tilespmem:$0x5A50]  }
0x269: {  	v12 =	vadd.f32 v60, v12;
	v60 =	vmul.f32 v52, v15;
	v52 =	vld [tilespmem:$0x1F7B0]  }
0x26a: {  	v59 =	vmul.f32 v50, v22;
	v50 =	vld [tilespmem:$0x1F790]  }
0x26b: {  	v10 =	vadd.f32 v10, v32;
	v9 =	vadd.f32 v63, v9;
	v63 =	vmul.f32 v62, v21;
	v62 =	vld [tilespmem:$0x1F7A0]  }
0x26c: {  	v11 =	vadd.f32 v60, v11;
	v60 =	vld [tilespmem:$0x5A90]  }
0x26d: {  	v10 =	vadd.f32 v59, v10;
	v59 =	vld [tilespmem:$0x5A60]  }
0x26e: {  	v9 =	vadd.f32 v63, v9;
	v63 =	vld [tilespmem:$0x5A70]  }
0x26f: {  	v32 =	vmul.f32 v52, v17;
	v52 =	vld [tilespmem:$0x5AB0]  }
0x270: {  	v13 =	vmul.f32 v50, v19;
	v50 =	vmul.f32 v53, v16;
	v53 =	vld [tilespmem:$0x5A80]  }
0x271: {  	v31 =	vmul.f32 v62, v18;
	v62 =	vld [tilespmem:$0x1F7D0]  }
0x272: {  	[tilespmem:$0x1FBC0] =	vst v59;
	v59 =	vld [tilespmem:$0x1F7C0]  }
0x273: {  	[tilespmem:$0x1FBD0] =	vst v63;
	v63 =	vld [tilespmem:$0x5AA0]  }
0x274: {  	v9 =	vadd.f32 v13, v9;
	v12 =	vadd.f32 v50, v12;
	v50 =	vld [tilespmem:$0x1F7F0]  }
0x275: {  	[tilespmem:$0x1FC10] =	vst v52;
	v52 =	vld [tilespmem:$0x1F830]  }
0x276: {  	v9 =	vadd.f32 v32, v9;
	v32 =	vld [tilespmem:$0x1F860]  }
0x277: {  	[tilespmem:$0x1FBE0] =	vst v53;
	v53 =	vld [tilespmem:$0x1F800]  }
0x278: {  	v10 =	vadd.f32 v14, v10;
	v13 =	vmul.f32 v62, v16;
	v62 =	vld [tilespmem:$0x1F810]  }
0x279: {  	v14 =	vmul.f32 v59, v15;
	v59 =	vld [tilespmem:$0x5AC0]  }
0x27a: {  	v10 =	vadd.f32 v31, v10;
	[tilespmem:$0x1FC00] =	vst v63;
	v63 =	vld [tilespmem:$0x5AD0]  }
0x27b: {  	v31 =	vmul.f32 v50, v28;
	v50 =	vld [tilespmem:$0x5AE0]  }
0x27c: {  	v10 =	vadd.f32 v14, v10;
	v14 =	vmul.f32 v35, v30;
	v35 =	vld [tilespmem:$0x1F820]  }
0x27d: {  	v9 =	vadd.f32 v13, v9;
	v13 =	vmul.f32 v53, v29;
	v53 =	vld [tilespmem:$0x5AF0]  }
0x27e: {  	[tilespmem:$0x1FBF0] =	vst v60;
	v60 =	vadd.f32 v31, v14;
	v31 =	vld [tilespmem:$0x4B00]  }
0x27f: {  	v2 =	vmul.f32 v2, v27;
	[tilespmem:$0x1FC20] =	vst v59;
	v59 =	vld [tilespmem:$0x1F840]  }
0x280: {  	v11 =	vadd.f32 v12, v11;
	v14 =	vmul.f32 v62, v26;
	[tilespmem:$0x1FC30] =	vst v63;
	v63 =	vld [tilespmem:$0x1F850]  }
0x281: {  	v9 =	vadd.f32 v9, v10;
	v2 =	vadd.f32 v2, v13;
	v13 =	vmul.f32 v52, v24;
	v52 =	vld [tilespmem:$0x1F880]  }
0x282: {  	v12 =	vadd.f32 v14, v60;
	v60 =	vld [tilespmem:s25+$0x2000]  }
0x283: {  	v11 =	vmul.f32 v11, v33;
	v9 =	vmul.f32 v9, v33;
	v33 =	vld [tilespmem:$0x4B10]  }
0x284: {  	v10 =	vmul.f32 v35, v25;
	v35 =	vld [tilespmem:$0x1F870]  }
0x285: {  	[tilespmem:$0x1FC50] =	vst v53;
	v53 =	vadd.f32 v9, v5;
	v9 =	vld [tilespmem:$0x4B20]  }
0x286: {  	v5 =	vmul.f32 v32, v21;
	v32 =	vld [tilespmem:$0x1F8C0]  }
0x287: {  	[tilespmem:$0x1FC60] =	vst v31;
	v31 =	vld [tilespmem:$0x1F8B0]  }
0x288: {  	v62 =	vadd.f32 v13, v12;
	v12 =	vmul.f32 v63, v22;
	v63 =	vld [tilespmem:$0x4B30]  }
0x289: {  	v2 =	vadd.f32 v10, v2;
	v10 =	vmul.f32 v59, v23;
	v59 =	vmul.f32 v52, v28;
	v52 =	vld [tilespmem:$0x4B50]  }
0x28a: {  	[tilespmem:$0x1FE20] =	vst v60;
	v60 =	vld [tilespmem:$0x1F890]  }
0x28b: {  	[tilespmem:$0x1FC70] =	vst v33;
	v33 =	vld [tilespmem:$0x4B40]  }
0x28c: {  	v11 =	vadd.f32 v11, v4;
	v4 =	vadd.f32 v12, v62;
	v62 =	vld [tilespmem:$0x1F8A0]  }
0x28d: {  	[tilespmem:$0x1FC40] =	vst v50;
	v50 =	vmul.f32 v35, v30;
	v35 =	vld [tilespmem:$0x1F8D0]  }
0x28e: {  	v14 =	vmul.f32 v32, v26;
	v32 =	vld [tilespmem:$0x1F920]  }
0x28f: {  	v2 =	vadd.f32 v10, v2;
	v10 =	vadd.f32 v59, v50;
	v50 =	vld [tilespmem:$0x1F8E0]  }
0x290: {  	v59 =	vld [tilespmem:$0x1F8F0]  }
0x291: {  	[tilespmem:$0x1FC80] =	vst v63;
	v63 =	vld [tilespmem:$0x4B70]  }
0x292: {  	[tilespmem:$0x1FCA0] =	vst v52;
	v52 =	vld [tilespmem:$0x1F950]  }
0x293: {  	v2 =	vadd.f32 v5, v2;
	v5 =	vmul.f32 v60, v29;
	v60 =	vld [tilespmem:$0x4B60]  }
0x294: {  	[tilespmem:$0x1FC90] =	vst v33;
	v33 =	vld [tilespmem:$0x1F930]  }
0x295: {  	v13 =	vmul.f32 v62, v27;
	v62 =	vld [tilespmem:$0x1F900]  }
0x296: {  	v10 =	vadd.f32 v14, v10;
	v14 =	vmul.f32 v32, v22;
	v32 =	vld [tilespmem:$0x4B80]  }
0x297: {  	v12 =	vmul.f32 v31, v20;
	v5 =	vadd.f32 v13, v5;
	v13 =	vmul.f32 v35, v19;
	v35 =	vld [tilespmem:$0x1F940]  }
0x298: {  	v31 =	vmul.f32 v50, v25;
	v50 =	vld [tilespmem:$0x4B90]  }
0x299: {  	v4 =	vadd.f32 v12, v4;
	v12 =	vmul.f32 v59, v24;
	v59 =	vld [tilespmem:$0x4BA0]  }
0x29a: {  	[tilespmem:$0x1FCC0] =	vst v63;
	v63 =	vmul.f32 v55, v15;
	v55 =	vld [tilespmem:$0x4BD0]  }
0x29b: {  	v5 =	vadd.f32 v31, v5;
	v31 =	vld [tilespmem:$0x1F910]  }
0x29c: {  	[tilespmem:$0x1FCB0] =	vst v60;
	v2 =	vadd.f32 v13, v2;
	v60 =	vld [tilespmem:$0x1F960];
	v13 =	vmul.f32 v62, v23  }
0x29d: {  	v62 =	vld [tilespmem:$0x4BB0]  }
0x29e: {  	v5 =	vadd.f32 v13, v5;
	v13 =	vmul.f32 v33, v17;
	v33 =	vld [tilespmem:$0x1F970]  }
0x29f: {  	[tilespmem:$0x1FCD0] =	vst v50;
	v50 =	vld [tilespmem:$0x1F980]  }
0x2a0: {  	[tilespmem:$0x1FD00] =	vst v59;
	v59 =	vld [tilespmem:$0x1F9A0]  }
0x2a1: {  	v10 =	vadd.f32 v12, v10;
	[tilespmem:$0x1FD50] =	vst v55;
	v55 =	vld [tilespmem:$0x5B10];
	v12 =	vmul.f32 v31, v18  }
0x2a2: {  	v31 =	vmul.f32 v35, v21;
	v35 =	vld [tilespmem:$0x4BC0]  }
0x2a3: {  	v4 =	vadd.f32 v12, v4;
	v12 =	vmul.f32 v52, v20;
	v52 =	vld [tilespmem:$0x1F990]  }
0x2a4: {  	v2 =	vadd.f32 v13, v2;
	v13 =	vmul.f32 v60, v19;
	v60 =	vld [tilespmem:$0x4BE0]  }
0x2a5: {  	[tilespmem:$0x1FD20] =	vst v62;
	v62 =	vld [tilespmem:$0x1F9B0]  }
0x2a6: {  	v10 =	vadd.f32 v14, v10;
	v5 =	vadd.f32 v31, v5;
	v14 =	vmul.f32 v33, v18;
	v33 =	vld [tilespmem:$0x1F9D0]  }
0x2a7: {  	v4 =	vadd.f32 v63, v4;
	v63 =	vld [tilespmem:$0x4BF0]  }
0x2a8: {  	v5 =	vadd.f32 v13, v5;
	v13 =	vmul.f32 v50, v16;
	v50 =	vld [tilespmem:$0x1F9E0];
	v31 =	vmul.f32 v52, v17  }
0x2a9: {  	v52 =	vld [tilespmem:$0x1F9F0]  }
0x2aa: {  	v10 =	vadd.f32 v12, v10;
	v5 =	vadd.f32 v31, v5;
	v31 =	vld [tilespmem:$0x1F9C0]  }
0x2ab: {  	[tilespmem:$0x1FCF0] =	vst v55;
	v55 =	vld [tilespmem:$0x5B40]  }
0x2ac: {  	v10 =	vadd.f32 v14, v10;
	v14 =	vmul.f32 v33, v28;
	v33 =	vld [tilespmem:$0x1FA00]  }
0x2ad: {  	v12 =	vmul.f32 v59, v15;
	[tilespmem:$0x1FD40] =	vst v35;
	v35 =	vld [tilespmem:$0x5B00]  }
0x2ae: {  	v2 =	vadd.f32 v13, v2;
	v13 =	vmul.f32 v62, v16;
	v62 =	vld [tilespmem:$0x5B20]  }
0x2af: {  	v10 =	vadd.f32 v12, v10;
	v12 =	vmul.f32 v31, v30;
	v31 =	vmul.f32 v52, v27;
	v52 =	vld [tilespmem:$0x1FA20]  }
0x2b0: {  	v2 =	vadd.f32 v2, v4;
	[tilespmem:$0x1FDA0] =	vst v63;
	v63 =	vld [tilespmem:$0x5B30];
	v5 =	vadd.f32 v13, v5  }
0x2b1: {  	v13 =	vmul.f32 v50, v29;
	v50 =	vld [tilespmem:$0x1FA10];
	v59 =	vadd.f32 v14, v12;
	v12 =	vmul.f32 v33, v26  }
0x2b2: {  	[tilespmem:$0x1FD10] =	vst v55;
	v55 =	vld [tilespmem:$0x1FA60];
	v5 =	vadd.f32 v5, v10  }
0x2b3: {  	v2 =	vmul.f32 v2, v34;
	v4 =	vadd.f32 v12, v59;
	v59 =	vld [tilespmem:$0x1FA30]  }
0x2b4: {  	v5 =	vmul.f32 v5, v34;
	v34 =	vld [tilespmem:$0x5B50];
	v12 =	vmul.f32 v52, v24  }
0x2b5: {  	[tilespmem:$0x1FCE0] =	vst v35;
	v35 =	vadd.f32 v31, v13;
	v31 =	vld [tilespmem:$0x1FA50]  }
0x2b6: {  	[tilespmem:$0x1FD80] =	vst v60;
	v13 =	vmul.f32 v50, v25;
	v60 =	vadd.f32 v12, v4;
	v4 =	vld [tilespmem:$0x1FA40]  }
0x2b7: {  	v50 =	vld [tilespmem:$0x5B70]  }
0x2b8: {  	v44 =	vmul.f32 v44, v30;
	v10 =	vadd.f32 v13, v35;
	v52 =	vld [tilespmem:$0x5B80];
	v13 =	vmul.f32 v59, v23  }
0x2b9: {  	v12 =	vld [tilespmem:$0x5B60];
	v59 =	vmul.f32 v47, v26;
	v47 =	vmul.f32 v51, v23  }
0x2ba: {  	v51 =	vmul.f32 v56, v22;
	v56 =	vmul.f32 v57, v21;
	v57 =	vld [tilespmem:$0x5BF0]  }
0x2bb: {  	v33 =	vadd.f32 v2, v0;
	v14 =	vadd.f32 v13, v10;
	v13 =	vld [tilespmem:$0x5B90];
	v2 =	vmul.f32 v4, v22  }
0x2bc: {  	v4 =	vmul.f32 v31, v21;
	v31 =	vmul.f32 v48, v25;
	v48 =	vld [tilespmem:$0x5BD0]  }
0x2bd: {  	v46 =	vmul.f32 v46, v27;
	v3 =	vmul.f32 v3, v28;
	v0 =	vadd.f32 v2, v60;
	v60 =	vld [tilespmem:$0x5BA0]  }
0x2be: {  	v45 =	vmul.f32 v45, v29;
	v35 =	vadd.f32 v5, v1;
	v1 =	vadd.f32 v4, v14;
	v14 =	vld [tilespmem:$0x1FA70]  }
0x2bf: {  	v2 =	vadd.f32 v3, v44;
	v44 =	vld [tilespmem:$0x5BB0]  }
0x2c0: {  	v4 =	vadd.f32 v46, v45;
	v46 =	vld [tilespmem:$0x5BC0]  }
0x2c1: {  	v45 =	vmul.f32 v49, v24;
	v49 =	vld [tilespmem:$0x1FA80]  }
0x2c2: {  	v3 =	vmul.f32 v55, v20;
	[tilespmem:$0x1FDC0] =	vst v57;
	v57 =	vld [tilespmem:$0x1FAE0]  }
0x2c3: {  	v55 =	vmul.f32 v39, v17;
	v39 =	vmul.f32 v37, v15;
	v37 =	vld [tilespmem:$0x4C60]  }
0x2c4: {  	v2 =	vadd.f32 v59, v2;
	v59 =	vmul.f32 v61, v20;
	v61 =	vld [tilespmem:s22+$0x3200]  }
0x2c5: {  	v4 =	vadd.f32 v31, v4;
	v31 =	vld [tilespmem:$0x4C00]  }
0x2c6: {  	[tilespmem:$0x1FDB0] =	vst v48;
	v48 =	vld [tilespmem:$0x1FAC0]  }
0x2c7: {  	v2 =	vadd.f32 v45, v2;
	v45 =	vld [tilespmem:$0x4C10]  }
0x2c8: {  	v4 =	vadd.f32 v47, v4;
	v47 =	vld [tilespmem:$0x1FAB0]  }
0x2c9: {  	[tilespmem:$0x1FD60] =	vst v60;
	v60 =	vld [tilespmem:$0x5BE0]  }
0x2ca: {  	v5 =	vmul.f32 v14, v19;
	v14 =	vld [tilespmem:$0x1FA90]  }
0x2cb: {  	[tilespmem:$0x1FD70] =	vst v44;
	v44 =	vld [tilespmem:$0x1FAA0]  }
0x2cc: {  	v0 =	vadd.f32 v3, v0;
	v3 =	vmul.f32 v49, v18;
	v49 =	vld [tilespmem:$0x4C20]  }
0x2cd: {  	[tilespmem:$0x1FE30] =	vst v37;
	v37 =	vld [tilespmem:$0x1FB90]  }
0x2ce: {  	v2 =	vadd.f32 v51, v2;
	v51 =	vld [tilespmem:$0x4C30]  }
0x2cf: {  	v4 =	vadd.f32 v56, v4;
	v56 =	vld [tilespmem:$0x4C40]  }
0x2d0: {  	[tilespmem:$0x1FED0] =	vst v61;
	v61 =	vld [tilespmem:$0x4C50]  }
0x2d1: {  	[tilespmem:$0x1FDD0] =	vst v31;
	v31 =	vld [tilespmem:$0x1FB10]  }
0x2d2: {  	v1 =	vadd.f32 v5, v1;
	v2 =	vadd.f32 v59, v2;
	v59 =	vld [tilespmem:$0x1FAF0]  }
0x2d3: {  	v0 =	vadd.f32 v3, v0;
	v3 =	vmul.f32 v48, v15;
	v48 =	vld [tilespmem:$0x4C90]  }
0x2d4: {  	v1 =	vadd.f32 v55, v1;
	v55 =	vld [tilespmem:$0x1FAD0]  }
0x2d5: {  	[tilespmem:$0x1FDE0] =	vst v45;
	v45 =	vld [tilespmem:$0x1FB20]  }
0x2d6: {  	[tilespmem:$0x1FD30] =	vst v12;
	v12 =	vmul.f32 v47, v17;
	v47 =	vld [tilespmem:$0x1FB30]  }
0x2d7: {  	[tilespmem:$0x1FD90] =	vst v46;
	v46 =	vmul.f32 v38, v16;
	v0 =	vadd.f32 v39, v0;
	v39 =	vmul.f32 v6, v26;
	v6 =	vld [tilespmem:$0x1FB60]  }
0x2d8: {  	v5 =	vmul.f32 v14, v19;
	v10 =	vmul.f32 v44, v18;
	v14 =	vld [tilespmem:$0x1FB00]  }
0x2d9: {  	v1 =	vadd.f32 v46, v1;
	v46 =	vld [tilespmem:$0x4C80]  }
0x2da: {  	[tilespmem:$0x1FDF0] =	vst v51;
	v51 =	vld [tilespmem:$0x1FB40];
	v2 =	vadd.f32 v10, v2  }
0x2db: {  	[tilespmem:$0x1FE00] =	vst v56;
	v56 =	vld [tilespmem:$0x1FB50];
	v4 =	vadd.f32 v5, v4  }
0x2dc: {  	v10 =	vmul.f32 v59, v28;
	v2 =	vadd.f32 v3, v2;
	v3 =	vmul.f32 v57, v30;
	v57 =	vld [tilespmem:$0x4CB0]  }
0x2dd: {  	v4 =	vadd.f32 v12, v4;
	v5 =	vmul.f32 v55, v16;
	v12 =	vmul.f32 v31, v27;
	v31 =	vld [tilespmem:$0x4CD0]  }
0x2de: {  	v0 =	vadd.f32 v1, v0;
	v38 =	vadd.f32 v10, v3;
	v10 =	vld [tilespmem:$0x4C70]  }
0x2df: {  	v4 =	vadd.f32 v5, v4;
	v5 =	vmul.f32 v14, v29;
	v14 =	vld [tilespmem:$0x1FB80]  }
0x2e0: {  	v0 =	vmul.f32 v0, v54;
	[tilespmem:$0x1FE40] =	vst v46;
	v46 =	vld [tilespmem:$0x4CF0]  }
0x2e1: {  	v3 =	vmul.f32 v47, v24;
	v47 =	vld [tilespmem:$0x1FBB0]  }
0x2e2: {  	v59 =	vadd.f32 v0, v11;
	v11 =	vld [tilespmem:$0x4CC0]  }
0x2e3: {  	v44 =	vadd.f32 v12, v5;
	v12 =	vld [tilespmem:$0x1FB70]  }
0x2e4: {  	v1 =	vadd.f32 v39, v38;
	v39 =	vld [tilespmem:$0x4CE0]  }
0x2e5: {  	v38 =	vmul.f32 v8, v27;
	v8 =	vld [tilespmem:$0x1FC00]  }
0x2e6: {  	v2 =	vadd.f32 v4, v2;
	[tilespmem:$0x1FE80] =	vst v57;
	v57 =	vld [tilespmem:$0x5C10]  }
0x2e7: {  	v5 =	vmul.f32 v45, v25;
	[tilespmem:$0x1FEA0] =	vst v31;
	v31 =	vld [tilespmem:$0x5C30]  }
0x2e8: {  	v2 =	vmul.f32 v2, v54;
	v54 =	vld [tilespmem:$0x4CA0]  }
0x2e9: {  	v4 =	vadd.f32 v5, v44;
	v44 =	vld [tilespmem:$0x1FBA0]  }
0x2ea: {  	v55 =	vadd.f32 v3, v1;
	v1 =	vmul.f32 v56, v22;
	v56 =	vld [tilespmem:$0x5C00]  }
0x2eb: {  	v5 =	vmul.f32 v51, v23;
	v51 =	vld [tilespmem:$0x1FBC0]  }
0x2ec: {  	[tilespmem:$0x1FEC0] =	vst v46;
	v46 =	vld [tilespmem:$0x5C50]  }
0x2ed: {  	v2 =	vadd.f32 v2, v53;
	v53 =	vld [tilespmem:$0x1FBD0]  }
0x2ee: {  	[tilespmem:$0x1FE10] =	vst v61;
	v61 =	vadd.f32 v5, v4;
	v4 =	vmul.f32 v14, v28;
	v14 =	vld [tilespmem:$0x5C20]  }
0x2ef: {  	v0 =	vadd.f32 v1, v55;
	v55 =	vld [tilespmem:$0x1FBE0]  }
0x2f0: {  	[tilespmem:$0x1FE90] =	vst v11;
	v11 =	vld [tilespmem:$0x1FC10]  }
0x2f1: {  	v5 =	vmul.f32 v47, v19;
	v47 =	vld [tilespmem:$0x5C60]  }
0x2f2: {  	v3 =	vmul.f32 v6, v21;
	[tilespmem:$0x1FEB0] =	vst v39;
	v39 =	vld [tilespmem:$0x1FC30]  }
0x2f3: {  	[tilespmem:$0x1FE60] =	vst v48;
	v1 =	vmul.f32 v12, v30;
	v12 =	vmul.f32 v40, v15;
	v40 =	vld [tilespmem:$0x1FC40]  }
0x2f4: {  	v48 =	vmul.f32 v58, v25;
	[tilespmem:$0x1FE50] =	vst v2;
	v2 =	vadd.f32 v3, v61;
	v61 =	vld [tilespmem:$0x1FBF0]  }
0x2f5: {  	v45 =	vmul.f32 v7, v26;
	v3 =	vmul.f32 v37, v29;
	v37 =	vld [tilespmem:$0x1FC20]  }
0x2f6: {  	[tilespmem:$0x1FE70] =	vst v54;
	v1 =	vadd.f32 v4, v1;
	v4 =	vmul.f32 v44, v20;
	v54 =	vmul.f32 v42, v18;
	v42 =	vld [tilespmem:$0x1FC60]  }
0x2f7: {  	v58 =	vmul.f32 v43, v17;
	v44 =	vld [tilespmem:$0x1FC70];
	v3 =	vadd.f32 v38, v3;
	v2 =	vadd.f32 v5, v2  }
0x2f8: {  	v38 =	vmul.f32 v41, v16;
	v41 =	vld [tilespmem:$0x1FC50];
	v0 =	vadd.f32 v4, v0;
	v1 =	vadd.f32 v45, v1  }
0x2f9: {  	v4 =	vmul.f32 v51, v24;
	v5 =	vmul.f32 v53, v23;
	v45 =	vld [tilespmem:$0x5C40];
	v3 =	vadd.f32 v48, v3  }
0x2fa: {  	v56 =	vmul.f32 v56, v30;
	v6 =	vmul.f32 v55, v22;
	v51 =	vld [tilespmem:$0x5C80]  }
0x2fb: {  	v53 =	vld [tilespmem:$0x5C90];
	v1 =	vadd.f32 v4, v1;
	v7 =	vmul.f32 v61, v21;
	v3 =	vadd.f32 v5, v3  }
0x2fc: {  	v55 =	vld [tilespmem:$0x5CB0];
	v14 =	vmul.f32 v14, v28;
	v4 =	vmul.f32 v8, v20  }
0x2fd: {  	v48 =	vld [tilespmem:$0x5C70];
	v5 =	vmul.f32 v11, v19;
	v1 =	vadd.f32 v6, v1;
	v3 =	vadd.f32 v7, v3  }
0x2fe: {  	v2 =	vadd.f32 v58, v2;
	v58 =	vld [tilespmem:$0x1FC80];
	v0 =	vadd.f32 v54, v0;
	v6 =	vmul.f32 v37, v18  }
0x2ff: {  	v54 =	vld [tilespmem:$0x5CA0];
	v7 =	vmul.f32 v39, v17;
	v1 =	vadd.f32 v4, v1;
	v3 =	vadd.f32 v5, v3  }
0x300: {  	v8 =	vld [tilespmem:$0x1FC90];
	v14 =	vadd.f32 v14, v56;
	v4 =	vmul.f32 v40, v15  }
0x301: {  	v56 =	vld [tilespmem:$0x1FE70];
	v5 =	vmul.f32 v41, v16;
	v1 =	vadd.f32 v6, v1;
	v3 =	vadd.f32 v7, v3  }
0x302: {  	v43 =	vmul.f32 v9, v28;
	v2 =	vadd.f32 v38, v2;
	v11 =	vld [tilespmem:$0x1FCA0];
	v0 =	vadd.f32 v12, v0  }
0x303: {  	v12 =	vld [tilespmem:$0x1FCB0];
	v1 =	vadd.f32 v4, v1;
	v4 =	vmul.f32 v42, v30;
	v3 =	vadd.f32 v5, v3  }
0x304: {  	v45 =	vmul.f32 v45, v26;
	v0 =	vadd.f32 v2, v0;
	v40 =	vld [tilespmem:$0x4D10]  }
0x305: {  	v61 =	vadd.f32 v43, v4;
	v4 =	vmul.f32 v8, v26;
	v8 =	vld [tilespmem:$0x1FCE0];
	v1 =	vadd.f32 v3, v1  }
0x306: {  	v41 =	vld [tilespmem:$0x4D00];
	v7 =	vmul.f32 v58, v27;
	v5 =	vmul.f32 v44, v29  }
0x307: {  	v0 =	vmul.f32 v0, v36;
	v1 =	vmul.f32 v1, v36;
	v36 =	vld [tilespmem:$0x1FCC0]  }
0x308: {  	v45 =	vadd.f32 v45, v14;
	v14 =	vld [tilespmem:$0x5DE0];
	v9 =	vadd.f32 v7, v5;
	v5 =	vmul.f32 v11, v25  }
0x309: {  	v7 =	vld [tilespmem:$0x1FCD0];
	v11 =	vmul.f32 v62, v28;
	v2 =	vadd.f32 v4, v61  }
0x30a: {  	v4 =	vmul.f32 v12, v24;
	v12 =	vld [tilespmem:$0x1FCF0];
	v3 =	vadd.f32 v5, v9;
	v9 =	vmul.f32 v8, v30  }
0x30b: {  	v58 =	vld [tilespmem:$0x5CC0]  }
0x30c: {  	v37 =	vadd.f32 v4, v2;
	v2 =	vadd.f32 v11, v9;
	v9 =	vld [tilespmem:$0x1FD00];
	v5 =	vmul.f32 v36, v23  }
0x30d: {  	v11 =	vld [tilespmem:$0x1FD10]  }
0x30e: {  	v38 =	vmul.f32 v32, v22;
	v42 =	vld [tilespmem:$0x5CD0];
	v39 =	vadd.f32 v5, v3;
	v3 =	vmul.f32 v7, v21  }
0x30f: {  	v0 =	vadd.f32 v0, v33;
	v33 =	vmul.f32 v63, v27;
	v63 =	vld [tilespmem:$0x4D40];
	v32 =	vmul.f32 v12, v29  }
0x310: {  	v44 =	vld [tilespmem:$0x5CF0];
	v61 =	vadd.f32 v1, v35;
	v1 =	vadd.f32 v3, v39  }
0x311: {  	v43 =	vld [tilespmem:$0x5CE0];
	v4 =	vmul.f32 v9, v20;
	v3 =	vadd.f32 v33, v32;
	v9 =	vmul.f32 v34, v25  }
0x312: {  	v12 =	vmul.f32 v11, v26;
	v11 =	vld [tilespmem:$0x1FD30]  }
0x313: {  	[tilespmem:$0x1FEE0] =	vst v0;
	v0 =	vadd.f32 v9, v3;
	v9 =	vld [tilespmem:$0x1FD50]  }
0x314: {  	v32 =	vld [tilespmem:$0x1FD20]  }
0x315: {  	v62 =	vld [tilespmem:$0x4D30];
	v5 =	vadd.f32 v38, v37  }
0x316: {  	v35 =	vld [tilespmem:$0x4D20];
	v2 =	vadd.f32 v12, v2;
	v12 =	vmul.f32 v50, v23  }
0x317: {  	v5 =	vadd.f32 v4, v5;
	v50 =	vld [tilespmem:$0x1FD40];
	v4 =	vmul.f32 v11, v24  }
0x318: {  	v3 =	vadd.f32 v12, v0;
	v0 =	vmul.f32 v9, v17;
	v9 =	vld [tilespmem:$0x1FD70]  }
0x319: {  	v8 =	vmul.f32 v52, v22;
	v52 =	vld [tilespmem:$0x4DA0];
	v33 =	vmul.f32 v32, v19;
	v4 =	vadd.f32 v4, v2  }
0x31a: {  	v12 =	vld [tilespmem:$0x1FD60]  }
0x31b: {  	v11 =	vmul.f32 v13, v21;
	v6 =	vadd.f32 v33, v1;
	v1 =	vadd.f32 v8, v4;
	v8 =	vld [tilespmem:$0x1FD80]  }
0x31c: {  	v40 =	vmul.f32 v40, v29;
	v62 =	vmul.f32 v62, v27;
	v36 =	vld [tilespmem:$0x4D70]  }
0x31d: {  	v7 =	vmul.f32 v50, v18;
	v3 =	vadd.f32 v11, v3;
	v11 =	vmul.f32 v9, v19;
	v9 =	vld [tilespmem:$0x1FD90]  }
0x31e: {  	v40 =	vadd.f32 v62, v40;
	v62 =	vld [tilespmem:$0x1FED0]  }
0x31f: {  	v38 =	vld [tilespmem:$0x4D50];
	v5 =	vadd.f32 v7, v5  }
0x320: {  	v13 =	vmul.f32 v12, v20;
	v7 =	vadd.f32 v0, v6;
	v0 =	vmul.f32 v8, v15;
	v8 =	vld [tilespmem:$0x1FDB0]  }
0x321: {  	v3 =	vadd.f32 v11, v3;
	v11 =	vld [tilespmem:$0x1FDA0]  }
0x322: {  	v4 =	vadd.f32 v13, v1;
	v1 =	vmul.f32 v9, v18;
	v9 =	vld [tilespmem:$0x1FDC0]  }
0x323: {  	v37 =	vld [tilespmem:$0x4D80]  }
0x324: {  	v39 =	vld [tilespmem:$0x4D60];
	v38 =	vmul.f32 v38, v25  }
0x325: {  	v34 =	vld [tilespmem:$0x4D90];
	v2 =	vmul.f32 v8, v17  }
0x326: {  	v32 =	vld [tilespmem:$0x4DC0];
	v38 =	vadd.f32 v38, v40  }
0x327: {  	v40 =	vld [tilespmem:$0x4EC0];
	v12 =	vmul.f32 v11, v16;
	v2 =	vadd.f32 v2, v3;
	v11 =	vmul.f32 v9, v16  }
0x328: {  	v8 =	vld [tilespmem:$0x1FDF0]  }
0x329: {  	v2 =	vadd.f32 v11, v2;
	v11 =	vld [tilespmem:$0x1FDE0]  }
0x32a: {  	v33 =	vld [tilespmem:$0x4DB0]  }
0x32b: {  	v50 =	vld [tilespmem:$0x4DE0]  }
0x32c: {  	v9 =	vld [tilespmem:$0x1FDD0]  }
0x32d: {  	v13 =	vld [tilespmem:$0x4DD0];
	v1 =	vadd.f32 v1, v4;
	v4 =	vmul.f32 v60, v15  }
0x32e: {  	v5 =	vadd.f32 v0, v5;
	v60 =	vld [tilespmem:$0x4DF0];
	v0 =	vmul.f32 v8, v27;
	v3 =	vmul.f32 v11, v29  }
0x32f: {  	v6 =	vadd.f32 v12, v7;
	v12 =	vld [tilespmem:$0x5D00]  }
0x330: {  	v0 =	vadd.f32 v0, v3;
	v3 =	vld [tilespmem:$0x1FE20]  }
0x331: {  	v1 =	vadd.f32 v4, v1;
	v4 =	vmul.f32 v9, v30;
	v9 =	vld [tilespmem:$0x1FE00]  }
0x332: {  	v8 =	vld [tilespmem:$0x5D20]  }
0x333: {  	v5 =	vadd.f32 v6, v5;
	v1 =	vadd.f32 v2, v1;
	v11 =	vld [tilespmem:$0x1FE10]  }
0x334: {  	v7 =	vmul.f32 v49, v28;
	v49 =	vld [tilespmem:$0x5D10]  }
0x335: {  	v5 =	vmul.f32 v5, v3;
	v1 =	vmul.f32 v1, v3;
	v3 =	vld [tilespmem:$0x1FE50]  }
0x336: {  	v6 =	vmul.f32 v9, v26;
	v9 =	vld [tilespmem:$0x1FE30]  }
0x337: {  	v12 =	vmul.f32 v12, v30;
	v8 =	vmul.f32 v8, v28;
	v59 =	vadd.f32 v5, v59;
	v5 =	vld [tilespmem:$0x1FE60]  }
0x338: {  	v4 =	vadd.f32 v7, v4;
	v7 =	vld [tilespmem:$0x5D30];
	v2 =	vmul.f32 v11, v25  }
0x339: {  	v8 =	vadd.f32 v8, v12;
	v12 =	vld [tilespmem:$0x5E30]  }
0x33a: {  	v11 =	vld [tilespmem:$0x5D40];
	v0 =	vadd.f32 v2, v0;
	v2 =	vmul.f32 v10, v23;
	v1 =	vadd.f32 v1, v3  }
0x33b: {  	v4 =	vadd.f32 v6, v4;
	v10 =	vld [tilespmem:$0x5D60]  }
0x33c: {  	v6 =	vmul.f32 v9, v24;
	v9 =	vld [tilespmem:$0x5D50];
	v0 =	vadd.f32 v2, v0;
	[tilespmem:$0x1FF00] =	vst v1;
	v1 =	vmul.f32 v5, v21  }
0x33d: {  	v31 =	vmul.f32 v31, v27;
	v2 =	vld [tilespmem:$0x5DC0]  }
0x33e: {  	v6 =	vadd.f32 v6, v4;
	v4 =	vld [tilespmem:$0x5D70];
	v0 =	vadd.f32 v1, v0;
	v1 =	vmul.f32 v57, v29  }
0x33f: {  	v11 =	vmul.f32 v11, v26;
	[tilespmem:$0x1FEF0] =	vst v59;
	v59 =	vld [tilespmem:$0x1FE40]  }
0x340: {  	v46 =	vmul.f32 v46, v25;
	v3 =	vld [tilespmem:$0x5DB0];
	v1 =	vadd.f32 v31, v1  }
0x341: {  	v8 =	vadd.f32 v11, v8;
	v11 =	vld [tilespmem:$0x5E50]  }
0x342: {  	v1 =	vadd.f32 v46, v1;
	v46 =	vmul.f32 v48, v23;
	v48 =	vld [tilespmem:$0x1FE90]  }
0x343: {  	v10 =	vmul.f32 v10, v24;
	v31 =	vld [tilespmem:$0x1FE80]  }
0x344: {  	v47 =	vmul.f32 v47, v24;
	v5 =	vld [tilespmem:$0x5D80]  }
0x345: {  	v8 =	vadd.f32 v10, v8;
	v10 =	vld [tilespmem:$0x5E70];
	v59 =	vmul.f32 v59, v22  }
0x346: {  	v56 =	vmul.f32 v56, v20;
	v45 =	vadd.f32 v47, v45;
	v57 =	vld [tilespmem:$0x5DA0]  }
0x347: {  	v6 =	vadd.f32 v59, v6;
	v47 =	vmul.f32 v48, v18;
	v48 =	vmul.f32 v51, v22;
	v51 =	vld [tilespmem:$0x1FEA0]  }
0x348: {  	v59 =	vld [tilespmem:$0x5D90];
	v31 =	vmul.f32 v31, v19  }
0x349: {  	v54 =	vmul.f32 v54, v20;
	v6 =	vadd.f32 v56, v6;
	v56 =	vld [tilespmem:$0x5DD0];
	v45 =	vadd.f32 v48, v45  }
0x34a: {  	v0 =	vadd.f32 v31, v0;
	v31 =	vld [tilespmem:$0x5DF0]  }
0x34b: {  	v48 =	vld [tilespmem:$0x4E10];
	v45 =	vadd.f32 v54, v45;
	v54 =	vmul.f32 v58, v18  }
0x34c: {  	v1 =	vadd.f32 v46, v1;
	v58 =	vld [tilespmem:$0x1FEC0];
	v46 =	vmul.f32 v51, v17;
	v51 =	vmul.f32 v53, v21  }
0x34d: {  	v53 =	vld [tilespmem:$0x4E00]  }
0x34e: {  	v0 =	vadd.f32 v46, v0;
	v1 =	vadd.f32 v51, v1;
	v46 =	vmul.f32 v55, v19;
	v55 =	vld [tilespmem:$0x1FEB0]  }
0x34f: {  	v43 =	vmul.f32 v43, v15;
	v45 =	vadd.f32 v54, v45;
	v54 =	vmul.f32 v44, v16;
	v44 =	vld [tilespmem:$0x4E60]  }
0x350: {  	v42 =	vmul.f32 v42, v17;
	v51 =	vld [tilespmem:$0x4E20];
	v1 =	vadd.f32 v46, v1  }
0x351: {  	v41 =	vmul.f32 v41, v30;
	v43 =	vadd.f32 v43, v45;
	v45 =	vld [tilespmem:$0x4E70];
	v46 =	vmul.f32 v58, v16  }
0x352: {  	v14 =	vmul.f32 v14, v15;
	v63 =	vmul.f32 v63, v26;
	v58 =	vld [tilespmem:$0x4E40];
	v1 =	vadd.f32 v42, v1  }
0x353: {  	v6 =	vadd.f32 v47, v6;
	v0 =	vadd.f32 v46, v0;
	v46 =	vld [tilespmem:$0x4E80];
	v47 =	vmul.f32 v55, v15  }
0x354: {  	v35 =	vmul.f32 v35, v28;
	v36 =	vmul.f32 v36, v23;
	v42 =	vld [tilespmem:$0x4EA0];
	v1 =	vadd.f32 v54, v1  }
0x355: {  	v37 =	vmul.f32 v37, v22;
	v39 =	vmul.f32 v39, v24;
	v55 =	vld [tilespmem:$0x4E30];
	v6 =	vadd.f32 v47, v6  }
0x356: {  	v34 =	vmul.f32 v34, v21;
	v32 =	vmul.f32 v32, v18;
	v47 =	vld [tilespmem:$0x4E50];
	v1 =	vadd.f32 v1, v43  }
0x357: {  	v40 =	vmul.f32 v40, v18;
	v43 =	vld [tilespmem:$0x4EB0];
	v0 =	vadd.f32 v0, v6;
	v6 =	vadd.f32 v35, v41  }
0x358: {  	v33 =	vmul.f32 v33, v19;
	v13 =	vmul.f32 v13, v17;
	v41 =	vld [tilespmem:$0x4E90]  }
0x359: {  	v60 =	vmul.f32 v60, v16;
	v7 =	vmul.f32 v7, v27;
	v6 =	vadd.f32 v63, v6;
	v63 =	vld [tilespmem:$0x1FEE0]  }
0x35a: {  	v1 =	vmul.f32 v1, v62;
	v0 =	vmul.f32 v0, v62;
	v62 =	vadd.f32 v36, v38;
	v36 =	vld [tilespmem:$0x4EE0]  }
0x35b: {  	v12 =	vmul.f32 v12, v27;
	v9 =	vmul.f32 v9, v25;
	v38 =	vld [tilespmem:$0x4EF0]  }
0x35c: {  	v5 =	vmul.f32 v5, v22;
	v54 =	vadd.f32 v39, v6;
	v39 =	vld [tilespmem:$0x4ED0];
	v6 =	vadd.f32 v1, v61  }
0x35d: {  	v1 =	vadd.f32 v34, v62;
	v34 =	vld [tilespmem:$0x5E00];
	v61 =	vmul.f32 v59, v21;
	v62 =	vmul.f32 v57, v20  }
0x35e: {  	v57 =	vmul.f32 v48, v29;
	v48 =	vmul.f32 v45, v23;
	v45 =	vld [tilespmem:$0x4F00]  }
0x35f: {  	v5 =	vadd.f32 v5, v8;
	v59 =	vmul.f32 v55, v27;
	v55 =	vmul.f32 v41, v21;
	v41 =	vld [tilespmem:$0x4F30]  }
0x360: {  	v2 =	vmul.f32 v2, v18;
	v4 =	vmul.f32 v4, v23;
	v1 =	vadd.f32 v33, v1;
	v33 =	vld [tilespmem:$0x5E90]  }
0x361: {  	v3 =	vmul.f32 v3, v19;
	v5 =	vadd.f32 v62, v5;
	v62 =	vmul.f32 v47, v25;
	v47 =	vld [tilespmem:$0x5EE0]  }
0x362: {  	v11 =	vmul.f32 v11, v25;
	v35 =	vadd.f32 v0, v63;
	v0 =	vadd.f32 v37, v54;
	v37 =	vld [tilespmem:$0x5E10]  }
0x363: {  	v63 =	vmul.f32 v52, v20;
	v52 =	vmul.f32 v49, v29;
	v49 =	vld [tilespmem:$0x5E20]  }
0x364: {  	v10 =	vmul.f32 v10, v23;
	v54 =	vmul.f32 v50, v15;
	v50 =	vld [tilespmem:$0x5EA0]  }
0x365: {  	v31 =	vmul.f32 v31, v16;
	v1 =	vadd.f32 v13, v1;
	v13 =	vld [tilespmem:$0x5E40];
	v2 =	vadd.f32 v2, v5  }
0x366: {  	v51 =	vmul.f32 v51, v28;
	v36 =	vmul.f32 v36, v15;
	v7 =	vadd.f32 v7, v52;
	v52 =	vld [tilespmem:$0x5EB0]  }
0x367: {  	v38 =	vmul.f32 v38, v16;
	v0 =	vadd.f32 v63, v0;
	v2 =	vadd.f32 v14, v2;
	v14 =	vld [tilespmem:$0x4F10]  }
0x368: {  	v63 =	vmul.f32 v56, v17;
	v56 =	vmul.f32 v53, v30;
	v7 =	vadd.f32 v9, v7;
	v9 =	vld [tilespmem:$0x5E60]  }
0x369: {  	v39 =	vmul.f32 v39, v17;
	v1 =	vadd.f32 v60, v1;
	v0 =	vadd.f32 v32, v0;
	v32 =	vld [tilespmem:$0x5E80]  }
0x36a: {  	v53 =	vld [tilespmem:$0x5EC0];
	v60 =	vadd.f32 v51, v56;
	v56 =	vmul.f32 v42, v20;
	v4 =	vadd.f32 v4, v7  }
0x36b: {  	v51 =	vld [tilespmem:$0x5ED0];
	v0 =	vadd.f32 v54, v0;
	v54 =	vmul.f32 v46, v22;
	v46 =	vmul.f32 v33, v21  }
0x36c: {  	v33 =	vld [tilespmem:$0x4FC0];
	v4 =	vadd.f32 v61, v4;
	v61 =	vmul.f32 v58, v26;
	v58 =	vmul.f32 v43, v19  }
0x36d: {  	v14 =	vmul.f32 v14, v29;
	v42 =	vmul.f32 v9, v24;
	v9 =	vld [tilespmem:$0x4F90]  }
0x36e: {  	v43 =	vmul.f32 v32, v22;
	v32 =	vld [tilespmem:$0x4FB0];
	v3 =	vadd.f32 v3, v4;
	v4 =	vadd.f32 v59, v57  }
0x36f: {  	v5 =	vadd.f32 v61, v60;
	v59 =	vmul.f32 v34, v30;
	v60 =	vmul.f32 v49, v28;
	v61 =	vld [tilespmem:$0x4F50]  }
0x370: {  	v49 =	vmul.f32 v52, v19;
	v3 =	vadd.f32 v63, v3;
	v63 =	vmul.f32 v44, v24;
	v44 =	vld [tilespmem:$0x5EF0]  }
0x371: {  	v4 =	vadd.f32 v62, v4;
	v62 =	vmul.f32 v37, v29;
	v37 =	vld [tilespmem:$0x4F60];
	v7 =	vadd.f32 v60, v59  }
0x372: {  	v52 =	vmul.f32 v51, v17;
	v59 =	vld [tilespmem:$0x5F20];
	v5 =	vadd.f32 v63, v5;
	v3 =	vadd.f32 v31, v3  }
0x373: {  	v60 =	vld [tilespmem:$0x5F30];
	v4 =	vadd.f32 v48, v4;
	v63 =	vmul.f32 v13, v26;
	v48 =	vmul.f32 v50, v20  }
0x374: {  	v0 =	vadd.f32 v1, v0;
	v31 =	vld [tilespmem:$0x4F20];
	v50 =	vmul.f32 v53, v18;
	v53 =	vmul.f32 v47, v15  }
0x375: {  	v13 =	vld [tilespmem:$0x4F70];
	v9 =	vmul.f32 v9, v21;
	v5 =	vadd.f32 v54, v5;
	v1 =	vadd.f32 v3, v2  }
0x376: {  	v47 =	vld [tilespmem:$0x5F80];
	v61 =	vmul.f32 v61, v25;
	v57 =	vadd.f32 v55, v4;
	v3 =	vadd.f32 v12, v62  }
0x377: {  	v4 =	vld [tilespmem:$0x4F40];
	v7 =	vadd.f32 v63, v7;
	v54 =	vmul.f32 v44, v16;
	v5 =	vadd.f32 v56, v5  }
0x378: {  	v55 =	vld [tilespmem:$0x5F00];
	v63 =	vmul.f32 v37, v24;
	v2 =	vadd.f32 v58, v57;
	v3 =	vadd.f32 v11, v3  }
0x379: {  	v12 =	vld [tilespmem:$0x4F80];
	v7 =	vadd.f32 v42, v7;
	v56 =	vmul.f32 v45, v30;
	v58 =	vmul.f32 v41, v27  }
0x37a: {  	v62 =	vld [tilespmem:$0x5F40];
	v45 =	vmul.f32 v59, v28;
	v31 =	vmul.f32 v31, v28;
	v5 =	vadd.f32 v40, v5  }
0x37b: {  	v11 =	vld [tilespmem:$0x4FA0];
	v13 =	vmul.f32 v13, v23;
	v2 =	vadd.f32 v39, v2;
	v3 =	vadd.f32 v10, v3  }
0x37c: {  	v57 =	vld [tilespmem:$0x5F10];
	v7 =	vadd.f32 v43, v7;
	v14 =	vadd.f32 v58, v14;
	v10 =	vmul.f32 v60, v27  }
0x37d: {  	v42 =	vld [tilespmem:$0x5F50];
	v8 =	vadd.f32 v31, v56;
	v4 =	vmul.f32 v4, v26;
	v30 =	vmul.f32 v55, v30  }
0x37e: {  	v40 =	vld [tilespmem:$0x4FF0];
	v44 =	vmul.f32 v12, v22;
	v5 =	vadd.f32 v36, v5;
	v2 =	vadd.f32 v38, v2  }
0x37f: {  	v43 =	vld [tilespmem:$0x5F60];
	v55 =	vmul.f32 v32, v19;
	v3 =	vadd.f32 v46, v3;
	v7 =	vadd.f32 v48, v7  }
0x380: {  	v58 =	vld [tilespmem:$0x5FD0];
	v14 =	vadd.f32 v61, v14;
	v61 =	vmul.f32 v33, v18;
	v4 =	vadd.f32 v4, v8  }
0x381: {  	v46 =	vld [tilespmem:$0x5F70];
	v29 =	vmul.f32 v57, v29;
	v48 =	vadd.f32 v45, v30;
	v3 =	vadd.f32 v49, v3  }
0x382: {  	v60 =	vld [tilespmem:$0x5FE0];
	v51 =	vmul.f32 v42, v25;
	v11 =	vmul.f32 v11, v20;
	v7 =	vadd.f32 v50, v7  }
0x383: {  	v13 =	vadd.f32 v13, v14;
	v49 =	vmul.f32 v62, v26;
	v50 =	vld [tilespmem:$0x5F90];
	v3 =	vadd.f32 v52, v3  }
0x384: {  	v57 =	vmul.f32 v47, v22;
	v10 =	vadd.f32 v10, v29;
	v7 =	vadd.f32 v53, v7;
	v52 =	vld [tilespmem:$0x5FA0]  }
0x385: {  	v8 =	vadd.f32 v49, v48;
	v53 =	vmul.f32 v43, v24;
	v3 =	vadd.f32 v54, v3;
	v54 =	vld [tilespmem:$0x5FB0]  }
0x386: {  	v36 =	vld [tilespmem:$0x4FD0];
	v4 =	vadd.f32 v63, v4;
	v10 =	vadd.f32 v51, v10;
	v23 =	vmul.f32 v46, v23  }
0x387: {  	v56 =	vld [tilespmem:$0x5FC0];
	v12 =	vmul.f32 v58, v17;
	v26 =	vmul.f32 v40, v16;
	v8 =	vadd.f32 v53, v8  }
0x388: {  	v38 =	vld [tilespmem:$0x4FE0];
	v9 =	vadd.f32 v9, v13;
	v10 =	vadd.f32 v23, v10;
	v59 =	vmul.f32 v50, v21  }
0x389: {  	v62 =	vld [tilespmem:$0x5FF0];
	v28 =	vmul.f32 v60, v15;
	v4 =	vadd.f32 v44, v4;
	v8 =	vadd.f32 v57, v8  }
0x38a: {  	v20 =	vmul.f32 v52, v20;
	v10 =	vadd.f32 v59, v10;
	v63 =	vmul.f32 v54, v19  }
0x38b: {  	v27 =	vld [tilespmem:s22+$0x3300];
	v22 =	vmul.f32 v36, v17;
	v9 =	vadd.f32 v55, v9;
	v4 =	vadd.f32 v11, v4  }
0x38c: {  	v24 =	vld [tilespmem:s22+$0x3280];
	v23 =	vmul.f32 v56, v18;
	v8 =	vadd.f32 v20, v8;
	v10 =	vadd.f32 v63, v10  }
0x38d: {  	v32 =	vld [tilespmem:$0x1FEF0];
	v25 =	vmul.f32 v38, v15;
	v9 =	vadd.f32 v22, v9;
	v4 =	vadd.f32 v61, v4  }
0x38e: {  	v33 =	vld [tilespmem:$0x1FF00];
	v29 =	vmul.f32 v62, v16;
	v8 =	vadd.f32 v23, v8;
	v10 =	vadd.f32 v12, v10  }
0x38f: {  	v30 =	vld [tilespmem:s31+$0x2000];
	v9 =	vadd.f32 v26, v9;
	v4 =	vadd.f32 v25, v4  }
0x390: {  	v34 =	vld [tilespmem:$0x1FF10];
	v8 =	vadd.f32 v28, v8;
	v10 =	vadd.f32 v29, v10  }
0x391: {  	v37 =	vld [tilespmem:$0x1FF40];
	v2 =	vadd.f32 v2, v5;
	v3 =	vadd.f32 v3, v7;
	v0 =	vmul.f32 v0, v24  }
0x392: {  	v41 =	vld [tilespmem:$0x1FF80];
	v1 =	vmul.f32 v1, v24;
	v4 =	vadd.f32 v9, v4;
	v31 =	vadd.f32 v10, v8  }
0x393: {  	v39 =	vld [tilespmem:$0x1FF60];
	v2 =	vmul.f32 v2, v27;
	v3 =	vmul.f32 v3, v27;
	v0 =	vadd.f32 v0, v32  }
0x394: {  	v42 =	vld [tilespmem:$0x1FF90];
	v1 =	vadd.f32 v1, v33;
	v4 =	vmul.f32 v4, v30;
	v5 =	vmul.f32 v31, v30  }
0x395: {  	v2 =	vadd.f32 v2, v35;
	v35 =	vld [tilespmem:$0x1FF20];
	v3 =	vadd.f32 v3, v6  }
0x396: {  	v36 =	vld [tilespmem:$0x1FF30];
	v0 =	vadd.f32 v4, v0;
	v1 =	vadd.f32 v5, v1  }
0x397: {  	v38 =	vld [tilespmem:$0x1FF50]  }
0x398: {  	v40 =	vld [tilespmem:$0x1FF70];
	v0 =	vadd.f32 v0, v2;
	v1 =	vadd.f32 v1, v3  }
0x399: {  	v43 =	vld [tilespmem:$0x1FFA0]  }
0x39a: {  	v2 =	vmul.f32 v0, v34;
	v3 =	vmul.f32 v1, v35  }
0x39b: {  	v4 =	vmul.f32 v0, v36;
	v5 =	vmul.f32 v1, v37  }
0x39c: {  	v6 =	vmul.f32 v1, v39;
	v2 =	vadd.f32 v3, v2;
	v3 =	vmul.f32 v0, v38  }
0x39d: {  	v7 =	vmul.f32 v1, v41;
	v4 =	vadd.f32 v5, v4;
	v5 =	vmul.f32 v0, v40  }
0x39e: {  	v1 =	vmul.f32 v1, v43;
	v0 =	vmul.f32 v0, v42;
	v3 =	vadd.f32 v6, v3  }
0x39f: {  	v5 =	vadd.f32 v7, v5;
	v44 =	vmax.f32 v2, v4  }
0x3a0: {  	v0 =	vadd.f32 v1, v0;
	v45 =	vmax.f32 v44, v3  }
0x3a1: {  	v1 =	vmax.f32 v45, v5  }
0x3a2: {  	v1 =	vmax.f32 v1, v0  }
0x3a3: {  	v46 =	vsub.f32 v2, v1  }
0x3a4: {  	v47 =	vsub.f32 v4, v1  }
0x3a5: {  	v6 =	vmul.f32 $1.442695020e+00, v46  }
0x3a6: {  	v48 =	vsub.f32 v3, v1;
	v7 =	vmul.f32 $1.442695020e+00, v47  }
0x3a7: {  	(erf) = vpow2.f32 v6  }
0x3a8: {  	v50 =	vsub.f32 v5, v1;
	v49 =	vmul.f32 $1.442695020e+00, v48;
	(erf) = vpow2.f32 v7;
	_ =	sdelay $0x1  }
0x3a9: {  	v1 =	vsub.f32 v0, v1;
	v51 =	vmul.f32 $1.442695020e+00, v50;
	(erf) = vpow2.f32 v49;
	_ =	sdelay $0x1  }
0x3aa: {  	v1 =	vmul.f32 $1.442695020e+00, v1;
	(erf) = vpow2.f32 v51;
	_ =	sdelay $0x1  }
0x3ab: {  	(erf) = vpow2.f32 v1;
	_ =	sdelay $0x1  }
0x3ac: {  	v52 =	vpop (erf)  }
0x3ad: {  	v53 =	vpop (erf)  }
0x3ae: {  	v54 =	vadd.f32 v53, v52  }
0x3af: {  	v55 =	vpop (erf)  }
0x3b0: {  	v58 =	vld [tilespmem:$0x1FFB0];
	v7 =	vadd.f32 v54, v55  }
0x3b1: {  	v59 =	vld [tilespmem:$0x1FFC0];
	v56 =	vpop (erf)  }
0x3b2: {  	v7 =	vadd.f32 v7, v56  }
0x3b3: {  	v60 =	vld [tilespmem:$0x1FFD0];
	v57 =	vpop (erf)  }
0x3b4: {  	v7 =	vadd.f32 v7, v57  }
0x3b5: {  	v61 =	vld [tilespmem:$0x1FFE0];
	v1 =	vmul.f32 v52, v58  }
0x3b6: {  	v6 =	vmul.f32 v53, v59;
	(erf) = vrcp.f32 v7  }
0x3b7: {  	v62 =	vld [tilespmem:$0x1FFF0]  }
0x3b8: {  	v1 =	vadd.f32 v6, v1;
	v6 =	vmul.f32 v55, v60;
	_ =	sdelay $0x1  }
0x3b9: {  	v1 =	vadd.f32 v1, v6;
	v6 =	vmul.f32 v56, v61;
	_ =	sdelay $0x1  }
0x3ba: {  	v1 =	vadd.f32 v1, v6;
	v6 =	vmul.f32 v57, v62  }
0x3bb: {  	p0 =	sne.s32 s21, $0x1F0;
	[tilespmem:s22+$0x6080] =	vst v2  }
.Ltmp0:
0x3bc: {  	[tilespmem:s22+$0x6100] =	vst v4;
	v1 =	vadd.f32 v1, v6;
	(pc) =	sbr.rel @p0 .LBB2_2-.Ltmp0, $4  }
0x3bd: {  	[tilespmem:s22+$0x6180] =	vst v3;
	v63 =	vpop (erf)  }
0x3be: {  	[tilespmem:s23+$0x6080] =	vst v5;
	v1 =	vmul.f32 v63, v1  }
0x3bf: {  	[tilespmem:s22+$0x6280] =	vst v0  }
0x3c0: {  	s20 =	sadd.s32 $0x80, s20;
	s21 =	sadd.s32 $0x10, s21;
	[tilespmem:s19+$0x0] =	vst v1;
	s19 =	sadd.s32 $0x10, s19  }
0x3c1: {  	[hbm4b:s7+s1] =	stream.linear.scatter [tilespmem:s16], [sflag:$0x1], $0x1000, $0x38;
	[tilespmem:$0x7280] =	vst v63  }
0x3c2: {  	s18 =	sadd.s32 $0x1, s18;
	_ =	swait.ge [sflag:s12], $0x1000  }
0x3c3: {  	p0 =	sne.s32 s18, s9;
	[sflag:s12] =	ssyncset.done $0x0  }
.Ltmp1:
0x3c4: {  	[sflag:s12] =	ssyncadd.s32 $0xFFFFF000;
	(pc) =	sbr.rel @p0 .LBB2_1-.Ltmp1, $4  }
0x3c5: {  	[hbm4b:s8+s1] =	stream.linear.scatter [tilespmem:s17], [sflag:$0x1], $0x200, $0x38;
	[tilespmem:$0x7280] =	vst v63  }
0x3c6: {  	_ =	swait.ge [sflag:s12], $0x200  }
0x3c7: {  	[sflag:s12] =	ssyncset.done $0x0  }
0x3c8: {  	[sflag:s12] =	ssyncadd.s32 $0xFFFFFE00  }
0x3c9: {  	_ =	sfence.sel $0x180000  }
0x3ca: {  	[bflag:$0x0] =	sbarrier.arrive $0xFFFF  }
0x3cb: {  	p0 =	sne.s32 s2, $0x0;
	_ =	strace $0x90000047  }
0x3cc: {  	s0 =	sadd.s32 @!p0 $0x100000, s0;
	[bflag:$0x2] =	sbarrier.arrive $0xFFFF  }
0x3cd: {  	[sflag:s0] =	ssyncadd.tile.s32 @!p0 $0x1;
	_ =	shalt  }
.Lfunc_end2:
_tile_overlayer_lowered:
.L_overlay_start_2:
0x3ce: {  	(tag) =	ssettag $0x2  }
0x3cf: {  	s0 =	rddreg [dreg:$0x0];
	s2 =	stileid.u32  }
0x3d0: {  	s1 =	rddreg [dreg:$0x1];
	p0 =	sne.s32 s2, $0x0  }
0x3d1: {  	s3 =	rddreg [dreg:$0x2];
	[bflag:$0x3] =	sbarrier.arrive $0xFFFF;
	s2 =	simm.s32 @!p0 $0x1C02  }
0x3d2: {  	[timem:s3], [sflag:s2] =	dma.local @!p0 [hbm:s0], s1  }
0x3d3: {  	s0 =	simm.s32 @!p0 $0x2  }
0x3d4: {  	_ =	swait.ge @!p0 [sflag:s0], s1  }
0x3d5: {  	s1 =	ssub.s32 @!p0 $0x0, s1;
	[sflag:s0] =	ssyncset.done @!p0 $0x0  }
0x3d6: {  	[sflag:s0] =	ssyncadd.s32 @!p0 s1  }
0x3d7: {  	[bflag:$0x3] =	sbarrier.arrive $0xFFFF  }
0x3d8: {  	_ =	shalt  }

</sc_bundles>
